<compile_context>
chip_gen: v7x
topology: tpu7x:2x2x1
jax: 0.10.2.dev20260603
libtpu: 0.0.44.dev20260713+nightly
codegen_flags: <defaults>
</compile_context>

<pallas_src>
import functools

import jax
import jax.numpy as jnp
from jax import lax
from jax.experimental import pallas as pl
from jax.experimental.pallas import tpu as pltpu
from jax.experimental.pallas import tpu_sc as plsc

_E = 8
_K = 2
_D = 1024
_H = 512
_T = 2048
_S = _T * _K

_BLK = 128
_NB = _S // _BLK + _E
_P = _NB * _BLK

_NC = 2
_NS = 16
_NW = _NC * _NS

_DCH = 32
_DNC = _S // _NW // _DCH
_CCH = 16
_CNC = _T // _NW // _CCH


def _routing_metadata(indices):
    e_flat = indices.reshape(-1).astype(jnp.int32)
    onehot = (e_flat[:, None] == jnp.arange(_E, dtype=jnp.int32)[None, :])
    onehot = onehot.astype(jnp.int32)
    incl = jnp.cumsum(onehot, axis=0)
    rwe = jnp.sum(incl * onehot, axis=1) - 1
    counts = incl[-1]
    nblk = (counts + _BLK - 1) // _BLK
    po_blk = jnp.concatenate(
        [jnp.zeros((1,), jnp.int32), jnp.cumsum(nblk)[:-1].astype(jnp.int32)])
    p_flat = jnp.sum(onehot * po_blk[None, :], axis=1) * _BLK + rwe

    blk = jnp.arange(_NB, dtype=jnp.int32)
    eid = jnp.sum((po_blk[None, :] <= blk[:, None]).astype(jnp.int32), axis=1) - 1
    eid = jnp.clip(eid, 0, _E - 1).astype(jnp.int32)
    return p_flat, eid


def _sc_dispatch(x, t_flat, p3):
    per_w = _S // _NW
    mesh = plsc.VectorSubcoreMesh(core_axis_name="c", subcore_axis_name="s")

    @functools.partial(
        pl.kernel,
        mesh=mesh,
        out_type=jax.ShapeDtypeStruct((_P, _D), jnp.float32),
        scratch_types=[
            pltpu.VMEM((per_w,), jnp.int32),
            pltpu.VMEM((_DNC, _DCH), jnp.int32),
            pltpu.VMEM((_DCH, _D), jnp.float32),
            pltpu.VMEM((_DCH, _D), jnp.float32),
            pltpu.SemaphoreType.DMA,
            pltpu.SemaphoreType.DMA,
            pltpu.SemaphoreType.DMA,
            pltpu.SemaphoreType.DMA,
        ],
    )
    def k(x_hbm, t_hbm, p3_hbm, xg_hbm,
          t_v, p2_v, rows0, rows1, g0, g1, s0, s1):
        wid = lax.axis_index("s") * _NC + lax.axis_index("c")
        base = wid * per_w
        pltpu.sync_copy(t_hbm.at[pl.ds(base, per_w)], t_v)
        pltpu.sync_copy(p3_hbm.at[wid], p2_v)

        rows = (rows0, rows1)
        gsem = (g0, g1)
        ssem = (s0, s1)

        gh = [None] * _DNC
        sh = [None] * _DNC
        gh[0] = pltpu.async_copy(
            x_hbm.at[t_v.at[pl.ds(0, _DCH)]], rows[0], gsem[0])
        for c in range(_DNC):
            k_ = c % 2
            gh[c].wait()
            sh[c] = pltpu.async_copy(rows[k_], xg_hbm.at[p2_v.at[c]], ssem[k_])
            if c + 1 < _DNC:
                if c >= 1:
                    sh[c - 1].wait()
                gh[c + 1] = pltpu.async_copy(
                    x_hbm.at[t_v.at[pl.ds((c + 1) * _DCH, _DCH)]],
                    rows[(c + 1) % 2], gsem[(c + 1) % 2])
        sh[_DNC - 2].wait()
        sh[_DNC - 1].wait()

    return k(x, t_flat, p3)


def _sc_combine(og, p0, p1):
    per_w = _T // _NW
    mesh = plsc.VectorSubcoreMesh(core_axis_name="c", subcore_axis_name="s")

    @functools.partial(
        pl.kernel,
        mesh=mesh,
        out_type=jax.ShapeDtypeStruct((_T, _D), jnp.float32),
        scratch_types=[
            pltpu.VMEM((per_w,), jnp.int32),
            pltpu.VMEM((per_w,), jnp.int32),
            pltpu.VMEM((_CCH, _D), jnp.float32),
            pltpu.VMEM((_CCH, _D), jnp.float32),
            pltpu.VMEM((_CCH, _D), jnp.float32),
            pltpu.VMEM((_CCH, _D), jnp.float32),
            pltpu.SemaphoreType.DMA,
            pltpu.SemaphoreType.DMA,
            pltpu.SemaphoreType.DMA,
            pltpu.SemaphoreType.DMA,
        ],
    )
    def k(og_hbm, p0_hbm, p1_hbm, y_hbm, i0_v, i1_v,
          a0, a1, b0, b1, g0, g1, s0, s1):
        wid = lax.axis_index("s") * _NC + lax.axis_index("c")
        base = wid * per_w
        pltpu.sync_copy(p0_hbm.at[pl.ds(base, per_w)], i0_v)
        pltpu.sync_copy(p1_hbm.at[pl.ds(base, per_w)], i1_v)

        a = (a0, a1)
        b = (b0, b1)
        gsem = (g0, g1)
        ssem = (s0, s1)

        def start_gathers(c):
            k_ = c % 2
            sl = pl.ds(c * _CCH, _CCH)
            ha = pltpu.async_copy(og_hbm.at[i0_v.at[sl]], a[k_], gsem[k_])
            hb = pltpu.async_copy(og_hbm.at[i1_v.at[sl]], b[k_], gsem[k_])
            return ha, hb

        gh = [None] * _CNC
        sh = [None] * _CNC
        gh[0] = start_gathers(0)
        for c in range(_CNC):
            k_ = c % 2
            gh[c][0].wait()
            gh[c][1].wait()
            if c + 1 < _CNC:
                if c >= 1:
                    sh[c - 1].wait()
                gh[c + 1] = start_gathers(c + 1)

            def row_body(r, carry, a_v=a[k_], b_v=b[k_]):
                for j in range(_D // 16):
                    sl = pl.ds(j * 16, 16)
                    a_v[r, sl] = a_v[r, sl] + b_v[r, sl]
                return carry

            lax.fori_loop(0, _CCH, row_body, 0)
            sh[c] = pltpu.async_copy(
                a[k_], y_hbm.at[pl.ds(base + c * _CCH, _CCH)], ssem[k_])
        sh[_CNC - 2].wait()
        sh[_CNC - 1].wait()

    return k(og, p0, p1)


def _tc_grouped_mlp(xg, W1, W2, wp, eid):

    def body(eid_ref, xg_ref, w1_ref, w2_ref, wp_ref, out_ref):
        xb = xg_ref[...]
        w1 = w1_ref[0]
        h = lax.dot_general(xb, w1, (((1,), (1,)), ((), ())),
                            preferred_element_type=jnp.float32)
        gate = h[:, :_H]
        up = h[:, _H:]
        a = gate * jax.nn.sigmoid(gate) * up
        w2 = w2_ref[0]
        out = lax.dot_general(a, w2, (((1,), (1,)), ((), ())),
                              preferred_element_type=jnp.float32)
        out_ref[...] = out * wp_ref[...]

    grid_spec = pltpu.PrefetchScalarGridSpec(
        num_scalar_prefetch=1,
        grid=(_NB,),
        in_specs=[
            pl.BlockSpec((_BLK, _D), lambda i, eid: (i, 0)),
            pl.BlockSpec((1, 2 * _H, _D), lambda i, eid: (eid[i], 0, 0)),
            pl.BlockSpec((1, _D, _H), lambda i, eid: (eid[i], 0, 0)),
            pl.BlockSpec((_BLK, 1), lambda i, eid: (i, 0)),
        ],
        out_specs=pl.BlockSpec((_BLK, _D), lambda i, eid: (i, 0)),
    )
    return pl.pallas_call(
        body,
        grid_spec=grid_spec,
        out_shape=jax.ShapeDtypeStruct((_P, _D), jnp.float32),
        compiler_params=pltpu.CompilerParams(
            dimension_semantics=("arbitrary",)),
    )(eid, xg, W1, W2, wp)


def kernel(x, weights, indices, W1, W2):
    p_flat, eid = _routing_metadata(indices)
    t_flat = jnp.arange(_S, dtype=jnp.int32) // _K
    w_flat = weights.reshape(-1).astype(jnp.float32)
    gw = jnp.zeros((_P,), jnp.float32).at[p_flat].set(w_flat)
    p3 = p_flat.reshape(_NW, _DNC, _DCH)
    xg = _sc_dispatch(x, t_flat, p3)
    og = _tc_grouped_mlp(xg, W1, W2, gw[:, None], eid)
    pp = p_flat.reshape(_T, _K)
    y = _sc_combine(og, pp[:, 0], pp[:, 1])
    return y

# --- scband reference (transcript-rebuilt; emitter-appended) ---
"""Pipeline reference for scband-simple-routed-experts-25194278158789 (READ-ONLY COPY).

The authoritative reference and input builder live on the scoring server;
editing this copy changes nothing except your own understanding.
"""

import jax, jax.numpy as jnp
import numpy as np

E = 8
TOPK = 2
D = 1024
H = 512
T = 2048


def setup_inputs(seed: int = 0) -> dict:
    key = jax.random.key(seed)
    ks = jax.random.split(key, 5)
    x = jax.random.normal(ks[0], (T, D), dtype=jnp.float32)
    weights = jax.random.uniform(ks[1], (T, TOPK), dtype=jnp.float32)
    indices = jax.random.randint(ks[2], (T, TOPK), 0, E)
    # Stacked expert parameters: fc1 produces [gate, up] (2*H outputs), fc2 maps H -> D.
    W1 = jax.random.normal(ks[3], (E, 2 * H, D), dtype=jnp.float32) * (1.0 / np.sqrt(D))
    W2 = jax.random.normal(ks[4], (E, D, H), dtype=jnp.float32) * (1.0 / np.sqrt(H))
    return {"x": x, "weights": weights, "indices": indices, "W1": W1, "W2": W2}


def reference(x, weights, indices, W1, W2):
    # Faithful translation of SimpleRoutedExperts.forward:
    # for each expert i, tokens whose top-k indices include i get
    # gatedMLP_i(x) scaled by the corresponding router weight, accumulated into y.
    y = jnp.zeros_like(x)
    for i in range(E):
        mask = (indices == i)  # [T, TOPK]
        # sum of router weights over top-k slots that selected expert i
        w_i = jnp.sum(jnp.where(mask, weights, jnp.zeros_like(weights)), axis=1)  # [T]
        h = x @ W1[i].T  # [T, 2H]
        gate = h[:, :H]
        up = h[:, H:]
        out = (jax.nn.silu(gate) * up) @ W2[i].T  # [T, D]
        y = y + out * w_i[:, None]
    return y

if __name__ == "__main__":
    import jax
    _d = setup_inputs()
    print(jax.jit(kernel)(*tuple(_d.values())))

</pallas_src>

<mosaic_0001>
#map = affine_map<(d0, d1) -> (0, 0)>
#map1 = affine_map<(d0, d1) -> (0)>
#map2 = affine_map<(d0, d1) -> (0, 0, 0)>
module attributes {stable_mosaic.version = 14 : i64} {
  func.func @k(%arg0: i32, %arg1: i32, %arg2: memref<2048x1024xf32, #tpu.memory_space<hbm>>, %arg3: memref<4096xi32, #tpu.memory_space<hbm>>, %arg4: memref<32x4x32xi32, #tpu.memory_space<hbm>>, %arg5: memref<5120x1024xf32, #tpu.memory_space<hbm>>, %arg6: memref<128xi32, #tpu.memory_space<vmem>>, %arg7: memref<4x32xi32, #tpu.memory_space<vmem>>, %arg8: memref<32x1024xf32, #tpu.memory_space<vmem>>, %arg9: memref<32x1024xf32, #tpu.memory_space<vmem>>, %arg10: memref<!tpu.dma_semaphore, #tpu.memory_space<semaphore_mem>>, %arg11: memref<!tpu.dma_semaphore, #tpu.memory_space<semaphore_mem>>, %arg12: memref<!tpu.dma_semaphore, #tpu.memory_space<semaphore_mem>>, %arg13: memref<!tpu.dma_semaphore, #tpu.memory_space<semaphore_mem>>) attributes {dimension_semantics = [#tpu.dimension_semantics<core_parallel>, #tpu.dimension_semantics<subcore_parallel>], iteration_bounds = array<i64: 2, 16>, scalar_prefetch = 0 : i64, scratch_operands = 8 : i64, tpu.core_type = #tpu.core_type<sc_vector_subcore>, window_params = [{transform_indices = #map}, {transform_indices = #map1}, {transform_indices = #map2}, {transform_indices = #map}]} {
    %mul3A = arith.constant 2 : i32
    %mul3A_0 = arith.muli %arg1, %mul3A : i32
    %add3A = arith.addi %mul3A_0, %arg0 : i32
    %mul3A_1 = arith.constant 128 : i32
    %mul3A_2 = arith.muli %add3A, %mul3A_1 : i32
    "tpu.region"() ({
      %run_scoped3A = tpu.sem_alloc : memref<!tpu.dma_semaphore, #tpu.memory_space<semaphore_mem>>
      %dma_start3A_97 = tpu.memref_slice %arg3[%mul3A_2] : memref<4096xi32, #tpu.memory_space<hbm>> -> memref<128xi32, #tpu.memory_space<hbm>>
      %dma_start3A_98 = tpu.memref_slice %arg3[%mul3A_2] : memref<4096xi32, #tpu.memory_space<hbm>> -> memref<128xi32, #tpu.memory_space<hbm>>
      tpu.enqueue_dma source(%dma_start3A_98 : memref<128xi32, #tpu.memory_space<hbm>>) target(%arg6 : memref<128xi32, #tpu.memory_space<vmem>>) target_semaphore(%run_scoped3A : memref<!tpu.dma_semaphore, #tpu.memory_space<semaphore_mem>>)
      %dma_wait3A_99 = tpu.memref_slice %arg3[%mul3A_2] : memref<4096xi32, #tpu.memory_space<hbm>> -> memref<128xi32, #tpu.memory_space<hbm>>
      %dma_wait3A_100 = tpu.memref_slice %arg3[%mul3A_2] : memref<4096xi32, #tpu.memory_space<hbm>> -> memref<128xi32, #tpu.memory_space<hbm>>
      tpu.wait_dma2 semaphore(%run_scoped3A : memref<!tpu.dma_semaphore, #tpu.memory_space<semaphore_mem>>) src(%dma_wait3A_100 : memref<128xi32, #tpu.memory_space<hbm>>) dst(%arg6 : memref<128xi32, #tpu.memory_space<vmem>>)
      tpu.yield
    }) : () -> ()
    "tpu.region"() ({
      %run_scoped3A = tpu.sem_alloc : memref<!tpu.dma_semaphore, #tpu.memory_space<semaphore_mem>>
      %dma_start3A_97 = arith.constant 0 : i32
      %dma_start3A_98 = arith.constant 0 : i32
      %dma_start3A_99 = tpu.memref_slice %arg4[%add3A, %dma_start3A_97, %dma_start3A_98] : memref<32x4x32xi32, #tpu.memory_space<hbm>> -> memref<1x4x32xi32, #tpu.memory_space<hbm>>
      %dma_start3A_100 = tpu.memref_squeeze %dma_start3A_99 : memref<1x4x32xi32, #tpu.memory_space<hbm>> -> memref<4x32xi32, #tpu.memory_space<hbm>>
      %dma_start3A_101 = arith.constant 0 : i32
      %dma_start3A_102 = arith.constant 0 : i32
      %dma_start3A_103 = tpu.memref_slice %arg4[%add3A, %dma_start3A_101, %dma_start3A_102] : memref<32x4x32xi32, #tpu.memory_space<hbm>> -> memref<1x4x32xi32, #tpu.memory_space<hbm>>
      %dma_start3A_104 = tpu.memref_squeeze %dma_start3A_103 : memref<1x4x32xi32, #tpu.memory_space<hbm>> -> memref<4x32xi32, #tpu.memory_space<hbm>>
      tpu.enqueue_dma source(%dma_start3A_104 : memref<4x32xi32, #tpu.memory_space<hbm>>) target(%arg7 : memref<4x32xi32, #tpu.memory_space<vmem>>) target_semaphore(%run_scoped3A : memref<!tpu.dma_semaphore, #tpu.memory_space<semaphore_mem>>)
      %dma_wait3A_105 = arith.constant 0 : i32
      %dma_wait3A_106 = arith.constant 0 : i32
      %dma_wait3A_107 = tpu.memref_slice %arg4[%add3A, %dma_wait3A_105, %dma_wait3A_106] : memref<32x4x32xi32, #tpu.memory_space<hbm>> -> memref<1x4x32xi32, #tpu.memory_space<hbm>>
      %dma_wait3A_108 = tpu.memref_squeeze %dma_wait3A_107 : memref<1x4x32xi32, #tpu.memory_space<hbm>> -> memref<4x32xi32, #tpu.memory_space<hbm>>
      %dma_wait3A_109 = arith.constant 0 : i32
      %dma_wait3A_110 = arith.constant 0 : i32
      %dma_wait3A_111 = tpu.memref_slice %arg4[%add3A, %dma_wait3A_109, %dma_wait3A_110] : memref<32x4x32xi32, #tpu.memory_space<hbm>> -> memref<1x4x32xi32, #tpu.memory_space<hbm>>
      %dma_wait3A_112 = tpu.memref_squeeze %dma_wait3A_111 : memref<1x4x32xi32, #tpu.memory_space<hbm>> -> memref<4x32xi32, #tpu.memory_space<hbm>>
      tpu.wait_dma2 semaphore(%run_scoped3A : memref<!tpu.dma_semaphore, #tpu.memory_space<semaphore_mem>>) src(%dma_wait3A_112 : memref<4x32xi32, #tpu.memory_space<hbm>>) dst(%arg7 : memref<4x32xi32, #tpu.memory_space<vmem>>)
      tpu.yield
    }) : () -> ()
    %dma_start3A = arith.constant 0 : i32
    %dma_start3A_3 = tpu.memref_slice %arg6[%dma_start3A] : memref<128xi32, #tpu.memory_space<vmem>> -> memref<32xi32, #tpu.memory_space<vmem>>
    %dma_start3A_4 = arith.constant 0 : i32
    %dma_start3A_5 = arith.constant 0 : i32
    %dma_start3A_6 = tpu.memref_slice %arg2[%dma_start3A_4, %dma_start3A_5] : memref<2048x1024xf32, #tpu.memory_space<hbm>> -> memref<2048x1024xf32, #tpu.memory_space<hbm>>
    tpu.enqueue_indirect_dma source(%dma_start3A_6 : memref<2048x1024xf32, #tpu.memory_space<hbm>>) target(%arg8 : memref<32x1024xf32, #tpu.memory_space<vmem>>) offsets(%dma_start3A_3 : memref<32xi32, #tpu.memory_space<vmem>>) semaphore(%arg10 : memref<!tpu.dma_semaphore, #tpu.memory_space<semaphore_mem>>)
    %dma_wait3A = arith.constant 0 : i32
    %dma_wait3A_7 = tpu.memref_slice %arg6[%dma_wait3A] : memref<128xi32, #tpu.memory_space<vmem>> -> memref<32xi32, #tpu.memory_space<vmem>>
    %dma_wait3A_8 = arith.constant 0 : i32
    %dma_wait3A_9 = arith.constant 0 : i32
    %dma_wait3A_10 = tpu.memref_slice %arg2[%dma_wait3A_8, %dma_wait3A_9] : memref<2048x1024xf32, #tpu.memory_space<hbm>> -> memref<2048x1024xf32, #tpu.memory_space<hbm>>
    tpu.wait_indirect_dma semaphore(%arg10 : memref<!tpu.dma_semaphore, #tpu.memory_space<semaphore_mem>>) src(%dma_wait3A_10 : memref<2048x1024xf32, #tpu.memory_space<hbm>>) dst(%arg8 : memref<32x1024xf32, #tpu.memory_space<vmem>>)
    %dma_start3A_11 = arith.constant 0 : i32
    %dma_start3A_12 = arith.constant 0 : i32
    %dma_start3A_13 = tpu.memref_slice %arg7[%dma_start3A_11, %dma_start3A_12] : memref<4x32xi32, #tpu.memory_space<vmem>> -> memref<1x32xi32, #tpu.memory_space<vmem>>
    %dma_start3A_14 = tpu.memref_squeeze %dma_start3A_13 : memref<1x32xi32, #tpu.memory_space<vmem>> -> memref<32xi32, #tpu.memory_space<vmem>>
    %dma_start3A_15 = arith.constant 0 : i32
    %dma_start3A_16 = arith.constant 0 : i32
    %dma_start3A_17 = tpu.memref_slice %arg5[%dma_start3A_15, %dma_start3A_16] : memref<5120x1024xf32, #tpu.memory_space<hbm>> -> memref<5120x1024xf32, #tpu.memory_space<hbm>>
    tpu.enqueue_indirect_dma source(%arg8 : memref<32x1024xf32, #tpu.memory_space<vmem>>) target(%dma_start3A_17 : memref<5120x1024xf32, #tpu.memory_space<hbm>>) offsets(%dma_start3A_14 : memref<32xi32, #tpu.memory_space<vmem>>) semaphore(%arg12 : memref<!tpu.dma_semaphore, #tpu.memory_space<semaphore_mem>>)
    %dma_start3A_18 = arith.constant 32 : i32
    %dma_start3A_19 = tpu.memref_slice %arg6[%dma_start3A_18] : memref<128xi32, #tpu.memory_space<vmem>> -> memref<32xi32, #tpu.memory_space<vmem>>
    %dma_start3A_20 = arith.constant 0 : i32
    %dma_start3A_21 = arith.constant 0 : i32
    %dma_start3A_22 = tpu.memref_slice %arg2[%dma_start3A_20, %dma_start3A_21] : memref<2048x1024xf32, #tpu.memory_space<hbm>> -> memref<2048x1024xf32, #tpu.memory_space<hbm>>
    tpu.enqueue_indirect_dma source(%dma_start3A_22 : memref<2048x1024xf32, #tpu.memory_space<hbm>>) target(%arg9 : memref<32x1024xf32, #tpu.memory_space<vmem>>) offsets(%dma_start3A_19 : memref<32xi32, #tpu.memory_space<vmem>>) semaphore(%arg11 : memref<!tpu.dma_semaphore, #tpu.memory_space<semaphore_mem>>)
    %dma_wait3A_23 = arith.constant 32 : i32
    %dma_wait3A_24 = tpu.memref_slice %arg6[%dma_wait3A_23] : memref<128xi32, #tpu.memory_space<vmem>> -> memref<32xi32, #tpu.memory_space<vmem>>
    %dma_wait3A_25 = arith.constant 0 : i32
    %dma_wait3A_26 = arith.constant 0 : i32
    %dma_wait3A_27 = tpu.memref_slice %arg2[%dma_wait3A_25, %dma_wait3A_26] : memref<2048x1024xf32, #tpu.memory_space<hbm>> -> memref<2048x1024xf32, #tpu.memory_space<hbm>>
    tpu.wait_indirect_dma semaphore(%arg11 : memref<!tpu.dma_semaphore, #tpu.memory_space<semaphore_mem>>) src(%dma_wait3A_27 : memref<2048x1024xf32, #tpu.memory_space<hbm>>) dst(%arg9 : memref<32x1024xf32, #tpu.memory_space<vmem>>)
    %dma_start3A_28 = arith.constant 1 : i32
    %dma_start3A_29 = arith.constant 0 : i32
    %dma_start3A_30 = tpu.memref_slice %arg7[%dma_start3A_28, %dma_start3A_29] : memref<4x32xi32, #tpu.memory_space<vmem>> -> memref<1x32xi32, #tpu.memory_space<vmem>>
    %dma_start3A_31 = tpu.memref_squeeze %dma_start3A_30 : memref<1x32xi32, #tpu.memory_space<vmem>> -> memref<32xi32, #tpu.memory_space<vmem>>
    %dma_start3A_32 = arith.constant 0 : i32
    %dma_start3A_33 = arith.constant 0 : i32
    %dma_start3A_34 = tpu.memref_slice %arg5[%dma_start3A_32, %dma_start3A_33] : memref<5120x1024xf32, #tpu.memory_space<hbm>> -> memref<5120x1024xf32, #tpu.memory_space<hbm>>
    tpu.enqueue_indirect_dma source(%arg9 : memref<32x1024xf32, #tpu.memory_space<vmem>>) target(%dma_start3A_34 : memref<5120x1024xf32, #tpu.memory_space<hbm>>) offsets(%dma_start3A_31 : memref<32xi32, #tpu.memory_space<vmem>>) semaphore(%arg13 : memref<!tpu.dma_semaphore, #tpu.memory_space<semaphore_mem>>)
    %dma_wait3A_35 = arith.constant 0 : i32
    %dma_wait3A_36 = arith.constant 0 : i32
    %dma_wait3A_37 = tpu.memref_slice %arg7[%dma_wait3A_35, %dma_wait3A_36] : memref<4x32xi32, #tpu.memory_space<vmem>> -> memref<1x32xi32, #tpu.memory_space<vmem>>
    %dma_wait3A_38 = tpu.memref_squeeze %dma_wait3A_37 : memref<1x32xi32, #tpu.memory_space<vmem>> -> memref<32xi32, #tpu.memory_space<vmem>>
    %dma_wait3A_39 = arith.constant 0 : i32
    %dma_wait3A_40 = arith.constant 0 : i32
    %dma_wait3A_41 = tpu.memref_slice %arg5[%dma_wait3A_39, %dma_wait3A_40] : memref<5120x1024xf32, #tpu.memory_space<hbm>> -> memref<5120x1024xf32, #tpu.memory_space<hbm>>
    tpu.wait_indirect_dma semaphore(%arg12 : memref<!tpu.dma_semaphore, #tpu.memory_space<semaphore_mem>>) src(%arg8 : memref<32x1024xf32, #tpu.memory_space<vmem>>) dst(%dma_wait3A_41 : memref<5120x1024xf32, #tpu.memory_space<hbm>>)
    %dma_start3A_42 = arith.constant 64 : i32
    %dma_start3A_43 = tpu.memref_slice %arg6[%dma_start3A_42] : memref<128xi32, #tpu.memory_space<vmem>> -> memref<32xi32, #tpu.memory_space<vmem>>
    %dma_start3A_44 = arith.constant 0 : i32
    %dma_start3A_45 = arith.constant 0 : i32
    %dma_start3A_46 = tpu.memref_slice %arg2[%dma_start3A_44, %dma_start3A_45] : memref<2048x1024xf32, #tpu.memory_space<hbm>> -> memref<2048x1024xf32, #tpu.memory_space<hbm>>
    tpu.enqueue_indirect_dma source(%dma_start3A_46 : memref<2048x1024xf32, #tpu.memory_space<hbm>>) target(%arg8 : memref<32x1024xf32, #tpu.memory_space<vmem>>) offsets(%dma_start3A_43 : memref<32xi32, #tpu.memory_space<vmem>>) semaphore(%arg10 : memref<!tpu.dma_semaphore, #tpu.memory_space<semaphore_mem>>)
    %dma_wait3A_47 = arith.constant 64 : i32
    %dma_wait3A_48 = tpu.memref_slice %arg6[%dma_wait3A_47] : memref<128xi32, #tpu.memory_space<vmem>> -> memref<32xi32, #tpu.memory_space<vmem>>
    %dma_wait3A_49 = arith.constant 0 : i32
    %dma_wait3A_50 = arith.constant 0 : i32
    %dma_wait3A_51 = tpu.memref_slice %arg2[%dma_wait3A_49, %dma_wait3A_50] : memref<2048x1024xf32, #tpu.memory_space<hbm>> -> memref<2048x1024xf32, #tpu.memory_space<hbm>>
    tpu.wait_indirect_dma semaphore(%arg10 : memref<!tpu.dma_semaphore, #tpu.memory_space<semaphore_mem>>) src(%dma_wait3A_51 : memref<2048x1024xf32, #tpu.memory_space<hbm>>) dst(%arg8 : memref<32x1024xf32, #tpu.memory_space<vmem>>)
    %dma_start3A_52 = arith.constant 2 : i32
    %dma_start3A_53 = arith.constant 0 : i32
    %dma_start3A_54 = tpu.memref_slice %arg7[%dma_start3A_52, %dma_start3A_53] : memref<4x32xi32, #tpu.memory_space<vmem>> -> memref<1x32xi32, #tpu.memory_space<vmem>>
    %dma_start3A_55 = tpu.memref_squeeze %dma_start3A_54 : memref<1x32xi32, #tpu.memory_space<vmem>> -> memref<32xi32, #tpu.memory_space<vmem>>
    %dma_start3A_56 = arith.constant 0 : i32
    %dma_start3A_57 = arith.constant 0 : i32
    %dma_start3A_58 = tpu.memref_slice %arg5[%dma_start3A_56, %dma_start3A_57] : memref<5120x1024xf32, #tpu.memory_space<hbm>> -> memref<5120x1024xf32, #tpu.memory_space<hbm>>
    tpu.enqueue_indirect_dma source(%arg8 : memref<32x1024xf32, #tpu.memory_space<vmem>>) target(%dma_start3A_58 : memref<5120x1024xf32, #tpu.memory_space<hbm>>) offsets(%dma_start3A_55 : memref<32xi32, #tpu.memory_space<vmem>>) semaphore(%arg12 : memref<!tpu.dma_semaphore, #tpu.memory_space<semaphore_mem>>)
    %dma_wait3A_59 = arith.constant 1 : i32
    %dma_wait3A_60 = arith.constant 0 : i32
    %dma_wait3A_61 = tpu.memref_slice %arg7[%dma_wait3A_59, %dma_wait3A_60] : memref<4x32xi32, #tpu.memory_space<vmem>> -> memref<1x32xi32, #tpu.memory_space<vmem>>
    %dma_wait3A_62 = tpu.memref_squeeze %dma_wait3A_61 : memref<1x32xi32, #tpu.memory_space<vmem>> -> memref<32xi32, #tpu.memory_space<vmem>>
    %dma_wait3A_63 = arith.constant 0 : i32
    %dma_wait3A_64 = arith.constant 0 : i32
    %dma_wait3A_65 = tpu.memref_slice %arg5[%dma_wait3A_63, %dma_wait3A_64] : memref<5120x1024xf32, #tpu.memory_space<hbm>> -> memref<5120x1024xf32, #tpu.memory_space<hbm>>
    tpu.wait_indirect_dma semaphore(%arg13 : memref<!tpu.dma_semaphore, #tpu.memory_space<semaphore_mem>>) src(%arg9 : memref<32x1024xf32, #tpu.memory_space<vmem>>) dst(%dma_wait3A_65 : memref<5120x1024xf32, #tpu.memory_space<hbm>>)
    %dma_start3A_66 = arith.constant 96 : i32
    %dma_start3A_67 = tpu.memref_slice %arg6[%dma_start3A_66] : memref<128xi32, #tpu.memory_space<vmem>> -> memref<32xi32, #tpu.memory_space<vmem>>
    %dma_start3A_68 = arith.constant 0 : i32
    %dma_start3A_69 = arith.constant 0 : i32
    %dma_start3A_70 = tpu.memref_slice %arg2[%dma_start3A_68, %dma_start3A_69] : memref<2048x1024xf32, #tpu.memory_space<hbm>> -> memref<2048x1024xf32, #tpu.memory_space<hbm>>
    tpu.enqueue_indirect_dma source(%dma_start3A_70 : memref<2048x1024xf32, #tpu.memory_space<hbm>>) target(%arg9 : memref<32x1024xf32, #tpu.memory_space<vmem>>) offsets(%dma_start3A_67 : memref<32xi32, #tpu.memory_space<vmem>>) semaphore(%arg11 : memref<!tpu.dma_semaphore, #tpu.memory_space<semaphore_mem>>)
    %dma_wait3A_71 = arith.constant 96 : i32
    %dma_wait3A_72 = tpu.memref_slice %arg6[%dma_wait3A_71] : memref<128xi32, #tpu.memory_space<vmem>> -> memref<32xi32, #tpu.memory_space<vmem>>
    %dma_wait3A_73 = arith.constant 0 : i32
    %dma_wait3A_74 = arith.constant 0 : i32
    %dma_wait3A_75 = tpu.memref_slice %arg2[%dma_wait3A_73, %dma_wait3A_74] : memref<2048x1024xf32, #tpu.memory_space<hbm>> -> memref<2048x1024xf32, #tpu.memory_space<hbm>>
    tpu.wait_indirect_dma semaphore(%arg11 : memref<!tpu.dma_semaphore, #tpu.memory_space<semaphore_mem>>) src(%dma_wait3A_75 : memref<2048x1024xf32, #tpu.memory_space<hbm>>) dst(%arg9 : memref<32x1024xf32, #tpu.memory_space<vmem>>)
    %dma_start3A_76 = arith.constant 3 : i32
    %dma_start3A_77 = arith.constant 0 : i32
    %dma_start3A_78 = tpu.memref_slice %arg7[%dma_start3A_76, %dma_start3A_77] : memref<4x32xi32, #tpu.memory_space<vmem>> -> memref<1x32xi32, #tpu.memory_space<vmem>>
    %dma_start3A_79 = tpu.memref_squeeze %dma_start3A_78 : memref<1x32xi32, #tpu.memory_space<vmem>> -> memref<32xi32, #tpu.memory_space<vmem>>
    %dma_start3A_80 = arith.constant 0 : i32
    %dma_start3A_81 = arith.constant 0 : i32
    %dma_start3A_82 = tpu.memref_slice %arg5[%dma_start3A_80, %dma_start3A_81] : memref<5120x1024xf32, #tpu.memory_space<hbm>> -> memref<5120x1024xf32, #tpu.memory_space<hbm>>
    tpu.enqueue_indirect_dma source(%arg9 : memref<32x1024xf32, #tpu.memory_space<vmem>>) target(%dma_start3A_82 : memref<5120x1024xf32, #tpu.memory_space<hbm>>) offsets(%dma_start3A_79 : memref<32xi32, #tpu.memory_space<vmem>>) semaphore(%arg13 : memref<!tpu.dma_semaphore, #tpu.memory_space<semaphore_mem>>)
    %dma_wait3A_83 = arith.constant 2 : i32
    %dma_wait3A_84 = arith.constant 0 : i32
    %dma_wait3A_85 = tpu.memref_slice %arg7[%dma_wait3A_83, %dma_wait3A_84] : memref<4x32xi32, #tpu.memory_space<vmem>> -> memref<1x32xi32, #tpu.memory_space<vmem>>
    %dma_wait3A_86 = tpu.memref_squeeze %dma_wait3A_85 : memref<1x32xi32, #tpu.memory_space<vmem>> -> memref<32xi32, #tpu.memory_space<vmem>>
    %dma_wait3A_87 = arith.constant 0 : i32
    %dma_wait3A_88 = arith.constant 0 : i32
    %dma_wait3A_89 = tpu.memref_slice %arg5[%dma_wait3A_87, %dma_wait3A_88] : memref<5120x1024xf32, #tpu.memory_space<hbm>> -> memref<5120x1024xf32, #tpu.memory_space<hbm>>
    tpu.wait_indirect_dma semaphore(%arg12 : memref<!tpu.dma_semaphore, #tpu.memory_space<semaphore_mem>>) src(%arg8 : memref<32x1024xf32, #tpu.memory_space<vmem>>) dst(%dma_wait3A_89 : memref<5120x1024xf32, #tpu.memory_space<hbm>>)
    %dma_wait3A_90 = arith.constant 3 : i32
    %dma_wait3A_91 = arith.constant 0 : i32
    %dma_wait3A_92 = tpu.memref_slice %arg7[%dma_wait3A_90, %dma_wait3A_91] : memref<4x32xi32, #tpu.memory_space<vmem>> -> memref<1x32xi32, #tpu.memory_space<vmem>>
    %dma_wait3A_93 = tpu.memref_squeeze %dma_wait3A_92 : memref<1x32xi32, #tpu.memory_space<vmem>> -> memref<32xi32, #tpu.memory_space<vmem>>
    %dma_wait3A_94 = arith.constant 0 : i32
    %dma_wait3A_95 = arith.constant 0 : i32
    %dma_wait3A_96 = tpu.memref_slice %arg5[%dma_wait3A_94, %dma_wait3A_95] : memref<5120x1024xf32, #tpu.memory_space<hbm>> -> memref<5120x1024xf32, #tpu.memory_space<hbm>>
    tpu.wait_indirect_dma semaphore(%arg13 : memref<!tpu.dma_semaphore, #tpu.memory_space<semaphore_mem>>) src(%arg9 : memref<32x1024xf32, #tpu.memory_space<vmem>>) dst(%dma_wait3A_96 : memref<5120x1024xf32, #tpu.memory_space<hbm>>)
    return
  }
}

#map = affine_map<(d0, d1) -> (0, 0)>
#map1 = affine_map<(d0, d1) -> (0)>
module attributes {stable_mosaic.version = 14 : i64} {
  func.func @k(%arg0: i32, %arg1: i32, %arg2: memref<5120x1024xf32, #tpu.memory_space<hbm>>, %arg3: memref<2048xi32, #tpu.memory_space<hbm>>, %arg4: memref<2048xi32, #tpu.memory_space<hbm>>, %arg5: memref<2048x1024xf32, #tpu.memory_space<hbm>>, %arg6: memref<64xi32, #tpu.memory_space<vmem>>, %arg7: memref<64xi32, #tpu.memory_space<vmem>>, %arg8: memref<16x1024xf32, #tpu.memory_space<vmem>>, %arg9: memref<16x1024xf32, #tpu.memory_space<vmem>>, %arg10: memref<16x1024xf32, #tpu.memory_space<vmem>>, %arg11: memref<16x1024xf32, #tpu.memory_space<vmem>>, %arg12: memref<!tpu.dma_semaphore, #tpu.memory_space<semaphore_mem>>, %arg13: memref<!tpu.dma_semaphore, #tpu.memory_space<semaphore_mem>>, %arg14: memref<!tpu.dma_semaphore, #tpu.memory_space<semaphore_mem>>, %arg15: memref<!tpu.dma_semaphore, #tpu.memory_space<semaphore_mem>>) attributes {dimension_semantics = [#tpu.dimension_semantics<core_parallel>, #tpu.dimension_semantics<subcore_parallel>], iteration_bounds = array<i64: 2, 16>, scalar_prefetch = 0 : i64, scratch_operands = 10 : i64, tpu.core_type = #tpu.core_type<sc_vector_subcore>, window_params = [{transform_indices = #map}, {transform_indices = #map1}, {transform_indices = #map1}, {transform_indices = #map}]} {
    %mul3A = arith.constant 2 : i32
    %mul3A_0 = arith.muli %arg1, %mul3A : i32
    %add3A = arith.addi %mul3A_0, %arg0 : i32
    %mul3A_1 = arith.constant 64 : i32
    %mul3A_2 = arith.muli %add3A, %mul3A_1 : i32
    "tpu.region"() ({
      %run_scoped3A = tpu.sem_alloc : memref<!tpu.dma_semaphore, #tpu.memory_space<semaphore_mem>>
      %dma_start3A_144 = tpu.memref_slice %arg3[%mul3A_2] : memref<2048xi32, #tpu.memory_space<hbm>> -> memref<64xi32, #tpu.memory_space<hbm>>
      %dma_start3A_145 = tpu.memref_slice %arg3[%mul3A_2] : memref<2048xi32, #tpu.memory_space<hbm>> -> memref<64xi32, #tpu.memory_space<hbm>>
      tpu.enqueue_dma source(%dma_start3A_145 : memref<64xi32, #tpu.memory_space<hbm>>) target(%arg6 : memref<64xi32, #tpu.memory_space<vmem>>) target_semaphore(%run_scoped3A : memref<!tpu.dma_semaphore, #tpu.memory_space<semaphore_mem>>)
      %dma_wait3A_146 = tpu.memref_slice %arg3[%mul3A_2] : memref<2048xi32, #tpu.memory_space<hbm>> -> memref<64xi32, #tpu.memory_space<hbm>>
      %dma_wait3A_147 = tpu.memref_slice %arg3[%mul3A_2] : memref<2048xi32, #tpu.memory_space<hbm>> -> memref<64xi32, #tpu.memory_space<hbm>>
      tpu.wait_dma2 semaphore(%run_scoped3A : memref<!tpu.dma_semaphore, #tpu.memory_space<semaphore_mem>>) src(%dma_wait3A_147 : memref<64xi32, #tpu.memory_space<hbm>>) dst(%arg6 : memref<64xi32, #tpu.memory_space<vmem>>)
      tpu.yield
    }) : () -> ()
    "tpu.region"() ({
      %run_scoped3A = tpu.sem_alloc : memref<!tpu.dma_semaphore, #tpu.memory_space<semaphore_mem>>
      %dma_start3A_144 = tpu.memref_slice %arg4[%mul3A_2] : memref<2048xi32, #tpu.memory_space<hbm>> -> memref<64xi32, #tpu.memory_space<hbm>>
      %dma_start3A_145 = tpu.memref_slice %arg4[%mul3A_2] : memref<2048xi32, #tpu.memory_space<hbm>> -> memref<64xi32, #tpu.memory_space<hbm>>
      tpu.enqueue_dma source(%dma_start3A_145 : memref<64xi32, #tpu.memory_space<hbm>>) target(%arg7 : memref<64xi32, #tpu.memory_space<vmem>>) target_semaphore(%run_scoped3A : memref<!tpu.dma_semaphore, #tpu.memory_space<semaphore_mem>>)
      %dma_wait3A_146 = tpu.memref_slice %arg4[%mul3A_2] : memref<2048xi32, #tpu.memory_space<hbm>> -> memref<64xi32, #tpu.memory_space<hbm>>
      %dma_wait3A_147 = tpu.memref_slice %arg4[%mul3A_2] : memref<2048xi32, #tpu.memory_space<hbm>> -> memref<64xi32, #tpu.memory_space<hbm>>
      tpu.wait_dma2 semaphore(%run_scoped3A : memref<!tpu.dma_semaphore, #tpu.memory_space<semaphore_mem>>) src(%dma_wait3A_147 : memref<64xi32, #tpu.memory_space<hbm>>) dst(%arg7 : memref<64xi32, #tpu.memory_space<vmem>>)
      tpu.yield
    }) : () -> ()
    %dma_start3A = arith.constant 0 : i32
    %dma_start3A_3 = tpu.memref_slice %arg6[%dma_start3A] : memref<64xi32, #tpu.memory_space<vmem>> -> memref<16xi32, #tpu.memory_space<vmem>>
    %dma_start3A_4 = arith.constant 0 : i32
    %dma_start3A_5 = arith.constant 0 : i32
    %dma_start3A_6 = tpu.memref_slice %arg2[%dma_start3A_4, %dma_start3A_5] : memref<5120x1024xf32, #tpu.memory_space<hbm>> -> memref<5120x1024xf32, #tpu.memory_space<hbm>>
    tpu.enqueue_indirect_dma source(%dma_start3A_6 : memref<5120x1024xf32, #tpu.memory_space<hbm>>) target(%arg8 : memref<16x1024xf32, #tpu.memory_space<vmem>>) offsets(%dma_start3A_3 : memref<16xi32, #tpu.memory_space<vmem>>) semaphore(%arg12 : memref<!tpu.dma_semaphore, #tpu.memory_space<semaphore_mem>>)
    %dma_start3A_7 = arith.constant 0 : i32
    %dma_start3A_8 = tpu.memref_slice %arg7[%dma_start3A_7] : memref<64xi32, #tpu.memory_space<vmem>> -> memref<16xi32, #tpu.memory_space<vmem>>
    %dma_start3A_9 = arith.constant 0 : i32
    %dma_start3A_10 = arith.constant 0 : i32
    %dma_start3A_11 = tpu.memref_slice %arg2[%dma_start3A_9, %dma_start3A_10] : memref<5120x1024xf32, #tpu.memory_space<hbm>> -> memref<5120x1024xf32, #tpu.memory_space<hbm>>
    tpu.enqueue_indirect_dma source(%dma_start3A_11 : memref<5120x1024xf32, #tpu.memory_space<hbm>>) target(%arg10 : memref<16x1024xf32, #tpu.memory_space<vmem>>) offsets(%dma_start3A_8 : memref<16xi32, #tpu.memory_space<vmem>>) semaphore(%arg12 : memref<!tpu.dma_semaphore, #tpu.memory_space<semaphore_mem>>)
    %dma_wait3A = arith.constant 0 : i32
    %dma_wait3A_12 = tpu.memref_slice %arg6[%dma_wait3A] : memref<64xi32, #tpu.memory_space<vmem>> -> memref<16xi32, #tpu.memory_space<vmem>>
    %dma_wait3A_13 = arith.constant 0 : i32
    %dma_wait3A_14 = arith.constant 0 : i32
    %dma_wait3A_15 = tpu.memref_slice %arg2[%dma_wait3A_13, %dma_wait3A_14] : memref<5120x1024xf32, #tpu.memory_space<hbm>> -> memref<5120x1024xf32, #tpu.memory_space<hbm>>
    tpu.wait_indirect_dma semaphore(%arg12 : memref<!tpu.dma_semaphore, #tpu.memory_space<semaphore_mem>>) src(%dma_wait3A_15 : memref<5120x1024xf32, #tpu.memory_space<hbm>>) dst(%arg8 : memref<16x1024xf32, #tpu.memory_space<vmem>>)
    %dma_wait3A_16 = arith.constant 0 : i32
    %dma_wait3A_17 = tpu.memref_slice %arg7[%dma_wait3A_16] : memref<64xi32, #tpu.memory_space<vmem>> -> memref<16xi32, #tpu.memory_space<vmem>>
    %dma_wait3A_18 = arith.constant 0 : i32
    %dma_wait3A_19 = arith.constant 0 : i32
    %dma_wait3A_20 = tpu.memref_slice %arg2[%dma_wait3A_18, %dma_wait3A_19] : memref<5120x1024xf32, #tpu.memory_space<hbm>> -> memref<5120x1024xf32, #tpu.memory_space<hbm>>
    tpu.wait_indirect_dma semaphore(%arg12 : memref<!tpu.dma_semaphore, #tpu.memory_space<semaphore_mem>>) src(%dma_wait3A_20 : memref<5120x1024xf32, #tpu.memory_space<hbm>>) dst(%arg10 : memref<16x1024xf32, #tpu.memory_space<vmem>>)
    %dma_start3A_21 = arith.constant 16 : i32
    %dma_start3A_22 = tpu.memref_slice %arg6[%dma_start3A_21] : memref<64xi32, #tpu.memory_space<vmem>> -> memref<16xi32, #tpu.memory_space<vmem>>
    %dma_start3A_23 = arith.constant 0 : i32
    %dma_start3A_24 = arith.constant 0 : i32
    %dma_start3A_25 = tpu.memref_slice %arg2[%dma_start3A_23, %dma_start3A_24] : memref<5120x1024xf32, #tpu.memory_space<hbm>> -> memref<5120x1024xf32, #tpu.memory_space<hbm>>
    tpu.enqueue_indirect_dma source(%dma_start3A_25 : memref<5120x1024xf32, #tpu.memory_space<hbm>>) target(%arg9 : memref<16x1024xf32, #tpu.memory_space<vmem>>) offsets(%dma_start3A_22 : memref<16xi32, #tpu.memory_space<vmem>>) semaphore(%arg13 : memref<!tpu.dma_semaphore, #tpu.memory_space<semaphore_mem>>)
    %dma_start3A_26 = arith.constant 16 : i32
    %dma_start3A_27 = tpu.memref_slice %arg7[%dma_start3A_26] : memref<64xi32, #tpu.memory_space<vmem>> -> memref<16xi32, #tpu.memory_space<vmem>>
    %dma_start3A_28 = arith.constant 0 : i32
    %dma_start3A_29 = arith.constant 0 : i32
    %dma_start3A_30 = tpu.memref_slice %arg2[%dma_start3A_28, %dma_start3A_29] : memref<5120x1024xf32, #tpu.memory_space<hbm>> -> memref<5120x1024xf32, #tpu.memory_space<hbm>>
    tpu.enqueue_indirect_dma source(%dma_start3A_30 : memref<5120x1024xf32, #tpu.memory_space<hbm>>) target(%arg11 : memref<16x1024xf32, #tpu.memory_space<vmem>>) offsets(%dma_start3A_27 : memref<16xi32, #tpu.memory_space<vmem>>) semaphore(%arg13 : memref<!tpu.dma_semaphore, #tpu.memory_space<semaphore_mem>>)
    %scan3A = arith.constant 0 : i32
    %scan3A_31 = arith.constant 0 : i32
    %scan3A_32 = arith.constant 16 : i32
    %scan3A_33 = arith.addi %scan3A_31, %scan3A_32 : i32
    %scan3A_34 = arith.constant 1 : i32
    scf.for %scan3A_144 = %scan3A_31 to %scan3A_33 step %scan3A_34  : i32 {
      %get3A = arith.index_cast %scan3A_144 : i32 to index
      %get3A_145 = arith.constant 0 : index
      %get3A_146 = tpu.vector_load %arg8[%get3A, %get3A_145] {strides = array<i32>} : memref<16x1024xf32, #tpu.memory_space<vmem>>, vector<1x16xf32>,
      %get3A_147 = vector.shape_cast %get3A_146 : vector<1x16xf32> to vector<16xf32>
      %get3A_148 = arith.index_cast %scan3A_144 : i32 to index
      %get3A_149 = arith.constant 0 : index
      %get3A_150 = tpu.vector_load %arg10[%get3A_148, %get3A_149] {strides = array<i32>} : memref<16x1024xf32, #tpu.memory_space<vmem>>, vector<1x16xf32>,
      %get3A_151 = vector.shape_cast %get3A_150 : vector<1x16xf32> to vector<16xf32>
      %add3A_152 = arith.addf %get3A_147, %get3A_151 : vector<16xf32>
      %swap3A = arith.index_cast %scan3A_144 : i32 to index
      %swap3A_153 = arith.constant 0 : index
      %swap3A_154 = tpu.vector_load %arg8[%swap3A, %swap3A_153] {strides = array<i32>} : memref<16x1024xf32, #tpu.memory_space<vmem>>, vector<1x16xf32>,
      %swap3A_155 = vector.shape_cast %swap3A_154 : vector<1x16xf32> to vector<16xf32>
      %swap3A_156 = vector.shape_cast %add3A_152 : vector<16xf32> to vector<1x16xf32>
      tpu.vector_store %arg8[%swap3A, %swap3A_153], %swap3A_156 {strides = array<i32>} : memref<16x1024xf32, #tpu.memory_space<vmem>>, vector<1x16xf32>,
      %get3A_157 = arith.index_cast %scan3A_144 : i32 to index
      %get3A_158 = arith.constant 16 : index
      %get3A_159 = tpu.vector_load %arg8[%get3A_157, %get3A_158] {strides = array<i32>} : memref<16x1024xf32, #tpu.memory_space<vmem>>, vector<1x16xf32>,
      %get3A_160 = vector.shape_cast %get3A_159 : vector<1x16xf32> to vector<16xf32>
      %get3A_161 = arith.index_cast %scan3A_144 : i32 to index
      %get3A_162 = arith.constant 16 : index
      %get3A_163 = tpu.vector_load %arg10[%get3A_161, %get3A_162] {strides = array<i32>} : memref<16x1024xf32, #tpu.memory_space<vmem>>, vector<1x16xf32>,
      %get3A_164 = vector.shape_cast %get3A_163 : vector<1x16xf32> to vector<16xf32>
      %add3A_165 = arith.addf %get3A_160, %get3A_164 : vector<16xf32>
      %swap3A_166 = arith.index_cast %scan3A_144 : i32 to index
      %swap3A_167 = arith.constant 16 : index
      %swap3A_168 = tpu.vector_load %arg8[%swap3A_166, %swap3A_167] {strides = array<i32>} : memref<16x1024xf32, #tpu.memory_space<vmem>>, vector<1x16xf32>,
      %swap3A_169 = vector.shape_cast %swap3A_168 : vector<1x16xf32> to vector<16xf32>
      %swap3A_170 = vector.shape_cast %add3A_165 : vector<16xf32> to vector<1x16xf32>
      tpu.vector_store %arg8[%swap3A_166, %swap3A_167], %swap3A_170 {strides = array<i32>} : memref<16x1024xf32, #tpu.memory_space<vmem>>, vector<1x16xf32>,
      %get3A_171 = arith.index_cast %scan3A_144 : i32 to index
      %get3A_172 = arith.constant 32 : index
      %get3A_173 = tpu.vector_load %arg8[%get3A_171, %get3A_172] {strides = array<i32>} : memref<16x1024xf32, #tpu.memory_space<vmem>>, vector<1x16xf32>,
      %get3A_174 = vector.shape_cast %get3A_173 : vector<1x16xf32> to vector<16xf32>
      %get3A_175 = arith.index_cast %scan3A_144 : i32 to index
      %get3A_176 = arith.constant 32 : index
      %get3A_177 = tpu.vector_load %arg10[%get3A_175, %get3A_176] {strides = array<i32>} : memref<16x1024xf32, #tpu.memory_space<vmem>>, vector<1x16xf32>,
      %get3A_178 = vector.shape_cast %get3A_177 : vector<1x16xf32> to vector<16xf32>
      %add3A_179 = arith.addf %get3A_174, %get3A_178 : vector<16xf32>
      %swap3A_180 = arith.index_cast %scan3A_144 : i32 to index
      %swap3A_181 = arith.constant 32 : index
      %swap3A_182 = tpu.vector_load %arg8[%swap3A_180, %swap3A_181] {strides = array<i32>} : memref<16x1024xf32, #tpu.memory_space<vmem>>, vector<1x16xf32>,
      %swap3A_183 = vector.shape_cast %swap3A_182 : vector<1x16xf32> to vector<16xf32>
      %swap3A_184 = vector.shape_cast %add3A_179 : vector<16xf32> to vector<1x16xf32>
      tpu.vector_store %arg8[%swap3A_180, %swap3A_181], %swap3A_184 {strides = array<i32>} : memref<16x1024xf32, #tpu.memory_space<vmem>>, vector<1x16xf32>,
      %get3A_185 = arith.index_cast %scan3A_144 : i32 to index
      %get3A_186 = arith.constant 48 : index
      %get3A_187 = tpu.vector_load %arg8[%get3A_185, %get3A_186] {strides = array<i32>} : memref<16x1024xf32, #tpu.memory_space<vmem>>, vector<1x16xf32>,
      %get3A_188 = vector.shape_cast %get3A_187 : vector<1x16xf32> to vector<16xf32>
      %get3A_189 = arith.index_cast %scan3A_144 : i32 to index
      %get3A_190 = arith.constant 48 : index
      %get3A_191 = tpu.vector_load %arg10[%get3A_189, %get3A_190] {strides = array<i32>} : memref<16x1024xf32, #tpu.memory_space<vmem>>, vector<1x16xf32>,
      %get3A_192 = vector.shape_cast %get3A_191 : vector<1x16xf32> to vector<16xf32>
      %add3A_193 = arith.addf %get3A_188, %get3A_192 : vector<16xf32>
      %swap3A_194 = arith.index_cast %scan3A_144 : i32 to index
      %swap3A_195 = arith.constant 48 : index
      %swap3A_196 = tpu.vector_load %arg8[%swap3A_194, %swap3A_195] {strides = array<i32>} : memref<16x1024xf32, #tpu.memory_space<vmem>>, vector<1x16xf32>,
      %swap3A_197 = vector.shape_cast %swap3A_196 : vector<1x16xf32> to vector<16xf32>
      %swap3A_198 = vector.shape_cast %add3A_193 : vector<16xf32> to vector<1x16xf32>
      tpu.vector_store %arg8[%swap3A_194, %swap3A_195], %swap3A_198 {strides = array<i32>} : memref<16x1024xf32, #tpu.memory_space<vmem>>, vector<1x16xf32>,
      %get3A_199 = arith.index_cast %scan3A_144 : i32 to index
      %get3A_200 = arith.constant 64 : index
      %get3A_201 = tpu.vector_load %arg8[%get3A_199, %get3A_200] {strides = array<i32>} : memref<16x1024xf32, #tpu.memory_space<vmem>>, vector<1x16xf32>,
      %get3A_202 = vector.shape_cast %get3A_201 : vector<1x16xf32> to vector<16xf32>
      %get3A_203 = arith.index_cast %scan3A_144 : i32 to index
      %get3A_204 = arith.constant 64 : index
      %get3A_205 = tpu.vector_load %arg10[%get3A_203, %get3A_204] {strides = array<i32>} : memref<16x1024xf32, #tpu.memory_space<vmem>>, vector<1x16xf32>,
      %get3A_206 = vector.shape_cast %get3A_205 : vector<1x16xf32> to vector<16xf32>
      %add3A_207 = arith.addf %get3A_202, %get3A_206 : vector<16xf32>
      %swap3A_208 = arith.index_cast %scan3A_144 : i32 to index
      %swap3A_209 = arith.constant 64 : index
      %swap3A_210 = tpu.vector_load %arg8[%swap3A_208, %swap3A_209] {strides = array<i32>} : memref<16x1024xf32, #tpu.memory_space<vmem>>, vector<1x16xf32>,
      %swap3A_211 = vector.shape_cast %swap3A_210 : vector<1x16xf32> to vector<16xf32>
      %swap3A_212 = vector.shape_cast %add3A_207 : vector<16xf32> to vector<1x16xf32>
      tpu.vector_store %arg8[%swap3A_208, %swap3A_209], %swap3A_212 {strides = array<i32>} : memref<16x1024xf32, #tpu.memory_space<vmem>>, vector<1x16xf32>,
      %get3A_213 = arith.index_cast %scan3A_144 : i32 to index
      %get3A_214 = arith.constant 80 : index
      %get3A_215 = tpu.vector_load %arg8[%get3A_213, %get3A_214] {strides = array<i32>} : memref<16x1024xf32, #tpu.memory_space<vmem>>, vector<1x16xf32>,
      %get3A_216 = vector.shape_cast %get3A_215 : vector<1x16xf32> to vector<16xf32>
      %get3A_217 = arith.index_cast %scan3A_144 : i32 to index
      %get3A_218 = arith.constant 80 : index
      %get3A_219 = tpu.vector_load %arg10[%get3A_217, %get3A_218] {strides = array<i32>} : memref<16x1024xf32, #tpu.memory_space<vmem>>, vector<1x16xf32>,
      %get3A_220 = vector.shape_cast %get3A_219 : vector<1x16xf32> to vector<16xf32>
      %add3A_221 = arith.addf %get3A_216, %get3A_220 : vector<16xf32>
      %swap3A_222 = arith.index_cast %scan3A_144 : i32 to index
      %swap3A_223 = arith.constant 80 : index
      %swap3A_224 = tpu.vector_load %arg8[%swap3A_222, %swap3A_223] {strides = array<i32>} : memref<16x1024xf32, #tpu.memory_space<vmem>>, vector<1x16xf32>,
      %swap3A_225 = vector.shape_cast %swap3A_224 : vector<1x16xf32> to vector<16xf32>
      %swap3A_226 = vector.shape_cast %add3A_221 : vector<16xf32> to vector<1x16xf32>
      tpu.vector_store %arg8[%swap3A_222, %swap3A_223], %swap3A_226 {strides = array<i32>} : memref<16x1024xf32, #tpu.memory_space<vmem>>, vector<1x16xf32>,
      %get3A_227 = arith.index_cast %scan3A_144 : i32 to index
      %get3A_228 = arith.constant 96 : index
      %get3A_229 = tpu.vector_load %arg8[%get3A_227, %get3A_228] {strides = array<i32>} : memref<16x1024xf32, #tpu.memory_space<vmem>>, vector<1x16xf32>,
      %get3A_230 = vector.shape_cast %get3A_229 : vector<1x16xf32> to vector<16xf32>
      %get3A_231 = arith.index_cast %scan3A_144 : i32 to index
      %get3A_232 = arith.constant 96 : index
      %get3A_233 = tpu.vector_load %arg10[%get3A_231, %get3A_232] {strides = array<i32>} : memref<16x1024xf32, #tpu.memory_space<vmem>>, vector<1x16xf32>,
      %get3A_234 = vector.shape_cast %get3A_233 : vector<1x16xf32> to vector<16xf32>
      %add3A_235 = arith.addf %get3A_230, %get3A_234 : vector<16xf32>
      %swap3A_236 = arith.index_cast %scan3A_144 : i32 to index
      %swap3A_237 = arith.constant 96 : index
      %swap3A_238 = tpu.vector_load %arg8[%swap3A_236, %swap3A_237] {strides = array<i32>} : memref<16x1024xf32, #tpu.memory_space<vmem>>, vector<1x16xf32>,
      %swap3A_239 = vector.shape_cast %swap3A_238 : vector<1x16xf32> to vector<16xf32>
      %swap3A_240 = vector.shape_cast %add3A_235 : vector<16xf32> to vector<1x16xf32>
      tpu.vector_store %arg8[%swap3A_236, %swap3A_237], %swap3A_240 {strides = array<i32>} : memref<16x1024xf32, #tpu.memory_space<vmem>>, vector<1x16xf32>,
      %get3A_241 = arith.index_cast %scan3A_144 : i32 to index
      %get3A_242 = arith.constant 112 : index
      %get3A_243 = tpu.vector_load %arg8[%get3A_241, %get3A_242] {strides = array<i32>} : memref<16x1024xf32, #tpu.memory_space<vmem>>, vector<1x16xf32>,
      %get3A_244 = vector.shape_cast %get3A_243 : vector<1x16xf32> to vector<16xf32>
      %get3A_245 = arith.index_cast %scan3A_144 : i32 to index
      %get3A_246 = arith.constant 112 : index
      %get3A_247 = tpu.vector_load %arg10[%get3A_245, %get3A_246] {strides = array<i32>} : memref<16x1024xf32, #tpu.memory_space<vmem>>, vector<1x16xf32>,
      %get3A_248 = vector.shape_cast %get3A_247 : vector<1x16xf32> to vector<16xf32>
      %add3A_249 = arith.addf %get3A_244, %get3A_248 : vector<16xf32>
      %swap3A_250 = arith.index_cast %scan3A_144 : i32 to index
      %swap3A_251 = arith.constant 112 : index
      %swap3A_252 = tpu.vector_load %arg8[%swap3A_250, %swap3A_251] {strides = array<i32>} : memref<16x1024xf32, #tpu.memory_space<vmem>>, vector<1x16xf32>,
      %swap3A_253 = vector.shape_cast %swap3A_252 : vector<1x16xf32> to vector<16xf32>
      %swap3A_254 = vector.shape_cast %add3A_249 : vector<16xf32> to vector<1x16xf32>
      tpu.vector_store %arg8[%swap3A_250, %swap3A_251], %swap3A_254 {strides = array<i32>} : memref<16x1024xf32, #tpu.memory_space<vmem>>, vector<1x16xf32>,
      %get3A_255 = arith.index_cast %scan3A_144 : i32 to index
      %get3A_256 = arith.constant 128 : index
      %get3A_257 = tpu.vector_load %arg8[%get3A_255, %get3A_256] {strides = array<i32>} : memref<16x1024xf32, #tpu.memory_space<vmem>>, vector<1x16xf32>,
      %get3A_258 = vector.shape_cast %get3A_257 : vector<1x16xf32> to vector<16xf32>
      %get3A_259 = arith.index_cast %scan3A_144 : i32 to index
      %get3A_260 = arith.constant 128 : index
      %get3A_261 = tpu.vector_load %arg10[%get3A_259, %get3A_260] {strides = array<i32>} : memref<16x1024xf32, #tpu.memory_space<vmem>>, vector<1x16xf32>,
      %get3A_262 = vector.shape_cast %get3A_261 : vector<1x16xf32> to vector<16xf32>
      %add3A_263 = arith.addf %get3A_258, %get3A_262 : vector<16xf32>
      %swap3A_264 = arith.index_cast %scan3A_144 : i32 to index
      %swap3A_265 = arith.constant 128 : index
      %swap3A_266 = tpu.vector_load %arg8[%swap3A_264, %swap3A_265] {strides = array<i32>} : memref<16x1024xf32, #tpu.memory_space<vmem>>, vector<1x16xf32>,
      %swap3A_267 = vector.shape_cast %swap3A_266 : vector<1x16xf32> to vector<16xf32>
      %swap3A_268 = vector.shape_cast %add3A_263 : vector<16xf32> to vector<1x16xf32>
      tpu.vector_store %arg8[%swap3A_264, %swap3A_265], %swap3A_268 {strides = array<i32>} : memref<16x1024xf32, #tpu.memory_space<vmem>>, vector<1x16xf32>,
      %get3A_269 = arith.index_cast %scan3A_144 : i32 to index
      %get3A_270 = arith.constant 144 : index
      %get3A_271 = tpu.vector_load %arg8[%get3A_269, %get3A_270] {strides = array<i32>} : memref<16x1024xf32, #tpu.memory_space<vmem>>, vector<1x16xf32>,
      %get3A_272 = vector.shape_cast %get3A_271 : vector<1x16xf32> to vector<16xf32>
      %get3A_273 = arith.index_cast %scan3A_144 : i32 to index
      %get3A_274 = arith.constant 144 : index
      %get3A_275 = tpu.vector_load %arg10[%get3A_273, %get3A_274] {strides = array<i32>} : memref<16x1024xf32, #tpu.memory_space<vmem>>, vector<1x16xf32>,
      %get3A_276 = vector.shape_cast %get3A_275 : vector<1x16xf32> to vector<16xf32>
      %add3A_277 = arith.addf %get3A_272, %get3A_276 : vector<16xf32>
      %swap3A_278 = arith.index_cast %scan3A_144 : i32 to index
      %swap3A_279 = arith.constant 144 : index
      %swap3A_280 = tpu.vector_load %arg8[%swap3A_278, %swap3A_279] {strides = array<i32>} : memref<16x1024xf32, #tpu.memory_space<vmem>>, vector<1x16xf32>,
      %swap3A_281 = vector.shape_cast %swap3A_280 : vector<1x16xf32> to vector<16xf32>
      %swap3A_282 = vector.shape_cast %add3A_277 : vector<16xf32> to vector<1x16xf32>
      tpu.vector_store %arg8[%swap3A_278, %swap3A_279], %swap3A_282 {strides = array<i32>} : memref<16x1024xf32, #tpu.memory_space<vmem>>, vector<1x16xf32>,
      %get3A_283 = arith.index_cast %scan3A_144 : i32 to index
      %get3A_284 = arith.constant 160 : index
      %get3A_285 = tpu.vector_load %arg8[%get3A_283, %get3A_284] {strides = array<i32>} : memref<16x1024xf32, #tpu.memory_space<vmem>>, vector<1x16xf32>,
      %get3A_286 = vector.shape_cast %get3A_285 : vector<1x16xf32> to vector<16xf32>
      %get3A_287 = arith.index_cast %scan3A_144 : i32 to index
      %get3A_288 = arith.constant 160 : index
      %get3A_289 = tpu.vector_load %arg10[%get3A_287, %get3A_288] {strides = array<i32>} : memref<16x1024xf32, #tpu.memory_space<vmem>>, vector<1x16xf32>,
      %get3A_290 = vector.shape_cast %get3A_289 : vector<1x16xf32> to vector<16xf32>
      %add3A_291 = arith.addf %get3A_286, %get3A_290 : vector<16xf32>
      %swap3A_292 = arith.index_cast %scan3A_144 : i32 to index
      %swap3A_293 = arith.constant 160 : index
      %swap3A_294 = tpu.vector_load %arg8[%swap3A_292, %swap3A_293] {strides = array<i32>} : memref<16x1024xf32, #tpu.memory_space<vmem>>, vector<1x16xf32>,
      %swap3A_295 = vector.shape_cast %swap3A_294 : vector<1x16xf32> to vector<16xf32>
      %swap3A_296 = vector.shape_cast %add3A_291 : vector<16xf32> to vector<1x16xf32>
      tpu.vector_store %arg8[%swap3A_292, %swap3A_293], %swap3A_296 {strides = array<i32>} : memref<16x1024xf32, #tpu.memory_space<vmem>>, vector<1x16xf32>,
      %get3A_297 = arith.index_cast %scan3A_144 : i32 to index
      %get3A_298 = arith.constant 176 : index
      %get3A_299 = tpu.vector_load %arg8[%get3A_297, %get3A_298] {strides = array<i32>} : memref<16x1024xf32, #tpu.memory_space<vmem>>, vector<1x16xf32>,
      %get3A_300 = vector.shape_cast %get3A_299 : vector<1x16xf32> to vector<16xf32>
      %get3A_301 = arith.index_cast %scan3A_144 : i32 to index
      %get3A_302 = arith.constant 176 : index
      %get3A_303 = tpu.vector_load %arg10[%get3A_301, %get3A_302] {strides = array<i32>} : memref<16x1024xf32, #tpu.memory_space<vmem>>, vector<1x16xf32>,
      %get3A_304 = vector.shape_cast %get3A_303 : vector<1x16xf32> to vector<16xf32>
      %add3A_305 = arith.addf %get3A_300, %get3A_304 : vector<16xf32>
      %swap3A_306 = arith.index_cast %scan3A_144 : i32 to index
      %swap3A_307 = arith.constant 176 : index
      %swap3A_308 = tpu.vector_load %arg8[%swap3A_306, %swap3A_307] {strides = array<i32>} : memref<16x1024xf32, #tpu.memory_space<vmem>>, vector<1x16xf32>,
      %swap3A_309 = vector.shape_cast %swap3A_308 : vector<1x16xf32> to vector<16xf32>
      %swap3A_310 = vector.shape_cast %add3A_305 : vector<16xf32> to vector<1x16xf32>
      tpu.vector_store %arg8[%swap3A_306, %swap3A_307], %swap3A_310 {strides = array<i32>} : memref<16x1024xf32, #tpu.memory_space<vmem>>, vector<1x16xf32>,
      %get3A_311 = arith.index_cast %scan3A_144 : i32 to index
      %get3A_312 = arith.constant 192 : index
      %get3A_313 = tpu.vector_load %arg8[%get3A_311, %get3A_312] {strides = array<i32>} : memref<16x1024xf32, #tpu.memory_space<vmem>>, vector<1x16xf32>,
      %get3A_314 = vector.shape_cast %get3A_313 : vector<1x16xf32> to vector<16xf32>
      %get3A_315 = arith.index_cast %scan3A_144 : i32 to index
      %get3A_316 = arith.constant 192 : index
      %get3A_317 = tpu.vector_load %arg10[%get3A_315, %get3A_316] {strides = array<i32>} : memref<16x1024xf32, #tpu.memory_space<vmem>>, vector<1x16xf32>,
      %get3A_318 = vector.shape_cast %get3A_317 : vector<1x16xf32> to vector<16xf32>
      %add3A_319 = arith.addf %get3A_314, %get3A_318 : vector<16xf32>
      %swap3A_320 = arith.index_cast %scan3A_144 : i32 to index
      %swap3A_321 = arith.constant 192 : index
      %swap3A_322 = tpu.vector_load %arg8[%swap3A_320, %swap3A_321] {strides = array<i32>} : memref<16x1024xf32, #tpu.memory_space<vmem>>, vector<1x16xf32>,
      %swap3A_323 = vector.shape_cast %swap3A_322 : vector<1x16xf32> to vector<16xf32>
      %swap3A_324 = vector.shape_cast %add3A_319 : vector<16xf32> to vector<1x16xf32>
      tpu.vector_store %arg8[%swap3A_320, %swap3A_321], %swap3A_324 {strides = array<i32>} : memref<16x1024xf32, #tpu.memory_space<vmem>>, vector<1x16xf32>,
      %get3A_325 = arith.index_cast %scan3A_144 : i32 to index
      %get3A_326 = arith.constant 208 : index
      %get3A_327 = tpu.vector_load %arg8[%get3A_325, %get3A_326] {strides = array<i32>} : memref<16x1024xf32, #tpu.memory_space<vmem>>, vector<1x16xf32>,
      %get3A_328 = vector.shape_cast %get3A_327 : vector<1x16xf32> to vector<16xf32>
      %get3A_329 = arith.index_cast %scan3A_144 : i32 to index
      %get3A_330 = arith.constant 208 : index
      %get3A_331 = tpu.vector_load %arg10[%get3A_329, %get3A_330] {strides = array<i32>} : memref<16x1024xf32, #tpu.memory_space<vmem>>, vector<1x16xf32>,
      %get3A_332 = vector.shape_cast %get3A_331 : vector<1x16xf32> to vector<16xf32>
      %add3A_333 = arith.addf %get3A_328, %get3A_332 : vector<16xf32>
      %swap3A_334 = arith.index_cast %scan3A_144 : i32 to index
      %swap3A_335 = arith.constant 208 : index
      %swap3A_336 = tpu.vector_load %arg8[%swap3A_334, %swap3A_335] {strides = array<i32>} : memref<16x1024xf32, #tpu.memory_space<vmem>>, vector<1x16xf32>,
      %swap3A_337 = vector.shape_cast %swap3A_336 : vector<1x16xf32> to vector<16xf32>
      %swap3A_338 = vector.shape_cast %add3A_333 : vector<16xf32> to vector<1x16xf32>
      tpu.vector_store %arg8[%swap3A_334, %swap3A_335], %swap3A_338 {strides = array<i32>} : memref<16x1024xf32, #tpu.memory_space<vmem>>, vector<1x16xf32>,
      %get3A_339 = arith.index_cast %scan3A_144 : i32 to index
      %get3A_340 = arith.constant 224 : index
      %get3A_341 = tpu.vector_load %arg8[%get3A_339, %get3A_340] {strides = array<i32>} : memref<16x1024xf32, #tpu.memory_space<vmem>>, vector<1x16xf32>,
      %get3A_342 = vector.shape_cast %get3A_341 : vector<1x16xf32> to vector<16xf32>
      %get3A_343 = arith.index_cast %scan3A_144 : i32 to index
      %get3A_344 = arith.constant 224 : index
      %get3A_345 = tpu.vector_load %arg10[%get3A_343, %get3A_344] {strides = array<i32>} : memref<16x1024xf32, #tpu.memory_space<vmem>>, vector<1x16xf32>,
      %get3A_346 = vector.shape_cast %get3A_345 : vector<1x16xf32> to vector<16xf32>
      %add3A_347 = arith.addf %get3A_342, %get3A_346 : vector<16xf32>
      %swap3A_348 = arith.index_cast %scan3A_144 : i32 to index
      %swap3A_349 = arith.constant 224 : index
      %swap3A_350 = tpu.vector_load %arg8[%swap3A_348, %swap3A_349] {strides = array<i32>} : memref<16x1024xf32, #tpu.memory_space<vmem>>, vector<1x16xf32>,
      %swap3A_351 = vector.shape_cast %swap3A_350 : vector<1x16xf32> to vector<16xf32>
      %swap3A_352 = vector.shape_cast %add3A_347 : vector<16xf32> to vector<1x16xf32>
      tpu.vector_store %arg8[%swap3A_348, %swap3A_349], %swap3A_352 {strides = array<i32>} : memref<16x1024xf32, #tpu.memory_space<vmem>>, vector<1x16xf32>,
      %get3A_353 = arith.index_cast %scan3A_144 : i32 to index
      %get3A_354 = arith.constant 240 : index
      %get3A_355 = tpu.vector_load %arg8[%get3A_353, %get3A_354] {strides = array<i32>} : memref<16x1024xf32, #tpu.memory_space<vmem>>, vector<1x16xf32>,
      %get3A_356 = vector.shape_cast %get3A_355 : vector<1x16xf32> to vector<16xf32>
      %get3A_357 = arith.index_cast %scan3A_144 : i32 to index
      %get3A_358 = arith.constant 240 : index
      %get3A_359 = tpu.vector_load %arg10[%get3A_357, %get3A_358] {strides = array<i32>} : memref<16x1024xf32, #tpu.memory_space<vmem>>, vector<1x16xf32>,
      %get3A_360 = vector.shape_cast %get3A_359 : vector<1x16xf32> to vector<16xf32>
      %add3A_361 = arith.addf %get3A_356, %get3A_360 : vector<16xf32>
      %swap3A_362 = arith.index_cast %scan3A_144 : i32 to index
      %swap3A_363 = arith.constant 240 : index
      %swap3A_364 = tpu.vector_load %arg8[%swap3A_362, %swap3A_363] {strides = array<i32>} : memref<16x1024xf32, #tpu.memory_space<vmem>>, vector<1x16xf32>,
      %swap3A_365 = vector.shape_cast %swap3A_364 : vector<1x16xf32> to vector<16xf32>
      %swap3A_366 = vector.shape_cast %add3A_361 : vector<16xf32> to vector<1x16xf32>
      tpu.vector_store %arg8[%swap3A_362, %swap3A_363], %swap3A_366 {strides = array<i32>} : memref<16x1024xf32, #tpu.memory_space<vmem>>, vector<1x16xf32>,
      %get3A_367 = arith.index_cast %scan3A_144 : i32 to index
      %get3A_368 = arith.constant 256 : index
      %get3A_369 = tpu.vector_load %arg8[%get3A_367, %get3A_368] {strides = array<i32>} : memref<16x1024xf32, #tpu.memory_space<vmem>>, vector<1x16xf32>,
      %get3A_370 = vector.shape_cast %get3A_369 : vector<1x16xf32> to vector<16xf32>
      %get3A_371 = arith.index_cast %scan3A_144 : i32 to index
      %get3A_372 = arith.constant 256 : index
      %get3A_373 = tpu.vector_load %arg10[%get3A_371, %get3A_372] {strides = array<i32>} : memref<16x1024xf32, #tpu.memory_space<vmem>>, vector<1x16xf32>,
      %get3A_374 = vector.shape_cast %get3A_373 : vector<1x16xf32> to vector<16xf32>
      %add3A_375 = arith.addf %get3A_370, %get3A_374 : vector<16xf32>
      %swap3A_376 = arith.index_cast %scan3A_144 : i32 to index
      %swap3A_377 = arith.constant 256 : index
      %swap3A_378 = tpu.vector_load %arg8[%swap3A_376, %swap3A_377] {strides = array<i32>} : memref<16x1024xf32, #tpu.memory_space<vmem>>, vector<1x16xf32>,
      %swap3A_379 = vector.shape_cast %swap3A_378 : vector<1x16xf32> to vector<16xf32>
      %swap3A_380 = vector.shape_cast %add3A_375 : vector<16xf32> to vector<1x16xf32>
      tpu.vector_store %arg8[%swap3A_376, %swap3A_377], %swap3A_380 {strides = array<i32>} : memref<16x1024xf32, #tpu.memory_space<vmem>>, vector<1x16xf32>,
      %get3A_381 = arith.index_cast %scan3A_144 : i32 to index
      %get3A_382 = arith.constant 272 : index
      %get3A_383 = tpu.vector_load %arg8[%get3A_381, %get3A_382] {strides = array<i32>} : memref<16x1024xf32, #tpu.memory_space<vmem>>, vector<1x16xf32>,
      %get3A_384 = vector.shape_cast %get3A_383 : vector<1x16xf32> to vector<16xf32>
      %get3A_385 = arith.index_cast %scan3A_144 : i32 to index
      %get3A_386 = arith.constant 272 : index
      %get3A_387 = tpu.vector_load %arg10[%get3A_385, %get3A_386] {strides = array<i32>} : memref<16x1024xf32, #tpu.memory_space<vmem>>, vector<1x16xf32>,
      %get3A_388 = vector.shape_cast %get3A_387 : vector<1x16xf32> to vector<16xf32>
      %add3A_389 = arith.addf %get3A_384, %get3A_388 : vector<16xf32>
      %swap3A_390 = arith.index_cast %scan3A_144 : i32 to index
      %swap3A_391 = arith.constant 272 : index
      %swap3A_392 = tpu.vector_load %arg8[%swap3A_390, %swap3A_391] {strides = array<i32>} : memref<16x1024xf32, #tpu.memory_space<vmem>>, vector<1x16xf32>,
      %swap3A_393 = vector.shape_cast %swap3A_392 : vector<1x16xf32> to vector<16xf32>
      %swap3A_394 = vector.shape_cast %add3A_389 : vector<16xf32> to vector<1x16xf32>
      tpu.vector_store %arg8[%swap3A_390, %swap3A_391], %swap3A_394 {strides = array<i32>} : memref<16x1024xf32, #tpu.memory_space<vmem>>, vector<1x16xf32>,
      %get3A_395 = arith.index_cast %scan3A_144 : i32 to index
      %get3A_396 = arith.constant 288 : index
      %get3A_397 = tpu.vector_load %arg8[%get3A_395, %get3A_396] {strides = array<i32>} : memref<16x1024xf32, #tpu.memory_space<vmem>>, vector<1x16xf32>,
      %get3A_398 = vector.shape_cast %get3A_397 : vector<1x16xf32> to vector<16xf32>
      %get3A_399 = arith.index_cast %scan3A_144 : i32 to index
      %get3A_400 = arith.constant 288 : index
      %get3A_401 = tpu.vector_load %arg10[%get3A_399, %get3A_400] {strides = array<i32>} : memref<16x1024xf32, #tpu.memory_space<vmem>>, vector<1x16xf32>,
      %get3A_402 = vector.shape_cast %get3A_401 : vector<1x16xf32> to vector<16xf32>
      %add3A_403 = arith.addf %get3A_398, %get3A_402 : vector<16xf32>
      %swap3A_404 = arith.index_cast %scan3A_144 : i32 to index
      %swap3A_405 = arith.constant 288 : index
      %swap3A_406 = tpu.vector_load %arg8[%swap3A_404, %swap3A_405] {strides = array<i32>} : memref<16x1024xf32, #tpu.memory_space<vmem>>, vector<1x16xf32>,
      %swap3A_407 = vector.shape_cast %swap3A_406 : vector<1x16xf32> to vector<16xf32>
      %swap3A_408 = vector.shape_cast %add3A_403 : vector<16xf32> to vector<1x16xf32>
      tpu.vector_store %arg8[%swap3A_404, %swap3A_405], %swap3A_408 {strides = array<i32>} : memref<16x1024xf32, #tpu.memory_space<vmem>>, vector<1x16xf32>,
      %get3A_409 = arith.index_cast %scan3A_144 : i32 to index
      %get3A_410 = arith.constant 304 : index
      %get3A_411 = tpu.vector_load %arg8[%get3A_409, %get3A_410] {strides = array<i32>} : memref<16x1024xf32, #tpu.memory_space<vmem>>, vector<1x16xf32>,
      %get3A_412 = vector.shape_cast %get3A_411 : vector<1x16xf32> to vector<16xf32>
      %get3A_413 = arith.index_cast %scan3A_144 : i32 to index
      %get3A_414 = arith.constant 304 : index
      %get3A_415 = tpu.vector_load %arg10[%get3A_413, %get3A_414] {strides = array<i32>} : memref<16x1024xf32, #tpu.memory_space<vmem>>, vector<1x16xf32>,
      %get3A_416 = vector.shape_cast %get3A_415 : vector<1x16xf32> to vector<16xf32>
      %add3A_417 = arith.addf %get3A_412, %get3A_416 : vector<16xf32>
      %swap3A_418 = arith.index_cast %scan3A_144 : i32 to index
      %swap3A_419 = arith.constant 304 : index
      %swap3A_420 = tpu.vector_load %arg8[%swap3A_418, %swap3A_419] {strides = array<i32>} : memref<16x1024xf32, #tpu.memory_space<vmem>>, vector<1x16xf32>,
      %swap3A_421 = vector.shape_cast %swap3A_420 : vector<1x16xf32> to vector<16xf32>
      %swap3A_422 = vector.shape_cast %add3A_417 : vector<16xf32> to vector<1x16xf32>
      tpu.vector_store %arg8[%swap3A_418, %swap3A_419], %swap3A_422 {strides = array<i32>} : memref<16x1024xf32, #tpu.memory_space<vmem>>, vector<1x16xf32>,
      %get3A_423 = arith.index_cast %scan3A_144 : i32 to index
      %get3A_424 = arith.constant 320 : index
      %get3A_425 = tpu.vector_load %arg8[%get3A_423, %get3A_424] {strides = array<i32>} : memref<16x1024xf32, #tpu.memory_space<vmem>>, vector<1x16xf32>,
      %get3A_426 = vector.shape_cast %get3A_425 : vector<1x16xf32> to vector<16xf32>
      %get3A_427 = arith.index_cast %scan3A_144 : i32 to index
      %get3A_428 = arith.constant 320 : index
      %get3A_429 = tpu.vector_load %arg10[%get3A_427, %get3A_428] {strides = array<i32>} : memref<16x1024xf32, #tpu.memory_space<vmem>>, vector<1x16xf32>,
      %get3A_430 = vector.shape_cast %get3A_429 : vector<1x16xf32> to vector<16xf32>
      %add3A_431 = arith.addf %get3A_426, %get3A_430 : vector<16xf32>
      %swap3A_432 = arith.index_cast %scan3A_144 : i32 to index
      %swap3A_433 = arith.constant 320 : index
      %swap3A_434 = tpu.vector_load %arg8[%swap3A_432, %swap3A_433] {strides = array<i32>} : memref<16x1024xf32, #tpu.memory_space<vmem>>, vector<1x16xf32>,
      %swap3A_435 = vector.shape_cast %swap3A_434 : vector<1x16xf32> to vector<16xf32>
      %swap3A_436 = vector.shape_cast %add3A_431 : vector<16xf32> to vector<1x16xf32>
      tpu.vector_store %arg8[%swap3A_432, %swap3A_433], %swap3A_436 {strides = array<i32>} : memref<16x1024xf32, #tpu.memory_space<vmem>>, vector<1x16xf32>,
      %get3A_437 = arith.index_cast %scan3A_144 : i32 to index
      %get3A_438 = arith.constant 336 : index
      %get3A_439 = tpu.vector_load %arg8[%get3A_437, %get3A_438] {strides = array<i32>} : memref<16x1024xf32, #tpu.memory_space<vmem>>, vector<1x16xf32>,
      %get3A_440 = vector.shape_cast %get3A_439 : vector<1x16xf32> to vector<16xf32>
      %get3A_441 = arith.index_cast %scan3A_144 : i32 to index
      %get3A_442 = arith.constant 336 : index
      %get3A_443 = tpu.vector_load %arg10[%get3A_441, %get3A_442] {strides = array<i32>} : memref<16x1024xf32, #tpu.memory_space<vmem>>, vector<1x16xf32>,
      %get3A_444 = vector.shape_cast %get3A_443 : vector<1x16xf32> to vector<16xf32>
      %add3A_445 = arith.addf %get3A_440, %get3A_444 : vector<16xf32>
      %swap3A_446 = arith.index_cast %scan3A_144 : i32 to index
      %swap3A_447 = arith.constant 336 : index
      %swap3A_448 = tpu.vector_load %arg8[%swap3A_446, %swap3A_447] {strides = array<i32>} : memref<16x1024xf32, #tpu.memory_space<vmem>>, vector<1x16xf32>,
      %swap3A_449 = vector.shape_cast %swap3A_448 : vector<1x16xf32> to vector<16xf32>
      %swap3A_450 = vector.shape_cast %add3A_445 : vector<16xf32> to vector<1x16xf32>
      tpu.vector_store %arg8[%swap3A_446, %swap3A_447], %swap3A_450 {strides = array<i32>} : memref<16x1024xf32, #tpu.memory_space<vmem>>, vector<1x16xf32>,
      %get3A_451 = arith.index_cast %scan3A_144 : i32 to index
      %get3A_452 = arith.constant 352 : index
      %get3A_453 = tpu.vector_load %arg8[%get3A_451, %get3A_452] {strides = array<i32>} : memref<16x1024xf32, #tpu.memory_space<vmem>>, vector<1x16xf32>,
      %get3A_454 = vector.shape_cast %get3A_453 : vector<1x16xf32> to vector<16xf32>
      %get3A_455 = arith.index_cast %scan3A_144 : i32 to index
      %get3A_456 = arith.constant 352 : index
      %get3A_457 = tpu.vector_load %arg10[%get3A_455, %get3A_456] {strides = array<i32>} : memref<16x1024xf32, #tpu.memory_space<vmem>>, vector<1x16xf32>,
      %get3A_458 = vector.shape_cast %get3A_457 : vector<1x16xf32> to vector<16xf32>
      %add3A_459 = arith.addf %get3A_454, %get3A_458 : vector<16xf32>
      %swap3A_460 = arith.index_cast %scan3A_144 : i32 to index
      %swap3A_461 = arith.constant 352 : index
      %swap3A_462 = tpu.vector_load %arg8[%swap3A_460, %swap3A_461] {strides = array<i32>} : memref<16x1024xf32, #tpu.memory_space<vmem>>, vector<1x16xf32>,
      %swap3A_463 = vector.shape_cast %swap3A_462 : vector<1x16xf32> to vector<16xf32>
      %swap3A_464 = vector.shape_cast %add3A_459 : vector<16xf32> to vector<1x16xf32>
      tpu.vector_store %arg8[%swap3A_460, %swap3A_461], %swap3A_464 {strides = array<i32>} : memref<16x1024xf32, #tpu.memory_space<vmem>>, vector<1x16xf32>,
      %get3A_465 = arith.index_cast %scan3A_144 : i32 to index
      %get3A_466 = arith.constant 368 : index
      %get3A_467 = tpu.vector_load %arg8[%get3A_465, %get3A_466] {strides = array<i32>} : memref<16x1024xf32, #tpu.memory_space<vmem>>, vector<1x16xf32>,
      %get3A_468 = vector.shape_cast %get3A_467 : vector<1x16xf32> to vector<16xf32>
      %get3A_469 = arith.index_cast %scan3A_144 : i32 to index
      %get3A_470 = arith.constant 368 : index
      %get3A_471 = tpu.vector_load %arg10[%get3A_469, %get3A_470] {strides = array<i32>} : memref<16x1024xf32, #tpu.memory_space<vmem>>, vector<1x16xf32>,
      %get3A_472 = vector.shape_cast %get3A_471 : vector<1x16xf32> to vector<16xf32>
      %add3A_473 = arith.addf %get3A_468, %get3A_472 : vector<16xf32>
      %swap3A_474 = arith.index_cast %scan3A_144 : i32 to index
      %swap3A_475 = arith.constant 368 : index
      %swap3A_476 = tpu.vector_load %arg8[%swap3A_474, %swap3A_475] {strides = array<i32>} : memref<16x1024xf32, #tpu.memory_space<vmem>>, vector<1x16xf32>,
      %swap3A_477 = vector.shape_cast %swap3A_476 : vector<1x16xf32> to vector<16xf32>
      %swap3A_478 = vector.shape_cast %add3A_473 : vector<16xf32> to vector<1x16xf32>
      tpu.vector_store %arg8[%swap3A_474, %swap3A_475], %swap3A_478 {strides = array<i32>} : memref<16x1024xf32, #tpu.memory_space<vmem>>, vector<1x16xf32>,
      %get3A_479 = arith.index_cast %scan3A_144 : i32 to index
      %get3A_480 = arith.constant 384 : index
      %get3A_481 = tpu.vector_load %arg8[%get3A_479, %get3A_480] {strides = array<i32>} : memref<16x1024xf32, #tpu.memory_space<vmem>>, vector<1x16xf32>,
      %get3A_482 = vector.shape_cast %get3A_481 : vector<1x16xf32> to vector<16xf32>
      %get3A_483 = arith.index_cast %scan3A_144 : i32 to index
      %get3A_484 = arith.constant 384 : index
      %get3A_485 = tpu.vector_load %arg10[%get3A_483, %get3A_484] {strides = array<i32>} : memref<16x1024xf32, #tpu.memory_space<vmem>>, vector<1x16xf32>,
      %get3A_486 = vector.shape_cast %get3A_485 : vector<1x16xf32> to vector<16xf32>
      %add3A_487 = arith.addf %get3A_482, %get3A_486 : vector<16xf32>
      %swap3A_488 = arith.index_cast %scan3A_144 : i32 to index
      %swap3A_489 = arith.constant 384 : index
      %swap3A_490 = tpu.vector_load %arg8[%swap3A_488, %swap3A_489] {strides = array<i32>} : memref<16x1024xf32, #tpu.memory_space<vmem>>, vector<1x16xf32>,
      %swap3A_491 = vector.shape_cast %swap3A_490 : vector<1x16xf32> to vector<16xf32>
      %swap3A_492 = vector.shape_cast %add3A_487 : vector<16xf32> to vector<1x16xf32>
      tpu.vector_store %arg8[%swap3A_488, %swap3A_489], %swap3A_492 {strides = array<i32>} : memref<16x1024xf32, #tpu.memory_space<vmem>>, vector<1x16xf32>,
      %get3A_493 = arith.index_cast %scan3A_144 : i32 to index
      %get3A_494 = arith.constant 400 : index
      %get3A_495 = tpu.vector_load %arg8[%get3A_493, %get3A_494] {strides = array<i32>} : memref<16x1024xf32, #tpu.memory_space<vmem>>, vector<1x16xf32>,
      %get3A_496 = vector.shape_cast %get3A_495 : vector<1x16xf32> to vector<16xf32>
      %get3A_497 = arith.index_cast %scan3A_144 : i32 to index
      %get3A_498 = arith.constant 400 : index
      %get3A_499 = tpu.vector_load %arg10[%get3A_497, %get3A_498] {strides = array<i32>} : memref<16x1024xf32, #tpu.memory_space<vmem>>, vector<1x16xf32>,
      %get3A_500 = vector.shape_cast %get3A_499 : vector<1x16xf32> to vector<16xf32>
      %add3A_501 = arith.addf %get3A_496, %get3A_500 : vector<16xf32>
      %swap3A_502 = arith.index_cast %scan3A_144 : i32 to index
      %swap3A_503 = arith.constant 400 : index
      %swap3A_504 = tpu.vector_load %arg8[%swap3A_502, %swap3A_503] {strides = array<i32>} : memref<16x1024xf32, #tpu.memory_space<vmem>>, vector<1x16xf32>,
      %swap3A_505 = vector.shape_cast %swap3A_504 : vector<1x16xf32> to vector<16xf32>
      %swap3A_506 = vector.shape_cast %add3A_501 : vector<16xf32> to vector<1x16xf32>
      tpu.vector_store %arg8[%swap3A_502, %swap3A_503], %swap3A_506 {strides = array<i32>} : memref<16x1024xf32, #tpu.memory_space<vmem>>, vector<1x16xf32>,
      %get3A_507 = arith.index_cast %scan3A_144 : i32 to index
      %get3A_508 = arith.constant 416 : index
      %get3A_509 = tpu.vector_load %arg8[%get3A_507, %get3A_508] {strides = array<i32>} : memref<16x1024xf32, #tpu.memory_space<vmem>>, vector<1x16xf32>,
      %get3A_510 = vector.shape_cast %get3A_509 : vector<1x16xf32> to vector<16xf32>
      %get3A_511 = arith.index_cast %scan3A_144 : i32 to index
      %get3A_512 = arith.constant 416 : index
      %get3A_513 = tpu.vector_load %arg10[%get3A_511, %get3A_512] {strides = array<i32>} : memref<16x1024xf32, #tpu.memory_space<vmem>>, vector<1x16xf32>,
      %get3A_514 = vector.shape_cast %get3A_513 : vector<1x16xf32> to vector<16xf32>
      %add3A_515 = arith.addf %get3A_510, %get3A_514 : vector<16xf32>
      %swap3A_516 = arith.index_cast %scan3A_144 : i32 to index
      %swap3A_517 = arith.constant 416 : index
      %swap3A_518 = tpu.vector_load %arg8[%swap3A_516, %swap3A_517] {strides = array<i32>} : memref<16x1024xf32, #tpu.memory_space<vmem>>, vector<1x16xf32>,
      %swap3A_519 = vector.shape_cast %swap3A_518 : vector<1x16xf32> to vector<16xf32>
      %swap3A_520 = vector.shape_cast %add3A_515 : vector<16xf32> to vector<1x16xf32>
      tpu.vector_store %arg8[%swap3A_516, %swap3A_517], %swap3A_520 {strides = array<i32>} : memref<16x1024xf32, #tpu.memory_space<vmem>>, vector<1x16xf32>,
      %get3A_521 = arith.index_cast %scan3A_144 : i32 to index
      %get3A_522 = arith.constant 432 : index
      %get3A_523 = tpu.vector_load %arg8[%get3A_521, %get3A_522] {strides = array<i32>} : memref<16x1024xf32, #tpu.memory_space<vmem>>, vector<1x16xf32>,
      %get3A_524 = vector.shape_cast %get3A_523 : vector<1x16xf32> to vector<16xf32>
      %get3A_525 = arith.index_cast %scan3A_144 : i32 to index
      %get3A_526 = arith.constant 432 : index
      %get3A_527 = tpu.vector_load %arg10[%get3A_525, %get3A_526] {strides = array<i32>} : memref<16x1024xf32, #tpu.memory_space<vmem>>, vector<1x16xf32>,
      %get3A_528 = vector.shape_cast %get3A_527 : vector<1x16xf32> to vector<16xf32>
      %add3A_529 = arith.addf %get3A_524, %get3A_528 : vector<16xf32>
      %swap3A_530 = arith.index_cast %scan3A_144 : i32 to index
      %swap3A_531 = arith.constant 432 : index
      %swap3A_532 = tpu.vector_load %arg8[%swap3A_530, %swap3A_531] {strides = array<i32>} : memref<16x1024xf32, #tpu.memory_space<vmem>>, vector<1x16xf32>,
      %swap3A_533 = vector.shape_cast %swap3A_532 : vector<1x16xf32> to vector<16xf32>
      %swap3A_534 = vector.shape_cast %add3A_529 : vector<16xf32> to vector<1x16xf32>
      tpu.vector_store %arg8[%swap3A_530, %swap3A_531], %swap3A_534 {strides = array<i32>} : memref<16x1024xf32, #tpu.memory_space<vmem>>, vector<1x16xf32>,
      %get3A_535 = arith.index_cast %scan3A_144 : i32 to index
      %get3A_536 = arith.constant 448 : index
      %get3A_537 = tpu.vector_load %arg8[%get3A_535, %get3A_536] {strides = array<i32>} : memref<16x1024xf32, #tpu.memory_space<vmem>>, vector<1x16xf32>,
      %get3A_538 = vector.shape_cast %get3A_537 : vector<1x16xf32> to vector<16xf32>
      %get3A_539 = arith.index_cast %scan3A_144 : i32 to index
      %get3A_540 = arith.constant 448 : index
      %get3A_541 = tpu.vector_load %arg10[%get3A_539, %get3A_540] {strides = array<i32>} : memref<16x1024xf32, #tpu.memory_space<vmem>>, vector<1x16xf32>,
      %get3A_542 = vector.shape_cast %get3A_541 : vector<1x16xf32> to vector<16xf32>
      %add3A_543 = arith.addf %get3A_538, %get3A_542 : vector<16xf32>
      %swap3A_544 = arith.index_cast %scan3A_144 : i32 to index
      %swap3A_545 = arith.constant 448 : index
      %swap3A_546 = tpu.vector_load %arg8[%swap3A_544, %swap3A_545] {strides = array<i32>} : memref<16x1024xf32, #tpu.memory_space<vmem>>, vector<1x16xf32>,
      %swap3A_547 = vector.shape_cast %swap3A_546 : vector<1x16xf32> to vector<16xf32>
      %swap3A_548 = vector.shape_cast %add3A_543 : vector<16xf32> to vector<1x16xf32>
      tpu.vector_store %arg8[%swap3A_544, %swap3A_545], %swap3A_548 {strides = array<i32>} : memref<16x1024xf32, #tpu.memory_space<vmem>>, vector<1x16xf32>,
      %get3A_549 = arith.index_cast %scan3A_144 : i32 to index
      %get3A_550 = arith.constant 464 : index
      %get3A_551 = tpu.vector_load %arg8[%get3A_549, %get3A_550] {strides = array<i32>} : memref<16x1024xf32, #tpu.memory_space<vmem>>, vector<1x16xf32>,
      %get3A_552 = vector.shape_cast %get3A_551 : vector<1x16xf32> to vector<16xf32>
      %get3A_553 = arith.index_cast %scan3A_144 : i32 to index
      %get3A_554 = arith.constant 464 : index
      %get3A_555 = tpu.vector_load %arg10[%get3A_553, %get3A_554] {strides = array<i32>} : memref<16x1024xf32, #tpu.memory_space<vmem>>, vector<1x16xf32>,
      %get3A_556 = vector.shape_cast %get3A_555 : vector<1x16xf32> to vector<16xf32>
      %add3A_557 = arith.addf %get3A_552, %get3A_556 : vector<16xf32>
      %swap3A_558 = arith.index_cast %scan3A_144 : i32 to index
      %swap3A_559 = arith.constant 464 : index
      %swap3A_560 = tpu.vector_load %arg8[%swap3A_558, %swap3A_559] {strides = array<i32>} : memref<16x1024xf32, #tpu.memory_space<vmem>>, vector<1x16xf32>,
      %swap3A_561 = vector.shape_cast %swap3A_560 : vector<1x16xf32> to vector<16xf32>
      %swap3A_562 = vector.shape_cast %add3A_557 : vector<16xf32> to vector<1x16xf32>
      tpu.vector_store %arg8[%swap3A_558, %swap3A_559], %swap3A_562 {strides = array<i32>} : memref<16x1024xf32, #tpu.memory_space<vmem>>, vector<1x16xf32>,
      %get3A_563 = arith.index_cast %scan3A_144 : i32 to index
      %get3A_564 = arith.constant 480 : index
      %get3A_565 = tpu.vector_load %arg8[%get3A_563, %get3A_564] {strides = array<i32>} : memref<16x1024xf32, #tpu.memory_space<vmem>>, vector<1x16xf32>,
      %get3A_566 = vector.shape_cast %get3A_565 : vector<1x16xf32> to vector<16xf32>
      %get3A_567 = arith.index_cast %scan3A_144 : i32 to index
      %get3A_568 = arith.constant 480 : index
      %get3A_569 = tpu.vector_load %arg10[%get3A_567, %get3A_568] {strides = array<i32>} : memref<16x1024xf32, #tpu.memory_space<vmem>>, vector<1x16xf32>,
      %get3A_570 = vector.shape_cast %get3A_569 : vector<1x16xf32> to vector<16xf32>
      %add3A_571 = arith.addf %get3A_566, %get3A_570 : vector<16xf32>
      %swap3A_572 = arith.index_cast %scan3A_144 : i32 to index
      %swap3A_573 = arith.constant 480 : index
      %swap3A_574 = tpu.vector_load %arg8[%swap3A_572, %swap3A_573] {strides = array<i32>} : memref<16x1024xf32, #tpu.memory_space<vmem>>, vector<1x16xf32>,
      %swap3A_575 = vector.shape_cast %swap3A_574 : vector<1x16xf32> to vector<16xf32>
      %swap3A_576 = vector.shape_cast %add3A_571 : vector<16xf32> to vector<1x16xf32>
      tpu.vector_store %arg8[%swap3A_572, %swap3A_573], %swap3A_576 {strides = array<i32>} : memref<16x1024xf32, #tpu.memory_space<vmem>>, vector<1x16xf32>,
      %get3A_577 = arith.index_cast %scan3A_144 : i32 to index
      %get3A_578 = arith.constant 496 : index
      %get3A_579 = tpu.vector_load %arg8[%get3A_577, %get3A_578] {strides = array<i32>} : memref<16x1024xf32, #tpu.memory_space<vmem>>, vector<1x16xf32>,
      %get3A_580 = vector.shape_cast %get3A_579 : vector<1x16xf32> to vector<16xf32>
      %get3A_581 = arith.index_cast %scan3A_144 : i32 to index
      %get3A_582 = arith.constant 496 : index
      %get3A_583 = tpu.vector_load %arg10[%get3A_581, %get3A_582] {strides = array<i32>} : memref<16x1024xf32, #tpu.memory_space<vmem>>, vector<1x16xf32>,
      %get3A_584 = vector.shape_cast %get3A_583 : vector<1x16xf32> to vector<16xf32>
      %add3A_585 = arith.addf %get3A_580, %get3A_584 : vector<16xf32>
      %swap3A_586 = arith.index_cast %scan3A_144 : i32 to index
      %swap3A_587 = arith.constant 496 : index
      %swap3A_588 = tpu.vector_load %arg8[%swap3A_586, %swap3A_587] {strides = array<i32>} : memref<16x1024xf32, #tpu.memory_space<vmem>>, vector<1x16xf32>,
      %swap3A_589 = vector.shape_cast %swap3A_588 : vector<1x16xf32> to vector<16xf32>
      %swap3A_590 = vector.shape_cast %add3A_585 : vector<16xf32> to vector<1x16xf32>
      tpu.vector_store %arg8[%swap3A_586, %swap3A_587], %swap3A_590 {strides = array<i32>} : memref<16x1024xf32, #tpu.memory_space<vmem>>, vector<1x16xf32>,
      %get3A_591 = arith.index_cast %scan3A_144 : i32 to index
      %get3A_592 = arith.constant 512 : index
      %get3A_593 = tpu.vector_load %arg8[%get3A_591, %get3A_592] {strides = array<i32>} : memref<16x1024xf32, #tpu.memory_space<vmem>>, vector<1x16xf32>,
      %get3A_594 = vector.shape_cast %get3A_593 : vector<1x16xf32> to vector<16xf32>
      %get3A_595 = arith.index_cast %scan3A_144 : i32 to index
      %get3A_596 = arith.constant 512 : index
      %get3A_597 = tpu.vector_load %arg10[%get3A_595, %get3A_596] {strides = array<i32>} : memref<16x1024xf32, #tpu.memory_space<vmem>>, vector<1x16xf32>,
      %get3A_598 = vector.shape_cast %get3A_597 : vector<1x16xf32> to vector<16xf32>
      %add3A_599 = arith.addf %get3A_594, %get3A_598 : vector<16xf32>
      %swap3A_600 = arith.index_cast %scan3A_144 : i32 to index
      %swap3A_601 = arith.constant 512 : index
      %swap3A_602 = tpu.vector_load %arg8[%swap3A_600, %swap3A_601] {strides = array<i32>} : memref<16x1024xf32, #tpu.memory_space<vmem>>, vector<1x16xf32>,
      %swap3A_603 = vector.shape_cast %swap3A_602 : vector<1x16xf32> to vector<16xf32>
      %swap3A_604 = vector.shape_cast %add3A_599 : vector<16xf32> to vector<1x16xf32>
      tpu.vector_store %arg8[%swap3A_600, %swap3A_601], %swap3A_604 {strides = array<i32>} : memref<16x1024xf32, #tpu.memory_space<vmem>>, vector<1x16xf32>,
      %get3A_605 = arith.index_cast %scan3A_144 : i32 to index
      %get3A_606 = arith.constant 528 : index
      %get3A_607 = tpu.vector_load %arg8[%get3A_605, %get3A_606] {strides = array<i32>} : memref<16x1024xf32, #tpu.memory_space<vmem>>, vector<1x16xf32>,
      %get3A_608 = vector.shape_cast %get3A_607 : vector<1x16xf32> to vector<16xf32>
      %get3A_609 = arith.index_cast %scan3A_144 : i32 to index
      %get3A_610 = arith.constant 528 : index
      %get3A_611 = tpu.vector_load %arg10[%get3A_609, %get3A_610] {strides = array<i32>} : memref<16x1024xf32, #tpu.memory_space<vmem>>, vector<1x16xf32>,
      %get3A_612 = vector.shape_cast %get3A_611 : vector<1x16xf32> to vector<16xf32>
      %add3A_613 = arith.addf %get3A_608, %get3A_612 : vector<16xf32>
      %swap3A_614 = arith.index_cast %scan3A_144 : i32 to index
      %swap3A_615 = arith.constant 528 : index
      %swap3A_616 = tpu.vector_load %arg8[%swap3A_614, %swap3A_615] {strides = array<i32>} : memref<16x1024xf32, #tpu.memory_space<vmem>>, vector<1x16xf32>,
      %swap3A_617 = vector.shape_cast %swap3A_616 : vector<1x16xf32> to vector<16xf32>
      %swap3A_618 = vector.shape_cast %add3A_613 : vector<16xf32> to vector<1x16xf32>
      tpu.vector_store %arg8[%swap3A_614, %swap3A_615], %swap3A_618 {strides = array<i32>} : memref<16x1024xf32, #tpu.memory_space<vmem>>, vector<1x16xf32>,
      %get3A_619 = arith.index_cast %scan3A_144 : i32 to index
      %get3A_620 = arith.constant 544 : index
      %get3A_621 = tpu.vector_load %arg8[%get3A_619, %get3A_620] {strides = array<i32>} : memref<16x1024xf32, #tpu.memory_space<vmem>>, vector<1x16xf32>,
      %get3A_622 = vector.shape_cast %get3A_621 : vector<1x16xf32> to vector<16xf32>
      %get3A_623 = arith.index_cast %scan3A_144 : i32 to index
      %get3A_624 = arith.constant 544 : index
      %get3A_625 = tpu.vector_load %arg10[%get3A_623, %get3A_624] {strides = array<i32>} : memref<16x1024xf32, #tpu.memory_space<vmem>>, vector<1x16xf32>,
      %get3A_626 = vector.shape_cast %get3A_625 : vector<1x16xf32> to vector<16xf32>
      %add3A_627 = arith.addf %get3A_622, %get3A_626 : vector<16xf32>
      %swap3A_628 = arith.index_cast %scan3A_144 : i32 to index
      %swap3A_629 = arith.constant 544 : index
      %swap3A_630 = tpu.vector_load %arg8[%swap3A_628, %swap3A_629] {strides = array<i32>} : memref<16x1024xf32, #tpu.memory_space<vmem>>, vector<1x16xf32>,
      %swap3A_631 = vector.shape_cast %swap3A_630 : vector<1x16xf32> to vector<16xf32>
      %swap3A_632 = vector.shape_cast %add3A_627 : vector<16xf32> to vector<1x16xf32>
      tpu.vector_store %arg8[%swap3A_628, %swap3A_629], %swap3A_632 {strides = array<i32>} : memref<16x1024xf32, #tpu.memory_space<vmem>>, vector<1x16xf32>,
      %get3A_633 = arith.index_cast %scan3A_144 : i32 to index
      %get3A_634 = arith.constant 560 : index
      %get3A_635 = tpu.vector_load %arg8[%get3A_633, %get3A_634] {strides = array<i32>} : memref<16x1024xf32, #tpu.memory_space<vmem>>, vector<1x16xf32>,
      %get3A_636 = vector.shape_cast %get3A_635 : vector<1x16xf32> to vector<16xf32>
      %get3A_637 = arith.index_cast %scan3A_144 : i32 to index
      %get3A_638 = arith.constant 560 : index
      %get3A_639 = tpu.vector_load %arg10[%get3A_637, %get3A_638] {strides = array<i32>} : memref<16x1024xf32, #tpu.memory_space<vmem>>, vector<1x16xf32>,
      %get3A_640 = vector.shape_cast %get3A_639 : vector<1x16xf32> to vector<16xf32>
      %add3A_641 = arith.addf %get3A_636, %get3A_640 : vector<16xf32>
      %swap3A_642 = arith.index_cast %scan3A_144 : i32 to index
      %swap3A_643 = arith.constant 560 : index
      %swap3A_644 = tpu.vector_load %arg8[%swap3A_642, %swap3A_643] {strides = array<i32>} : memref<16x1024xf32, #tpu.memory_space<vmem>>, vector<1x16xf32>,
      %swap3A_645 = vector.shape_cast %swap3A_644 : vector<1x16xf32> to vector<16xf32>
      %swap3A_646 = vector.shape_cast %add3A_641 : vector<16xf32> to vector<1x16xf32>
      tpu.vector_store %arg8[%swap3A_642, %swap3A_643], %swap3A_646 {strides = array<i32>} : memref<16x1024xf32, #tpu.memory_space<vmem>>, vector<1x16xf32>,
      %get3A_647 = arith.index_cast %scan3A_144 : i32 to index
      %get3A_648 = arith.constant 576 : index
      %get3A_649 = tpu.vector_load %arg8[%get3A_647, %get3A_648] {strides = array<i32>} : memref<16x1024xf32, #tpu.memory_space<vmem>>, vector<1x16xf32>,
      %get3A_650 = vector.shape_cast %get3A_649 : vector<1x16xf32> to vector<16xf32>
      %get3A_651 = arith.index_cast %scan3A_144 : i32 to index
      %get3A_652 = arith.constant 576 : index
      %get3A_653 = tpu.vector_load %arg10[%get3A_651, %get3A_652] {strides = array<i32>} : memref<16x1024xf32, #tpu.memory_space<vmem>>, vector<1x16xf32>,
      %get3A_654 = vector.shape_cast %get3A_653 : vector<1x16xf32> to vector<16xf32>
      %add3A_655 = arith.addf %get3A_650, %get3A_654 : vector<16xf32>
      %swap3A_656 = arith.index_cast %scan3A_144 : i32 to index
      %swap3A_657 = arith.constant 576 : index
      %swap3A_658 = tpu.vector_load %arg8[%swap3A_656, %swap3A_657] {strides = array<i32>} : memref<16x1024xf32, #tpu.memory_space<vmem>>, vector<1x16xf32>,
      %swap3A_659 = vector.shape_cast %swap3A_658 : vector<1x16xf32> to vector<16xf32>
      %swap3A_660 = vector.shape_cast %add3A_655 : vector<16xf32> to vector<1x16xf32>
      tpu.vector_store %arg8[%swap3A_656, %swap3A_657], %swap3A_660 {strides = array<i32>} : memref<16x1024xf32, #tpu.memory_space<vmem>>, vector<1x16xf32>,
      %get3A_661 = arith.index_cast %scan3A_144 : i32 to index
      %get3A_662 = arith.constant 592 : index
      %get3A_663 = tpu.vector_load %arg8[%get3A_661, %get3A_662] {strides = array<i32>} : memref<16x1024xf32, #tpu.memory_space<vmem>>, vector<1x16xf32>,
      %get3A_664 = vector.shape_cast %get3A_663 : vector<1x16xf32> to vector<16xf32>
      %get3A_665 = arith.index_cast %scan3A_144 : i32 to index
      %get3A_666 = arith.constant 592 : index
      %get3A_667 = tpu.vector_load %arg10[%get3A_665, %get3A_666] {strides = array<i32>} : memref<16x1024xf32, #tpu.memory_space<vmem>>, vector<1x16xf32>,
      %get3A_668 = vector.shape_cast %get3A_667 : vector<1x16xf32> to vector<16xf32>
      %add3A_669 = arith.addf %get3A_664, %get3A_668 : vector<16xf32>
      %swap3A_670 = arith.index_cast %scan3A_144 : i32 to index
      %swap3A_671 = arith.constant 592 : index
      %swap3A_672 = tpu.vector_load %arg8[%swap3A_670, %swap3A_671] {strides = array<i32>} : memref<16x1024xf32, #tpu.memory_space<vmem>>, vector<1x16xf32>,
      %swap3A_673 = vector.shape_cast %swap3A_672 : vector<1x16xf32> to vector<16xf32>
      %swap3A_674 = vector.shape_cast %add3A_669 : vector<16xf32> to vector<1x16xf32>
      tpu.vector_store %arg8[%swap3A_670, %swap3A_671], %swap3A_674 {strides = array<i32>} : memref<16x1024xf32, #tpu.memory_space<vmem>>, vector<1x16xf32>,
      %get3A_675 = arith.index_cast %scan3A_144 : i32 to index
      %get3A_676 = arith.constant 608 : index
      %get3A_677 = tpu.vector_load %arg8[%get3A_675, %get3A_676] {strides = array<i32>} : memref<16x1024xf32, #tpu.memory_space<vmem>>, vector<1x16xf32>,
      %get3A_678 = vector.shape_cast %get3A_677 : vector<1x16xf32> to vector<16xf32>
      %get3A_679 = arith.index_cast %scan3A_144 : i32 to index
      %get3A_680 = arith.constant 608 : index
      %get3A_681 = tpu.vector_load %arg10[%get3A_679, %get3A_680] {strides = array<i32>} : memref<16x1024xf32, #tpu.memory_space<vmem>>, vector<1x16xf32>,
      %get3A_682 = vector.shape_cast %get3A_681 : vector<1x16xf32> to vector<16xf32>
      %add3A_683 = arith.addf %get3A_678, %get3A_682 : vector<16xf32>
      %swap3A_684 = arith.index_cast %scan3A_144 : i32 to index
      %swap3A_685 = arith.constant 608 : index
      %swap3A_686 = tpu.vector_load %arg8[%swap3A_684, %swap3A_685] {strides = array<i32>} : memref<16x1024xf32, #tpu.memory_space<vmem>>, vector<1x16xf32>,
      %swap3A_687 = vector.shape_cast %swap3A_686 : vector<1x16xf32> to vector<16xf32>
      %swap3A_688 = vector.shape_cast %add3A_683 : vector<16xf32> to vector<1x16xf32>
      tpu.vector_store %arg8[%swap3A_684, %swap3A_685], %swap3A_688 {strides = array<i32>} : memref<16x1024xf32, #tpu.memory_space<vmem>>, vector<1x16xf32>,
      %get3A_689 = arith.index_cast %scan3A_144 : i32 to index
      %get3A_690 = arith.constant 624 : index
      %get3A_691 = tpu.vector_load %arg8[%get3A_689, %get3A_690] {strides = array<i32>} : memref<16x1024xf32, #tpu.memory_space<vmem>>, vector<1x16xf32>,
      %get3A_692 = vector.shape_cast %get3A_691 : vector<1x16xf32> to vector<16xf32>
      %get3A_693 = arith.index_cast %scan3A_144 : i32 to index
      %get3A_694 = arith.constant 624 : index
      %get3A_695 = tpu.vector_load %arg10[%get3A_693, %get3A_694] {strides = array<i32>} : memref<16x1024xf32, #tpu.memory_space<vmem>>, vector<1x16xf32>,
      %get3A_696 = vector.shape_cast %get3A_695 : vector<1x16xf32> to vector<16xf32>
      %add3A_697 = arith.addf %get3A_692, %get3A_696 : vector<16xf32>
      %swap3A_698 = arith.index_cast %scan3A_144 : i32 to index
      %swap3A_699 = arith.constant 624 : index
      %swap3A_700 = tpu.vector_load %arg8[%swap3A_698, %swap3A_699] {strides = array<i32>} : memref<16x1024xf32, #tpu.memory_space<vmem>>, vector<1x16xf32>,
      %swap3A_701 = vector.shape_cast %swap3A_700 : vector<1x16xf32> to vector<16xf32>
      %swap3A_702 = vector.shape_cast %add3A_697 : vector<16xf32> to vector<1x16xf32>
      tpu.vector_store %arg8[%swap3A_698, %swap3A_699], %swap3A_702 {strides = array<i32>} : memref<16x1024xf32, #tpu.memory_space<vmem>>, vector<1x16xf32>,
      %get3A_703 = arith.index_cast %scan3A_144 : i32 to index
      %get3A_704 = arith.constant 640 : index
      %get3A_705 = tpu.vector_load %arg8[%get3A_703, %get3A_704] {strides = array<i32>} : memref<16x1024xf32, #tpu.memory_space<vmem>>, vector<1x16xf32>,
      %get3A_706 = vector.shape_cast %get3A_705 : vector<1x16xf32> to vector<16xf32>
      %get3A_707 = arith.index_cast %scan3A_144 : i32 to index
      %get3A_708 = arith.constant 640 : index
      %get3A_709 = tpu.vector_load %arg10[%get3A_707, %get3A_708] {strides = array<i32>} : memref<16x1024xf32, #tpu.memory_space<vmem>>, vector<1x16xf32>,
      %get3A_710 = vector.shape_cast %get3A_709 : vector<1x16xf32> to vector<16xf32>
      %add3A_711 = arith.addf %get3A_706, %get3A_710 : vector<16xf32>
      %swap3A_712 = arith.index_cast %scan3A_144 : i32 to index
      %swap3A_713 = arith.constant 640 : index
      %swap3A_714 = tpu.vector_load %arg8[%swap3A_712, %swap3A_713] {strides = array<i32>} : memref<16x1024xf32, #tpu.memory_space<vmem>>, vector<1x16xf32>,
      %swap3A_715 = vector.shape_cast %swap3A_714 : vector<1x16xf32> to vector<16xf32>
      %swap3A_716 = vector.shape_cast %add3A_711 : vector<16xf32> to vector<1x16xf32>
      tpu.vector_store %arg8[%swap3A_712, %swap3A_713], %swap3A_716 {strides = array<i32>} : memref<16x1024xf32, #tpu.memory_space<vmem>>, vector<1x16xf32>,
      %get3A_717 = arith.index_cast %scan3A_144 : i32 to index
      %get3A_718 = arith.constant 656 : index
      %get3A_719 = tpu.vector_load %arg8[%get3A_717, %get3A_718] {strides = array<i32>} : memref<16x1024xf32, #tpu.memory_space<vmem>>, vector<1x16xf32>,
      %get3A_720 = vector.shape_cast %get3A_719 : vector<1x16xf32> to vector<16xf32>
      %get3A_721 = arith.index_cast %scan3A_144 : i32 to index
      %get3A_722 = arith.constant 656 : index
      %get3A_723 = tpu.vector_load %arg10[%get3A_721, %get3A_722] {strides = array<i32>} : memref<16x1024xf32, #tpu.memory_space<vmem>>, vector<1x16xf32>,
      %get3A_724 = vector.shape_cast %get3A_723 : vector<1x16xf32> to vector<16xf32>
      %add3A_725 = arith.addf %get3A_720, %get3A_724 : vector<16xf32>
      %swap3A_726 = arith.index_cast %scan3A_144 : i32 to index
      %swap3A_727 = arith.constant 656 : index
      %swap3A_728 = tpu.vector_load %arg8[%swap3A_726, %swap3A_727] {strides = array<i32>} : memref<16x1024xf32, #tpu.memory_space<vmem>>, vector<1x16xf32>,
      %swap3A_729 = vector.shape_cast %swap3A_728 : vector<1x16xf32> to vector<16xf32>
      %swap3A_730 = vector.shape_cast %add3A_725 : vector<16xf32> to vector<1x16xf32>
      tpu.vector_store %arg8[%swap3A_726, %swap3A_727], %swap3A_730 {strides = array<i32>} : memref<16x1024xf32, #tpu.memory_space<vmem>>, vector<1x16xf32>,
      %get3A_731 = arith.index_cast %scan3A_144 : i32 to index
      %get3A_732 = arith.constant 672 : index
      %get3A_733 = tpu.vector_load %arg8[%get3A_731, %get3A_732] {strides = array<i32>} : memref<16x1024xf32, #tpu.memory_space<vmem>>, vector<1x16xf32>,
      %get3A_734 = vector.shape_cast %get3A_733 : vector<1x16xf32> to vector<16xf32>
      %get3A_735 = arith.index_cast %scan3A_144 : i32 to index
      %get3A_736 = arith.constant 672 : index
      %get3A_737 = tpu.vector_load %arg10[%get3A_735, %get3A_736] {strides = array<i32>} : memref<16x1024xf32, #tpu.memory_space<vmem>>, vector<1x16xf32>,
      %get3A_738 = vector.shape_cast %get3A_737 : vector<1x16xf32> to vector<16xf32>
      %add3A_739 = arith.addf %get3A_734, %get3A_738 : vector<16xf32>
      %swap3A_740 = arith.index_cast %scan3A_144 : i32 to index
      %swap3A_741 = arith.constant 672 : index
      %swap3A_742 = tpu.vector_load %arg8[%swap3A_740, %swap3A_741] {strides = array<i32>} : memref<16x1024xf32, #tpu.memory_space<vmem>>, vector<1x16xf32>,
      %swap3A_743 = vector.shape_cast %swap3A_742 : vector<1x16xf32> to vector<16xf32>
      %swap3A_744 = vector.shape_cast %add3A_739 : vector<16xf32> to vector<1x16xf32>
      tpu.vector_store %arg8[%swap3A_740, %swap3A_741], %swap3A_744 {strides = array<i32>} : memref<16x1024xf32, #tpu.memory_space<vmem>>, vector<1x16xf32>,
      %get3A_745 = arith.index_cast %scan3A_144 : i32 to index
      %get3A_746 = arith.constant 688 : index
      %get3A_747 = tpu.vector_load %arg8[%get3A_745, %get3A_746] {strides = array<i32>} : memref<16x1024xf32, #tpu.memory_space<vmem>>, vector<1x16xf32>,
      %get3A_748 = vector.shape_cast %get3A_747 : vector<1x16xf32> to vector<16xf32>
      %get3A_749 = arith.index_cast %scan3A_144 : i32 to index
      %get3A_750 = arith.constant 688 : index
      %get3A_751 = tpu.vector_load %arg10[%get3A_749, %get3A_750] {strides = array<i32>} : memref<16x1024xf32, #tpu.memory_space<vmem>>, vector<1x16xf32>,
      %get3A_752 = vector.shape_cast %get3A_751 : vector<1x16xf32> to vector<16xf32>
      %add3A_753 = arith.addf %get3A_748, %get3A_752 : vector<16xf32>
      %swap3A_754 = arith.index_cast %scan3A_144 : i32 to index
      %swap3A_755 = arith.constant 688 : index
      %swap3A_756 = tpu.vector_load %arg8[%swap3A_754, %swap3A_755] {strides = array<i32>} : memref<16x1024xf32, #tpu.memory_space<vmem>>, vector<1x16xf32>,
      %swap3A_757 = vector.shape_cast %swap3A_756 : vector<1x16xf32> to vector<16xf32>
      %swap3A_758 = vector.shape_cast %add3A_753 : vector<16xf32> to vector<1x16xf32>
      tpu.vector_store %arg8[%swap3A_754, %swap3A_755], %swap3A_758 {strides = array<i32>} : memref<16x1024xf32, #tpu.memory_space<vmem>>, vector<1x16xf32>,
      %get3A_759 = arith.index_cast %scan3A_144 : i32 to index
      %get3A_760 = arith.constant 704 : index
      %get3A_761 = tpu.vector_load %arg8[%get3A_759, %get3A_760] {strides = array<i32>} : memref<16x1024xf32, #tpu.memory_space<vmem>>, vector<1x16xf32>,
      %get3A_762 = vector.shape_cast %get3A_761 : vector<1x16xf32> to vector<16xf32>
      %get3A_763 = arith.index_cast %scan3A_144 : i32 to index
      %get3A_764 = arith.constant 704 : index
      %get3A_765 = tpu.vector_load %arg10[%get3A_763, %get3A_764] {strides = array<i32>} : memref<16x1024xf32, #tpu.memory_space<vmem>>, vector<1x16xf32>,
      %get3A_766 = vector.shape_cast %get3A_765 : vector<1x16xf32> to vector<16xf32>
      %add3A_767 = arith.addf %get3A_762, %get3A_766 : vector<16xf32>
      %swap3A_768 = arith.index_cast %scan3A_144 : i32 to index
      %swap3A_769 = arith.constant 704 : index
      %swap3A_770 = tpu.vector_load %arg8[%swap3A_768, %swap3A_769] {strides = array<i32>} : memref<16x1024xf32, #tpu.memory_space<vmem>>, vector<1x16xf32>,
      %swap3A_771 = vector.shape_cast %swap3A_770 : vector<1x16xf32> to vector<16xf32>
      %swap3A_772 = vector.shape_cast %add3A_767 : vector<16xf32> to vector<1x16xf32>
      tpu.vector_store %arg8[%swap3A_768, %swap3A_769], %swap3A_772 {strides = array<i32>} : memref<16x1024xf32, #tpu.memory_space<vmem>>, vector<1x16xf32>,
      %get3A_773 = arith.index_cast %scan3A_144 : i32 to index
      %get3A_774 = arith.constant 720 : index
      %get3A_775 = tpu.vector_load %arg8[%get3A_773, %get3A_774] {strides = array<i32>} : memref<16x1024xf32, #tpu.memory_space<vmem>>, vector<1x16xf32>,
      %get3A_776 = vector.shape_cast %get3A_775 : vector<1x16xf32> to vector<16xf32>
      %get3A_777 = arith.index_cast %scan3A_144 : i32 to index
      %get3A_778 = arith.constant 720 : index
      %get3A_779 = tpu.vector_load %arg10[%get3A_777, %get3A_778] {strides = array<i32>} : memref<16x1024xf32, #tpu.memory_space<vmem>>, vector<1x16xf32>,
      %get3A_780 = vector.shape_cast %get3A_779 : vector<1x16xf32> to vector<16xf32>
      %add3A_781 = arith.addf %get3A_776, %get3A_780 : vector<16xf32>
      %swap3A_782 = arith.index_cast %scan3A_144 : i32 to index
      %swap3A_783 = arith.constant 720 : index
      %swap3A_784 = tpu.vector_load %arg8[%swap3A_782, %swap3A_783] {strides = array<i32>} : memref<16x1024xf32, #tpu.memory_space<vmem>>, vector<1x16xf32>,
      %swap3A_785 = vector.shape_cast %swap3A_784 : vector<1x16xf32> to vector<16xf32>
      %swap3A_786 = vector.shape_cast %add3A_781 : vector<16xf32> to vector<1x16xf32>
      tpu.vector_store %arg8[%swap3A_782, %swap3A_783], %swap3A_786 {strides = array<i32>} : memref<16x1024xf32, #tpu.memory_space<vmem>>, vector<1x16xf32>,
      %get3A_787 = arith.index_cast %scan3A_144 : i32 to index
      %get3A_788 = arith.constant 736 : index
      %get3A_789 = tpu.vector_load %arg8[%get3A_787, %get3A_788] {strides = array<i32>} : memref<16x1024xf32, #tpu.memory_space<vmem>>, vector<1x16xf32>,
      %get3A_790 = vector.shape_cast %get3A_789 : vector<1x16xf32> to vector<16xf32>
      %get3A_791 = arith.index_cast %scan3A_144 : i32 to index
      %get3A_792 = arith.constant 736 : index
      %get3A_793 = tpu.vector_load %arg10[%get3A_791, %get3A_792] {strides = array<i32>} : memref<16x1024xf32, #tpu.memory_space<vmem>>, vector<1x16xf32>,
      %get3A_794 = vector.shape_cast %get3A_793 : vector<1x16xf32> to vector<16xf32>
      %add3A_795 = arith.addf %get3A_790, %get3A_794 : vector<16xf32>
      %swap3A_796 = arith.index_cast %scan3A_144 : i32 to index
      %swap3A_797 = arith.constant 736 : index
      %swap3A_798 = tpu.vector_load %arg8[%swap3A_796, %swap3A_797] {strides = array<i32>} : memref<16x1024xf32, #tpu.memory_space<vmem>>, vector<1x16xf32>,
      %swap3A_799 = vector.shape_cast %swap3A_798 : vector<1x16xf32> to vector<16xf32>
      %swap3A_800 = vector.shape_cast %add3A_795 : vector<16xf32> to vector<1x16xf32>
      tpu.vector_store %arg8[%swap3A_796, %swap3A_797], %swap3A_800 {strides = array<i32>} : memref<16x1024xf32, #tpu.memory_space<vmem>>, vector<1x16xf32>,
      %get3A_801 = arith.index_cast %scan3A_144 : i32 to index
      %get3A_802 = arith.constant 752 : index
      %get3A_803 = tpu.vector_load %arg8[%get3A_801, %get3A_802] {strides = array<i32>} : memref<16x1024xf32, #tpu.memory_space<vmem>>, vector<1x16xf32>,
      %get3A_804 = vector.shape_cast %get3A_803 : vector<1x16xf32> to vector<16xf32>
      %get3A_805 = arith.index_cast %scan3A_144 : i32 to index
      %get3A_806 = arith.constant 752 : index
      %get3A_807 = tpu.vector_load %arg10[%get3A_805, %get3A_806] {strides = array<i32>} : memref<16x1024xf32, #tpu.memory_space<vmem>>, vector<1x16xf32>,
      %get3A_808 = vector.shape_cast %get3A_807 : vector<1x16xf32> to vector<16xf32>
      %add3A_809 = arith.addf %get3A_804, %get3A_808 : vector<16xf32>
      %swap3A_810 = arith.index_cast %scan3A_144 : i32 to index
      %swap3A_811 = arith.constant 752 : index
      %swap3A_812 = tpu.vector_load %arg8[%swap3A_810, %swap3A_811] {strides = array<i32>} : memref<16x1024xf32, #tpu.memory_space<vmem>>, vector<1x16xf32>,
      %swap3A_813 = vector.shape_cast %swap3A_812 : vector<1x16xf32> to vector<16xf32>
      %swap3A_814 = vector.shape_cast %add3A_809 : vector<16xf32> to vector<1x16xf32>
      tpu.vector_store %arg8[%swap3A_810, %swap3A_811], %swap3A_814 {strides = array<i32>} : memref<16x1024xf32, #tpu.memory_space<vmem>>, vector<1x16xf32>,
      %get3A_815 = arith.index_cast %scan3A_144 : i32 to index
      %get3A_816 = arith.constant 768 : index
      %get3A_817 = tpu.vector_load %arg8[%get3A_815, %get3A_816] {strides = array<i32>} : memref<16x1024xf32, #tpu.memory_space<vmem>>, vector<1x16xf32>,
      %get3A_818 = vector.shape_cast %get3A_817 : vector<1x16xf32> to vector<16xf32>
      %get3A_819 = arith.index_cast %scan3A_144 : i32 to index
      %get3A_820 = arith.constant 768 : index
      %get3A_821 = tpu.vector_load %arg10[%get3A_819, %get3A_820] {strides = array<i32>} : memref<16x1024xf32, #tpu.memory_space<vmem>>, vector<1x16xf32>,
      %get3A_822 = vector.shape_cast %get3A_821 : vector<1x16xf32> to vector<16xf32>
      %add3A_823 = arith.addf %get3A_818, %get3A_822 : vector<16xf32>
      %swap3A_824 = arith.index_cast %scan3A_144 : i32 to index
      %swap3A_825 = arith.constant 768 : index
      %swap3A_826 = tpu.vector_load %arg8[%swap3A_824, %swap3A_825] {strides = array<i32>} : memref<16x1024xf32, #tpu.memory_space<vmem>>, vector<1x16xf32>,
      %swap3A_827 = vector.shape_cast %swap3A_826 : vector<1x16xf32> to vector<16xf32>
      %swap3A_828 = vector.shape_cast %add3A_823 : vector<16xf32> to vector<1x16xf32>
      tpu.vector_store %arg8[%swap3A_824, %swap3A_825], %swap3A_828 {strides = array<i32>} : memref<16x1024xf32, #tpu.memory_space<vmem>>, vector<1x16xf32>,
      %get3A_829 = arith.index_cast %scan3A_144 : i32 to index
      %get3A_830 = arith.constant 784 : index
      %get3A_831 = tpu.vector_load %arg8[%get3A_829, %get3A_830] {strides = array<i32>} : memref<16x1024xf32, #tpu.memory_space<vmem>>, vector<1x16xf32>,
      %get3A_832 = vector.shape_cast %get3A_831 : vector<1x16xf32> to vector<16xf32>
      %get3A_833 = arith.index_cast %scan3A_144 : i32 to index
      %get3A_834 = arith.constant 784 : index
      %get3A_835 = tpu.vector_load %arg10[%get3A_833, %get3A_834] {strides = array<i32>} : memref<16x1024xf32, #tpu.memory_space<vmem>>, vector<1x16xf32>,
      %get3A_836 = vector.shape_cast %get3A_835 : vector<1x16xf32> to vector<16xf32>
      %add3A_837 = arith.addf %get3A_832, %get3A_836 : vector<16xf32>
      %swap3A_838 = arith.index_cast %scan3A_144 : i32 to index
      %swap3A_839 = arith.constant 784 : index
      %swap3A_840 = tpu.vector_load %arg8[%swap3A_838, %swap3A_839] {strides = array<i32>} : memref<16x1024xf32, #tpu.memory_space<vmem>>, vector<1x16xf32>,
      %swap3A_841 = vector.shape_cast %swap3A_840 : vector<1x16xf32> to vector<16xf32>
      %swap3A_842 = vector.shape_cast %add3A_837 : vector<16xf32> to vector<1x16xf32>
      tpu.vector_store %arg8[%swap3A_838, %swap3A_839], %swap3A_842 {strides = array<i32>} : memref<16x1024xf32, #tpu.memory_space<vmem>>, vector<1x16xf32>,
      %get3A_843 = arith.index_cast %scan3A_144 : i32 to index
      %get3A_844 = arith.constant 800 : index
      %get3A_845 = tpu.vector_load %arg8[%get3A_843, %get3A_844] {strides = array<i32>} : memref<16x1024xf32, #tpu.memory_space<vmem>>, vector<1x16xf32>,
      %get3A_846 = vector.shape_cast %get3A_845 : vector<1x16xf32> to vector<16xf32>
      %get3A_847 = arith.index_cast %scan3A_144 : i32 to index
      %get3A_848 = arith.constant 800 : index
      %get3A_849 = tpu.vector_load %arg10[%get3A_847, %get3A_848] {strides = array<i32>} : memref<16x1024xf32, #tpu.memory_space<vmem>>, vector<1x16xf32>,
      %get3A_850 = vector.shape_cast %get3A_849 : vector<1x16xf32> to vector<16xf32>
      %add3A_851 = arith.addf %get3A_846, %get3A_850 : vector<16xf32>
      %swap3A_852 = arith.index_cast %scan3A_144 : i32 to index
      %swap3A_853 = arith.constant 800 : index
      %swap3A_854 = tpu.vector_load %arg8[%swap3A_852, %swap3A_853] {strides = array<i32>} : memref<16x1024xf32, #tpu.memory_space<vmem>>, vector<1x16xf32>,
      %swap3A_855 = vector.shape_cast %swap3A_854 : vector<1x16xf32> to vector<16xf32>
      %swap3A_856 = vector.shape_cast %add3A_851 : vector<16xf32> to vector<1x16xf32>
      tpu.vector_store %arg8[%swap3A_852, %swap3A_853], %swap3A_856 {strides = array<i32>} : memref<16x1024xf32, #tpu.memory_space<vmem>>, vector<1x16xf32>,
      %get3A_857 = arith.index_cast %scan3A_144 : i32 to index
      %get3A_858 = arith.constant 816 : index
      %get3A_859 = tpu.vector_load %arg8[%get3A_857, %get3A_858] {strides = array<i32>} : memref<16x1024xf32, #tpu.memory_space<vmem>>, vector<1x16xf32>,
      %get3A_860 = vector.shape_cast %get3A_859 : vector<1x16xf32> to vector<16xf32>
      %get3A_861 = arith.index_cast %scan3A_144 : i32 to index
      %get3A_862 = arith.constant 816 : index
      %get3A_863 = tpu.vector_load %arg10[%get3A_861, %get3A_862] {strides = array<i32>} : memref<16x1024xf32, #tpu.memory_space<vmem>>, vector<1x16xf32>,
      %get3A_864 = vector.shape_cast %get3A_863 : vector<1x16xf32> to vector<16xf32>
      %add3A_865 = arith.addf %get3A_860, %get3A_864 : vector<16xf32>
      %swap3A_866 = arith.index_cast %scan3A_144 : i32 to index
      %swap3A_867 = arith.constant 816 : index
      %swap3A_868 = tpu.vector_load %arg8[%swap3A_866, %swap3A_867] {strides = array<i32>} : memref<16x1024xf32, #tpu.memory_space<vmem>>, vector<1x16xf32>,
      %swap3A_869 = vector.shape_cast %swap3A_868 : vector<1x16xf32> to vector<16xf32>
      %swap3A_870 = vector.shape_cast %add3A_865 : vector<16xf32> to vector<1x16xf32>
      tpu.vector_store %arg8[%swap3A_866, %swap3A_867], %swap3A_870 {strides = array<i32>} : memref<16x1024xf32, #tpu.memory_space<vmem>>, vector<1x16xf32>,
      %get3A_871 = arith.index_cast %scan3A_144 : i32 to index
      %get3A_872 = arith.constant 832 : index
      %get3A_873 = tpu.vector_load %arg8[%get3A_871, %get3A_872] {strides = array<i32>} : memref<16x1024xf32, #tpu.memory_space<vmem>>, vector<1x16xf32>,
      %get3A_874 = vector.shape_cast %get3A_873 : vector<1x16xf32> to vector<16xf32>
      %get3A_875 = arith.index_cast %scan3A_144 : i32 to index
      %get3A_876 = arith.constant 832 : index
      %get3A_877 = tpu.vector_load %arg10[%get3A_875, %get3A_876] {strides = array<i32>} : memref<16x1024xf32, #tpu.memory_space<vmem>>, vector<1x16xf32>,
      %get3A_878 = vector.shape_cast %get3A_877 : vector<1x16xf32> to vector<16xf32>
      %add3A_879 = arith.addf %get3A_874, %get3A_878 : vector<16xf32>
      %swap3A_880 = arith.index_cast %scan3A_144 : i32 to index
      %swap3A_881 = arith.constant 832 : index
      %swap3A_882 = tpu.vector_load %arg8[%swap3A_880, %swap3A_881] {strides = array<i32>} : memref<16x1024xf32, #tpu.memory_space<vmem>>, vector<1x16xf32>,
      %swap3A_883 = vector.shape_cast %swap3A_882 : vector<1x16xf32> to vector<16xf32>
      %swap3A_884 = vector.shape_cast %add3A_879 : vector<16xf32> to vector<1x16xf32>
      tpu.vector_store %arg8[%swap3A_880, %swap3A_881], %swap3A_884 {strides = array<i32>} : memref<16x1024xf32, #tpu.memory_space<vmem>>, vector<1x16xf32>,
      %get3A_885 = arith.index_cast %scan3A_144 : i32 to index
      %get3A_886 = arith.constant 848 : index
      %get3A_887 = tpu.vector_load %arg8[%get3A_885, %get3A_886] {strides = array<i32>} : memref<16x1024xf32, #tpu.memory_space<vmem>>, vector<1x16xf32>,
      %get3A_888 = vector.shape_cast %get3A_887 : vector<1x16xf32> to vector<16xf32>
      %get3A_889 = arith.index_cast %scan3A_144 : i32 to index
      %get3A_890 = arith.constant 848 : index
      %get3A_891 = tpu.vector_load %arg10[%get3A_889, %get3A_890] {strides = array<i32>} : memref<16x1024xf32, #tpu.memory_space<vmem>>, vector<1x16xf32>,
      %get3A_892 = vector.shape_cast %get3A_891 : vector<1x16xf32> to vector<16xf32>
      %add3A_893 = arith.addf %get3A_888, %get3A_892 : vector<16xf32>
      %swap3A_894 = arith.index_cast %scan3A_144 : i32 to index
      %swap3A_895 = arith.constant 848 : index
      %swap3A_896 = tpu.vector_load %arg8[%swap3A_894, %swap3A_895] {strides = array<i32>} : memref<16x1024xf32, #tpu.memory_space<vmem>>, vector<1x16xf32>,
      %swap3A_897 = vector.shape_cast %swap3A_896 : vector<1x16xf32> to vector<16xf32>
      %swap3A_898 = vector.shape_cast %add3A_893 : vector<16xf32> to vector<1x16xf32>
      tpu.vector_store %arg8[%swap3A_894, %swap3A_895], %swap3A_898 {strides = array<i32>} : memref<16x1024xf32, #tpu.memory_space<vmem>>, vector<1x16xf32>,
      %get3A_899 = arith.index_cast %scan3A_144 : i32 to index
      %get3A_900 = arith.constant 864 : index
      %get3A_901 = tpu.vector_load %arg8[%get3A_899, %get3A_900] {strides = array<i32>} : memref<16x1024xf32, #tpu.memory_space<vmem>>, vector<1x16xf32>,
      %get3A_902 = vector.shape_cast %get3A_901 : vector<1x16xf32> to vector<16xf32>
      %get3A_903 = arith.index_cast %scan3A_144 : i32 to index
      %get3A_904 = arith.constant 864 : index
      %get3A_905 = tpu.vector_load %arg10[%get3A_903, %get3A_904] {strides = array<i32>} : memref<16x1024xf32, #tpu.memory_space<vmem>>, vector<1x16xf32>,
      %get3A_906 = vector.shape_cast %get3A_905 : vector<1x16xf32> to vector<16xf32>
      %add3A_907 = arith.addf %get3A_902, %get3A_906 : vector<16xf32>
      %swap3A_908 = arith.index_cast %scan3A_144 : i32 to index
      %swap3A_909 = arith.constant 864 : index
      %swap3A_910 = tpu.vector_load %arg8[%swap3A_908, %swap3A_909] {strides = array<i32>} : memref<16x1024xf32, #tpu.memory_space<vmem>>, vector<1x16xf32>,
      %swap3A_911 = vector.shape_cast %swap3A_910 : vector<1x16xf32> to vector<16xf32>
      %swap3A_912 = vector.shape_cast %add3A_907 : vector<16xf32> to vector<1x16xf32>
      tpu.vector_store %arg8[%swap3A_908, %swap3A_909], %swap3A_912 {strides = array<i32>} : memref<16x1024xf32, #tpu.memory_space<vmem>>, vector<1x16xf32>,
      %get3A_913 = arith.index_cast %scan3A_144 : i32 to index
      %get3A_914 = arith.constant 880 : index
      %get3A_915 = tpu.vector_load %arg8[%get3A_913, %get3A_914] {strides = array<i32>} : memref<16x1024xf32, #tpu.memory_space<vmem>>, vector<1x16xf32>,
      %get3A_916 = vector.shape_cast %get3A_915 : vector<1x16xf32> to vector<16xf32>
      %get3A_917 = arith.index_cast %scan3A_144 : i32 to index
      %get3A_918 = arith.constant 880 : index
      %get3A_919 = tpu.vector_load %arg10[%get3A_917, %get3A_918] {strides = array<i32>} : memref<16x1024xf32, #tpu.memory_space<vmem>>, vector<1x16xf32>,
      %get3A_920 = vector.shape_cast %get3A_919 : vector<1x16xf32> to vector<16xf32>
      %add3A_921 = arith.addf %get3A_916, %get3A_920 : vector<16xf32>
      %swap3A_922 = arith.index_cast %scan3A_144 : i32 to index
      %swap3A_923 = arith.constant 880 : index
      %swap3A_924 = tpu.vector_load %arg8[%swap3A_922, %swap3A_923] {strides = array<i32>} : memref<16x1024xf32, #tpu.memory_space<vmem>>, vector<1x16xf32>,
      %swap3A_925 = vector.shape_cast %swap3A_924 : vector<1x16xf32> to vector<16xf32>
      %swap3A_926 = vector.shape_cast %add3A_921 : vector<16xf32> to vector<1x16xf32>
      tpu.vector_store %arg8[%swap3A_922, %swap3A_923], %swap3A_926 {strides = array<i32>} : memref<16x1024xf32, #tpu.memory_space<vmem>>, vector<1x16xf32>,
      %get3A_927 = arith.index_cast %scan3A_144 : i32 to index
      %get3A_928 = arith.constant 896 : index
      %get3A_929 = tpu.vector_load %arg8[%get3A_927, %get3A_928] {strides = array<i32>} : memref<16x1024xf32, #tpu.memory_space<vmem>>, vector<1x16xf32>,
      %get3A_930 = vector.shape_cast %get3A_929 : vector<1x16xf32> to vector<16xf32>
      %get3A_931 = arith.index_cast %scan3A_144 : i32 to index
      %get3A_932 = arith.constant 896 : index
      %get3A_933 = tpu.vector_load %arg10[%get3A_931, %get3A_932] {strides = array<i32>} : memref<16x1024xf32, #tpu.memory_space<vmem>>, vector<1x16xf32>,
      %get3A_934 = vector.shape_cast %get3A_933 : vector<1x16xf32> to vector<16xf32>
      %add3A_935 = arith.addf %get3A_930, %get3A_934 : vector<16xf32>
      %swap3A_936 = arith.index_cast %scan3A_144 : i32 to index
      %swap3A_937 = arith.constant 896 : index
      %swap3A_938 = tpu.vector_load %arg8[%swap3A_936, %swap3A_937] {strides = array<i32>} : memref<16x1024xf32, #tpu.memory_space<vmem>>, vector<1x16xf32>,
      %swap3A_939 = vector.shape_cast %swap3A_938 : vector<1x16xf32> to vector<16xf32>
      %swap3A_940 = vector.shape_cast %add3A_935 : vector<16xf32> to vector<1x16xf32>
      tpu.vector_store %arg8[%swap3A_936, %swap3A_937], %swap3A_940 {strides = array<i32>} : memref<16x1024xf32, #tpu.memory_space<vmem>>, vector<1x16xf32>,
      %get3A_941 = arith.index_cast %scan3A_144 : i32 to index
      %get3A_942 = arith.constant 912 : index
      %get3A_943 = tpu.vector_load %arg8[%get3A_941, %get3A_942] {strides = array<i32>} : memref<16x1024xf32, #tpu.memory_space<vmem>>, vector<1x16xf32>,
      %get3A_944 = vector.shape_cast %get3A_943 : vector<1x16xf32> to vector<16xf32>
      %get3A_945 = arith.index_cast %scan3A_144 : i32 to index
      %get3A_946 = arith.constant 912 : index
      %get3A_947 = tpu.vector_load %arg10[%get3A_945, %get3A_946] {strides = array<i32>} : memref<16x1024xf32, #tpu.memory_space<vmem>>, vector<1x16xf32>,
      %get3A_948 = vector.shape_cast %get3A_947 : vector<1x16xf32> to vector<16xf32>
      %add3A_949 = arith.addf %get3A_944, %get3A_948 : vector<16xf32>
      %swap3A_950 = arith.index_cast %scan3A_144 : i32 to index
      %swap3A_951 = arith.constant 912 : index
      %swap3A_952 = tpu.vector_load %arg8[%swap3A_950, %swap3A_951] {strides = array<i32>} : memref<16x1024xf32, #tpu.memory_space<vmem>>, vector<1x16xf32>,
      %swap3A_953 = vector.shape_cast %swap3A_952 : vector<1x16xf32> to vector<16xf32>
      %swap3A_954 = vector.shape_cast %add3A_949 : vector<16xf32> to vector<1x16xf32>
      tpu.vector_store %arg8[%swap3A_950, %swap3A_951], %swap3A_954 {strides = array<i32>} : memref<16x1024xf32, #tpu.memory_space<vmem>>, vector<1x16xf32>,
      %get3A_955 = arith.index_cast %scan3A_144 : i32 to index
      %get3A_956 = arith.constant 928 : index
      %get3A_957 = tpu.vector_load %arg8[%get3A_955, %get3A_956] {strides = array<i32>} : memref<16x1024xf32, #tpu.memory_space<vmem>>, vector<1x16xf32>,
      %get3A_958 = vector.shape_cast %get3A_957 : vector<1x16xf32> to vector<16xf32>
      %get3A_959 = arith.index_cast %scan3A_144 : i32 to index
      %get3A_960 = arith.constant 928 : index
      %get3A_961 = tpu.vector_load %arg10[%get3A_959, %get3A_960] {strides = array<i32>} : memref<16x1024xf32, #tpu.memory_space<vmem>>, vector<1x16xf32>,
      %get3A_962 = vector.shape_cast %get3A_961 : vector<1x16xf32> to vector<16xf32>
      %add3A_963 = arith.addf %get3A_958, %get3A_962 : vector<16xf32>
      %swap3A_964 = arith.index_cast %scan3A_144 : i32 to index
      %swap3A_965 = arith.constant 928 : index
      %swap3A_966 = tpu.vector_load %arg8[%swap3A_964, %swap3A_965] {strides = array<i32>} : memref<16x1024xf32, #tpu.memory_space<vmem>>, vector<1x16xf32>,
      %swap3A_967 = vector.shape_cast %swap3A_966 : vector<1x16xf32> to vector<16xf32>
      %swap3A_968 = vector.shape_cast %add3A_963 : vector<16xf32> to vector<1x16xf32>
      tpu.vector_store %arg8[%swap3A_964, %swap3A_965], %swap3A_968 {strides = array<i32>} : memref<16x1024xf32, #tpu.memory_space<vmem>>, vector<1x16xf32>,
      %get3A_969 = arith.index_cast %scan3A_144 : i32 to index
      %get3A_970 = arith.constant 944 : index
      %get3A_971 = tpu.vector_load %arg8[%get3A_969, %get3A_970] {strides = array<i32>} : memref<16x1024xf32, #tpu.memory_space<vmem>>, vector<1x16xf32>,
      %get3A_972 = vector.shape_cast %get3A_971 : vector<1x16xf32> to vector<16xf32>
      %get3A_973 = arith.index_cast %scan3A_144 : i32 to index
      %get3A_974 = arith.constant 944 : index
      %get3A_975 = tpu.vector_load %arg10[%get3A_973, %get3A_974] {strides = array<i32>} : memref<16x1024xf32, #tpu.memory_space<vmem>>, vector<1x16xf32>,
      %get3A_976 = vector.shape_cast %get3A_975 : vector<1x16xf32> to vector<16xf32>
      %add3A_977 = arith.addf %get3A_972, %get3A_976 : vector<16xf32>
      %swap3A_978 = arith.index_cast %scan3A_144 : i32 to index
      %swap3A_979 = arith.constant 944 : index
      %swap3A_980 = tpu.vector_load %arg8[%swap3A_978, %swap3A_979] {strides = array<i32>} : memref<16x1024xf32, #tpu.memory_space<vmem>>, vector<1x16xf32>,
      %swap3A_981 = vector.shape_cast %swap3A_980 : vector<1x16xf32> to vector<16xf32>
      %swap3A_982 = vector.shape_cast %add3A_977 : vector<16xf32> to vector<1x16xf32>
      tpu.vector_store %arg8[%swap3A_978, %swap3A_979], %swap3A_982 {strides = array<i32>} : memref<16x1024xf32, #tpu.memory_space<vmem>>, vector<1x16xf32>,
      %get3A_983 = arith.index_cast %scan3A_144 : i32 to index
      %get3A_984 = arith.constant 960 : index
      %get3A_985 = tpu.vector_load %arg8[%get3A_983, %get3A_984] {strides = array<i32>} : memref<16x1024xf32, #tpu.memory_space<vmem>>, vector<1x16xf32>,
      %get3A_986 = vector.shape_cast %get3A_985 : vector<1x16xf32> to vector<16xf32>
      %get3A_987 = arith.index_cast %scan3A_144 : i32 to index
      %get3A_988 = arith.constant 960 : index
      %get3A_989 = tpu.vector_load %arg10[%get3A_987, %get3A_988] {strides = array<i32>} : memref<16x1024xf32, #tpu.memory_space<vmem>>, vector<1x16xf32>,
      %get3A_990 = vector.shape_cast %get3A_989 : vector<1x16xf32> to vector<16xf32>
      %add3A_991 = arith.addf %get3A_986, %get3A_990 : vector<16xf32>
      %swap3A_992 = arith.index_cast %scan3A_144 : i32 to index
      %swap3A_993 = arith.constant 960 : index
      %swap3A_994 = tpu.vector_load %arg8[%swap3A_992, %swap3A_993] {strides = array<i32>} : memref<16x1024xf32, #tpu.memory_space<vmem>>, vector<1x16xf32>,
      %swap3A_995 = vector.shape_cast %swap3A_994 : vector<1x16xf32> to vector<16xf32>
      %swap3A_996 = vector.shape_cast %add3A_991 : vector<16xf32> to vector<1x16xf32>
      tpu.vector_store %arg8[%swap3A_992, %swap3A_993], %swap3A_996 {strides = array<i32>} : memref<16x1024xf32, #tpu.memory_space<vmem>>, vector<1x16xf32>,
      %get3A_997 = arith.index_cast %scan3A_144 : i32 to index
      %get3A_998 = arith.constant 976 : index
      %get3A_999 = tpu.vector_load %arg8[%get3A_997, %get3A_998] {strides = array<i32>} : memref<16x1024xf32, #tpu.memory_space<vmem>>, vector<1x16xf32>,
      %get3A_1000 = vector.shape_cast %get3A_999 : vector<1x16xf32> to vector<16xf32>
      %get3A_1001 = arith.index_cast %scan3A_144 : i32 to index
      %get3A_1002 = arith.constant 976 : index
      %get3A_1003 = tpu.vector_load %arg10[%get3A_1001, %get3A_1002] {strides = array<i32>} : memref<16x1024xf32, #tpu.memory_space<vmem>>, vector<1x16xf32>,
      %get3A_1004 = vector.shape_cast %get3A_1003 : vector<1x16xf32> to vector<16xf32>
      %add3A_1005 = arith.addf %get3A_1000, %get3A_1004 : vector<16xf32>
      %swap3A_1006 = arith.index_cast %scan3A_144 : i32 to index
      %swap3A_1007 = arith.constant 976 : index
      %swap3A_1008 = tpu.vector_load %arg8[%swap3A_1006, %swap3A_1007] {strides = array<i32>} : memref<16x1024xf32, #tpu.memory_space<vmem>>, vector<1x16xf32>,
      %swap3A_1009 = vector.shape_cast %swap3A_1008 : vector<1x16xf32> to vector<16xf32>
      %swap3A_1010 = vector.shape_cast %add3A_1005 : vector<16xf32> to vector<1x16xf32>
      tpu.vector_store %arg8[%swap3A_1006, %swap3A_1007], %swap3A_1010 {strides = array<i32>} : memref<16x1024xf32, #tpu.memory_space<vmem>>, vector<1x16xf32>,
      %get3A_1011 = arith.index_cast %scan3A_144 : i32 to index
      %get3A_1012 = arith.constant 992 : index
      %get3A_1013 = tpu.vector_load %arg8[%get3A_1011, %get3A_1012] {strides = array<i32>} : memref<16x1024xf32, #tpu.memory_space<vmem>>, vector<1x16xf32>,
      %get3A_1014 = vector.shape_cast %get3A_1013 : vector<1x16xf32> to vector<16xf32>
      %get3A_1015 = arith.index_cast %scan3A_144 : i32 to index
      %get3A_1016 = arith.constant 992 : index
      %get3A_1017 = tpu.vector_load %arg10[%get3A_1015, %get3A_1016] {strides = array<i32>} : memref<16x1024xf32, #tpu.memory_space<vmem>>, vector<1x16xf32>,
      %get3A_1018 = vector.shape_cast %get3A_1017 : vector<1x16xf32> to vector<16xf32>
      %add3A_1019 = arith.addf %get3A_1014, %get3A_1018 : vector<16xf32>
      %swap3A_1020 = arith.index_cast %scan3A_144 : i32 to index
      %swap3A_1021 = arith.constant 992 : index
      %swap3A_1022 = tpu.vector_load %arg8[%swap3A_1020, %swap3A_1021] {strides = array<i32>} : memref<16x1024xf32, #tpu.memory_space<vmem>>, vector<1x16xf32>,
      %swap3A_1023 = vector.shape_cast %swap3A_1022 : vector<1x16xf32> to vector<16xf32>
      %swap3A_1024 = vector.shape_cast %add3A_1019 : vector<16xf32> to vector<1x16xf32>
      tpu.vector_store %arg8[%swap3A_1020, %swap3A_1021], %swap3A_1024 {strides = array<i32>} : memref<16x1024xf32, #tpu.memory_space<vmem>>, vector<1x16xf32>,
      %get3A_1025 = arith.index_cast %scan3A_144 : i32 to index
      %get3A_1026 = arith.constant 1008 : index
      %get3A_1027 = tpu.vector_load %arg8[%get3A_1025, %get3A_1026] {strides = array<i32>} : memref<16x1024xf32, #tpu.memory_space<vmem>>, vector<1x16xf32>,
      %get3A_1028 = vector.shape_cast %get3A_1027 : vector<1x16xf32> to vector<16xf32>
      %get3A_1029 = arith.index_cast %scan3A_144 : i32 to index
      %get3A_1030 = arith.constant 1008 : index
      %get3A_1031 = tpu.vector_load %arg10[%get3A_1029, %get3A_1030] {strides = array<i32>} : memref<16x1024xf32, #tpu.memory_space<vmem>>, vector<1x16xf32>,
      %get3A_1032 = vector.shape_cast %get3A_1031 : vector<1x16xf32> to vector<16xf32>
      %add3A_1033 = arith.addf %get3A_1028, %get3A_1032 : vector<16xf32>
      %swap3A_1034 = arith.index_cast %scan3A_144 : i32 to index
      %swap3A_1035 = arith.constant 1008 : index
      %swap3A_1036 = tpu.vector_load %arg8[%swap3A_1034, %swap3A_1035] {strides = array<i32>} : memref<16x1024xf32, #tpu.memory_space<vmem>>, vector<1x16xf32>,
      %swap3A_1037 = vector.shape_cast %swap3A_1036 : vector<1x16xf32> to vector<16xf32>
      %swap3A_1038 = vector.shape_cast %add3A_1033 : vector<16xf32> to vector<1x16xf32>
      tpu.vector_store %arg8[%swap3A_1034, %swap3A_1035], %swap3A_1038 {strides = array<i32>} : memref<16x1024xf32, #tpu.memory_space<vmem>>, vector<1x16xf32>,
    }
    %scan3A_35 = arith.constant 16 : i32
    %add3A_36 = arith.constant 0 : i32
    %add3A_37 = arith.addi %mul3A_2, %add3A_36 : i32
    %dma_start3A_38 = arith.constant 0 : i32
    %dma_start3A_39 = tpu.memref_slice %arg5[%add3A_37, %dma_start3A_38] : memref<2048x1024xf32, #tpu.memory_space<hbm>> -> memref<16x1024xf32, #tpu.memory_space<hbm>>
    %dma_start3A_40 = arith.constant 0 : i32
    %dma_start3A_41 = tpu.memref_slice %arg5[%add3A_37, %dma_start3A_40] : memref<2048x1024xf32, #tpu.memory_space<hbm>> -> memref<16x1024xf32, #tpu.memory_space<hbm>>
    tpu.enqueue_dma source(%arg8 : memref<16x1024xf32, #tpu.memory_space<vmem>>) target(%dma_start3A_41 : memref<16x1024xf32, #tpu.memory_space<hbm>>) target_semaphore(%arg14 : memref<!tpu.dma_semaphore, #tpu.memory_space<semaphore_mem>>)
    %dma_wait3A_42 = arith.constant 16 : i32
    %dma_wait3A_43 = tpu.memref_slice %arg6[%dma_wait3A_42] : memref<64xi32, #tpu.memory_space<vmem>> -> memref<16xi32, #tpu.memory_space<vmem>>
    %dma_wait3A_44 = arith.constant 0 : i32
    %dma_wait3A_45 = arith.constant 0 : i32
    %dma_wait3A_46 = tpu.memref_slice %arg2[%dma_wait3A_44, %dma_wait3A_45] : memref<5120x1024xf32, #tpu.memory_space<hbm>> -> memref<5120x1024xf32, #tpu.memory_space<hbm>>
    tpu.wait_indirect_dma semaphore(%arg13 : memref<!tpu.dma_semaphore, #tpu.memory_space<semaphore_mem>>) src(%dma_wait3A_46 : memref<5120x1024xf32, #tpu.memory_space<hbm>>) dst(%arg9 : memref<16x1024xf32, #tpu.memory_space<vmem>>)
    %dma_wait3A_47 = arith.constant 16 : i32
    %dma_wait3A_48 = tpu.memref_slice %arg7[%dma_wait3A_47] : memref<64xi32, #tpu.memory_space<vmem>> -> memref<16xi32, #tpu.memory_space<vmem>>
    %dma_wait3A_49 = arith.constant 0 : i32
    %dma_wait3A_50 = arith.constant 0 : i32
    %dma_wait3A_51 = tpu.memref_slice %arg2[%dma_wait3A_49, %dma_wait3A_50] : memref<5120x1024xf32, #tpu.memory_space<hbm>> -> memref<5120x1024xf32, #tpu.memory_space<hbm>>
    tpu.wait_indirect_dma semaphore(%arg13 : memref<!tpu.dma_semaphore, #tpu.memory_space<semaphore_mem>>) src(%dma_wait3A_51 : memref<5120x1024xf32, #tpu.memory_space<hbm>>) dst(%arg11 : memref<16x1024xf32, #tpu.memory_space<vmem>>)
    %dma_wait3A_52 = arith.constant 0 : i32
    %dma_wait3A_53 = tpu.memref_slice %arg5[%add3A_37, %dma_wait3A_52] : memref<2048x1024xf32, #tpu.memory_space<hbm>> -> memref<16x1024xf32, #tpu.memory_space<hbm>>
    %dma_wait3A_54 = arith.constant 0 : i32
    %dma_wait3A_55 = tpu.memref_slice %arg5[%add3A_37, %dma_wait3A_54] : memref<2048x1024xf32, #tpu.memory_space<hbm>> -> memref<16x1024xf32, #tpu.memory_space<hbm>>
    tpu.wait_dma2 semaphore(%arg14 : memref<!tpu.dma_semaphore, #tpu.memory_space<semaphore_mem>>) src(%arg8 : memref<16x1024xf32, #tpu.memory_space<vmem>>) dst(%dma_wait3A_55 : memref<16x1024xf32, #tpu.memory_space<hbm>>)
    %dma_start3A_56 = arith.constant 32 : i32
    %dma_start3A_57 = tpu.memref_slice %arg6[%dma_start3A_56] : memref<64xi32, #tpu.memory_space<vmem>> -> memref<16xi32, #tpu.memory_space<vmem>>
    %dma_start3A_58 = arith.constant 0 : i32
    %dma_start3A_59 = arith.constant 0 : i32
    %dma_start3A_60 = tpu.memref_slice %arg2[%dma_start3A_58, %dma_start3A_59] : memref<5120x1024xf32, #tpu.memory_space<hbm>> -> memref<5120x1024xf32, #tpu.memory_space<hbm>>
    tpu.enqueue_indirect_dma source(%dma_start3A_60 : memref<5120x1024xf32, #tpu.memory_space<hbm>>) target(%arg8 : memref<16x1024xf32, #tpu.memory_space<vmem>>) offsets(%dma_start3A_57 : memref<16xi32, #tpu.memory_space<vmem>>) semaphore(%arg12 : memref<!tpu.dma_semaphore, #tpu.memory_space<semaphore_mem>>)
    %dma_start3A_61 = arith.constant 32 : i32
    %dma_start3A_62 = tpu.memref_slice %arg7[%dma_start3A_61] : memref<64xi32, #tpu.memory_space<vmem>> -> memref<16xi32, #tpu.memory_space<vmem>>
    %dma_start3A_63 = arith.constant 0 : i32
    %dma_start3A_64 = arith.constant 0 : i32
    %dma_start3A_65 = tpu.memref_slice %arg2[%dma_start3A_63, %dma_start3A_64] : memref<5120x1024xf32, #tpu.memory_space<hbm>> -> memref<5120x1024xf32, #tpu.memory_space<hbm>>
    tpu.enqueue_indirect_dma source(%dma_start3A_65 : memref<5120x1024xf32, #tpu.memory_space<hbm>>) target(%arg10 : memref<16x1024xf32, #tpu.memory_space<vmem>>) offsets(%dma_start3A_62 : memref<16xi32, #tpu.memory_space<vmem>>) semaphore(%arg12 : memref<!tpu.dma_semaphore, #tpu.memory_space<semaphore_mem>>)
    %scan3A_66 = arith.constant 0 : i32
    %scan3A_67 = arith.constant 0 : i32
    %scan3A_68 = arith.constant 16 : i32
    %scan3A_69 = arith.addi %scan3A_67, %scan3A_68 : i32
    %scan3A_70 = arith.constant 1 : i32
    scf.for %scan3A_144 = %scan3A_67 to %scan3A_69 step %scan3A_70  : i32 {
      %get3A = arith.index_cast %scan3A_144 : i32 to index
      %get3A_145 = arith.constant 0 : index
      %get3A_146 = tpu.vector_load %arg9[%get3A, %get3A_145] {strides = array<i32>} : memref<16x1024xf32, #tpu.memory_space<vmem>>, vector<1x16xf32>,
      %get3A_147 = vector.shape_cast %get3A_146 : vector<1x16xf32> to vector<16xf32>
      %get3A_148 = arith.index_cast %scan3A_144 : i32 to index
      %get3A_149 = arith.constant 0 : index
      %get3A_150 = tpu.vector_load %arg11[%get3A_148, %get3A_149] {strides = array<i32>} : memref<16x1024xf32, #tpu.memory_space<vmem>>, vector<1x16xf32>,
      %get3A_151 = vector.shape_cast %get3A_150 : vector<1x16xf32> to vector<16xf32>
      %add3A_152 = arith.addf %get3A_147, %get3A_151 : vector<16xf32>
      %swap3A = arith.index_cast %scan3A_144 : i32 to index
      %swap3A_153 = arith.constant 0 : index
      %swap3A_154 = tpu.vector_load %arg9[%swap3A, %swap3A_153] {strides = array<i32>} : memref<16x1024xf32, #tpu.memory_space<vmem>>, vector<1x16xf32>,
      %swap3A_155 = vector.shape_cast %swap3A_154 : vector<1x16xf32> to vector<16xf32>
      %swap3A_156 = vector.shape_cast %add3A_152 : vector<16xf32> to vector<1x16xf32>
      tpu.vector_store %arg9[%swap3A, %swap3A_153], %swap3A_156 {strides = array<i32>} : memref<16x1024xf32, #tpu.memory_space<vmem>>, vector<1x16xf32>,
      %get3A_157 = arith.index_cast %scan3A_144 : i32 to index
      %get3A_158 = arith.constant 16 : index
      %get3A_159 = tpu.vector_load %arg9[%get3A_157, %get3A_158] {strides = array<i32>} : memref<16x1024xf32, #tpu.memory_space<vmem>>, vector<1x16xf32>,
      %get3A_160 = vector.shape_cast %get3A_159 : vector<1x16xf32> to vector<16xf32>
      %get3A_161 = arith.index_cast %scan3A_144 : i32 to index
      %get3A_162 = arith.constant 16 : index
      %get3A_163 = tpu.vector_load %arg11[%get3A_161, %get3A_162] {strides = array<i32>} : memref<16x1024xf32, #tpu.memory_space<vmem>>, vector<1x16xf32>,
      %get3A_164 = vector.shape_cast %get3A_163 : vector<1x16xf32> to vector<16xf32>
      %add3A_165 = arith.addf %get3A_160, %get3A_164 : vector<16xf32>
      %swap3A_166 = arith.index_cast %scan3A_144 : i32 to index
      %swap3A_167 = arith.constant 16 : index
      %swap3A_168 = tpu.vector_load %arg9[%swap3A_166, %swap3A_167] {strides = array<i32>} : memref<16x1024xf32, #tpu.memory_space<vmem>>, vector<1x16xf32>,
      %swap3A_169 = vector.shape_cast %swap3A_168 : vector<1x16xf32> to vector<16xf32>
      %swap3A_170 = vector.shape_cast %add3A_165 : vector<16xf32> to vector<1x16xf32>
      tpu.vector_store %arg9[%swap3A_166, %swap3A_167], %swap3A_170 {strides = array<i32>} : memref<16x1024xf32, #tpu.memory_space<vmem>>, vector<1x16xf32>,
      %get3A_171 = arith.index_cast %scan3A_144 : i32 to index
      %get3A_172 = arith.constant 32 : index
      %get3A_173 = tpu.vector_load %arg9[%get3A_171, %get3A_172] {strides = array<i32>} : memref<16x1024xf32, #tpu.memory_space<vmem>>, vector<1x16xf32>,
      %get3A_174 = vector.shape_cast %get3A_173 : vector<1x16xf32> to vector<16xf32>
      %get3A_175 = arith.index_cast %scan3A_144 : i32 to index
      %get3A_176 = arith.constant 32 : index
      %get3A_177 = tpu.vector_load %arg11[%get3A_175, %get3A_176] {strides = array<i32>} : memref<16x1024xf32, #tpu.memory_space<vmem>>, vector<1x16xf32>,
      %get3A_178 = vector.shape_cast %get3A_177 : vector<1x16xf32> to vector<16xf32>
      %add3A_179 = arith.addf %get3A_174, %get3A_178 : vector<16xf32>
      %swap3A_180 = arith.index_cast %scan3A_144 : i32 to index
      %swap3A_181 = arith.constant 32 : index
      %swap3A_182 = tpu.vector_load %arg9[%swap3A_180, %swap3A_181] {strides = array<i32>} : memref<16x1024xf32, #tpu.memory_space<vmem>>, vector<1x16xf32>,
      %swap3A_183 = vector.shape_cast %swap3A_182 : vector<1x16xf32> to vector<16xf32>
      %swap3A_184 = vector.shape_cast %add3A_179 : vector<16xf32> to vector<1x16xf32>
      tpu.vector_store %arg9[%swap3A_180, %swap3A_181], %swap3A_184 {strides = array<i32>} : memref<16x1024xf32, #tpu.memory_space<vmem>>, vector<1x16xf32>,
      %get3A_185 = arith.index_cast %scan3A_144 : i32 to index
      %get3A_186 = arith.constant 48 : index
      %get3A_187 = tpu.vector_load %arg9[%get3A_185, %get3A_186] {strides = array<i32>} : memref<16x1024xf32, #tpu.memory_space<vmem>>, vector<1x16xf32>,
      %get3A_188 = vector.shape_cast %get3A_187 : vector<1x16xf32> to vector<16xf32>
      %get3A_189 = arith.index_cast %scan3A_144 : i32 to index
      %get3A_190 = arith.constant 48 : index
      %get3A_191 = tpu.vector_load %arg11[%get3A_189, %get3A_190] {strides = array<i32>} : memref<16x1024xf32, #tpu.memory_space<vmem>>, vector<1x16xf32>,
      %get3A_192 = vector.shape_cast %get3A_191 : vector<1x16xf32> to vector<16xf32>
      %add3A_193 = arith.addf %get3A_188, %get3A_192 : vector<16xf32>
      %swap3A_194 = arith.index_cast %scan3A_144 : i32 to index
      %swap3A_195 = arith.constant 48 : index
      %swap3A_196 = tpu.vector_load %arg9[%swap3A_194, %swap3A_195] {strides = array<i32>} : memref<16x1024xf32, #tpu.memory_space<vmem>>, vector<1x16xf32>,
      %swap3A_197 = vector.shape_cast %swap3A_196 : vector<1x16xf32> to vector<16xf32>
      %swap3A_198 = vector.shape_cast %add3A_193 : vector<16xf32> to vector<1x16xf32>
      tpu.vector_store %arg9[%swap3A_194, %swap3A_195], %swap3A_198 {strides = array<i32>} : memref<16x1024xf32, #tpu.memory_space<vmem>>, vector<1x16xf32>,
      %get3A_199 = arith.index_cast %scan3A_144 : i32 to index
      %get3A_200 = arith.constant 64 : index
      %get3A_201 = tpu.vector_load %arg9[%get3A_199, %get3A_200] {strides = array<i32>} : memref<16x1024xf32, #tpu.memory_space<vmem>>, vector<1x16xf32>,
      %get3A_202 = vector.shape_cast %get3A_201 : vector<1x16xf32> to vector<16xf32>
      %get3A_203 = arith.index_cast %scan3A_144 : i32 to index
      %get3A_204 = arith.constant 64 : index
      %get3A_205 = tpu.vector_load %arg11[%get3A_203, %get3A_204] {strides = array<i32>} : memref<16x1024xf32, #tpu.memory_space<vmem>>, vector<1x16xf32>,
      %get3A_206 = vector.shape_cast %get3A_205 : vector<1x16xf32> to vector<16xf32>
      %add3A_207 = arith.addf %get3A_202, %get3A_206 : vector<16xf32>
      %swap3A_208 = arith.index_cast %scan3A_144 : i32 to index
      %swap3A_209 = arith.constant 64 : index
      %swap3A_210 = tpu.vector_load %arg9[%swap3A_208, %swap3A_209] {strides = array<i32>} : memref<16x1024xf32, #tpu.memory_space<vmem>>, vector<1x16xf32>,
      %swap3A_211 = vector.shape_cast %swap3A_210 : vector<1x16xf32> to vector<16xf32>
      %swap3A_212 = vector.shape_cast %add3A_207 : vector<16xf32> to vector<1x16xf32>
      tpu.vector_store %arg9[%swap3A_208, %swap3A_209], %swap3A_212 {strides = array<i32>} : memref<16x1024xf32, #tpu.memory_space<vmem>>, vector<1x16xf32>,
      %get3A_213 = arith.index_cast %scan3A_144 : i32 to index
      %get3A_214 = arith.constant 80 : index
      %get3A_215 = tpu.vector_load %arg9[%get3A_213, %get3A_214] {strides = array<i32>} : memref<16x1024xf32, #tpu.memory_space<vmem>>, vector<1x16xf32>,
      %get3A_216 = vector.shape_cast %get3A_215 : vector<1x16xf32> to vector<16xf32>
      %get3A_217 = arith.index_cast %scan3A_144 : i32 to index
      %get3A_218 = arith.constant 80 : index
      %get3A_219 = tpu.vector_load %arg11[%get3A_217, %get3A_218] {strides = array<i32>} : memref<16x1024xf32, #tpu.memory_space<vmem>>, vector<1x16xf32>,
      %get3A_220 = vector.shape_cast %get3A_219 : vector<1x16xf32> to vector<16xf32>
      %add3A_221 = arith.addf %get3A_216, %get3A_220 : vector<16xf32>
      %swap3A_222 = arith.index_cast %scan3A_144 : i32 to index
      %swap3A_223 = arith.constant 80 : index
      %swap3A_224 = tpu.vector_load %arg9[%swap3A_222, %swap3A_223] {strides = array<i32>} : memref<16x1024xf32, #tpu.memory_space<vmem>>, vector<1x16xf32>,
      %swap3A_225 = vector.shape_cast %swap3A_224 : vector<1x16xf32> to vector<16xf32>
      %swap3A_226 = vector.shape_cast %add3A_221 : vector<16xf32> to vector<1x16xf32>
      tpu.vector_store %arg9[%swap3A_222, %swap3A_223], %swap3A_226 {strides = array<i32>} : memref<16x1024xf32, #tpu.memory_space<vmem>>, vector<1x16xf32>,
      %get3A_227 = arith.index_cast %scan3A_144 : i32 to index
      %get3A_228 = arith.constant 96 : index
      %get3A_229 = tpu.vector_load %arg9[%get3A_227, %get3A_228] {strides = array<i32>} : memref<16x1024xf32, #tpu.memory_space<vmem>>, vector<1x16xf32>,
      %get3A_230 = vector.shape_cast %get3A_229 : vector<1x16xf32> to vector<16xf32>
      %get3A_231 = arith.index_cast %scan3A_144 : i32 to index
      %get3A_232 = arith.constant 96 : index
      %get3A_233 = tpu.vector_load %arg11[%get3A_231, %get3A_232] {strides = array<i32>} : memref<16x1024xf32, #tpu.memory_space<vmem>>, vector<1x16xf32>,
      %get3A_234 = vector.shape_cast %get3A_233 : vector<1x16xf32> to vector<16xf32>
      %add3A_235 = arith.addf %get3A_230, %get3A_234 : vector<16xf32>
      %swap3A_236 = arith.index_cast %scan3A_144 : i32 to index
      %swap3A_237 = arith.constant 96 : index
      %swap3A_238 = tpu.vector_load %arg9[%swap3A_236, %swap3A_237] {strides = array<i32>} : memref<16x1024xf32, #tpu.memory_space<vmem>>, vector<1x16xf32>,
      %swap3A_239 = vector.shape_cast %swap3A_238 : vector<1x16xf32> to vector<16xf32>
      %swap3A_240 = vector.shape_cast %add3A_235 : vector<16xf32> to vector<1x16xf32>
      tpu.vector_store %arg9[%swap3A_236, %swap3A_237], %swap3A_240 {strides = array<i32>} : memref<16x1024xf32, #tpu.memory_space<vmem>>, vector<1x16xf32>,
      %get3A_241 = arith.index_cast %scan3A_144 : i32 to index
      %get3A_242 = arith.constant 112 : index
      %get3A_243 = tpu.vector_load %arg9[%get3A_241, %get3A_242] {strides = array<i32>} : memref<16x1024xf32, #tpu.memory_space<vmem>>, vector<1x16xf32>,
      %get3A_244 = vector.shape_cast %get3A_243 : vector<1x16xf32> to vector<16xf32>
      %get3A_245 = arith.index_cast %scan3A_144 : i32 to index
      %get3A_246 = arith.constant 112 : index
      %get3A_247 = tpu.vector_load %arg11[%get3A_245, %get3A_246] {strides = array<i32>} : memref<16x1024xf32, #tpu.memory_space<vmem>>, vector<1x16xf32>,
      %get3A_248 = vector.shape_cast %get3A_247 : vector<1x16xf32> to vector<16xf32>
      %add3A_249 = arith.addf %get3A_244, %get3A_248 : vector<16xf32>
      %swap3A_250 = arith.index_cast %scan3A_144 : i32 to index
      %swap3A_251 = arith.constant 112 : index
      %swap3A_252 = tpu.vector_load %arg9[%swap3A_250, %swap3A_251] {strides = array<i32>} : memref<16x1024xf32, #tpu.memory_space<vmem>>, vector<1x16xf32>,
      %swap3A_253 = vector.shape_cast %swap3A_252 : vector<1x16xf32> to vector<16xf32>
      %swap3A_254 = vector.shape_cast %add3A_249 : vector<16xf32> to vector<1x16xf32>
      tpu.vector_store %arg9[%swap3A_250, %swap3A_251], %swap3A_254 {strides = array<i32>} : memref<16x1024xf32, #tpu.memory_space<vmem>>, vector<1x16xf32>,
      %get3A_255 = arith.index_cast %scan3A_144 : i32 to index
      %get3A_256 = arith.constant 128 : index
      %get3A_257 = tpu.vector_load %arg9[%get3A_255, %get3A_256] {strides = array<i32>} : memref<16x1024xf32, #tpu.memory_space<vmem>>, vector<1x16xf32>,
      %get3A_258 = vector.shape_cast %get3A_257 : vector<1x16xf32> to vector<16xf32>
      %get3A_259 = arith.index_cast %scan3A_144 : i32 to index
      %get3A_260 = arith.constant 128 : index
      %get3A_261 = tpu.vector_load %arg11[%get3A_259, %get3A_260] {strides = array<i32>} : memref<16x1024xf32, #tpu.memory_space<vmem>>, vector<1x16xf32>,
      %get3A_262 = vector.shape_cast %get3A_261 : vector<1x16xf32> to vector<16xf32>
      %add3A_263 = arith.addf %get3A_258, %get3A_262 : vector<16xf32>
      %swap3A_264 = arith.index_cast %scan3A_144 : i32 to index
      %swap3A_265 = arith.constant 128 : index
      %swap3A_266 = tpu.vector_load %arg9[%swap3A_264, %swap3A_265] {strides = array<i32>} : memref<16x1024xf32, #tpu.memory_space<vmem>>, vector<1x16xf32>,
      %swap3A_267 = vector.shape_cast %swap3A_266 : vector<1x16xf32> to vector<16xf32>
      %swap3A_268 = vector.shape_cast %add3A_263 : vector<16xf32> to vector<1x16xf32>
      tpu.vector_store %arg9[%swap3A_264, %swap3A_265], %swap3A_268 {strides = array<i32>} : memref<16x1024xf32, #tpu.memory_space<vmem>>, vector<1x16xf32>,
      %get3A_269 = arith.index_cast %scan3A_144 : i32 to index
      %get3A_270 = arith.constant 144 : index
      %get3A_271 = tpu.vector_load %arg9[%get3A_269, %get3A_270] {strides = array<i32>} : memref<16x1024xf32, #tpu.memory_space<vmem>>, vector<1x16xf32>,
      %get3A_272 = vector.shape_cast %get3A_271 : vector<1x16xf32> to vector<16xf32>
      %get3A_273 = arith.index_cast %scan3A_144 : i32 to index
      %get3A_274 = arith.constant 144 : index
      %get3A_275 = tpu.vector_load %arg11[%get3A_273, %get3A_274] {strides = array<i32>} : memref<16x1024xf32, #tpu.memory_space<vmem>>, vector<1x16xf32>,
      %get3A_276 = vector.shape_cast %get3A_275 : vector<1x16xf32> to vector<16xf32>
      %add3A_277 = arith.addf %get3A_272, %get3A_276 : vector<16xf32>
      %swap3A_278 = arith.index_cast %scan3A_144 : i32 to index
      %swap3A_279 = arith.constant 144 : index
      %swap3A_280 = tpu.vector_load %arg9[%swap3A_278, %swap3A_279] {strides = array<i32>} : memref<16x1024xf32, #tpu.memory_space<vmem>>, vector<1x16xf32>,
      %swap3A_281 = vector.shape_cast %swap3A_280 : vector<1x16xf32> to vector<16xf32>
      %swap3A_282 = vector.shape_cast %add3A_277 : vector<16xf32> to vector<1x16xf32>
      tpu.vector_store %arg9[%swap3A_278, %swap3A_279], %swap3A_282 {strides = array<i32>} : memref<16x1024xf32, #tpu.memory_space<vmem>>, vector<1x16xf32>,
      %get3A_283 = arith.index_cast %scan3A_144 : i32 to index
      %get3A_284 = arith.constant 160 : index
      %get3A_285 = tpu.vector_load %arg9[%get3A_283, %get3A_284] {strides = array<i32>} : memref<16x1024xf32, #tpu.memory_space<vmem>>, vector<1x16xf32>,
      %get3A_286 = vector.shape_cast %get3A_285 : vector<1x16xf32> to vector<16xf32>
      %get3A_287 = arith.index_cast %scan3A_144 : i32 to index
      %get3A_288 = arith.constant 160 : index
      %get3A_289 = tpu.vector_load %arg11[%get3A_287, %get3A_288] {strides = array<i32>} : memref<16x1024xf32, #tpu.memory_space<vmem>>, vector<1x16xf32>,
      %get3A_290 = vector.shape_cast %get3A_289 : vector<1x16xf32> to vector<16xf32>
      %add3A_291 = arith.addf %get3A_286, %get3A_290 : vector<16xf32>
      %swap3A_292 = arith.index_cast %scan3A_144 : i32 to index
      %swap3A_293 = arith.constant 160 : index
      %swap3A_294 = tpu.vector_load %arg9[%swap3A_292, %swap3A_293] {strides = array<i32>} : memref<16x1024xf32, #tpu.memory_space<vmem>>, vector<1x16xf32>,
      %swap3A_295 = vector.shape_cast %swap3A_294 : vector<1x16xf32> to vector<16xf32>
      %swap3A_296 = vector.shape_cast %add3A_291 : vector<16xf32> to vector<1x16xf32>
      tpu.vector_store %arg9[%swap3A_292, %swap3A_293], %swap3A_296 {strides = array<i32>} : memref<16x1024xf32, #tpu.memory_space<vmem>>, vector<1x16xf32>,
      %get3A_297 = arith.index_cast %scan3A_144 : i32 to index
      %get3A_298 = arith.constant 176 : index
      %get3A_299 = tpu.vector_load %arg9[%get3A_297, %get3A_298] {strides = array<i32>} : memref<16x1024xf32, #tpu.memory_space<vmem>>, vector<1x16xf32>,
      %get3A_300 = vector.shape_cast %get3A_299 : vector<1x16xf32> to vector<16xf32>
      %get3A_301 = arith.index_cast %scan3A_144 : i32 to index
      %get3A_302 = arith.constant 176 : index
      %get3A_303 = tpu.vector_load %arg11[%get3A_301, %get3A_302] {strides = array<i32>} : memref<16x1024xf32, #tpu.memory_space<vmem>>, vector<1x16xf32>,
      %get3A_304 = vector.shape_cast %get3A_303 : vector<1x16xf32> to vector<16xf32>
      %add3A_305 = arith.addf %get3A_300, %get3A_304 : vector<16xf32>
      %swap3A_306 = arith.index_cast %scan3A_144 : i32 to index
      %swap3A_307 = arith.constant 176 : index
      %swap3A_308 = tpu.vector_load %arg9[%swap3A_306, %swap3A_307] {strides = array<i32>} : memref<16x1024xf32, #tpu.memory_space<vmem>>, vector<1x16xf32>,
      %swap3A_309 = vector.shape_cast %swap3A_308 : vector<1x16xf32> to vector<16xf32>
      %swap3A_310 = vector.shape_cast %add3A_305 : vector<16xf32> to vector<1x16xf32>
      tpu.vector_store %arg9[%swap3A_306, %swap3A_307], %swap3A_310 {strides = array<i32>} : memref<16x1024xf32, #tpu.memory_space<vmem>>, vector<1x16xf32>,
      %get3A_311 = arith.index_cast %scan3A_144 : i32 to index
      %get3A_312 = arith.constant 192 : index
      %get3A_313 = tpu.vector_load %arg9[%get3A_311, %get3A_312] {strides = array<i32>} : memref<16x1024xf32, #tpu.memory_space<vmem>>, vector<1x16xf32>,
      %get3A_314 = vector.shape_cast %get3A_313 : vector<1x16xf32> to vector<16xf32>
      %get3A_315 = arith.index_cast %scan3A_144 : i32 to index
      %get3A_316 = arith.constant 192 : index
      %get3A_317 = tpu.vector_load %arg11[%get3A_315, %get3A_316] {strides = array<i32>} : memref<16x1024xf32, #tpu.memory_space<vmem>>, vector<1x16xf32>,
      %get3A_318 = vector.shape_cast %get3A_317 : vector<1x16xf32> to vector<16xf32>
      %add3A_319 = arith.addf %get3A_314, %get3A_318 : vector<16xf32>
      %swap3A_320 = arith.index_cast %scan3A_144 : i32 to index
      %swap3A_321 = arith.constant 192 : index
      %swap3A_322 = tpu.vector_load %arg9[%swap3A_320, %swap3A_321] {strides = array<i32>} : memref<16x1024xf32, #tpu.memory_space<vmem>>, vector<1x16xf32>,
      %swap3A_323 = vector.shape_cast %swap3A_322 : vector<1x16xf32> to vector<16xf32>
      %swap3A_324 = vector.shape_cast %add3A_319 : vector<16xf32> to vector<1x16xf32>
      tpu.vector_store %arg9[%swap3A_320, %swap3A_321], %swap3A_324 {strides = array<i32>} : memref<16x1024xf32, #tpu.memory_space<vmem>>, vector<1x16xf32>,
      %get3A_325 = arith.index_cast %scan3A_144 : i32 to index
      %get3A_326 = arith.constant 208 : index
      %get3A_327 = tpu.vector_load %arg9[%get3A_325, %get3A_326] {strides = array<i32>} : memref<16x1024xf32, #tpu.memory_space<vmem>>, vector<1x16xf32>,
      %get3A_328 = vector.shape_cast %get3A_327 : vector<1x16xf32> to vector<16xf32>
      %get3A_329 = arith.index_cast %scan3A_144 : i32 to index
      %get3A_330 = arith.constant 208 : index
      %get3A_331 = tpu.vector_load %arg11[%get3A_329, %get3A_330] {strides = array<i32>} : memref<16x1024xf32, #tpu.memory_space<vmem>>, vector<1x16xf32>,
      %get3A_332 = vector.shape_cast %get3A_331 : vector<1x16xf32> to vector<16xf32>
      %add3A_333 = arith.addf %get3A_328, %get3A_332 : vector<16xf32>
      %swap3A_334 = arith.index_cast %scan3A_144 : i32 to index
      %swap3A_335 = arith.constant 208 : index
      %swap3A_336 = tpu.vector_load %arg9[%swap3A_334, %swap3A_335] {strides = array<i32>} : memref<16x1024xf32, #tpu.memory_space<vmem>>, vector<1x16xf32>,
      %swap3A_337 = vector.shape_cast %swap3A_336 : vector<1x16xf32> to vector<16xf32>
      %swap3A_338 = vector.shape_cast %add3A_333 : vector<16xf32> to vector<1x16xf32>
      tpu.vector_store %arg9[%swap3A_334, %swap3A_335], %swap3A_338 {strides = array<i32>} : memref<16x1024xf32, #tpu.memory_space<vmem>>, vector<1x16xf32>,
      %get3A_339 = arith.index_cast %scan3A_144 : i32 to index
      %get3A_340 = arith.constant 224 : index
      %get3A_341 = tpu.vector_load %arg9[%get3A_339, %get3A_340] {strides = array<i32>} : memref<16x1024xf32, #tpu.memory_space<vmem>>, vector<1x16xf32>,
      %get3A_342 = vector.shape_cast %get3A_341 : vector<1x16xf32> to vector<16xf32>
      %get3A_343 = arith.index_cast %scan3A_144 : i32 to index
      %get3A_344 = arith.constant 224 : index
      %get3A_345 = tpu.vector_load %arg11[%get3A_343, %get3A_344] {strides = array<i32>} : memref<16x1024xf32, #tpu.memory_space<vmem>>, vector<1x16xf32>,
      %get3A_346 = vector.shape_cast %get3A_345 : vector<1x16xf32> to vector<16xf32>
      %add3A_347 = arith.addf %get3A_342, %get3A_346 : vector<16xf32>
      %swap3A_348 = arith.index_cast %scan3A_144 : i32 to index
      %swap3A_349 = arith.constant 224 : index
      %swap3A_350 = tpu.vector_load %arg9[%swap3A_348, %swap3A_349] {strides = array<i32>} : memref<16x1024xf32, #tpu.memory_space<vmem>>, vector<1x16xf32>,
      %swap3A_351 = vector.shape_cast %swap3A_350 : vector<1x16xf32> to vector<16xf32>
      %swap3A_352 = vector.shape_cast %add3A_347 : vector<16xf32> to vector<1x16xf32>
      tpu.vector_store %arg9[%swap3A_348, %swap3A_349], %swap3A_352 {strides = array<i32>} : memref<16x1024xf32, #tpu.memory_space<vmem>>, vector<1x16xf32>,
      %get3A_353 = arith.index_cast %scan3A_144 : i32 to index
      %get3A_354 = arith.constant 240 : index
      %get3A_355 = tpu.vector_load %arg9[%get3A_353, %get3A_354] {strides = array<i32>} : memref<16x1024xf32, #tpu.memory_space<vmem>>, vector<1x16xf32>,
      %get3A_356 = vector.shape_cast %get3A_355 : vector<1x16xf32> to vector<16xf32>
      %get3A_357 = arith.index_cast %scan3A_144 : i32 to index
      %get3A_358 = arith.constant 240 : index
      %get3A_359 = tpu.vector_load %arg11[%get3A_357, %get3A_358] {strides = array<i32>} : memref<16x1024xf32, #tpu.memory_space<vmem>>, vector<1x16xf32>,
      %get3A_360 = vector.shape_cast %get3A_359 : vector<1x16xf32> to vector<16xf32>
      %add3A_361 = arith.addf %get3A_356, %get3A_360 : vector<16xf32>
      %swap3A_362 = arith.index_cast %scan3A_144 : i32 to index
      %swap3A_363 = arith.constant 240 : index
      %swap3A_364 = tpu.vector_load %arg9[%swap3A_362, %swap3A_363] {strides = array<i32>} : memref<16x1024xf32, #tpu.memory_space<vmem>>, vector<1x16xf32>,
      %swap3A_365 = vector.shape_cast %swap3A_364 : vector<1x16xf32> to vector<16xf32>
      %swap3A_366 = vector.shape_cast %add3A_361 : vector<16xf32> to vector<1x16xf32>
      tpu.vector_store %arg9[%swap3A_362, %swap3A_363], %swap3A_366 {strides = array<i32>} : memref<16x1024xf32, #tpu.memory_space<vmem>>, vector<1x16xf32>,
      %get3A_367 = arith.index_cast %scan3A_144 : i32 to index
      %get3A_368 = arith.constant 256 : index
      %get3A_369 = tpu.vector_load %arg9[%get3A_367, %get3A_368] {strides = array<i32>} : memref<16x1024xf32, #tpu.memory_space<vmem>>, vector<1x16xf32>,
      %get3A_370 = vector.shape_cast %get3A_369 : vector<1x16xf32> to vector<16xf32>
      %get3A_371 = arith.index_cast %scan3A_144 : i32 to index
      %get3A_372 = arith.constant 256 : index
      %get3A_373 = tpu.vector_load %arg11[%get3A_371, %get3A_372] {strides = array<i32>} : memref<16x1024xf32, #tpu.memory_space<vmem>>, vector<1x16xf32>,
      %get3A_374 = vector.shape_cast %get3A_373 : vector<1x16xf32> to vector<16xf32>
      %add3A_375 = arith.addf %get3A_370, %get3A_374 : vector<16xf32>
      %swap3A_376 = arith.index_cast %scan3A_144 : i32 to index
      %swap3A_377 = arith.constant 256 : index
      %swap3A_378 = tpu.vector_load %arg9[%swap3A_376, %swap3A_377] {strides = array<i32>} : memref<16x1024xf32, #tpu.memory_space<vmem>>, vector<1x16xf32>,
      %swap3A_379 = vector.shape_cast %swap3A_378 : vector<1x16xf32> to vector<16xf32>
      %swap3A_380 = vector.shape_cast %add3A_375 : vector<16xf32> to vector<1x16xf32>
      tpu.vector_store %arg9[%swap3A_376, %swap3A_377], %swap3A_380 {strides = array<i32>} : memref<16x1024xf32, #tpu.memory_space<vmem>>, vector<1x16xf32>,
      %get3A_381 = arith.index_cast %scan3A_144 : i32 to index
      %get3A_382 = arith.constant 272 : index
      %get3A_383 = tpu.vector_load %arg9[%get3A_381, %get3A_382] {strides = array<i32>} : memref<16x1024xf32, #tpu.memory_space<vmem>>, vector<1x16xf32>,
      %get3A_384 = vector.shape_cast %get3A_383 : vector<1x16xf32> to vector<16xf32>
      %get3A_385 = arith.index_cast %scan3A_144 : i32 to index
      %get3A_386 = arith.constant 272 : index
      %get3A_387 = tpu.vector_load %arg11[%get3A_385, %get3A_386] {strides = array<i32>} : memref<16x1024xf32, #tpu.memory_space<vmem>>, vector<1x16xf32>,
      %get3A_388 = vector.shape_cast %get3A_387 : vector<1x16xf32> to vector<16xf32>
      %add3A_389 = arith.addf %get3A_384, %get3A_388 : vector<16xf32>
      %swap3A_390 = arith.index_cast %scan3A_144 : i32 to index
      %swap3A_391 = arith.constant 272 : index
      %swap3A_392 = tpu.vector_load %arg9[%swap3A_390, %swap3A_391] {strides = array<i32>} : memref<16x1024xf32, #tpu.memory_space<vmem>>, vector<1x16xf32>,
      %swap3A_393 = vector.shape_cast %swap3A_392 : vector<1x16xf32> to vector<16xf32>
      %swap3A_394 = vector.shape_cast %add3A_389 : vector<16xf32> to vector<1x16xf32>
      tpu.vector_store %arg9[%swap3A_390, %swap3A_391], %swap3A_394 {strides = array<i32>} : memref<16x1024xf32, #tpu.memory_space<vmem>>, vector<1x16xf32>,
      %get3A_395 = arith.index_cast %scan3A_144 : i32 to index
      %get3A_396 = arith.constant 288 : index
      %get3A_397 = tpu.vector_load %arg9[%get3A_395, %get3A_396] {strides = array<i32>} : memref<16x1024xf32, #tpu.memory_space<vmem>>, vector<1x16xf32>,
      %get3A_398 = vector.shape_cast %get3A_397 : vector<1x16xf32> to vector<16xf32>
      %get3A_399 = arith.index_cast %scan3A_144 : i32 to index
      %get3A_400 = arith.constant 288 : index
      %get3A_401 = tpu.vector_load %arg11[%get3A_399, %get3A_400] {strides = array<i32>} : memref<16x1024xf32, #tpu.memory_space<vmem>>, vector<1x16xf32>,
      %get3A_402 = vector.shape_cast %get3A_401 : vector<1x16xf32> to vector<16xf32>
      %add3A_403 = arith.addf %get3A_398, %get3A_402 : vector<16xf32>
      %swap3A_404 = arith.index_cast %scan3A_144 : i32 to index
      %swap3A_405 = arith.constant 288 : index
      %swap3A_406 = tpu.vector_load %arg9[%swap3A_404, %swap3A_405] {strides = array<i32>} : memref<16x1024xf32, #tpu.memory_space<vmem>>, vector<1x16xf32>,
      %swap3A_407 = vector.shape_cast %swap3A_406 : vector<1x16xf32> to vector<16xf32>
      %swap3A_408 = vector.shape_cast %add3A_403 : vector<16xf32> to vector<1x16xf32>
      tpu.vector_store %arg9[%swap3A_404, %swap3A_405], %swap3A_408 {strides = array<i32>} : memref<16x1024xf32, #tpu.memory_space<vmem>>, vector<1x16xf32>,
      %get3A_409 = arith.index_cast %scan3A_144 : i32 to index
      %get3A_410 = arith.constant 304 : index
      %get3A_411 = tpu.vector_load %arg9[%get3A_409, %get3A_410] {strides = array<i32>} : memref<16x1024xf32, #tpu.memory_space<vmem>>, vector<1x16xf32>,
      %get3A_412 = vector.shape_cast %get3A_411 : vector<1x16xf32> to vector<16xf32>
      %get3A_413 = arith.index_cast %scan3A_144 : i32 to index
      %get3A_414 = arith.constant 304 : index
      %get3A_415 = tpu.vector_load %arg11[%get3A_413, %get3A_414] {strides = array<i32>} : memref<16x1024xf32, #tpu.memory_space<vmem>>, vector<1x16xf32>,
      %get3A_416 = vector.shape_cast %get3A_415 : vector<1x16xf32> to vector<16xf32>
      %add3A_417 = arith.addf %get3A_412, %get3A_416 : vector<16xf32>
      %swap3A_418 = arith.index_cast %scan3A_144 : i32 to index
      %swap3A_419 = arith.constant 304 : index
      %swap3A_420 = tpu.vector_load %arg9[%swap3A_418, %swap3A_419] {strides = array<i32>} : memref<16x1024xf32, #tpu.memory_space<vmem>>, vector<1x16xf32>,
      %swap3A_421 = vector.shape_cast %swap3A_420 : vector<1x16xf32> to vector<16xf32>
      %swap3A_422 = vector.shape_cast %add3A_417 : vector<16xf32> to vector<1x16xf32>
      tpu.vector_store %arg9[%swap3A_418, %swap3A_419], %swap3A_422 {strides = array<i32>} : memref<16x1024xf32, #tpu.memory_space<vmem>>, vector<1x16xf32>,
      %get3A_423 = arith.index_cast %scan3A_144 : i32 to index
      %get3A_424 = arith.constant 320 : index
      %get3A_425 = tpu.vector_load %arg9[%get3A_423, %get3A_424] {strides = array<i32>} : memref<16x1024xf32, #tpu.memory_space<vmem>>, vector<1x16xf32>,
      %get3A_426 = vector.shape_cast %get3A_425 : vector<1x16xf32> to vector<16xf32>
      %get3A_427 = arith.index_cast %scan3A_144 : i32 to index
      %get3A_428 = arith.constant 320 : index
      %get3A_429 = tpu.vector_load %arg11[%get3A_427, %get3A_428] {strides = array<i32>} : memref<16x1024xf32, #tpu.memory_space<vmem>>, vector<1x16xf32>,
      %get3A_430 = vector.shape_cast %get3A_429 : vector<1x16xf32> to vector<16xf32>
      %add3A_431 = arith.addf %get3A_426, %get3A_430 : vector<16xf32>
      %swap3A_432 = arith.index_cast %scan3A_144 : i32 to index
      %swap3A_433 = arith.constant 320 : index
      %swap3A_434 = tpu.vector_load %arg9[%swap3A_432, %swap3A_433] {strides = array<i32>} : memref<16x1024xf32, #tpu.memory_space<vmem>>, vector<1x16xf32>,
      %swap3A_435 = vector.shape_cast %swap3A_434 : vector<1x16xf32> to vector<16xf32>
      %swap3A_436 = vector.shape_cast %add3A_431 : vector<16xf32> to vector<1x16xf32>
      tpu.vector_store %arg9[%swap3A_432, %swap3A_433], %swap3A_436 {strides = array<i32>} : memref<16x1024xf32, #tpu.memory_space<vmem>>, vector<1x16xf32>,
      %get3A_437 = arith.index_cast %scan3A_144 : i32 to index
      %get3A_438 = arith.constant 336 : index
      %get3A_439 = tpu.vector_load %arg9[%get3A_437, %get3A_438] {strides = array<i32>} : memref<16x1024xf32, #tpu.memory_space<vmem>>, vector<1x16xf32>,
      %get3A_440 = vector.shape_cast %get3A_439 : vector<1x16xf32> to vector<16xf32>
      %get3A_441 = arith.index_cast %scan3A_144 : i32 to index
      %get3A_442 = arith.constant 336 : index
      %get3A_443 = tpu.vector_load %arg11[%get3A_441, %get3A_442] {strides = array<i32>} : memref<16x1024xf32, #tpu.memory_space<vmem>>, vector<1x16xf32>,
      %get3A_444 = vector.shape_cast %get3A_443 : vector<1x16xf32> to vector<16xf32>
      %add3A_445 = arith.addf %get3A_440, %get3A_444 : vector<16xf32>
      %swap3A_446 = arith.index_cast %scan3A_144 : i32 to index
      %swap3A_447 = arith.constant 336 : index
      %swap3A_448 = tpu.vector_load %arg9[%swap3A_446, %swap3A_447] {strides = array<i32>} : memref<16x1024xf32, #tpu.memory_space<vmem>>, vector<1x16xf32>,
      %swap3A_449 = vector.shape_cast %swap3A_448 : vector<1x16xf32> to vector<16xf32>
      %swap3A_450 = vector.shape_cast %add3A_445 : vector<16xf32> to vector<1x16xf32>
      tpu.vector_store %arg9[%swap3A_446, %swap3A_447], %swap3A_450 {strides = array<i32>} : memref<16x1024xf32, #tpu.memory_space<vmem>>, vector<1x16xf32>,
      %get3A_451 = arith.index_cast %scan3A_144 : i32 to index
      %get3A_452 = arith.constant 352 : index
      %get3A_453 = tpu.vector_load %arg9[%get3A_451, %get3A_452] {strides = array<i32>} : memref<16x1024xf32, #tpu.memory_space<vmem>>, vector<1x16xf32>,
      %get3A_454 = vector.shape_cast %get3A_453 : vector<1x16xf32> to vector<16xf32>
      %get3A_455 = arith.index_cast %scan3A_144 : i32 to index
      %get3A_456 = arith.constant 352 : index
      %get3A_457 = tpu.vector_load %arg11[%get3A_455, %get3A_456] {strides = array<i32>} : memref<16x1024xf32, #tpu.memory_space<vmem>>, vector<1x16xf32>,
      %get3A_458 = vector.shape_cast %get3A_457 : vector<1x16xf32> to vector<16xf32>
      %add3A_459 = arith.addf %get3A_454, %get3A_458 : vector<16xf32>
      %swap3A_460 = arith.index_cast %scan3A_144 : i32 to index
      %swap3A_461 = arith.constant 352 : index
      %swap3A_462 = tpu.vector_load %arg9[%swap3A_460, %swap3A_461] {strides = array<i32>} : memref<16x1024xf32, #tpu.memory_space<vmem>>, vector<1x16xf32>,
      %swap3A_463 = vector.shape_cast %swap3A_462 : vector<1x16xf32> to vector<16xf32>
      %swap3A_464 = vector.shape_cast %add3A_459 : vector<16xf32> to vector<1x16xf32>
      tpu.vector_store %arg9[%swap3A_460, %swap3A_461], %swap3A_464 {strides = array<i32>} : memref<16x1024xf32, #tpu.memory_space<vmem>>, vector<1x16xf32>,
      %get3A_465 = arith.index_cast %scan3A_144 : i32 to index
      %get3A_466 = arith.constant 368 : index
      %get3A_467 = tpu.vector_load %arg9[%get3A_465, %get3A_466] {strides = array<i32>} : memref<16x1024xf32, #tpu.memory_space<vmem>>, vector<1x16xf32>,
      %get3A_468 = vector.shape_cast %get3A_467 : vector<1x16xf32> to vector<16xf32>
      %get3A_469 = arith.index_cast %scan3A_144 : i32 to index
      %get3A_470 = arith.constant 368 : index
      %get3A_471 = tpu.vector_load %arg11[%get3A_469, %get3A_470] {strides = array<i32>} : memref<16x1024xf32, #tpu.memory_space<vmem>>, vector<1x16xf32>,
      %get3A_472 = vector.shape_cast %get3A_471 : vector<1x16xf32> to vector<16xf32>
      %add3A_473 = arith.addf %get3A_468, %get3A_472 : vector<16xf32>
      %swap3A_474 = arith.index_cast %scan3A_144 : i32 to index
      %swap3A_475 = arith.constant 368 : index
      %swap3A_476 = tpu.vector_load %arg9[%swap3A_474, %swap3A_475] {strides = array<i32>} : memref<16x1024xf32, #tpu.memory_space<vmem>>, vector<1x16xf32>,
      %swap3A_477 = vector.shape_cast %swap3A_476 : vector<1x16xf32> to vector<16xf32>
      %swap3A_478 = vector.shape_cast %add3A_473 : vector<16xf32> to vector<1x16xf32>
      tpu.vector_store %arg9[%swap3A_474, %swap3A_475], %swap3A_478 {strides = array<i32>} : memref<16x1024xf32, #tpu.memory_space<vmem>>, vector<1x16xf32>,
      %get3A_479 = arith.index_cast %scan3A_144 : i32 to index
      %get3A_480 = arith.constant 384 : index
      %get3A_481 = tpu.vector_load %arg9[%get3A_479, %get3A_480] {strides = array<i32>} : memref<16x1024xf32, #tpu.memory_space<vmem>>, vector<1x16xf32>,
      %get3A_482 = vector.shape_cast %get3A_481 : vector<1x16xf32> to vector<16xf32>
      %get3A_483 = arith.index_cast %scan3A_144 : i32 to index
      %get3A_484 = arith.constant 384 : index
      %get3A_485 = tpu.vector_load %arg11[%get3A_483, %get3A_484] {strides = array<i32>} : memref<16x1024xf32, #tpu.memory_space<vmem>>, vector<1x16xf32>,
      %get3A_486 = vector.shape_cast %get3A_485 : vector<1x16xf32> to vector<16xf32>
      %add3A_487 = arith.addf %get3A_482, %get3A_486 : vector<16xf32>
      %swap3A_488 = arith.index_cast %scan3A_144 : i32 to index
      %swap3A_489 = arith.constant 384 : index
      %swap3A_490 = tpu.vector_load %arg9[%swap3A_488, %swap3A_489] {strides = array<i32>} : memref<16x1024xf32, #tpu.memory_space<vmem>>, vector<1x16xf32>,
      %swap3A_491 = vector.shape_cast %swap3A_490 : vector<1x16xf32> to vector<16xf32>
      %swap3A_492 = vector.shape_cast %add3A_487 : vector<16xf32> to vector<1x16xf32>
      tpu.vector_store %arg9[%swap3A_488, %swap3A_489], %swap3A_492 {strides = array<i32>} : memref<16x1024xf32, #tpu.memory_space<vmem>>, vector<1x16xf32>,
      %get3A_493 = arith.index_cast %scan3A_144 : i32 to index
      %get3A_494 = arith.constant 400 : index
      %get3A_495 = tpu.vector_load %arg9[%get3A_493, %get3A_494] {strides = array<i32>} : memref<16x1024xf32, #tpu.memory_space<vmem>>, vector<1x16xf32>,
      %get3A_496 = vector.shape_cast %get3A_495 : vector<1x16xf32> to vector<16xf32>
      %get3A_497 = arith.index_cast %scan3A_144 : i32 to index
      %get3A_498 = arith.constant 400 : index
      %get3A_499 = tpu.vector_load %arg11[%get3A_497, %get3A_498] {strides = array<i32>} : memref<16x1024xf32, #tpu.memory_space<vmem>>, vector<1x16xf32>,
      %get3A_500 = vector.shape_cast %get3A_499 : vector<1x16xf32> to vector<16xf32>
      %add3A_501 = arith.addf %get3A_496, %get3A_500 : vector<16xf32>
      %swap3A_502 = arith.index_cast %scan3A_144 : i32 to index
      %swap3A_503 = arith.constant 400 : index
      %swap3A_504 = tpu.vector_load %arg9[%swap3A_502, %swap3A_503] {strides = array<i32>} : memref<16x1024xf32, #tpu.memory_space<vmem>>, vector<1x16xf32>,
      %swap3A_505 = vector.shape_cast %swap3A_504 : vector<1x16xf32> to vector<16xf32>
      %swap3A_506 = vector.shape_cast %add3A_501 : vector<16xf32> to vector<1x16xf32>
      tpu.vector_store %arg9[%swap3A_502, %swap3A_503], %swap3A_506 {strides = array<i32>} : memref<16x1024xf32, #tpu.memory_space<vmem>>, vector<1x16xf32>,
      %get3A_507 = arith.index_cast %scan3A_144 : i32 to index
      %get3A_508 = arith.constant 416 : index
      %get3A_509 = tpu.vector_load %arg9[%get3A_507, %get3A_508] {strides = array<i32>} : memref<16x1024xf32, #tpu.memory_space<vmem>>, vector<1x16xf32>,
      %get3A_510 = vector.shape_cast %get3A_509 : vector<1x16xf32> to vector<16xf32>
      %get3A_511 = arith.index_cast %scan3A_144 : i32 to index
      %get3A_512 = arith.constant 416 : index
      %get3A_513 = tpu.vector_load %arg11[%get3A_511, %get3A_512] {strides = array<i32>} : memref<16x1024xf32, #tpu.memory_space<vmem>>, vector<1x16xf32>,
      %get3A_514 = vector.shape_cast %get3A_513 : vector<1x16xf32> to vector<16xf32>
      %add3A_515 = arith.addf %get3A_510, %get3A_514 : vector<16xf32>
      %swap3A_516 = arith.index_cast %scan3A_144 : i32 to index
      %swap3A_517 = arith.constant 416 : index
      %swap3A_518 = tpu.vector_load %arg9[%swap3A_516, %swap3A_517] {strides = array<i32>} : memref<16x1024xf32, #tpu.memory_space<vmem>>, vector<1x16xf32>,
      %swap3A_519 = vector.shape_cast %swap3A_518 : vector<1x16xf32> to vector<16xf32>
      %swap3A_520 = vector.shape_cast %add3A_515 : vector<16xf32> to vector<1x16xf32>
      tpu.vector_store %arg9[%swap3A_516, %swap3A_517], %swap3A_520 {strides = array<i32>} : memref<16x1024xf32, #tpu.memory_space<vmem>>, vector<1x16xf32>,
      %get3A_521 = arith.index_cast %scan3A_144 : i32 to index
      %get3A_522 = arith.constant 432 : index
      %get3A_523 = tpu.vector_load %arg9[%get3A_521, %get3A_522] {strides = array<i32>} : memref<16x1024xf32, #tpu.memory_space<vmem>>, vector<1x16xf32>,
      %get3A_524 = vector.shape_cast %get3A_523 : vector<1x16xf32> to vector<16xf32>
      %get3A_525 = arith.index_cast %scan3A_144 : i32 to index
      %get3A_526 = arith.constant 432 : index
      %get3A_527 = tpu.vector_load %arg11[%get3A_525, %get3A_526] {strides = array<i32>} : memref<16x1024xf32, #tpu.memory_space<vmem>>, vector<1x16xf32>,
      %get3A_528 = vector.shape_cast %get3A_527 : vector<1x16xf32> to vector<16xf32>
      %add3A_529 = arith.addf %get3A_524, %get3A_528 : vector<16xf32>
      %swap3A_530 = arith.index_cast %scan3A_144 : i32 to index
      %swap3A_531 = arith.constant 432 : index
      %swap3A_532 = tpu.vector_load %arg9[%swap3A_530, %swap3A_531] {strides = array<i32>} : memref<16x1024xf32, #tpu.memory_space<vmem>>, vector<1x16xf32>,
      %swap3A_533 = vector.shape_cast %swap3A_532 : vector<1x16xf32> to vector<16xf32>
      %swap3A_534 = vector.shape_cast %add3A_529 : vector<16xf32> to vector<1x16xf32>
      tpu.vector_store %arg9[%swap3A_530, %swap3A_531], %swap3A_534 {strides = array<i32>} : memref<16x1024xf32, #tpu.memory_space<vmem>>, vector<1x16xf32>,
      %get3A_535 = arith.index_cast %scan3A_144 : i32 to index
      %get3A_536 = arith.constant 448 : index
      %get3A_537 = tpu.vector_load %arg9[%get3A_535, %get3A_536] {strides = array<i32>} : memref<16x1024xf32, #tpu.memory_space<vmem>>, vector<1x16xf32>,
      %get3A_538 = vector.shape_cast %get3A_537 : vector<1x16xf32> to vector<16xf32>
      %get3A_539 = arith.index_cast %scan3A_144 : i32 to index
      %get3A_540 = arith.constant 448 : index
      %get3A_541 = tpu.vector_load %arg11[%get3A_539, %get3A_540] {strides = array<i32>} : memref<16x1024xf32, #tpu.memory_space<vmem>>, vector<1x16xf32>,
      %get3A_542 = vector.shape_cast %get3A_541 : vector<1x16xf32> to vector<16xf32>
      %add3A_543 = arith.addf %get3A_538, %get3A_542 : vector<16xf32>
      %swap3A_544 = arith.index_cast %scan3A_144 : i32 to index
      %swap3A_545 = arith.constant 448 : index
      %swap3A_546 = tpu.vector_load %arg9[%swap3A_544, %swap3A_545] {strides = array<i32>} : memref<16x1024xf32, #tpu.memory_space<vmem>>, vector<1x16xf32>,
      %swap3A_547 = vector.shape_cast %swap3A_546 : vector<1x16xf32> to vector<16xf32>
      %swap3A_548 = vector.shape_cast %add3A_543 : vector<16xf32> to vector<1x16xf32>
      tpu.vector_store %arg9[%swap3A_544, %swap3A_545], %swap3A_548 {strides = array<i32>} : memref<16x1024xf32, #tpu.memory_space<vmem>>, vector<1x16xf32>,
      %get3A_549 = arith.index_cast %scan3A_144 : i32 to index
      %get3A_550 = arith.constant 464 : index
      %get3A_551 = tpu.vector_load %arg9[%get3A_549, %get3A_550] {strides = array<i32>} : memref<16x1024xf32, #tpu.memory_space<vmem>>, vector<1x16xf32>,
      %get3A_552 = vector.shape_cast %get3A_551 : vector<1x16xf32> to vector<16xf32>
      %get3A_553 = arith.index_cast %scan3A_144 : i32 to index
      %get3A_554 = arith.constant 464 : index
      %get3A_555 = tpu.vector_load %arg11[%get3A_553, %get3A_554] {strides = array<i32>} : memref<16x1024xf32, #tpu.memory_space<vmem>>, vector<1x16xf32>,
      %get3A_556 = vector.shape_cast %get3A_555 : vector<1x16xf32> to vector<16xf32>
      %add3A_557 = arith.addf %get3A_552, %get3A_556 : vector<16xf32>
      %swap3A_558 = arith.index_cast %scan3A_144 : i32 to index
      %swap3A_559 = arith.constant 464 : index
      %swap3A_560 = tpu.vector_load %arg9[%swap3A_558, %swap3A_559] {strides = array<i32>} : memref<16x1024xf32, #tpu.memory_space<vmem>>, vector<1x16xf32>,
      %swap3A_561 = vector.shape_cast %swap3A_560 : vector<1x16xf32> to vector<16xf32>
      %swap3A_562 = vector.shape_cast %add3A_557 : vector<16xf32> to vector<1x16xf32>
      tpu.vector_store %arg9[%swap3A_558, %swap3A_559], %swap3A_562 {strides = array<i32>} : memref<16x1024xf32, #tpu.memory_space<vmem>>, vector<1x16xf32>,
      %get3A_563 = arith.index_cast %scan3A_144 : i32 to index
      %get3A_564 = arith.constant 480 : index
      %get3A_565 = tpu.vector_load %arg9[%get3A_563, %get3A_564] {strides = array<i32>} : memref<16x1024xf32, #tpu.memory_space<vmem>>, vector<1x16xf32>,
      %get3A_566 = vector.shape_cast %get3A_565 : vector<1x16xf32> to vector<16xf32>
      %get3A_567 = arith.index_cast %scan3A_144 : i32 to index
      %get3A_568 = arith.constant 480 : index
      %get3A_569 = tpu.vector_load %arg11[%get3A_567, %get3A_568] {strides = array<i32>} : memref<16x1024xf32, #tpu.memory_space<vmem>>, vector<1x16xf32>,
      %get3A_570 = vector.shape_cast %get3A_569 : vector<1x16xf32> to vector<16xf32>
      %add3A_571 = arith.addf %get3A_566, %get3A_570 : vector<16xf32>
      %swap3A_572 = arith.index_cast %scan3A_144 : i32 to index
      %swap3A_573 = arith.constant 480 : index
      %swap3A_574 = tpu.vector_load %arg9[%swap3A_572, %swap3A_573] {strides = array<i32>} : memref<16x1024xf32, #tpu.memory_space<vmem>>, vector<1x16xf32>,
      %swap3A_575 = vector.shape_cast %swap3A_574 : vector<1x16xf32> to vector<16xf32>
      %swap3A_576 = vector.shape_cast %add3A_571 : vector<16xf32> to vector<1x16xf32>
      tpu.vector_store %arg9[%swap3A_572, %swap3A_573], %swap3A_576 {strides = array<i32>} : memref<16x1024xf32, #tpu.memory_space<vmem>>, vector<1x16xf32>,
      %get3A_577 = arith.index_cast %scan3A_144 : i32 to index
      %get3A_578 = arith.constant 496 : index
      %get3A_579 = tpu.vector_load %arg9[%get3A_577, %get3A_578] {strides = array<i32>} : memref<16x1024xf32, #tpu.memory_space<vmem>>, vector<1x16xf32>,
      %get3A_580 = vector.shape_cast %get3A_579 : vector<1x16xf32> to vector<16xf32>
      %get3A_581 = arith.index_cast %scan3A_144 : i32 to index
      %get3A_582 = arith.constant 496 : index
      %get3A_583 = tpu.vector_load %arg11[%get3A_581, %get3A_582] {strides = array<i32>} : memref<16x1024xf32, #tpu.memory_space<vmem>>, vector<1x16xf32>,
      %get3A_584 = vector.shape_cast %get3A_583 : vector<1x16xf32> to vector<16xf32>
      %add3A_585 = arith.addf %get3A_580, %get3A_584 : vector<16xf32>
      %swap3A_586 = arith.index_cast %scan3A_144 : i32 to index
      %swap3A_587 = arith.constant 496 : index
      %swap3A_588 = tpu.vector_load %arg9[%swap3A_586, %swap3A_587] {strides = array<i32>} : memref<16x1024xf32, #tpu.memory_space<vmem>>, vector<1x16xf32>,
      %swap3A_589 = vector.shape_cast %swap3A_588 : vector<1x16xf32> to vector<16xf32>
      %swap3A_590 = vector.shape_cast %add3A_585 : vector<16xf32> to vector<1x16xf32>
      tpu.vector_store %arg9[%swap3A_586, %swap3A_587], %swap3A_590 {strides = array<i32>} : memref<16x1024xf32, #tpu.memory_space<vmem>>, vector<1x16xf32>,
      %get3A_591 = arith.index_cast %scan3A_144 : i32 to index
      %get3A_592 = arith.constant 512 : index
      %get3A_593 = tpu.vector_load %arg9[%get3A_591, %get3A_592] {strides = array<i32>} : memref<16x1024xf32, #tpu.memory_space<vmem>>, vector<1x16xf32>,
      %get3A_594 = vector.shape_cast %get3A_593 : vector<1x16xf32> to vector<16xf32>
      %get3A_595 = arith.index_cast %scan3A_144 : i32 to index
      %get3A_596 = arith.constant 512 : index
      %get3A_597 = tpu.vector_load %arg11[%get3A_595, %get3A_596] {strides = array<i32>} : memref<16x1024xf32, #tpu.memory_space<vmem>>, vector<1x16xf32>,
      %get3A_598 = vector.shape_cast %get3A_597 : vector<1x16xf32> to vector<16xf32>
      %add3A_599 = arith.addf %get3A_594, %get3A_598 : vector<16xf32>
      %swap3A_600 = arith.index_cast %scan3A_144 : i32 to index
      %swap3A_601 = arith.constant 512 : index
      %swap3A_602 = tpu.vector_load %arg9[%swap3A_600, %swap3A_601] {strides = array<i32>} : memref<16x1024xf32, #tpu.memory_space<vmem>>, vector<1x16xf32>,
      %swap3A_603 = vector.shape_cast %swap3A_602 : vector<1x16xf32> to vector<16xf32>
      %swap3A_604 = vector.shape_cast %add3A_599 : vector<16xf32> to vector<1x16xf32>
      tpu.vector_store %arg9[%swap3A_600, %swap3A_601], %swap3A_604 {strides = array<i32>} : memref<16x1024xf32, #tpu.memory_space<vmem>>, vector<1x16xf32>,
      %get3A_605 = arith.index_cast %scan3A_144 : i32 to index
      %get3A_606 = arith.constant 528 : index
      %get3A_607 = tpu.vector_load %arg9[%get3A_605, %get3A_606] {strides = array<i32>} : memref<16x1024xf32, #tpu.memory_space<vmem>>, vector<1x16xf32>,
      %get3A_608 = vector.shape_cast %get3A_607 : vector<1x16xf32> to vector<16xf32>
      %get3A_609 = arith.index_cast %scan3A_144 : i32 to index
      %get3A_610 = arith.constant 528 : index
      %get3A_611 = tpu.vector_load %arg11[%get3A_609, %get3A_610] {strides = array<i32>} : memref<16x1024xf32, #tpu.memory_space<vmem>>, vector<1x16xf32>,
      %get3A_612 = vector.shape_cast %get3A_611 : vector<1x16xf32> to vector<16xf32>
      %add3A_613 = arith.addf %get3A_608, %get3A_612 : vector<16xf32>
      %swap3A_614 = arith.index_cast %scan3A_144 : i32 to index
      %swap3A_615 = arith.constant 528 : index
      %swap3A_616 = tpu.vector_load %arg9[%swap3A_614, %swap3A_615] {strides = array<i32>} : memref<16x1024xf32, #tpu.memory_space<vmem>>, vector<1x16xf32>,
      %swap3A_617 = vector.shape_cast %swap3A_616 : vector<1x16xf32> to vector<16xf32>
      %swap3A_618 = vector.shape_cast %add3A_613 : vector<16xf32> to vector<1x16xf32>
      tpu.vector_store %arg9[%swap3A_614, %swap3A_615], %swap3A_618 {strides = array<i32>} : memref<16x1024xf32, #tpu.memory_space<vmem>>, vector<1x16xf32>,
      %get3A_619 = arith.index_cast %scan3A_144 : i32 to index
      %get3A_620 = arith.constant 544 : index
      %get3A_621 = tpu.vector_load %arg9[%get3A_619, %get3A_620] {strides = array<i32>} : memref<16x1024xf32, #tpu.memory_space<vmem>>, vector<1x16xf32>,
      %get3A_622 = vector.shape_cast %get3A_621 : vector<1x16xf32> to vector<16xf32>
      %get3A_623 = arith.index_cast %scan3A_144 : i32 to index
      %get3A_624 = arith.constant 544 : index
      %get3A_625 = tpu.vector_load %arg11[%get3A_623, %get3A_624] {strides = array<i32>} : memref<16x1024xf32, #tpu.memory_space<vmem>>, vector<1x16xf32>,
      %get3A_626 = vector.shape_cast %get3A_625 : vector<1x16xf32> to vector<16xf32>
      %add3A_627 = arith.addf %get3A_622, %get3A_626 : vector<16xf32>
      %swap3A_628 = arith.index_cast %scan3A_144 : i32 to index
      %swap3A_629 = arith.constant 544 : index
      %swap3A_630 = tpu.vector_load %arg9[%swap3A_628, %swap3A_629] {strides = array<i32>} : memref<16x1024xf32, #tpu.memory_space<vmem>>, vector<1x16xf32>,
      %swap3A_631 = vector.shape_cast %swap3A_630 : vector<1x16xf32> to vector<16xf32>
      %swap3A_632 = vector.shape_cast %add3A_627 : vector<16xf32> to vector<1x16xf32>
      tpu.vector_store %arg9[%swap3A_628, %swap3A_629], %swap3A_632 {strides = array<i32>} : memref<16x1024xf32, #tpu.memory_space<vmem>>, vector<1x16xf32>,
      %get3A_633 = arith.index_cast %scan3A_144 : i32 to index
      %get3A_634 = arith.constant 560 : index
      %get3A_635 = tpu.vector_load %arg9[%get3A_633, %get3A_634] {strides = array<i32>} : memref<16x1024xf32, #tpu.memory_space<vmem>>, vector<1x16xf32>,
      %get3A_636 = vector.shape_cast %get3A_635 : vector<1x16xf32> to vector<16xf32>
      %get3A_637 = arith.index_cast %scan3A_144 : i32 to index
      %get3A_638 = arith.constant 560 : index
      %get3A_639 = tpu.vector_load %arg11[%get3A_637, %get3A_638] {strides = array<i32>} : memref<16x1024xf32, #tpu.memory_space<vmem>>, vector<1x16xf32>,
      %get3A_640 = vector.shape_cast %get3A_639 : vector<1x16xf32> to vector<16xf32>
      %add3A_641 = arith.addf %get3A_636, %get3A_640 : vector<16xf32>
      %swap3A_642 = arith.index_cast %scan3A_144 : i32 to index
      %swap3A_643 = arith.constant 560 : index
      %swap3A_644 = tpu.vector_load %arg9[%swap3A_642, %swap3A_643] {strides = array<i32>} : memref<16x1024xf32, #tpu.memory_space<vmem>>, vector<1x16xf32>,
      %swap3A_645 = vector.shape_cast %swap3A_644 : vector<1x16xf32> to vector<16xf32>
      %swap3A_646 = vector.shape_cast %add3A_641 : vector<16xf32> to vector<1x16xf32>
      tpu.vector_store %arg9[%swap3A_642, %swap3A_643], %swap3A_646 {strides = array<i32>} : memref<16x1024xf32, #tpu.memory_space<vmem>>, vector<1x16xf32>,
      %get3A_647 = arith.index_cast %scan3A_144 : i32 to index
      %get3A_648 = arith.constant 576 : index
      %get3A_649 = tpu.vector_load %arg9[%get3A_647, %get3A_648] {strides = array<i32>} : memref<16x1024xf32, #tpu.memory_space<vmem>>, vector<1x16xf32>,
      %get3A_650 = vector.shape_cast %get3A_649 : vector<1x16xf32> to vector<16xf32>
      %get3A_651 = arith.index_cast %scan3A_144 : i32 to index
      %get3A_652 = arith.constant 576 : index
      %get3A_653 = tpu.vector_load %arg11[%get3A_651, %get3A_652] {strides = array<i32>} : memref<16x1024xf32, #tpu.memory_space<vmem>>, vector<1x16xf32>,
      %get3A_654 = vector.shape_cast %get3A_653 : vector<1x16xf32> to vector<16xf32>
      %add3A_655 = arith.addf %get3A_650, %get3A_654 : vector<16xf32>
      %swap3A_656 = arith.index_cast %scan3A_144 : i32 to index
      %swap3A_657 = arith.constant 576 : index
      %swap3A_658 = tpu.vector_load %arg9[%swap3A_656, %swap3A_657] {strides = array<i32>} : memref<16x1024xf32, #tpu.memory_space<vmem>>, vector<1x16xf32>,
      %swap3A_659 = vector.shape_cast %swap3A_658 : vector<1x16xf32> to vector<16xf32>
      %swap3A_660 = vector.shape_cast %add3A_655 : vector<16xf32> to vector<1x16xf32>
      tpu.vector_store %arg9[%swap3A_656, %swap3A_657], %swap3A_660 {strides = array<i32>} : memref<16x1024xf32, #tpu.memory_space<vmem>>, vector<1x16xf32>,
      %get3A_661 = arith.index_cast %scan3A_144 : i32 to index
      %get3A_662 = arith.constant 592 : index
      %get3A_663 = tpu.vector_load %arg9[%get3A_661, %get3A_662] {strides = array<i32>} : memref<16x1024xf32, #tpu.memory_space<vmem>>, vector<1x16xf32>,
      %get3A_664 = vector.shape_cast %get3A_663 : vector<1x16xf32> to vector<16xf32>
      %get3A_665 = arith.index_cast %scan3A_144 : i32 to index
      %get3A_666 = arith.constant 592 : index
      %get3A_667 = tpu.vector_load %arg11[%get3A_665, %get3A_666] {strides = array<i32>} : memref<16x1024xf32, #tpu.memory_space<vmem>>, vector<1x16xf32>,
      %get3A_668 = vector.shape_cast %get3A_667 : vector<1x16xf32> to vector<16xf32>
      %add3A_669 = arith.addf %get3A_664, %get3A_668 : vector<16xf32>
      %swap3A_670 = arith.index_cast %scan3A_144 : i32 to index
      %swap3A_671 = arith.constant 592 : index
      %swap3A_672 = tpu.vector_load %arg9[%swap3A_670, %swap3A_671] {strides = array<i32>} : memref<16x1024xf32, #tpu.memory_space<vmem>>, vector<1x16xf32>,
      %swap3A_673 = vector.shape_cast %swap3A_672 : vector<1x16xf32> to vector<16xf32>
      %swap3A_674 = vector.shape_cast %add3A_669 : vector<16xf32> to vector<1x16xf32>
      tpu.vector_store %arg9[%swap3A_670, %swap3A_671], %swap3A_674 {strides = array<i32>} : memref<16x1024xf32, #tpu.memory_space<vmem>>, vector<1x16xf32>,
      %get3A_675 = arith.index_cast %scan3A_144 : i32 to index
      %get3A_676 = arith.constant 608 : index
      %get3A_677 = tpu.vector_load %arg9[%get3A_675, %get3A_676] {strides = array<i32>} : memref<16x1024xf32, #tpu.memory_space<vmem>>, vector<1x16xf32>,
      %get3A_678 = vector.shape_cast %get3A_677 : vector<1x16xf32> to vector<16xf32>
      %get3A_679 = arith.index_cast %scan3A_144 : i32 to index
      %get3A_680 = arith.constant 608 : index
      %get3A_681 = tpu.vector_load %arg11[%get3A_679, %get3A_680] {strides = array<i32>} : memref<16x1024xf32, #tpu.memory_space<vmem>>, vector<1x16xf32>,
      %get3A_682 = vector.shape_cast %get3A_681 : vector<1x16xf32> to vector<16xf32>
      %add3A_683 = arith.addf %get3A_678, %get3A_682 : vector<16xf32>
      %swap3A_684 = arith.index_cast %scan3A_144 : i32 to index
      %swap3A_685 = arith.constant 608 : index
      %swap3A_686 = tpu.vector_load %arg9[%swap3A_684, %swap3A_685] {strides = array<i32>} : memref<16x1024xf32, #tpu.memory_space<vmem>>, vector<1x16xf32>,
      %swap3A_687 = vector.shape_cast %swap3A_686 : vector<1x16xf32> to vector<16xf32>
      %swap3A_688 = vector.shape_cast %add3A_683 : vector<16xf32> to vector<1x16xf32>
      tpu.vector_store %arg9[%swap3A_684, %swap3A_685], %swap3A_688 {strides = array<i32>} : memref<16x1024xf32, #tpu.memory_space<vmem>>, vector<1x16xf32>,
      %get3A_689 = arith.index_cast %scan3A_144 : i32 to index
      %get3A_690 = arith.constant 624 : index
      %get3A_691 = tpu.vector_load %arg9[%get3A_689, %get3A_690] {strides = array<i32>} : memref<16x1024xf32, #tpu.memory_space<vmem>>, vector<1x16xf32>,
      %get3A_692 = vector.shape_cast %get3A_691 : vector<1x16xf32> to vector<16xf32>
      %get3A_693 = arith.index_cast %scan3A_144 : i32 to index
      %get3A_694 = arith.constant 624 : index
      %get3A_695 = tpu.vector_load %arg11[%get3A_693, %get3A_694] {strides = array<i32>} : memref<16x1024xf32, #tpu.memory_space<vmem>>, vector<1x16xf32>,
      %get3A_696 = vector.shape_cast %get3A_695 : vector<1x16xf32> to vector<16xf32>
      %add3A_697 = arith.addf %get3A_692, %get3A_696 : vector<16xf32>
      %swap3A_698 = arith.index_cast %scan3A_144 : i32 to index
      %swap3A_699 = arith.constant 624 : index
      %swap3A_700 = tpu.vector_load %arg9[%swap3A_698, %swap3A_699] {strides = array<i32>} : memref<16x1024xf32, #tpu.memory_space<vmem>>, vector<1x16xf32>,
      %swap3A_701 = vector.shape_cast %swap3A_700 : vector<1x16xf32> to vector<16xf32>
      %swap3A_702 = vector.shape_cast %add3A_697 : vector<16xf32> to vector<1x16xf32>
      tpu.vector_store %arg9[%swap3A_698, %swap3A_699], %swap3A_702 {strides = array<i32>} : memref<16x1024xf32, #tpu.memory_space<vmem>>, vector<1x16xf32>,
      %get3A_703 = arith.index_cast %scan3A_144 : i32 to index
      %get3A_704 = arith.constant 640 : index
      %get3A_705 = tpu.vector_load %arg9[%get3A_703, %get3A_704] {strides = array<i32>} : memref<16x1024xf32, #tpu.memory_space<vmem>>, vector<1x16xf32>,
      %get3A_706 = vector.shape_cast %get3A_705 : vector<1x16xf32> to vector<16xf32>
      %get3A_707 = arith.index_cast %scan3A_144 : i32 to index
      %get3A_708 = arith.constant 640 : index
      %get3A_709 = tpu.vector_load %arg11[%get3A_707, %get3A_708] {strides = array<i32>} : memref<16x1024xf32, #tpu.memory_space<vmem>>, vector<1x16xf32>,
      %get3A_710 = vector.shape_cast %get3A_709 : vector<1x16xf32> to vector<16xf32>
      %add3A_711 = arith.addf %get3A_706, %get3A_710 : vector<16xf32>
      %swap3A_712 = arith.index_cast %scan3A_144 : i32 to index
      %swap3A_713 = arith.constant 640 : index
      %swap3A_714 = tpu.vector_load %arg9[%swap3A_712, %swap3A_713] {strides = array<i32>} : memref<16x1024xf32, #tpu.memory_space<vmem>>, vector<1x16xf32>,
      %swap3A_715 = vector.shape_cast %swap3A_714 : vector<1x16xf32> to vector<16xf32>
      %swap3A_716 = vector.shape_cast %add3A_711 : vector<16xf32> to vector<1x16xf32>
      tpu.vector_store %arg9[%swap3A_712, %swap3A_713], %swap3A_716 {strides = array<i32>} : memref<16x1024xf32, #tpu.memory_space<vmem>>, vector<1x16xf32>,
      %get3A_717 = arith.index_cast %scan3A_144 : i32 to index
      %get3A_718 = arith.constant 656 : index
      %get3A_719 = tpu.vector_load %arg9[%get3A_717, %get3A_718] {strides = array<i32>} : memref<16x1024xf32, #tpu.memory_space<vmem>>, vector<1x16xf32>,
      %get3A_720 = vector.shape_cast %get3A_719 : vector<1x16xf32> to vector<16xf32>
      %get3A_721 = arith.index_cast %scan3A_144 : i32 to index
      %get3A_722 = arith.constant 656 : index
      %get3A_723 = tpu.vector_load %arg11[%get3A_721, %get3A_722] {strides = array<i32>} : memref<16x1024xf32, #tpu.memory_space<vmem>>, vector<1x16xf32>,
      %get3A_724 = vector.shape_cast %get3A_723 : vector<1x16xf32> to vector<16xf32>
      %add3A_725 = arith.addf %get3A_720, %get3A_724 : vector<16xf32>
      %swap3A_726 = arith.index_cast %scan3A_144 : i32 to index
      %swap3A_727 = arith.constant 656 : index
      %swap3A_728 = tpu.vector_load %arg9[%swap3A_726, %swap3A_727] {strides = array<i32>} : memref<16x1024xf32, #tpu.memory_space<vmem>>, vector<1x16xf32>,
      %swap3A_729 = vector.shape_cast %swap3A_728 : vector<1x16xf32> to vector<16xf32>
      %swap3A_730 = vector.shape_cast %add3A_725 : vector<16xf32> to vector<1x16xf32>
      tpu.vector_store %arg9[%swap3A_726, %swap3A_727], %swap3A_730 {strides = array<i32>} : memref<16x1024xf32, #tpu.memory_space<vmem>>, vector<1x16xf32>,
      %get3A_731 = arith.index_cast %scan3A_144 : i32 to index
      %get3A_732 = arith.constant 672 : index
      %get3A_733 = tpu.vector_load %arg9[%get3A_731, %get3A_732] {strides = array<i32>} : memref<16x1024xf32, #tpu.memory_space<vmem>>, vector<1x16xf32>,
      %get3A_734 = vector.shape_cast %get3A_733 : vector<1x16xf32> to vector<16xf32>
      %get3A_735 = arith.index_cast %scan3A_144 : i32 to index
      %get3A_736 = arith.constant 672 : index
      %get3A_737 = tpu.vector_load %arg11[%get3A_735, %get3A_736] {strides = array<i32>} : memref<16x1024xf32, #tpu.memory_space<vmem>>, vector<1x16xf32>,
      %get3A_738 = vector.shape_cast %get3A_737 : vector<1x16xf32> to vector<16xf32>
      %add3A_739 = arith.addf %get3A_734, %get3A_738 : vector<16xf32>
      %swap3A_740 = arith.index_cast %scan3A_144 : i32 to index
      %swap3A_741 = arith.constant 672 : index
      %swap3A_742 = tpu.vector_load %arg9[%swap3A_740, %swap3A_741] {strides = array<i32>} : memref<16x1024xf32, #tpu.memory_space<vmem>>, vector<1x16xf32>,
      %swap3A_743 = vector.shape_cast %swap3A_742 : vector<1x16xf32> to vector<16xf32>
      %swap3A_744 = vector.shape_cast %add3A_739 : vector<16xf32> to vector<1x16xf32>
      tpu.vector_store %arg9[%swap3A_740, %swap3A_741], %swap3A_744 {strides = array<i32>} : memref<16x1024xf32, #tpu.memory_space<vmem>>, vector<1x16xf32>,
      %get3A_745 = arith.index_cast %scan3A_144 : i32 to index
      %get3A_746 = arith.constant 688 : index
      %get3A_747 = tpu.vector_load %arg9[%get3A_745, %get3A_746] {strides = array<i32>} : memref<16x1024xf32, #tpu.memory_space<vmem>>, vector<1x16xf32>,
      %get3A_748 = vector.shape_cast %get3A_747 : vector<1x16xf32> to vector<16xf32>
      %get3A_749 = arith.index_cast %scan3A_144 : i32 to index
      %get3A_750 = arith.constant 688 : index
      %get3A_751 = tpu.vector_load %arg11[%get3A_749, %get3A_750] {strides = array<i32>} : memref<16x1024xf32, #tpu.memory_space<vmem>>, vector<1x16xf32>,
      %get3A_752 = vector.shape_cast %get3A_751 : vector<1x16xf32> to vector<16xf32>
      %add3A_753 = arith.addf %get3A_748, %get3A_752 : vector<16xf32>
      %swap3A_754 = arith.index_cast %scan3A_144 : i32 to index
      %swap3A_755 = arith.constant 688 : index
      %swap3A_756 = tpu.vector_load %arg9[%swap3A_754, %swap3A_755] {strides = array<i32>} : memref<16x1024xf32, #tpu.memory_space<vmem>>, vector<1x16xf32>,
      %swap3A_757 = vector.shape_cast %swap3A_756 : vector<1x16xf32> to vector<16xf32>
      %swap3A_758 = vector.shape_cast %add3A_753 : vector<16xf32> to vector<1x16xf32>
      tpu.vector_store %arg9[%swap3A_754, %swap3A_755], %swap3A_758 {strides = array<i32>} : memref<16x1024xf32, #tpu.memory_space<vmem>>, vector<1x16xf32>,
      %get3A_759 = arith.index_cast %scan3A_144 : i32 to index
      %get3A_760 = arith.constant 704 : index
      %get3A_761 = tpu.vector_load %arg9[%get3A_759, %get3A_760] {strides = array<i32>} : memref<16x1024xf32, #tpu.memory_space<vmem>>, vector<1x16xf32>,
      %get3A_762 = vector.shape_cast %get3A_761 : vector<1x16xf32> to vector<16xf32>
      %get3A_763 = arith.index_cast %scan3A_144 : i32 to index
      %get3A_764 = arith.constant 704 : index
      %get3A_765 = tpu.vector_load %arg11[%get3A_763, %get3A_764] {strides = array<i32>} : memref<16x1024xf32, #tpu.memory_space<vmem>>, vector<1x16xf32>,
      %get3A_766 = vector.shape_cast %get3A_765 : vector<1x16xf32> to vector<16xf32>
      %add3A_767 = arith.addf %get3A_762, %get3A_766 : vector<16xf32>
      %swap3A_768 = arith.index_cast %scan3A_144 : i32 to index
      %swap3A_769 = arith.constant 704 : index
      %swap3A_770 = tpu.vector_load %arg9[%swap3A_768, %swap3A_769] {strides = array<i32>} : memref<16x1024xf32, #tpu.memory_space<vmem>>, vector<1x16xf32>,
      %swap3A_771 = vector.shape_cast %swap3A_770 : vector<1x16xf32> to vector<16xf32>
      %swap3A_772 = vector.shape_cast %add3A_767 : vector<16xf32> to vector<1x16xf32>
      tpu.vector_store %arg9[%swap3A_768, %swap3A_769], %swap3A_772 {strides = array<i32>} : memref<16x1024xf32, #tpu.memory_space<vmem>>, vector<1x16xf32>,
      %get3A_773 = arith.index_cast %scan3A_144 : i32 to index
      %get3A_774 = arith.constant 720 : index
      %get3A_775 = tpu.vector_load %arg9[%get3A_773, %get3A_774] {strides = array<i32>} : memref<16x1024xf32, #tpu.memory_space<vmem>>, vector<1x16xf32>,
      %get3A_776 = vector.shape_cast %get3A_775 : vector<1x16xf32> to vector<16xf32>
      %get3A_777 = arith.index_cast %scan3A_144 : i32 to index
      %get3A_778 = arith.constant 720 : index
      %get3A_779 = tpu.vector_load %arg11[%get3A_777, %get3A_778] {strides = array<i32>} : memref<16x1024xf32, #tpu.memory_space<vmem>>, vector<1x16xf32>,
      %get3A_780 = vector.shape_cast %get3A_779 : vector<1x16xf32> to vector<16xf32>
      %add3A_781 = arith.addf %get3A_776, %get3A_780 : vector<16xf32>
      %swap3A_782 = arith.index_cast %scan3A_144 : i32 to index
      %swap3A_783 = arith.constant 720 : index
      %swap3A_784 = tpu.vector_load %arg9[%swap3A_782, %swap3A_783] {strides = array<i32>} : memref<16x1024xf32, #tpu.memory_space<vmem>>, vector<1x16xf32>,
      %swap3A_785 = vector.shape_cast %swap3A_784 : vector<1x16xf32> to vector<16xf32>
      %swap3A_786 = vector.shape_cast %add3A_781 : vector<16xf32> to vector<1x16xf32>
      tpu.vector_store %arg9[%swap3A_782, %swap3A_783], %swap3A_786 {strides = array<i32>} : memref<16x1024xf32, #tpu.memory_space<vmem>>, vector<1x16xf32>,
      %get3A_787 = arith.index_cast %scan3A_144 : i32 to index
      %get3A_788 = arith.constant 736 : index
      %get3A_789 = tpu.vector_load %arg9[%get3A_787, %get3A_788] {strides = array<i32>} : memref<16x1024xf32, #tpu.memory_space<vmem>>, vector<1x16xf32>,
      %get3A_790 = vector.shape_cast %get3A_789 : vector<1x16xf32> to vector<16xf32>
      %get3A_791 = arith.index_cast %scan3A_144 : i32 to index
      %get3A_792 = arith.constant 736 : index
      %get3A_793 = tpu.vector_load %arg11[%get3A_791, %get3A_792] {strides = array<i32>} : memref<16x1024xf32, #tpu.memory_space<vmem>>, vector<1x16xf32>,
      %get3A_794 = vector.shape_cast %get3A_793 : vector<1x16xf32> to vector<16xf32>
      %add3A_795 = arith.addf %get3A_790, %get3A_794 : vector<16xf32>
      %swap3A_796 = arith.index_cast %scan3A_144 : i32 to index
      %swap3A_797 = arith.constant 736 : index
      %swap3A_798 = tpu.vector_load %arg9[%swap3A_796, %swap3A_797] {strides = array<i32>} : memref<16x1024xf32, #tpu.memory_space<vmem>>, vector<1x16xf32>,
      %swap3A_799 = vector.shape_cast %swap3A_798 : vector<1x16xf32> to vector<16xf32>
      %swap3A_800 = vector.shape_cast %add3A_795 : vector<16xf32> to vector<1x16xf32>
      tpu.vector_store %arg9[%swap3A_796, %swap3A_797], %swap3A_800 {strides = array<i32>} : memref<16x1024xf32, #tpu.memory_space<vmem>>, vector<1x16xf32>,
      %get3A_801 = arith.index_cast %scan3A_144 : i32 to index
      %get3A_802 = arith.constant 752 : index
      %get3A_803 = tpu.vector_load %arg9[%get3A_801, %get3A_802] {strides = array<i32>} : memref<16x1024xf32, #tpu.memory_space<vmem>>, vector<1x16xf32>,
      %get3A_804 = vector.shape_cast %get3A_803 : vector<1x16xf32> to vector<16xf32>
      %get3A_805 = arith.index_cast %scan3A_144 : i32 to index
      %get3A_806 = arith.constant 752 : index
      %get3A_807 = tpu.vector_load %arg11[%get3A_805, %get3A_806] {strides = array<i32>} : memref<16x1024xf32, #tpu.memory_space<vmem>>, vector<1x16xf32>,
      %get3A_808 = vector.shape_cast %get3A_807 : vector<1x16xf32> to vector<16xf32>
      %add3A_809 = arith.addf %get3A_804, %get3A_808 : vector<16xf32>
      %swap3A_810 = arith.index_cast %scan3A_144 : i32 to index
      %swap3A_811 = arith.constant 752 : index
      %swap3A_812 = tpu.vector_load %arg9[%swap3A_810, %swap3A_811] {strides = array<i32>} : memref<16x1024xf32, #tpu.memory_space<vmem>>, vector<1x16xf32>,
      %swap3A_813 = vector.shape_cast %swap3A_812 : vector<1x16xf32> to vector<16xf32>
      %swap3A_814 = vector.shape_cast %add3A_809 : vector<16xf32> to vector<1x16xf32>
      tpu.vector_store %arg9[%swap3A_810, %swap3A_811], %swap3A_814 {strides = array<i32>} : memref<16x1024xf32, #tpu.memory_space<vmem>>, vector<1x16xf32>,
      %get3A_815 = arith.index_cast %scan3A_144 : i32 to index
      %get3A_816 = arith.constant 768 : index
      %get3A_817 = tpu.vector_load %arg9[%get3A_815, %get3A_816] {strides = array<i32>} : memref<16x1024xf32, #tpu.memory_space<vmem>>, vector<1x16xf32>,
      %get3A_818 = vector.shape_cast %get3A_817 : vector<1x16xf32> to vector<16xf32>
      %get3A_819 = arith.index_cast %scan3A_144 : i32 to index
      %get3A_820 = arith.constant 768 : index
      %get3A_821 = tpu.vector_load %arg11[%get3A_819, %get3A_820] {strides = array<i32>} : memref<16x1024xf32, #tpu.memory_space<vmem>>, vector<1x16xf32>,
      %get3A_822 = vector.shape_cast %get3A_821 : vector<1x16xf32> to vector<16xf32>
      %add3A_823 = arith.addf %get3A_818, %get3A_822 : vector<16xf32>
      %swap3A_824 = arith.index_cast %scan3A_144 : i32 to index
      %swap3A_825 = arith.constant 768 : index
      %swap3A_826 = tpu.vector_load %arg9[%swap3A_824, %swap3A_825] {strides = array<i32>} : memref<16x1024xf32, #tpu.memory_space<vmem>>, vector<1x16xf32>,
      %swap3A_827 = vector.shape_cast %swap3A_826 : vector<1x16xf32> to vector<16xf32>
      %swap3A_828 = vector.shape_cast %add3A_823 : vector<16xf32> to vector<1x16xf32>
      tpu.vector_store %arg9[%swap3A_824, %swap3A_825], %swap3A_828 {strides = array<i32>} : memref<16x1024xf32, #tpu.memory_space<vmem>>, vector<1x16xf32>,
      %get3A_829 = arith.index_cast %scan3A_144 : i32 to index
      %get3A_830 = arith.constant 784 : index
      %get3A_831 = tpu.vector_load %arg9[%get3A_829, %get3A_830] {strides = array<i32>} : memref<16x1024xf32, #tpu.memory_space<vmem>>, vector<1x16xf32>,
      %get3A_832 = vector.shape_cast %get3A_831 : vector<1x16xf32> to vector<16xf32>
      %get3A_833 = arith.index_cast %scan3A_144 : i32 to index
      %get3A_834 = arith.constant 784 : index
      %get3A_835 = tpu.vector_load %arg11[%get3A_833, %get3A_834] {strides = array<i32>} : memref<16x1024xf32, #tpu.memory_space<vmem>>, vector<1x16xf32>,
      %get3A_836 = vector.shape_cast %get3A_835 : vector<1x16xf32> to vector<16xf32>
      %add3A_837 = arith.addf %get3A_832, %get3A_836 : vector<16xf32>
      %swap3A_838 = arith.index_cast %scan3A_144 : i32 to index
      %swap3A_839 = arith.constant 784 : index
      %swap3A_840 = tpu.vector_load %arg9[%swap3A_838, %swap3A_839] {strides = array<i32>} : memref<16x1024xf32, #tpu.memory_space<vmem>>, vector<1x16xf32>,
      %swap3A_841 = vector.shape_cast %swap3A_840 : vector<1x16xf32> to vector<16xf32>
      %swap3A_842 = vector.shape_cast %add3A_837 : vector<16xf32> to vector<1x16xf32>
      tpu.vector_store %arg9[%swap3A_838, %swap3A_839], %swap3A_842 {strides = array<i32>} : memref<16x1024xf32, #tpu.memory_space<vmem>>, vector<1x16xf32>,
      %get3A_843 = arith.index_cast %scan3A_144 : i32 to index
      %get3A_844 = arith.constant 800 : index
      %get3A_845 = tpu.vector_load %arg9[%get3A_843, %get3A_844] {strides = array<i32>} : memref<16x1024xf32, #tpu.memory_space<vmem>>, vector<1x16xf32>,
      %get3A_846 = vector.shape_cast %get3A_845 : vector<1x16xf32> to vector<16xf32>
      %get3A_847 = arith.index_cast %scan3A_144 : i32 to index
      %get3A_848 = arith.constant 800 : index
      %get3A_849 = tpu.vector_load %arg11[%get3A_847, %get3A_848] {strides = array<i32>} : memref<16x1024xf32, #tpu.memory_space<vmem>>, vector<1x16xf32>,
      %get3A_850 = vector.shape_cast %get3A_849 : vector<1x16xf32> to vector<16xf32>
      %add3A_851 = arith.addf %get3A_846, %get3A_850 : vector<16xf32>
      %swap3A_852 = arith.index_cast %scan3A_144 : i32 to index
      %swap3A_853 = arith.constant 800 : index
      %swap3A_854 = tpu.vector_load %arg9[%swap3A_852, %swap3A_853] {strides = array<i32>} : memref<16x1024xf32, #tpu.memory_space<vmem>>, vector<1x16xf32>,
      %swap3A_855 = vector.shape_cast %swap3A_854 : vector<1x16xf32> to vector<16xf32>
      %swap3A_856 = vector.shape_cast %add3A_851 : vector<16xf32> to vector<1x16xf32>
      tpu.vector_store %arg9[%swap3A_852, %swap3A_853], %swap3A_856 {strides = array<i32>} : memref<16x1024xf32, #tpu.memory_space<vmem>>, vector<1x16xf32>,
      %get3A_857 = arith.index_cast %scan3A_144 : i32 to index
      %get3A_858 = arith.constant 816 : index
      %get3A_859 = tpu.vector_load %arg9[%get3A_857, %get3A_858] {strides = array<i32>} : memref<16x1024xf32, #tpu.memory_space<vmem>>, vector<1x16xf32>,
      %get3A_860 = vector.shape_cast %get3A_859 : vector<1x16xf32> to vector<16xf32>
      %get3A_861 = arith.index_cast %scan3A_144 : i32 to index
      %get3A_862 = arith.constant 816 : index
      %get3A_863 = tpu.vector_load %arg11[%get3A_861, %get3A_862] {strides = array<i32>} : memref<16x1024xf32, #tpu.memory_space<vmem>>, vector<1x16xf32>,
      %get3A_864 = vector.shape_cast %get3A_863 : vector<1x16xf32> to vector<16xf32>
      %add3A_865 = arith.addf %get3A_860, %get3A_864 : vector<16xf32>
      %swap3A_866 = arith.index_cast %scan3A_144 : i32 to index
      %swap3A_867 = arith.constant 816 : index
      %swap3A_868 = tpu.vector_load %arg9[%swap3A_866, %swap3A_867] {strides = array<i32>} : memref<16x1024xf32, #tpu.memory_space<vmem>>, vector<1x16xf32>,
      %swap3A_869 = vector.shape_cast %swap3A_868 : vector<1x16xf32> to vector<16xf32>
      %swap3A_870 = vector.shape_cast %add3A_865 : vector<16xf32> to vector<1x16xf32>
      tpu.vector_store %arg9[%swap3A_866, %swap3A_867], %swap3A_870 {strides = array<i32>} : memref<16x1024xf32, #tpu.memory_space<vmem>>, vector<1x16xf32>,
      %get3A_871 = arith.index_cast %scan3A_144 : i32 to index
      %get3A_872 = arith.constant 832 : index
      %get3A_873 = tpu.vector_load %arg9[%get3A_871, %get3A_872] {strides = array<i32>} : memref<16x1024xf32, #tpu.memory_space<vmem>>, vector<1x16xf32>,
      %get3A_874 = vector.shape_cast %get3A_873 : vector<1x16xf32> to vector<16xf32>
      %get3A_875 = arith.index_cast %scan3A_144 : i32 to index
      %get3A_876 = arith.constant 832 : index
      %get3A_877 = tpu.vector_load %arg11[%get3A_875, %get3A_876] {strides = array<i32>} : memref<16x1024xf32, #tpu.memory_space<vmem>>, vector<1x16xf32>,
      %get3A_878 = vector.shape_cast %get3A_877 : vector<1x16xf32> to vector<16xf32>
      %add3A_879 = arith.addf %get3A_874, %get3A_878 : vector<16xf32>
      %swap3A_880 = arith.index_cast %scan3A_144 : i32 to index
      %swap3A_881 = arith.constant 832 : index
      %swap3A_882 = tpu.vector_load %arg9[%swap3A_880, %swap3A_881] {strides = array<i32>} : memref<16x1024xf32, #tpu.memory_space<vmem>>, vector<1x16xf32>,
      %swap3A_883 = vector.shape_cast %swap3A_882 : vector<1x16xf32> to vector<16xf32>
      %swap3A_884 = vector.shape_cast %add3A_879 : vector<16xf32> to vector<1x16xf32>
      tpu.vector_store %arg9[%swap3A_880, %swap3A_881], %swap3A_884 {strides = array<i32>} : memref<16x1024xf32, #tpu.memory_space<vmem>>, vector<1x16xf32>,
      %get3A_885 = arith.index_cast %scan3A_144 : i32 to index
      %get3A_886 = arith.constant 848 : index
      %get3A_887 = tpu.vector_load %arg9[%get3A_885, %get3A_886] {strides = array<i32>} : memref<16x1024xf32, #tpu.memory_space<vmem>>, vector<1x16xf32>,
      %get3A_888 = vector.shape_cast %get3A_887 : vector<1x16xf32> to vector<16xf32>
      %get3A_889 = arith.index_cast %scan3A_144 : i32 to index
      %get3A_890 = arith.constant 848 : index
      %get3A_891 = tpu.vector_load %arg11[%get3A_889, %get3A_890] {strides = array<i32>} : memref<16x1024xf32, #tpu.memory_space<vmem>>, vector<1x16xf32>,
      %get3A_892 = vector.shape_cast %get3A_891 : vector<1x16xf32> to vector<16xf32>
      %add3A_893 = arith.addf %get3A_888, %get3A_892 : vector<16xf32>
      %swap3A_894 = arith.index_cast %scan3A_144 : i32 to index
      %swap3A_895 = arith.constant 848 : index
      %swap3A_896 = tpu.vector_load %arg9[%swap3A_894, %swap3A_895] {strides = array<i32>} : memref<16x1024xf32, #tpu.memory_space<vmem>>, vector<1x16xf32>,
      %swap3A_897 = vector.shape_cast %swap3A_896 : vector<1x16xf32> to vector<16xf32>
      %swap3A_898 = vector.shape_cast %add3A_893 : vector<16xf32> to vector<1x16xf32>
      tpu.vector_store %arg9[%swap3A_894, %swap3A_895], %swap3A_898 {strides = array<i32>} : memref<16x1024xf32, #tpu.memory_space<vmem>>, vector<1x16xf32>,
      %get3A_899 = arith.index_cast %scan3A_144 : i32 to index
      %get3A_900 = arith.constant 864 : index
      %get3A_901 = tpu.vector_load %arg9[%get3A_899, %get3A_900] {strides = array<i32>} : memref<16x1024xf32, #tpu.memory_space<vmem>>, vector<1x16xf32>,
      %get3A_902 = vector.shape_cast %get3A_901 : vector<1x16xf32> to vector<16xf32>
      %get3A_903 = arith.index_cast %scan3A_144 : i32 to index
      %get3A_904 = arith.constant 864 : index
      %get3A_905 = tpu.vector_load %arg11[%get3A_903, %get3A_904] {strides = array<i32>} : memref<16x1024xf32, #tpu.memory_space<vmem>>, vector<1x16xf32>,
      %get3A_906 = vector.shape_cast %get3A_905 : vector<1x16xf32> to vector<16xf32>
      %add3A_907 = arith.addf %get3A_902, %get3A_906 : vector<16xf32>
      %swap3A_908 = arith.index_cast %scan3A_144 : i32 to index
      %swap3A_909 = arith.constant 864 : index
      %swap3A_910 = tpu.vector_load %arg9[%swap3A_908, %swap3A_909] {strides = array<i32>} : memref<16x1024xf32, #tpu.memory_space<vmem>>, vector<1x16xf32>,
      %swap3A_911 = vector.shape_cast %swap3A_910 : vector<1x16xf32> to vector<16xf32>
      %swap3A_912 = vector.shape_cast %add3A_907 : vector<16xf32> to vector<1x16xf32>
      tpu.vector_store %arg9[%swap3A_908, %swap3A_909], %swap3A_912 {strides = array<i32>} : memref<16x1024xf32, #tpu.memory_space<vmem>>, vector<1x16xf32>,
      %get3A_913 = arith.index_cast %scan3A_144 : i32 to index
      %get3A_914 = arith.constant 880 : index
      %get3A_915 = tpu.vector_load %arg9[%get3A_913, %get3A_914] {strides = array<i32>} : memref<16x1024xf32, #tpu.memory_space<vmem>>, vector<1x16xf32>,
      %get3A_916 = vector.shape_cast %get3A_915 : vector<1x16xf32> to vector<16xf32>
      %get3A_917 = arith.index_cast %scan3A_144 : i32 to index
      %get3A_918 = arith.constant 880 : index
      %get3A_919 = tpu.vector_load %arg11[%get3A_917, %get3A_918] {strides = array<i32>} : memref<16x1024xf32, #tpu.memory_space<vmem>>, vector<1x16xf32>,
      %get3A_920 = vector.shape_cast %get3A_919 : vector<1x16xf32> to vector<16xf32>
      %add3A_921 = arith.addf %get3A_916, %get3A_920 : vector<16xf32>
      %swap3A_922 = arith.index_cast %scan3A_144 : i32 to index
      %swap3A_923 = arith.constant 880 : index
      %swap3A_924 = tpu.vector_load %arg9[%swap3A_922, %swap3A_923] {strides = array<i32>} : memref<16x1024xf32, #tpu.memory_space<vmem>>, vector<1x16xf32>,
      %swap3A_925 = vector.shape_cast %swap3A_924 : vector<1x16xf32> to vector<16xf32>
      %swap3A_926 = vector.shape_cast %add3A_921 : vector<16xf32> to vector<1x16xf32>
      tpu.vector_store %arg9[%swap3A_922, %swap3A_923], %swap3A_926 {strides = array<i32>} : memref<16x1024xf32, #tpu.memory_space<vmem>>, vector<1x16xf32>,
      %get3A_927 = arith.index_cast %scan3A_144 : i32 to index
      %get3A_928 = arith.constant 896 : index
      %get3A_929 = tpu.vector_load %arg9[%get3A_927, %get3A_928] {strides = array<i32>} : memref<16x1024xf32, #tpu.memory_space<vmem>>, vector<1x16xf32>,
      %get3A_930 = vector.shape_cast %get3A_929 : vector<1x16xf32> to vector<16xf32>
      %get3A_931 = arith.index_cast %scan3A_144 : i32 to index
      %get3A_932 = arith.constant 896 : index
      %get3A_933 = tpu.vector_load %arg11[%get3A_931, %get3A_932] {strides = array<i32>} : memref<16x1024xf32, #tpu.memory_space<vmem>>, vector<1x16xf32>,
      %get3A_934 = vector.shape_cast %get3A_933 : vector<1x16xf32> to vector<16xf32>
      %add3A_935 = arith.addf %get3A_930, %get3A_934 : vector<16xf32>
      %swap3A_936 = arith.index_cast %scan3A_144 : i32 to index
      %swap3A_937 = arith.constant 896 : index
      %swap3A_938 = tpu.vector_load %arg9[%swap3A_936, %swap3A_937] {strides = array<i32>} : memref<16x1024xf32, #tpu.memory_space<vmem>>, vector<1x16xf32>,
      %swap3A_939 = vector.shape_cast %swap3A_938 : vector<1x16xf32> to vector<16xf32>
      %swap3A_940 = vector.shape_cast %add3A_935 : vector<16xf32> to vector<1x16xf32>
      tpu.vector_store %arg9[%swap3A_936, %swap3A_937], %swap3A_940 {strides = array<i32>} : memref<16x1024xf32, #tpu.memory_space<vmem>>, vector<1x16xf32>,
      %get3A_941 = arith.index_cast %scan3A_144 : i32 to index
      %get3A_942 = arith.constant 912 : index
      %get3A_943 = tpu.vector_load %arg9[%get3A_941, %get3A_942] {strides = array<i32>} : memref<16x1024xf32, #tpu.memory_space<vmem>>, vector<1x16xf32>,
      %get3A_944 = vector.shape_cast %get3A_943 : vector<1x16xf32> to vector<16xf32>
      %get3A_945 = arith.index_cast %scan3A_144 : i32 to index
      %get3A_946 = arith.constant 912 : index
      %get3A_947 = tpu.vector_load %arg11[%get3A_945, %get3A_946] {strides = array<i32>} : memref<16x1024xf32, #tpu.memory_space<vmem>>, vector<1x16xf32>,
      %get3A_948 = vector.shape_cast %get3A_947 : vector<1x16xf32> to vector<16xf32>
      %add3A_949 = arith.addf %get3A_944, %get3A_948 : vector<16xf32>
      %swap3A_950 = arith.index_cast %scan3A_144 : i32 to index
      %swap3A_951 = arith.constant 912 : index
      %swap3A_952 = tpu.vector_load %arg9[%swap3A_950, %swap3A_951] {strides = array<i32>} : memref<16x1024xf32, #tpu.memory_space<vmem>>, vector<1x16xf32>,
      %swap3A_953 = vector.shape_cast %swap3A_952 : vector<1x16xf32> to vector<16xf32>
      %swap3A_954 = vector.shape_cast %add3A_949 : vector<16xf32> to vector<1x16xf32>
      tpu.vector_store %arg9[%swap3A_950, %swap3A_951], %swap3A_954 {strides = array<i32>} : memref<16x1024xf32, #tpu.memory_space<vmem>>, vector<1x16xf32>,
      %get3A_955 = arith.index_cast %scan3A_144 : i32 to index
      %get3A_956 = arith.constant 928 : index
      %get3A_957 = tpu.vector_load %arg9[%get3A_955, %get3A_956] {strides = array<i32>} : memref<16x1024xf32, #tpu.memory_space<vmem>>, vector<1x16xf32>,
      %get3A_958 = vector.shape_cast %get3A_957 : vector<1x16xf32> to vector<16xf32>
      %get3A_959 = arith.index_cast %scan3A_144 : i32 to index
      %get3A_960 = arith.constant 928 : index
      %get3A_961 = tpu.vector_load %arg11[%get3A_959, %get3A_960] {strides = array<i32>} : memref<16x1024xf32, #tpu.memory_space<vmem>>, vector<1x16xf32>,
      %get3A_962 = vector.shape_cast %get3A_961 : vector<1x16xf32> to vector<16xf32>
      %add3A_963 = arith.addf %get3A_958, %get3A_962 : vector<16xf32>
      %swap3A_964 = arith.index_cast %scan3A_144 : i32 to index
      %swap3A_965 = arith.constant 928 : index
      %swap3A_966 = tpu.vector_load %arg9[%swap3A_964, %swap3A_965] {strides = array<i32>} : memref<16x1024xf32, #tpu.memory_space<vmem>>, vector<1x16xf32>,
      %swap3A_967 = vector.shape_cast %swap3A_966 : vector<1x16xf32> to vector<16xf32>
      %swap3A_968 = vector.shape_cast %add3A_963 : vector<16xf32> to vector<1x16xf32>
      tpu.vector_store %arg9[%swap3A_964, %swap3A_965], %swap3A_968 {strides = array<i32>} : memref<16x1024xf32, #tpu.memory_space<vmem>>, vector<1x16xf32>,
      %get3A_969 = arith.index_cast %scan3A_144 : i32 to index
      %get3A_970 = arith.constant 944 : index
      %get3A_971 = tpu.vector_load %arg9[%get3A_969, %get3A_970] {strides = array<i32>} : memref<16x1024xf32, #tpu.memory_space<vmem>>, vector<1x16xf32>,
      %get3A_972 = vector.shape_cast %get3A_971 : vector<1x16xf32> to vector<16xf32>
      %get3A_973 = arith.index_cast %scan3A_144 : i32 to index
      %get3A_974 = arith.constant 944 : index
      %get3A_975 = tpu.vector_load %arg11[%get3A_973, %get3A_974] {strides = array<i32>} : memref<16x1024xf32, #tpu.memory_space<vmem>>, vector<1x16xf32>,
      %get3A_976 = vector.shape_cast %get3A_975 : vector<1x16xf32> to vector<16xf32>
      %add3A_977 = arith.addf %get3A_972, %get3A_976 : vector<16xf32>
      %swap3A_978 = arith.index_cast %scan3A_144 : i32 to index
      %swap3A_979 = arith.constant 944 : index
      %swap3A_980 = tpu.vector_load %arg9[%swap3A_978, %swap3A_979] {strides = array<i32>} : memref<16x1024xf32, #tpu.memory_space<vmem>>, vector<1x16xf32>,
      %swap3A_981 = vector.shape_cast %swap3A_980 : vector<1x16xf32> to vector<16xf32>
      %swap3A_982 = vector.shape_cast %add3A_977 : vector<16xf32> to vector<1x16xf32>
      tpu.vector_store %arg9[%swap3A_978, %swap3A_979], %swap3A_982 {strides = array<i32>} : memref<16x1024xf32, #tpu.memory_space<vmem>>, vector<1x16xf32>,
      %get3A_983 = arith.index_cast %scan3A_144 : i32 to index
      %get3A_984 = arith.constant 960 : index
      %get3A_985 = tpu.vector_load %arg9[%get3A_983, %get3A_984] {strides = array<i32>} : memref<16x1024xf32, #tpu.memory_space<vmem>>, vector<1x16xf32>,
      %get3A_986 = vector.shape_cast %get3A_985 : vector<1x16xf32> to vector<16xf32>
      %get3A_987 = arith.index_cast %scan3A_144 : i32 to index
      %get3A_988 = arith.constant 960 : index
      %get3A_989 = tpu.vector_load %arg11[%get3A_987, %get3A_988] {strides = array<i32>} : memref<16x1024xf32, #tpu.memory_space<vmem>>, vector<1x16xf32>,
      %get3A_990 = vector.shape_cast %get3A_989 : vector<1x16xf32> to vector<16xf32>
      %add3A_991 = arith.addf %get3A_986, %get3A_990 : vector<16xf32>
      %swap3A_992 = arith.index_cast %scan3A_144 : i32 to index
      %swap3A_993 = arith.constant 960 : index
      %swap3A_994 = tpu.vector_load %arg9[%swap3A_992, %swap3A_993] {strides = array<i32>} : memref<16x1024xf32, #tpu.memory_space<vmem>>, vector<1x16xf32>,
      %swap3A_995 = vector.shape_cast %swap3A_994 : vector<1x16xf32> to vector<16xf32>
      %swap3A_996 = vector.shape_cast %add3A_991 : vector<16xf32> to vector<1x16xf32>
      tpu.vector_store %arg9[%swap3A_992, %swap3A_993], %swap3A_996 {strides = array<i32>} : memref<16x1024xf32, #tpu.memory_space<vmem>>, vector<1x16xf32>,
      %get3A_997 = arith.index_cast %scan3A_144 : i32 to index
      %get3A_998 = arith.constant 976 : index
      %get3A_999 = tpu.vector_load %arg9[%get3A_997, %get3A_998] {strides = array<i32>} : memref<16x1024xf32, #tpu.memory_space<vmem>>, vector<1x16xf32>,
      %get3A_1000 = vector.shape_cast %get3A_999 : vector<1x16xf32> to vector<16xf32>
      %get3A_1001 = arith.index_cast %scan3A_144 : i32 to index
      %get3A_1002 = arith.constant 976 : index
      %get3A_1003 = tpu.vector_load %arg11[%get3A_1001, %get3A_1002] {strides = array<i32>} : memref<16x1024xf32, #tpu.memory_space<vmem>>, vector<1x16xf32>,
      %get3A_1004 = vector.shape_cast %get3A_1003 : vector<1x16xf32> to vector<16xf32>
      %add3A_1005 = arith.addf %get3A_1000, %get3A_1004 : vector<16xf32>
      %swap3A_1006 = arith.index_cast %scan3A_144 : i32 to index
      %swap3A_1007 = arith.constant 976 : index
      %swap3A_1008 = tpu.vector_load %arg9[%swap3A_1006, %swap3A_1007] {strides = array<i32>} : memref<16x1024xf32, #tpu.memory_space<vmem>>, vector<1x16xf32>,
      %swap3A_1009 = vector.shape_cast %swap3A_1008 : vector<1x16xf32> to vector<16xf32>
      %swap3A_1010 = vector.shape_cast %add3A_1005 : vector<16xf32> to vector<1x16xf32>
      tpu.vector_store %arg9[%swap3A_1006, %swap3A_1007], %swap3A_1010 {strides = array<i32>} : memref<16x1024xf32, #tpu.memory_space<vmem>>, vector<1x16xf32>,
      %get3A_1011 = arith.index_cast %scan3A_144 : i32 to index
      %get3A_1012 = arith.constant 992 : index
      %get3A_1013 = tpu.vector_load %arg9[%get3A_1011, %get3A_1012] {strides = array<i32>} : memref<16x1024xf32, #tpu.memory_space<vmem>>, vector<1x16xf32>,
      %get3A_1014 = vector.shape_cast %get3A_1013 : vector<1x16xf32> to vector<16xf32>
      %get3A_1015 = arith.index_cast %scan3A_144 : i32 to index
      %get3A_1016 = arith.constant 992 : index
      %get3A_1017 = tpu.vector_load %arg11[%get3A_1015, %get3A_1016] {strides = array<i32>} : memref<16x1024xf32, #tpu.memory_space<vmem>>, vector<1x16xf32>,
      %get3A_1018 = vector.shape_cast %get3A_1017 : vector<1x16xf32> to vector<16xf32>
      %add3A_1019 = arith.addf %get3A_1014, %get3A_1018 : vector<16xf32>
      %swap3A_1020 = arith.index_cast %scan3A_144 : i32 to index
      %swap3A_1021 = arith.constant 992 : index
      %swap3A_1022 = tpu.vector_load %arg9[%swap3A_1020, %swap3A_1021] {strides = array<i32>} : memref<16x1024xf32, #tpu.memory_space<vmem>>, vector<1x16xf32>,
      %swap3A_1023 = vector.shape_cast %swap3A_1022 : vector<1x16xf32> to vector<16xf32>
      %swap3A_1024 = vector.shape_cast %add3A_1019 : vector<16xf32> to vector<1x16xf32>
      tpu.vector_store %arg9[%swap3A_1020, %swap3A_1021], %swap3A_1024 {strides = array<i32>} : memref<16x1024xf32, #tpu.memory_space<vmem>>, vector<1x16xf32>,
      %get3A_1025 = arith.index_cast %scan3A_144 : i32 to index
      %get3A_1026 = arith.constant 1008 : index
      %get3A_1027 = tpu.vector_load %arg9[%get3A_1025, %get3A_1026] {strides = array<i32>} : memref<16x1024xf32, #tpu.memory_space<vmem>>, vector<1x16xf32>,
      %get3A_1028 = vector.shape_cast %get3A_1027 : vector<1x16xf32> to vector<16xf32>
      %get3A_1029 = arith.index_cast %scan3A_144 : i32 to index
      %get3A_1030 = arith.constant 1008 : index
      %get3A_1031 = tpu.vector_load %arg11[%get3A_1029, %get3A_1030] {strides = array<i32>} : memref<16x1024xf32, #tpu.memory_space<vmem>>, vector<1x16xf32>,
      %get3A_1032 = vector.shape_cast %get3A_1031 : vector<1x16xf32> to vector<16xf32>
      %add3A_1033 = arith.addf %get3A_1028, %get3A_1032 : vector<16xf32>
      %swap3A_1034 = arith.index_cast %scan3A_144 : i32 to index
      %swap3A_1035 = arith.constant 1008 : index
      %swap3A_1036 = tpu.vector_load %arg9[%swap3A_1034, %swap3A_1035] {strides = array<i32>} : memref<16x1024xf32, #tpu.memory_space<vmem>>, vector<1x16xf32>,
      %swap3A_1037 = vector.shape_cast %swap3A_1036 : vector<1x16xf32> to vector<16xf32>
      %swap3A_1038 = vector.shape_cast %add3A_1033 : vector<16xf32> to vector<1x16xf32>
      tpu.vector_store %arg9[%swap3A_1034, %swap3A_1035], %swap3A_1038 {strides = array<i32>} : memref<16x1024xf32, #tpu.memory_space<vmem>>, vector<1x16xf32>,
    }
    %scan3A_71 = arith.constant 16 : i32
    %add3A_72 = arith.constant 16 : i32
    %add3A_73 = arith.addi %mul3A_2, %add3A_72 : i32
    %dma_start3A_74 = arith.constant 0 : i32
    %dma_start3A_75 = tpu.memref_slice %arg5[%add3A_73, %dma_start3A_74] : memref<2048x1024xf32, #tpu.memory_space<hbm>> -> memref<16x1024xf32, #tpu.memory_space<hbm>>
    %dma_start3A_76 = arith.constant 0 : i32
    %dma_start3A_77 = tpu.memref_slice %arg5[%add3A_73, %dma_start3A_76] : memref<2048x1024xf32, #tpu.memory_space<hbm>> -> memref<16x1024xf32, #tpu.memory_space<hbm>>
    tpu.enqueue_dma source(%arg9 : memref<16x1024xf32, #tpu.memory_space<vmem>>) target(%dma_start3A_77 : memref<16x1024xf32, #tpu.memory_space<hbm>>) target_semaphore(%arg15 : memref<!tpu.dma_semaphore, #tpu.memory_space<semaphore_mem>>)
    %dma_wait3A_78 = arith.constant 32 : i32
    %dma_wait3A_79 = tpu.memref_slice %arg6[%dma_wait3A_78] : memref<64xi32, #tpu.memory_space<vmem>> -> memref<16xi32, #tpu.memory_space<vmem>>
    %dma_wait3A_80 = arith.constant 0 : i32
    %dma_wait3A_81 = arith.constant 0 : i32
    %dma_wait3A_82 = tpu.memref_slice %arg2[%dma_wait3A_80, %dma_wait3A_81] : memref<5120x1024xf32, #tpu.memory_space<hbm>> -> memref<5120x1024xf32, #tpu.memory_space<hbm>>
    tpu.wait_indirect_dma semaphore(%arg12 : memref<!tpu.dma_semaphore, #tpu.memory_space<semaphore_mem>>) src(%dma_wait3A_82 : memref<5120x1024xf32, #tpu.memory_space<hbm>>) dst(%arg8 : memref<16x1024xf32, #tpu.memory_space<vmem>>)
    %dma_wait3A_83 = arith.constant 32 : i32
    %dma_wait3A_84 = tpu.memref_slice %arg7[%dma_wait3A_83] : memref<64xi32, #tpu.memory_space<vmem>> -> memref<16xi32, #tpu.memory_space<vmem>>
    %dma_wait3A_85 = arith.constant 0 : i32
    %dma_wait3A_86 = arith.constant 0 : i32
    %dma_wait3A_87 = tpu.memref_slice %arg2[%dma_wait3A_85, %dma_wait3A_86] : memref<5120x1024xf32, #tpu.memory_space<hbm>> -> memref<5120x1024xf32, #tpu.memory_space<hbm>>
    tpu.wait_indirect_dma semaphore(%arg12 : memref<!tpu.dma_semaphore, #tpu.memory_space<semaphore_mem>>) src(%dma_wait3A_87 : memref<5120x1024xf32, #tpu.memory_space<hbm>>) dst(%arg10 : memref<16x1024xf32, #tpu.memory_space<vmem>>)
    %dma_wait3A_88 = arith.constant 0 : i32
    %dma_wait3A_89 = tpu.memref_slice %arg5[%add3A_73, %dma_wait3A_88] : memref<2048x1024xf32, #tpu.memory_space<hbm>> -> memref<16x1024xf32, #tpu.memory_space<hbm>>
    %dma_wait3A_90 = arith.constant 0 : i32
    %dma_wait3A_91 = tpu.memref_slice %arg5[%add3A_73, %dma_wait3A_90] : memref<2048x1024xf32, #tpu.memory_space<hbm>> -> memref<16x1024xf32, #tpu.memory_space<hbm>>
    tpu.wait_dma2 semaphore(%arg15 : memref<!tpu.dma_semaphore, #tpu.memory_space<semaphore_mem>>) src(%arg9 : memref<16x1024xf32, #tpu.memory_space<vmem>>) dst(%dma_wait3A_91 : memref<16x1024xf32, #tpu.memory_space<hbm>>)
    %dma_start3A_92 = arith.constant 48 : i32
    %dma_start3A_93 = tpu.memref_slice %arg6[%dma_start3A_92] : memref<64xi32, #tpu.memory_space<vmem>> -> memref<16xi32, #tpu.memory_space<vmem>>
    %dma_start3A_94 = arith.constant 0 : i32
    %dma_start3A_95 = arith.constant 0 : i32
    %dma_start3A_96 = tpu.memref_slice %arg2[%dma_start3A_94, %dma_start3A_95] : memref<5120x1024xf32, #tpu.memory_space<hbm>> -> memref<5120x1024xf32, #tpu.memory_space<hbm>>
    tpu.enqueue_indirect_dma source(%dma_start3A_96 : memref<5120x1024xf32, #tpu.memory_space<hbm>>) target(%arg9 : memref<16x1024xf32, #tpu.memory_space<vmem>>) offsets(%dma_start3A_93 : memref<16xi32, #tpu.memory_space<vmem>>) semaphore(%arg13 : memref<!tpu.dma_semaphore, #tpu.memory_space<semaphore_mem>>)
    %dma_start3A_97 = arith.constant 48 : i32
    %dma_start3A_98 = tpu.memref_slice %arg7[%dma_start3A_97] : memref<64xi32, #tpu.memory_space<vmem>> -> memref<16xi32, #tpu.memory_space<vmem>>
    %dma_start3A_99 = arith.constant 0 : i32
    %dma_start3A_100 = arith.constant 0 : i32
    %dma_start3A_101 = tpu.memref_slice %arg2[%dma_start3A_99, %dma_start3A_100] : memref<5120x1024xf32, #tpu.memory_space<hbm>> -> memref<5120x1024xf32, #tpu.memory_space<hbm>>
    tpu.enqueue_indirect_dma source(%dma_start3A_101 : memref<5120x1024xf32, #tpu.memory_space<hbm>>) target(%arg11 : memref<16x1024xf32, #tpu.memory_space<vmem>>) offsets(%dma_start3A_98 : memref<16xi32, #tpu.memory_space<vmem>>) semaphore(%arg13 : memref<!tpu.dma_semaphore, #tpu.memory_space<semaphore_mem>>)
    %scan3A_102 = arith.constant 0 : i32
    %scan3A_103 = arith.constant 0 : i32
    %scan3A_104 = arith.constant 16 : i32
    %scan3A_105 = arith.addi %scan3A_103, %scan3A_104 : i32
    %scan3A_106 = arith.constant 1 : i32
    scf.for %scan3A_144 = %scan3A_103 to %scan3A_105 step %scan3A_106  : i32 {
      %get3A = arith.index_cast %scan3A_144 : i32 to index
      %get3A_145 = arith.constant 0 : index
      %get3A_146 = tpu.vector_load %arg8[%get3A, %get3A_145] {strides = array<i32>} : memref<16x1024xf32, #tpu.memory_space<vmem>>, vector<1x16xf32>,
      %get3A_147 = vector.shape_cast %get3A_146 : vector<1x16xf32> to vector<16xf32>
      %get3A_148 = arith.index_cast %scan3A_144 : i32 to index
      %get3A_149 = arith.constant 0 : index
      %get3A_150 = tpu.vector_load %arg10[%get3A_148, %get3A_149] {strides = array<i32>} : memref<16x1024xf32, #tpu.memory_space<vmem>>, vector<1x16xf32>,
      %get3A_151 = vector.shape_cast %get3A_150 : vector<1x16xf32> to vector<16xf32>
      %add3A_152 = arith.addf %get3A_147, %get3A_151 : vector<16xf32>
      %swap3A = arith.index_cast %scan3A_144 : i32 to index
      %swap3A_153 = arith.constant 0 : index
      %swap3A_154 = tpu.vector_load %arg8[%swap3A, %swap3A_153] {strides = array<i32>} : memref<16x1024xf32, #tpu.memory_space<vmem>>, vector<1x16xf32>,
      %swap3A_155 = vector.shape_cast %swap3A_154 : vector<1x16xf32> to vector<16xf32>
      %swap3A_156 = vector.shape_cast %add3A_152 : vector<16xf32> to vector<1x16xf32>
      tpu.vector_store %arg8[%swap3A, %swap3A_153], %swap3A_156 {strides = array<i32>} : memref<16x1024xf32, #tpu.memory_space<vmem>>, vector<1x16xf32>,
      %get3A_157 = arith.index_cast %scan3A_144 : i32 to index
      %get3A_158 = arith.constant 16 : index
      %get3A_159 = tpu.vector_load %arg8[%get3A_157, %get3A_158] {strides = array<i32>} : memref<16x1024xf32, #tpu.memory_space<vmem>>, vector<1x16xf32>,
      %get3A_160 = vector.shape_cast %get3A_159 : vector<1x16xf32> to vector<16xf32>
      %get3A_161 = arith.index_cast %scan3A_144 : i32 to index
      %get3A_162 = arith.constant 16 : index
      %get3A_163 = tpu.vector_load %arg10[%get3A_161, %get3A_162] {strides = array<i32>} : memref<16x1024xf32, #tpu.memory_space<vmem>>, vector<1x16xf32>,
      %get3A_164 = vector.shape_cast %get3A_163 : vector<1x16xf32> to vector<16xf32>
      %add3A_165 = arith.addf %get3A_160, %get3A_164 : vector<16xf32>
      %swap3A_166 = arith.index_cast %scan3A_144 : i32 to index
      %swap3A_167 = arith.constant 16 : index
      %swap3A_168 = tpu.vector_load %arg8[%swap3A_166, %swap3A_167] {strides = array<i32>} : memref<16x1024xf32, #tpu.memory_space<vmem>>, vector<1x16xf32>,
      %swap3A_169 = vector.shape_cast %swap3A_168 : vector<1x16xf32> to vector<16xf32>
      %swap3A_170 = vector.shape_cast %add3A_165 : vector<16xf32> to vector<1x16xf32>
      tpu.vector_store %arg8[%swap3A_166, %swap3A_167], %swap3A_170 {strides = array<i32>} : memref<16x1024xf32, #tpu.memory_space<vmem>>, vector<1x16xf32>,
      %get3A_171 = arith.index_cast %scan3A_144 : i32 to index
      %get3A_172 = arith.constant 32 : index
      %get3A_173 = tpu.vector_load %arg8[%get3A_171, %get3A_172] {strides = array<i32>} : memref<16x1024xf32, #tpu.memory_space<vmem>>, vector<1x16xf32>,
      %get3A_174 = vector.shape_cast %get3A_173 : vector<1x16xf32> to vector<16xf32>
      %get3A_175 = arith.index_cast %scan3A_144 : i32 to index
      %get3A_176 = arith.constant 32 : index
      %get3A_177 = tpu.vector_load %arg10[%get3A_175, %get3A_176] {strides = array<i32>} : memref<16x1024xf32, #tpu.memory_space<vmem>>, vector<1x16xf32>,
      %get3A_178 = vector.shape_cast %get3A_177 : vector<1x16xf32> to vector<16xf32>
      %add3A_179 = arith.addf %get3A_174, %get3A_178 : vector<16xf32>
      %swap3A_180 = arith.index_cast %scan3A_144 : i32 to index
      %swap3A_181 = arith.constant 32 : index
      %swap3A_182 = tpu.vector_load %arg8[%swap3A_180, %swap3A_181] {strides = array<i32>} : memref<16x1024xf32, #tpu.memory_space<vmem>>, vector<1x16xf32>,
      %swap3A_183 = vector.shape_cast %swap3A_182 : vector<1x16xf32> to vector<16xf32>
      %swap3A_184 = vector.shape_cast %add3A_179 : vector<16xf32> to vector<1x16xf32>
      tpu.vector_store %arg8[%swap3A_180, %swap3A_181], %swap3A_184 {strides = array<i32>} : memref<16x1024xf32, #tpu.memory_space<vmem>>, vector<1x16xf32>,
      %get3A_185 = arith.index_cast %scan3A_144 : i32 to index
      %get3A_186 = arith.constant 48 : index
      %get3A_187 = tpu.vector_load %arg8[%get3A_185, %get3A_186] {strides = array<i32>} : memref<16x1024xf32, #tpu.memory_space<vmem>>, vector<1x16xf32>,
      %get3A_188 = vector.shape_cast %get3A_187 : vector<1x16xf32> to vector<16xf32>
      %get3A_189 = arith.index_cast %scan3A_144 : i32 to index
      %get3A_190 = arith.constant 48 : index
      %get3A_191 = tpu.vector_load %arg10[%get3A_189, %get3A_190] {strides = array<i32>} : memref<16x1024xf32, #tpu.memory_space<vmem>>, vector<1x16xf32>,
      %get3A_192 = vector.shape_cast %get3A_191 : vector<1x16xf32> to vector<16xf32>
      %add3A_193 = arith.addf %get3A_188, %get3A_192 : vector<16xf32>
      %swap3A_194 = arith.index_cast %scan3A_144 : i32 to index
      %swap3A_195 = arith.constant 48 : index
      %swap3A_196 = tpu.vector_load %arg8[%swap3A_194, %swap3A_195] {strides = array<i32>} : memref<16x1024xf32, #tpu.memory_space<vmem>>, vector<1x16xf32>,
      %swap3A_197 = vector.shape_cast %swap3A_196 : vector<1x16xf32> to vector<16xf32>
      %swap3A_198 = vector.shape_cast %add3A_193 : vector<16xf32> to vector<1x16xf32>
      tpu.vector_store %arg8[%swap3A_194, %swap3A_195], %swap3A_198 {strides = array<i32>} : memref<16x1024xf32, #tpu.memory_space<vmem>>, vector<1x16xf32>,
      %get3A_199 = arith.index_cast %scan3A_144 : i32 to index
      %get3A_200 = arith.constant 64 : index
      %get3A_201 = tpu.vector_load %arg8[%get3A_199, %get3A_200] {strides = array<i32>} : memref<16x1024xf32, #tpu.memory_space<vmem>>, vector<1x16xf32>,
      %get3A_202 = vector.shape_cast %get3A_201 : vector<1x16xf32> to vector<16xf32>
      %get3A_203 = arith.index_cast %scan3A_144 : i32 to index
      %get3A_204 = arith.constant 64 : index
      %get3A_205 = tpu.vector_load %arg10[%get3A_203, %get3A_204] {strides = array<i32>} : memref<16x1024xf32, #tpu.memory_space<vmem>>, vector<1x16xf32>,
      %get3A_206 = vector.shape_cast %get3A_205 : vector<1x16xf32> to vector<16xf32>
      %add3A_207 = arith.addf %get3A_202, %get3A_206 : vector<16xf32>
      %swap3A_208 = arith.index_cast %scan3A_144 : i32 to index
      %swap3A_209 = arith.constant 64 : index
      %swap3A_210 = tpu.vector_load %arg8[%swap3A_208, %swap3A_209] {strides = array<i32>} : memref<16x1024xf32, #tpu.memory_space<vmem>>, vector<1x16xf32>,
      %swap3A_211 = vector.shape_cast %swap3A_210 : vector<1x16xf32> to vector<16xf32>
      %swap3A_212 = vector.shape_cast %add3A_207 : vector<16xf32> to vector<1x16xf32>
      tpu.vector_store %arg8[%swap3A_208, %swap3A_209], %swap3A_212 {strides = array<i32>} : memref<16x1024xf32, #tpu.memory_space<vmem>>, vector<1x16xf32>,
      %get3A_213 = arith.index_cast %scan3A_144 : i32 to index
      %get3A_214 = arith.constant 80 : index
      %get3A_215 = tpu.vector_load %arg8[%get3A_213, %get3A_214] {strides = array<i32>} : memref<16x1024xf32, #tpu.memory_space<vmem>>, vector<1x16xf32>,
      %get3A_216 = vector.shape_cast %get3A_215 : vector<1x16xf32> to vector<16xf32>
      %get3A_217 = arith.index_cast %scan3A_144 : i32 to index
      %get3A_218 = arith.constant 80 : index
      %get3A_219 = tpu.vector_load %arg10[%get3A_217, %get3A_218] {strides = array<i32>} : memref<16x1024xf32, #tpu.memory_space<vmem>>, vector<1x16xf32>,
      %get3A_220 = vector.shape_cast %get3A_219 : vector<1x16xf32> to vector<16xf32>
      %add3A_221 = arith.addf %get3A_216, %get3A_220 : vector<16xf32>
      %swap3A_222 = arith.index_cast %scan3A_144 : i32 to index
      %swap3A_223 = arith.constant 80 : index
      %swap3A_224 = tpu.vector_load %arg8[%swap3A_222, %swap3A_223] {strides = array<i32>} : memref<16x1024xf32, #tpu.memory_space<vmem>>, vector<1x16xf32>,
      %swap3A_225 = vector.shape_cast %swap3A_224 : vector<1x16xf32> to vector<16xf32>
      %swap3A_226 = vector.shape_cast %add3A_221 : vector<16xf32> to vector<1x16xf32>
      tpu.vector_store %arg8[%swap3A_222, %swap3A_223], %swap3A_226 {strides = array<i32>} : memref<16x1024xf32, #tpu.memory_space<vmem>>, vector<1x16xf32>,
      %get3A_227 = arith.index_cast %scan3A_144 : i32 to index
      %get3A_228 = arith.constant 96 : index
      %get3A_229 = tpu.vector_load %arg8[%get3A_227, %get3A_228] {strides = array<i32>} : memref<16x1024xf32, #tpu.memory_space<vmem>>, vector<1x16xf32>,
      %get3A_230 = vector.shape_cast %get3A_229 : vector<1x16xf32> to vector<16xf32>
      %get3A_231 = arith.index_cast %scan3A_144 : i32 to index
      %get3A_232 = arith.constant 96 : index
      %get3A_233 = tpu.vector_load %arg10[%get3A_231, %get3A_232] {strides = array<i32>} : memref<16x1024xf32, #tpu.memory_space<vmem>>, vector<1x16xf32>,
      %get3A_234 = vector.shape_cast %get3A_233 : vector<1x16xf32> to vector<16xf32>
      %add3A_235 = arith.addf %get3A_230, %get3A_234 : vector<16xf32>
      %swap3A_236 = arith.index_cast %scan3A_144 : i32 to index
      %swap3A_237 = arith.constant 96 : index
      %swap3A_238 = tpu.vector_load %arg8[%swap3A_236, %swap3A_237] {strides = array<i32>} : memref<16x1024xf32, #tpu.memory_space<vmem>>, vector<1x16xf32>,
      %swap3A_239 = vector.shape_cast %swap3A_238 : vector<1x16xf32> to vector<16xf32>
      %swap3A_240 = vector.shape_cast %add3A_235 : vector<16xf32> to vector<1x16xf32>
      tpu.vector_store %arg8[%swap3A_236, %swap3A_237], %swap3A_240 {strides = array<i32>} : memref<16x1024xf32, #tpu.memory_space<vmem>>, vector<1x16xf32>,
      %get3A_241 = arith.index_cast %scan3A_144 : i32 to index
      %get3A_242 = arith.constant 112 : index
      %get3A_243 = tpu.vector_load %arg8[%get3A_241, %get3A_242] {strides = array<i32>} : memref<16x1024xf32, #tpu.memory_space<vmem>>, vector<1x16xf32>,
      %get3A_244 = vector.shape_cast %get3A_243 : vector<1x16xf32> to vector<16xf32>
      %get3A_245 = arith.index_cast %scan3A_144 : i32 to index
      %get3A_246 = arith.constant 112 : index
      %get3A_247 = tpu.vector_load %arg10[%get3A_245, %get3A_246] {strides = array<i32>} : memref<16x1024xf32, #tpu.memory_space<vmem>>, vector<1x16xf32>,
      %get3A_248 = vector.shape_cast %get3A_247 : vector<1x16xf32> to vector<16xf32>
      %add3A_249 = arith.addf %get3A_244, %get3A_248 : vector<16xf32>
      %swap3A_250 = arith.index_cast %scan3A_144 : i32 to index
      %swap3A_251 = arith.constant 112 : index
      %swap3A_252 = tpu.vector_load %arg8[%swap3A_250, %swap3A_251] {strides = array<i32>} : memref<16x1024xf32, #tpu.memory_space<vmem>>, vector<1x16xf32>,
      %swap3A_253 = vector.shape_cast %swap3A_252 : vector<1x16xf32> to vector<16xf32>
      %swap3A_254 = vector.shape_cast %add3A_249 : vector<16xf32> to vector<1x16xf32>
      tpu.vector_store %arg8[%swap3A_250, %swap3A_251], %swap3A_254 {strides = array<i32>} : memref<16x1024xf32, #tpu.memory_space<vmem>>, vector<1x16xf32>,
      %get3A_255 = arith.index_cast %scan3A_144 : i32 to index
      %get3A_256 = arith.constant 128 : index
      %get3A_257 = tpu.vector_load %arg8[%get3A_255, %get3A_256] {strides = array<i32>} : memref<16x1024xf32, #tpu.memory_space<vmem>>, vector<1x16xf32>,
      %get3A_258 = vector.shape_cast %get3A_257 : vector<1x16xf32> to vector<16xf32>
      %get3A_259 = arith.index_cast %scan3A_144 : i32 to index
      %get3A_260 = arith.constant 128 : index
      %get3A_261 = tpu.vector_load %arg10[%get3A_259, %get3A_260] {strides = array<i32>} : memref<16x1024xf32, #tpu.memory_space<vmem>>, vector<1x16xf32>,
      %get3A_262 = vector.shape_cast %get3A_261 : vector<1x16xf32> to vector<16xf32>
      %add3A_263 = arith.addf %get3A_258, %get3A_262 : vector<16xf32>
      %swap3A_264 = arith.index_cast %scan3A_144 : i32 to index
      %swap3A_265 = arith.constant 128 : index
      %swap3A_266 = tpu.vector_load %arg8[%swap3A_264, %swap3A_265] {strides = array<i32>} : memref<16x1024xf32, #tpu.memory_space<vmem>>, vector<1x16xf32>,
      %swap3A_267 = vector.shape_cast %swap3A_266 : vector<1x16xf32> to vector<16xf32>
      %swap3A_268 = vector.shape_cast %add3A_263 : vector<16xf32> to vector<1x16xf32>
      tpu.vector_store %arg8[%swap3A_264, %swap3A_265], %swap3A_268 {strides = array<i32>} : memref<16x1024xf32, #tpu.memory_space<vmem>>, vector<1x16xf32>,
      %get3A_269 = arith.index_cast %scan3A_144 : i32 to index
      %get3A_270 = arith.constant 144 : index
      %get3A_271 = tpu.vector_load %arg8[%get3A_269, %get3A_270] {strides = array<i32>} : memref<16x1024xf32, #tpu.memory_space<vmem>>, vector<1x16xf32>,
      %get3A_272 = vector.shape_cast %get3A_271 : vector<1x16xf32> to vector<16xf32>
      %get3A_273 = arith.index_cast %scan3A_144 : i32 to index
      %get3A_274 = arith.constant 144 : index
      %get3A_275 = tpu.vector_load %arg10[%get3A_273, %get3A_274] {strides = array<i32>} : memref<16x1024xf32, #tpu.memory_space<vmem>>, vector<1x16xf32>,
      %get3A_276 = vector.shape_cast %get3A_275 : vector<1x16xf32> to vector<16xf32>
      %add3A_277 = arith.addf %get3A_272, %get3A_276 : vector<16xf32>
      %swap3A_278 = arith.index_cast %scan3A_144 : i32 to index
      %swap3A_279 = arith.constant 144 : index
      %swap3A_280 = tpu.vector_load %arg8[%swap3A_278, %swap3A_279] {strides = array<i32>} : memref<16x1024xf32, #tpu.memory_space<vmem>>, vector<1x16xf32>,
      %swap3A_281 = vector.shape_cast %swap3A_280 : vector<1x16xf32> to vector<16xf32>
      %swap3A_282 = vector.shape_cast %add3A_277 : vector<16xf32> to vector<1x16xf32>
      tpu.vector_store %arg8[%swap3A_278, %swap3A_279], %swap3A_282 {strides = array<i32>} : memref<16x1024xf32, #tpu.memory_space<vmem>>, vector<1x16xf32>,
      %get3A_283 = arith.index_cast %scan3A_144 : i32 to index
      %get3A_284 = arith.constant 160 : index
      %get3A_285 = tpu.vector_load %arg8[%get3A_283, %get3A_284] {strides = array<i32>} : memref<16x1024xf32, #tpu.memory_space<vmem>>, vector<1x16xf32>,
      %get3A_286 = vector.shape_cast %get3A_285 : vector<1x16xf32> to vector<16xf32>
      %get3A_287 = arith.index_cast %scan3A_144 : i32 to index
      %get3A_288 = arith.constant 160 : index
      %get3A_289 = tpu.vector_load %arg10[%get3A_287, %get3A_288] {strides = array<i32>} : memref<16x1024xf32, #tpu.memory_space<vmem>>, vector<1x16xf32>,
      %get3A_290 = vector.shape_cast %get3A_289 : vector<1x16xf32> to vector<16xf32>
      %add3A_291 = arith.addf %get3A_286, %get3A_290 : vector<16xf32>
      %swap3A_292 = arith.index_cast %scan3A_144 : i32 to index
      %swap3A_293 = arith.constant 160 : index
      %swap3A_294 = tpu.vector_load %arg8[%swap3A_292, %swap3A_293] {strides = array<i32>} : memref<16x1024xf32, #tpu.memory_space<vmem>>, vector<1x16xf32>,
      %swap3A_295 = vector.shape_cast %swap3A_294 : vector<1x16xf32> to vector<16xf32>
      %swap3A_296 = vector.shape_cast %add3A_291 : vector<16xf32> to vector<1x16xf32>
      tpu.vector_store %arg8[%swap3A_292, %swap3A_293], %swap3A_296 {strides = array<i32>} : memref<16x1024xf32, #tpu.memory_space<vmem>>, vector<1x16xf32>,
      %get3A_297 = arith.index_cast %scan3A_144 : i32 to index
      %get3A_298 = arith.constant 176 : index
      %get3A_299 = tpu.vector_load %arg8[%get3A_297, %get3A_298] {strides = array<i32>} : memref<16x1024xf32, #tpu.memory_space<vmem>>, vector<1x16xf32>,
      %get3A_300 = vector.shape_cast %get3A_299 : vector<1x16xf32> to vector<16xf32>
      %get3A_301 = arith.index_cast %scan3A_144 : i32 to index
      %get3A_302 = arith.constant 176 : index
      %get3A_303 = tpu.vector_load %arg10[%get3A_301, %get3A_302] {strides = array<i32>} : memref<16x1024xf32, #tpu.memory_space<vmem>>, vector<1x16xf32>,
      %get3A_304 = vector.shape_cast %get3A_303 : vector<1x16xf32> to vector<16xf32>
      %add3A_305 = arith.addf %get3A_300, %get3A_304 : vector<16xf32>
      %swap3A_306 = arith.index_cast %scan3A_144 : i32 to index
      %swap3A_307 = arith.constant 176 : index
      %swap3A_308 = tpu.vector_load %arg8[%swap3A_306, %swap3A_307] {strides = array<i32>} : memref<16x1024xf32, #tpu.memory_space<vmem>>, vector<1x16xf32>,
      %swap3A_309 = vector.shape_cast %swap3A_308 : vector<1x16xf32> to vector<16xf32>
      %swap3A_310 = vector.shape_cast %add3A_305 : vector<16xf32> to vector<1x16xf32>
      tpu.vector_store %arg8[%swap3A_306, %swap3A_307], %swap3A_310 {strides = array<i32>} : memref<16x1024xf32, #tpu.memory_space<vmem>>, vector<1x16xf32>,
      %get3A_311 = arith.index_cast %scan3A_144 : i32 to index
      %get3A_312 = arith.constant 192 : index
      %get3A_313 = tpu.vector_load %arg8[%get3A_311, %get3A_312] {strides = array<i32>} : memref<16x1024xf32, #tpu.memory_space<vmem>>, vector<1x16xf32>,
      %get3A_314 = vector.shape_cast %get3A_313 : vector<1x16xf32> to vector<16xf32>
      %get3A_315 = arith.index_cast %scan3A_144 : i32 to index
      %get3A_316 = arith.constant 192 : index
      %get3A_317 = tpu.vector_load %arg10[%get3A_315, %get3A_316] {strides = array<i32>} : memref<16x1024xf32, #tpu.memory_space<vmem>>, vector<1x16xf32>,
      %get3A_318 = vector.shape_cast %get3A_317 : vector<1x16xf32> to vector<16xf32>
      %add3A_319 = arith.addf %get3A_314, %get3A_318 : vector<16xf32>
      %swap3A_320 = arith.index_cast %scan3A_144 : i32 to index
      %swap3A_321 = arith.constant 192 : index
      %swap3A_322 = tpu.vector_load %arg8[%swap3A_320, %swap3A_321] {strides = array<i32>} : memref<16x1024xf32, #tpu.memory_space<vmem>>, vector<1x16xf32>,
      %swap3A_323 = vector.shape_cast %swap3A_322 : vector<1x16xf32> to vector<16xf32>
      %swap3A_324 = vector.shape_cast %add3A_319 : vector<16xf32> to vector<1x16xf32>
      tpu.vector_store %arg8[%swap3A_320, %swap3A_321], %swap3A_324 {strides = array<i32>} : memref<16x1024xf32, #tpu.memory_space<vmem>>, vector<1x16xf32>,
      %get3A_325 = arith.index_cast %scan3A_144 : i32 to index
      %get3A_326 = arith.constant 208 : index
      %get3A_327 = tpu.vector_load %arg8[%get3A_325, %get3A_326] {strides = array<i32>} : memref<16x1024xf32, #tpu.memory_space<vmem>>, vector<1x16xf32>,
      %get3A_328 = vector.shape_cast %get3A_327 : vector<1x16xf32> to vector<16xf32>
      %get3A_329 = arith.index_cast %scan3A_144 : i32 to index
      %get3A_330 = arith.constant 208 : index
      %get3A_331 = tpu.vector_load %arg10[%get3A_329, %get3A_330] {strides = array<i32>} : memref<16x1024xf32, #tpu.memory_space<vmem>>, vector<1x16xf32>,
      %get3A_332 = vector.shape_cast %get3A_331 : vector<1x16xf32> to vector<16xf32>
      %add3A_333 = arith.addf %get3A_328, %get3A_332 : vector<16xf32>
      %swap3A_334 = arith.index_cast %scan3A_144 : i32 to index
      %swap3A_335 = arith.constant 208 : index
      %swap3A_336 = tpu.vector_load %arg8[%swap3A_334, %swap3A_335] {strides = array<i32>} : memref<16x1024xf32, #tpu.memory_space<vmem>>, vector<1x16xf32>,
      %swap3A_337 = vector.shape_cast %swap3A_336 : vector<1x16xf32> to vector<16xf32>
      %swap3A_338 = vector.shape_cast %add3A_333 : vector<16xf32> to vector<1x16xf32>
      tpu.vector_store %arg8[%swap3A_334, %swap3A_335], %swap3A_338 {strides = array<i32>} : memref<16x1024xf32, #tpu.memory_space<vmem>>, vector<1x16xf32>,
      %get3A_339 = arith.index_cast %scan3A_144 : i32 to index
      %get3A_340 = arith.constant 224 : index
      %get3A_341 = tpu.vector_load %arg8[%get3A_339, %get3A_340] {strides = array<i32>} : memref<16x1024xf32, #tpu.memory_space<vmem>>, vector<1x16xf32>,
      %get3A_342 = vector.shape_cast %get3A_341 : vector<1x16xf32> to vector<16xf32>
      %get3A_343 = arith.index_cast %scan3A_144 : i32 to index
      %get3A_344 = arith.constant 224 : index
      %get3A_345 = tpu.vector_load %arg10[%get3A_343, %get3A_344] {strides = array<i32>} : memref<16x1024xf32, #tpu.memory_space<vmem>>, vector<1x16xf32>,
      %get3A_346 = vector.shape_cast %get3A_345 : vector<1x16xf32> to vector<16xf32>
      %add3A_347 = arith.addf %get3A_342, %get3A_346 : vector<16xf32>
      %swap3A_348 = arith.index_cast %scan3A_144 : i32 to index
      %swap3A_349 = arith.constant 224 : index
      %swap3A_350 = tpu.vector_load %arg8[%swap3A_348, %swap3A_349] {strides = array<i32>} : memref<16x1024xf32, #tpu.memory_space<vmem>>, vector<1x16xf32>,
      %swap3A_351 = vector.shape_cast %swap3A_350 : vector<1x16xf32> to vector<16xf32>
      %swap3A_352 = vector.shape_cast %add3A_347 : vector<16xf32> to vector<1x16xf32>
      tpu.vector_store %arg8[%swap3A_348, %swap3A_349], %swap3A_352 {strides = array<i32>} : memref<16x1024xf32, #tpu.memory_space<vmem>>, vector<1x16xf32>,
      %get3A_353 = arith.index_cast %scan3A_144 : i32 to index
      %get3A_354 = arith.constant 240 : index
      %get3A_355 = tpu.vector_load %arg8[%get3A_353, %get3A_354] {strides = array<i32>} : memref<16x1024xf32, #tpu.memory_space<vmem>>, vector<1x16xf32>,
      %get3A_356 = vector.shape_cast %get3A_355 : vector<1x16xf32> to vector<16xf32>
      %get3A_357 = arith.index_cast %scan3A_144 : i32 to index
      %get3A_358 = arith.constant 240 : index
      %get3A_359 = tpu.vector_load %arg10[%get3A_357, %get3A_358] {strides = array<i32>} : memref<16x1024xf32, #tpu.memory_space<vmem>>, vector<1x16xf32>,
      %get3A_360 = vector.shape_cast %get3A_359 : vector<1x16xf32> to vector<16xf32>
      %add3A_361 = arith.addf %get3A_356, %get3A_360 : vector<16xf32>
      %swap3A_362 = arith.index_cast %scan3A_144 : i32 to index
      %swap3A_363 = arith.constant 240 : index
      %swap3A_364 = tpu.vector_load %arg8[%swap3A_362, %swap3A_363] {strides = array<i32>} : memref<16x1024xf32, #tpu.memory_space<vmem>>, vector<1x16xf32>,
      %swap3A_365 = vector.shape_cast %swap3A_364 : vector<1x16xf32> to vector<16xf32>
      %swap3A_366 = vector.shape_cast %add3A_361 : vector<16xf32> to vector<1x16xf32>
      tpu.vector_store %arg8[%swap3A_362, %swap3A_363], %swap3A_366 {strides = array<i32>} : memref<16x1024xf32, #tpu.memory_space<vmem>>, vector<1x16xf32>,
      %get3A_367 = arith.index_cast %scan3A_144 : i32 to index
      %get3A_368 = arith.constant 256 : index
      %get3A_369 = tpu.vector_load %arg8[%get3A_367, %get3A_368] {strides = array<i32>} : memref<16x1024xf32, #tpu.memory_space<vmem>>, vector<1x16xf32>,
      %get3A_370 = vector.shape_cast %get3A_369 : vector<1x16xf32> to vector<16xf32>
      %get3A_371 = arith.index_cast %scan3A_144 : i32 to index
      %get3A_372 = arith.constant 256 : index
      %get3A_373 = tpu.vector_load %arg10[%get3A_371, %get3A_372] {strides = array<i32>} : memref<16x1024xf32, #tpu.memory_space<vmem>>, vector<1x16xf32>,
      %get3A_374 = vector.shape_cast %get3A_373 : vector<1x16xf32> to vector<16xf32>
      %add3A_375 = arith.addf %get3A_370, %get3A_374 : vector<16xf32>
      %swap3A_376 = arith.index_cast %scan3A_144 : i32 to index
      %swap3A_377 = arith.constant 256 : index
      %swap3A_378 = tpu.vector_load %arg8[%swap3A_376, %swap3A_377] {strides = array<i32>} : memref<16x1024xf32, #tpu.memory_space<vmem>>, vector<1x16xf32>,
      %swap3A_379 = vector.shape_cast %swap3A_378 : vector<1x16xf32> to vector<16xf32>
      %swap3A_380 = vector.shape_cast %add3A_375 : vector<16xf32> to vector<1x16xf32>
      tpu.vector_store %arg8[%swap3A_376, %swap3A_377], %swap3A_380 {strides = array<i32>} : memref<16x1024xf32, #tpu.memory_space<vmem>>, vector<1x16xf32>,
      %get3A_381 = arith.index_cast %scan3A_144 : i32 to index
      %get3A_382 = arith.constant 272 : index
      %get3A_383 = tpu.vector_load %arg8[%get3A_381, %get3A_382] {strides = array<i32>} : memref<16x1024xf32, #tpu.memory_space<vmem>>, vector<1x16xf32>,
      %get3A_384 = vector.shape_cast %get3A_383 : vector<1x16xf32> to vector<16xf32>
      %get3A_385 = arith.index_cast %scan3A_144 : i32 to index
      %get3A_386 = arith.constant 272 : index
      %get3A_387 = tpu.vector_load %arg10[%get3A_385, %get3A_386] {strides = array<i32>} : memref<16x1024xf32, #tpu.memory_space<vmem>>, vector<1x16xf32>,
      %get3A_388 = vector.shape_cast %get3A_387 : vector<1x16xf32> to vector<16xf32>
      %add3A_389 = arith.addf %get3A_384, %get3A_388 : vector<16xf32>
      %swap3A_390 = arith.index_cast %scan3A_144 : i32 to index
      %swap3A_391 = arith.constant 272 : index
      %swap3A_392 = tpu.vector_load %arg8[%swap3A_390, %swap3A_391] {strides = array<i32>} : memref<16x1024xf32, #tpu.memory_space<vmem>>, vector<1x16xf32>,
      %swap3A_393 = vector.shape_cast %swap3A_392 : vector<1x16xf32> to vector<16xf32>
      %swap3A_394 = vector.shape_cast %add3A_389 : vector<16xf32> to vector<1x16xf32>
      tpu.vector_store %arg8[%swap3A_390, %swap3A_391], %swap3A_394 {strides = array<i32>} : memref<16x1024xf32, #tpu.memory_space<vmem>>, vector<1x16xf32>,
      %get3A_395 = arith.index_cast %scan3A_144 : i32 to index
      %get3A_396 = arith.constant 288 : index
      %get3A_397 = tpu.vector_load %arg8[%get3A_395, %get3A_396] {strides = array<i32>} : memref<16x1024xf32, #tpu.memory_space<vmem>>, vector<1x16xf32>,
      %get3A_398 = vector.shape_cast %get3A_397 : vector<1x16xf32> to vector<16xf32>
      %get3A_399 = arith.index_cast %scan3A_144 : i32 to index
      %get3A_400 = arith.constant 288 : index
      %get3A_401 = tpu.vector_load %arg10[%get3A_399, %get3A_400] {strides = array<i32>} : memref<16x1024xf32, #tpu.memory_space<vmem>>, vector<1x16xf32>,
      %get3A_402 = vector.shape_cast %get3A_401 : vector<1x16xf32> to vector<16xf32>
      %add3A_403 = arith.addf %get3A_398, %get3A_402 : vector<16xf32>
      %swap3A_404 = arith.index_cast %scan3A_144 : i32 to index
      %swap3A_405 = arith.constant 288 : index
      %swap3A_406 = tpu.vector_load %arg8[%swap3A_404, %swap3A_405] {strides = array<i32>} : memref<16x1024xf32, #tpu.memory_space<vmem>>, vector<1x16xf32>,
      %swap3A_407 = vector.shape_cast %swap3A_406 : vector<1x16xf32> to vector<16xf32>
      %swap3A_408 = vector.shape_cast %add3A_403 : vector<16xf32> to vector<1x16xf32>
      tpu.vector_store %arg8[%swap3A_404, %swap3A_405], %swap3A_408 {strides = array<i32>} : memref<16x1024xf32, #tpu.memory_space<vmem>>, vector<1x16xf32>,
      %get3A_409 = arith.index_cast %scan3A_144 : i32 to index
      %get3A_410 = arith.constant 304 : index
      %get3A_411 = tpu.vector_load %arg8[%get3A_409, %get3A_410] {strides = array<i32>} : memref<16x1024xf32, #tpu.memory_space<vmem>>, vector<1x16xf32>,
      %get3A_412 = vector.shape_cast %get3A_411 : vector<1x16xf32> to vector<16xf32>
      %get3A_413 = arith.index_cast %scan3A_144 : i32 to index
      %get3A_414 = arith.constant 304 : index
      %get3A_415 = tpu.vector_load %arg10[%get3A_413, %get3A_414] {strides = array<i32>} : memref<16x1024xf32, #tpu.memory_space<vmem>>, vector<1x16xf32>,
      %get3A_416 = vector.shape_cast %get3A_415 : vector<1x16xf32> to vector<16xf32>
      %add3A_417 = arith.addf %get3A_412, %get3A_416 : vector<16xf32>
      %swap3A_418 = arith.index_cast %scan3A_144 : i32 to index
      %swap3A_419 = arith.constant 304 : index
      %swap3A_420 = tpu.vector_load %arg8[%swap3A_418, %swap3A_419] {strides = array<i32>} : memref<16x1024xf32, #tpu.memory_space<vmem>>, vector<1x16xf32>,
      %swap3A_421 = vector.shape_cast %swap3A_420 : vector<1x16xf32> to vector<16xf32>
      %swap3A_422 = vector.shape_cast %add3A_417 : vector<16xf32> to vector<1x16xf32>
      tpu.vector_store %arg8[%swap3A_418, %swap3A_419], %swap3A_422 {strides = array<i32>} : memref<16x1024xf32, #tpu.memory_space<vmem>>, vector<1x16xf32>,
      %get3A_423 = arith.index_cast %scan3A_144 : i32 to index
      %get3A_424 = arith.constant 320 : index
      %get3A_425 = tpu.vector_load %arg8[%get3A_423, %get3A_424] {strides = array<i32>} : memref<16x1024xf32, #tpu.memory_space<vmem>>, vector<1x16xf32>,
      %get3A_426 = vector.shape_cast %get3A_425 : vector<1x16xf32> to vector<16xf32>
      %get3A_427 = arith.index_cast %scan3A_144 : i32 to index
      %get3A_428 = arith.constant 320 : index
      %get3A_429 = tpu.vector_load %arg10[%get3A_427, %get3A_428] {strides = array<i32>} : memref<16x1024xf32, #tpu.memory_space<vmem>>, vector<1x16xf32>,
      %get3A_430 = vector.shape_cast %get3A_429 : vector<1x16xf32> to vector<16xf32>
      %add3A_431 = arith.addf %get3A_426, %get3A_430 : vector<16xf32>
      %swap3A_432 = arith.index_cast %scan3A_144 : i32 to index
      %swap3A_433 = arith.constant 320 : index
      %swap3A_434 = tpu.vector_load %arg8[%swap3A_432, %swap3A_433] {strides = array<i32>} : memref<16x1024xf32, #tpu.memory_space<vmem>>, vector<1x16xf32>,
      %swap3A_435 = vector.shape_cast %swap3A_434 : vector<1x16xf32> to vector<16xf32>
      %swap3A_436 = vector.shape_cast %add3A_431 : vector<16xf32> to vector<1x16xf32>
      tpu.vector_store %arg8[%swap3A_432, %swap3A_433], %swap3A_436 {strides = array<i32>} : memref<16x1024xf32, #tpu.memory_space<vmem>>, vector<1x16xf32>,
      %get3A_437 = arith.index_cast %scan3A_144 : i32 to index
      %get3A_438 = arith.constant 336 : index
      %get3A_439 = tpu.vector_load %arg8[%get3A_437, %get3A_438] {strides = array<i32>} : memref<16x1024xf32, #tpu.memory_space<vmem>>, vector<1x16xf32>,
      %get3A_440 = vector.shape_cast %get3A_439 : vector<1x16xf32> to vector<16xf32>
      %get3A_441 = arith.index_cast %scan3A_144 : i32 to index
      %get3A_442 = arith.constant 336 : index
      %get3A_443 = tpu.vector_load %arg10[%get3A_441, %get3A_442] {strides = array<i32>} : memref<16x1024xf32, #tpu.memory_space<vmem>>, vector<1x16xf32>,
      %get3A_444 = vector.shape_cast %get3A_443 : vector<1x16xf32> to vector<16xf32>
      %add3A_445 = arith.addf %get3A_440, %get3A_444 : vector<16xf32>
      %swap3A_446 = arith.index_cast %scan3A_144 : i32 to index
      %swap3A_447 = arith.constant 336 : index
      %swap3A_448 = tpu.vector_load %arg8[%swap3A_446, %swap3A_447] {strides = array<i32>} : memref<16x1024xf32, #tpu.memory_space<vmem>>, vector<1x16xf32>,
      %swap3A_449 = vector.shape_cast %swap3A_448 : vector<1x16xf32> to vector<16xf32>
      %swap3A_450 = vector.shape_cast %add3A_445 : vector<16xf32> to vector<1x16xf32>
      tpu.vector_store %arg8[%swap3A_446, %swap3A_447], %swap3A_450 {strides = array<i32>} : memref<16x1024xf32, #tpu.memory_space<vmem>>, vector<1x16xf32>,
      %get3A_451 = arith.index_cast %scan3A_144 : i32 to index
      %get3A_452 = arith.constant 352 : index
      %get3A_453 = tpu.vector_load %arg8[%get3A_451, %get3A_452] {strides = array<i32>} : memref<16x1024xf32, #tpu.memory_space<vmem>>, vector<1x16xf32>,
      %get3A_454 = vector.shape_cast %get3A_453 : vector<1x16xf32> to vector<16xf32>
      %get3A_455 = arith.index_cast %scan3A_144 : i32 to index
      %get3A_456 = arith.constant 352 : index
      %get3A_457 = tpu.vector_load %arg10[%get3A_455, %get3A_456] {strides = array<i32>} : memref<16x1024xf32, #tpu.memory_space<vmem>>, vector<1x16xf32>,
      %get3A_458 = vector.shape_cast %get3A_457 : vector<1x16xf32> to vector<16xf32>
      %add3A_459 = arith.addf %get3A_454, %get3A_458 : vector<16xf32>
      %swap3A_460 = arith.index_cast %scan3A_144 : i32 to index
      %swap3A_461 = arith.constant 352 : index
      %swap3A_462 = tpu.vector_load %arg8[%swap3A_460, %swap3A_461] {strides = array<i32>} : memref<16x1024xf32, #tpu.memory_space<vmem>>, vector<1x16xf32>,
      %swap3A_463 = vector.shape_cast %swap3A_462 : vector<1x16xf32> to vector<16xf32>
      %swap3A_464 = vector.shape_cast %add3A_459 : vector<16xf32> to vector<1x16xf32>
      tpu.vector_store %arg8[%swap3A_460, %swap3A_461], %swap3A_464 {strides = array<i32>} : memref<16x1024xf32, #tpu.memory_space<vmem>>, vector<1x16xf32>,
      %get3A_465 = arith.index_cast %scan3A_144 : i32 to index
      %get3A_466 = arith.constant 368 : index
      %get3A_467 = tpu.vector_load %arg8[%get3A_465, %get3A_466] {strides = array<i32>} : memref<16x1024xf32, #tpu.memory_space<vmem>>, vector<1x16xf32>,
      %get3A_468 = vector.shape_cast %get3A_467 : vector<1x16xf32> to vector<16xf32>
      %get3A_469 = arith.index_cast %scan3A_144 : i32 to index
      %get3A_470 = arith.constant 368 : index
      %get3A_471 = tpu.vector_load %arg10[%get3A_469, %get3A_470] {strides = array<i32>} : memref<16x1024xf32, #tpu.memory_space<vmem>>, vector<1x16xf32>,
      %get3A_472 = vector.shape_cast %get3A_471 : vector<1x16xf32> to vector<16xf32>
      %add3A_473 = arith.addf %get3A_468, %get3A_472 : vector<16xf32>
      %swap3A_474 = arith.index_cast %scan3A_144 : i32 to index
      %swap3A_475 = arith.constant 368 : index
      %swap3A_476 = tpu.vector_load %arg8[%swap3A_474, %swap3A_475] {strides = array<i32>} : memref<16x1024xf32, #tpu.memory_space<vmem>>, vector<1x16xf32>,
      %swap3A_477 = vector.shape_cast %swap3A_476 : vector<1x16xf32> to vector<16xf32>
      %swap3A_478 = vector.shape_cast %add3A_473 : vector<16xf32> to vector<1x16xf32>
      tpu.vector_store %arg8[%swap3A_474, %swap3A_475], %swap3A_478 {strides = array<i32>} : memref<16x1024xf32, #tpu.memory_space<vmem>>, vector<1x16xf32>,
      %get3A_479 = arith.index_cast %scan3A_144 : i32 to index
      %get3A_480 = arith.constant 384 : index
      %get3A_481 = tpu.vector_load %arg8[%get3A_479, %get3A_480] {strides = array<i32>} : memref<16x1024xf32, #tpu.memory_space<vmem>>, vector<1x16xf32>,
      %get3A_482 = vector.shape_cast %get3A_481 : vector<1x16xf32> to vector<16xf32>
      %get3A_483 = arith.index_cast %scan3A_144 : i32 to index
      %get3A_484 = arith.constant 384 : index
      %get3A_485 = tpu.vector_load %arg10[%get3A_483, %get3A_484] {strides = array<i32>} : memref<16x1024xf32, #tpu.memory_space<vmem>>, vector<1x16xf32>,
      %get3A_486 = vector.shape_cast %get3A_485 : vector<1x16xf32> to vector<16xf32>
      %add3A_487 = arith.addf %get3A_482, %get3A_486 : vector<16xf32>
      %swap3A_488 = arith.index_cast %scan3A_144 : i32 to index
      %swap3A_489 = arith.constant 384 : index
      %swap3A_490 = tpu.vector_load %arg8[%swap3A_488, %swap3A_489] {strides = array<i32>} : memref<16x1024xf32, #tpu.memory_space<vmem>>, vector<1x16xf32>,
      %swap3A_491 = vector.shape_cast %swap3A_490 : vector<1x16xf32> to vector<16xf32>
      %swap3A_492 = vector.shape_cast %add3A_487 : vector<16xf32> to vector<1x16xf32>
      tpu.vector_store %arg8[%swap3A_488, %swap3A_489], %swap3A_492 {strides = array<i32>} : memref<16x1024xf32, #tpu.memory_space<vmem>>, vector<1x16xf32>,
      %get3A_493 = arith.index_cast %scan3A_144 : i32 to index
      %get3A_494 = arith.constant 400 : index
      %get3A_495 = tpu.vector_load %arg8[%get3A_493, %get3A_494] {strides = array<i32>} : memref<16x1024xf32, #tpu.memory_space<vmem>>, vector<1x16xf32>,
      %get3A_496 = vector.shape_cast %get3A_495 : vector<1x16xf32> to vector<16xf32>
      %get3A_497 = arith.index_cast %scan3A_144 : i32 to index
      %get3A_498 = arith.constant 400 : index
      %get3A_499 = tpu.vector_load %arg10[%get3A_497, %get3A_498] {strides = array<i32>} : memref<16x1024xf32, #tpu.memory_space<vmem>>, vector<1x16xf32>,
      %get3A_500 = vector.shape_cast %get3A_499 : vector<1x16xf32> to vector<16xf32>
      %add3A_501 = arith.addf %get3A_496, %get3A_500 : vector<16xf32>
      %swap3A_502 = arith.index_cast %scan3A_144 : i32 to index
      %swap3A_503 = arith.constant 400 : index
      %swap3A_504 = tpu.vector_load %arg8[%swap3A_502, %swap3A_503] {strides = array<i32>} : memref<16x1024xf32, #tpu.memory_space<vmem>>, vector<1x16xf32>,
      %swap3A_505 = vector.shape_cast %swap3A_504 : vector<1x16xf32> to vector<16xf32>
      %swap3A_506 = vector.shape_cast %add3A_501 : vector<16xf32> to vector<1x16xf32>
      tpu.vector_store %arg8[%swap3A_502, %swap3A_503], %swap3A_506 {strides = array<i32>} : memref<16x1024xf32, #tpu.memory_space<vmem>>, vector<1x16xf32>,
      %get3A_507 = arith.index_cast %scan3A_144 : i32 to index
      %get3A_508 = arith.constant 416 : index
      %get3A_509 = tpu.vector_load %arg8[%get3A_507, %get3A_508] {strides = array<i32>} : memref<16x1024xf32, #tpu.memory_space<vmem>>, vector<1x16xf32>,
      %get3A_510 = vector.shape_cast %get3A_509 : vector<1x16xf32> to vector<16xf32>
      %get3A_511 = arith.index_cast %scan3A_144 : i32 to index
      %get3A_512 = arith.constant 416 : index
      %get3A_513 = tpu.vector_load %arg10[%get3A_511, %get3A_512] {strides = array<i32>} : memref<16x1024xf32, #tpu.memory_space<vmem>>, vector<1x16xf32>,
      %get3A_514 = vector.shape_cast %get3A_513 : vector<1x16xf32> to vector<16xf32>
      %add3A_515 = arith.addf %get3A_510, %get3A_514 : vector<16xf32>
      %swap3A_516 = arith.index_cast %scan3A_144 : i32 to index
      %swap3A_517 = arith.constant 416 : index
      %swap3A_518 = tpu.vector_load %arg8[%swap3A_516, %swap3A_517] {strides = array<i32>} : memref<16x1024xf32, #tpu.memory_space<vmem>>, vector<1x16xf32>,
      %swap3A_519 = vector.shape_cast %swap3A_518 : vector<1x16xf32> to vector<16xf32>
      %swap3A_520 = vector.shape_cast %add3A_515 : vector<16xf32> to vector<1x16xf32>
      tpu.vector_store %arg8[%swap3A_516, %swap3A_517], %swap3A_520 {strides = array<i32>} : memref<16x1024xf32, #tpu.memory_space<vmem>>, vector<1x16xf32>,
      %get3A_521 = arith.index_cast %scan3A_144 : i32 to index
      %get3A_522 = arith.constant 432 : index
      %get3A_523 = tpu.vector_load %arg8[%get3A_521, %get3A_522] {strides = array<i32>} : memref<16x1024xf32, #tpu.memory_space<vmem>>, vector<1x16xf32>,
      %get3A_524 = vector.shape_cast %get3A_523 : vector<1x16xf32> to vector<16xf32>
      %get3A_525 = arith.index_cast %scan3A_144 : i32 to index
      %get3A_526 = arith.constant 432 : index
      %get3A_527 = tpu.vector_load %arg10[%get3A_525, %get3A_526] {strides = array<i32>} : memref<16x1024xf32, #tpu.memory_space<vmem>>, vector<1x16xf32>,
      %get3A_528 = vector.shape_cast %get3A_527 : vector<1x16xf32> to vector<16xf32>
      %add3A_529 = arith.addf %get3A_524, %get3A_528 : vector<16xf32>
      %swap3A_530 = arith.index_cast %scan3A_144 : i32 to index
      %swap3A_531 = arith.constant 432 : index
      %swap3A_532 = tpu.vector_load %arg8[%swap3A_530, %swap3A_531] {strides = array<i32>} : memref<16x1024xf32, #tpu.memory_space<vmem>>, vector<1x16xf32>,
      %swap3A_533 = vector.shape_cast %swap3A_532 : vector<1x16xf32> to vector<16xf32>
      %swap3A_534 = vector.shape_cast %add3A_529 : vector<16xf32> to vector<1x16xf32>
      tpu.vector_store %arg8[%swap3A_530, %swap3A_531], %swap3A_534 {strides = array<i32>} : memref<16x1024xf32, #tpu.memory_space<vmem>>, vector<1x16xf32>,
      %get3A_535 = arith.index_cast %scan3A_144 : i32 to index
      %get3A_536 = arith.constant 448 : index
      %get3A_537 = tpu.vector_load %arg8[%get3A_535, %get3A_536] {strides = array<i32>} : memref<16x1024xf32, #tpu.memory_space<vmem>>, vector<1x16xf32>,
      %get3A_538 = vector.shape_cast %get3A_537 : vector<1x16xf32> to vector<16xf32>
      %get3A_539 = arith.index_cast %scan3A_144 : i32 to index
      %get3A_540 = arith.constant 448 : index
      %get3A_541 = tpu.vector_load %arg10[%get3A_539, %get3A_540] {strides = array<i32>} : memref<16x1024xf32, #tpu.memory_space<vmem>>, vector<1x16xf32>,
      %get3A_542 = vector.shape_cast %get3A_541 : vector<1x16xf32> to vector<16xf32>
      %add3A_543 = arith.addf %get3A_538, %get3A_542 : vector<16xf32>
      %swap3A_544 = arith.index_cast %scan3A_144 : i32 to index
      %swap3A_545 = arith.constant 448 : index
      %swap3A_546 = tpu.vector_load %arg8[%swap3A_544, %swap3A_545] {strides = array<i32>} : memref<16x1024xf32, #tpu.memory_space<vmem>>, vector<1x16xf32>,
      %swap3A_547 = vector.shape_cast %swap3A_546 : vector<1x16xf32> to vector<16xf32>
      %swap3A_548 = vector.shape_cast %add3A_543 : vector<16xf32> to vector<1x16xf32>
      tpu.vector_store %arg8[%swap3A_544, %swap3A_545], %swap3A_548 {strides = array<i32>} : memref<16x1024xf32, #tpu.memory_space<vmem>>, vector<1x16xf32>,
      %get3A_549 = arith.index_cast %scan3A_144 : i32 to index
      %get3A_550 = arith.constant 464 : index
      %get3A_551 = tpu.vector_load %arg8[%get3A_549, %get3A_550] {strides = array<i32>} : memref<16x1024xf32, #tpu.memory_space<vmem>>, vector<1x16xf32>,
      %get3A_552 = vector.shape_cast %get3A_551 : vector<1x16xf32> to vector<16xf32>
      %get3A_553 = arith.index_cast %scan3A_144 : i32 to index
      %get3A_554 = arith.constant 464 : index
      %get3A_555 = tpu.vector_load %arg10[%get3A_553, %get3A_554] {strides = array<i32>} : memref<16x1024xf32, #tpu.memory_space<vmem>>, vector<1x16xf32>,
      %get3A_556 = vector.shape_cast %get3A_555 : vector<1x16xf32> to vector<16xf32>
      %add3A_557 = arith.addf %get3A_552, %get3A_556 : vector<16xf32>
      %swap3A_558 = arith.index_cast %scan3A_144 : i32 to index
      %swap3A_559 = arith.constant 464 : index
      %swap3A_560 = tpu.vector_load %arg8[%swap3A_558, %swap3A_559] {strides = array<i32>} : memref<16x1024xf32, #tpu.memory_space<vmem>>, vector<1x16xf32>,
      %swap3A_561 = vector.shape_cast %swap3A_560 : vector<1x16xf32> to vector<16xf32>
      %swap3A_562 = vector.shape_cast %add3A_557 : vector<16xf32> to vector<1x16xf32>
      tpu.vector_store %arg8[%swap3A_558, %swap3A_559], %swap3A_562 {strides = array<i32>} : memref<16x1024xf32, #tpu.memory_space<vmem>>, vector<1x16xf32>,
      %get3A_563 = arith.index_cast %scan3A_144 : i32 to index
      %get3A_564 = arith.constant 480 : index
      %get3A_565 = tpu.vector_load %arg8[%get3A_563, %get3A_564] {strides = array<i32>} : memref<16x1024xf32, #tpu.memory_space<vmem>>, vector<1x16xf32>,
      %get3A_566 = vector.shape_cast %get3A_565 : vector<1x16xf32> to vector<16xf32>
      %get3A_567 = arith.index_cast %scan3A_144 : i32 to index
      %get3A_568 = arith.constant 480 : index
      %get3A_569 = tpu.vector_load %arg10[%get3A_567, %get3A_568] {strides = array<i32>} : memref<16x1024xf32, #tpu.memory_space<vmem>>, vector<1x16xf32>,
      %get3A_570 = vector.shape_cast %get3A_569 : vector<1x16xf32> to vector<16xf32>
      %add3A_571 = arith.addf %get3A_566, %get3A_570 : vector<16xf32>
      %swap3A_572 = arith.index_cast %scan3A_144 : i32 to index
      %swap3A_573 = arith.constant 480 : index
      %swap3A_574 = tpu.vector_load %arg8[%swap3A_572, %swap3A_573] {strides = array<i32>} : memref<16x1024xf32, #tpu.memory_space<vmem>>, vector<1x16xf32>,
      %swap3A_575 = vector.shape_cast %swap3A_574 : vector<1x16xf32> to vector<16xf32>
      %swap3A_576 = vector.shape_cast %add3A_571 : vector<16xf32> to vector<1x16xf32>
      tpu.vector_store %arg8[%swap3A_572, %swap3A_573], %swap3A_576 {strides = array<i32>} : memref<16x1024xf32, #tpu.memory_space<vmem>>, vector<1x16xf32>,
      %get3A_577 = arith.index_cast %scan3A_144 : i32 to index
      %get3A_578 = arith.constant 496 : index
      %get3A_579 = tpu.vector_load %arg8[%get3A_577, %get3A_578] {strides = array<i32>} : memref<16x1024xf32, #tpu.memory_space<vmem>>, vector<1x16xf32>,
      %get3A_580 = vector.shape_cast %get3A_579 : vector<1x16xf32> to vector<16xf32>
      %get3A_581 = arith.index_cast %scan3A_144 : i32 to index
      %get3A_582 = arith.constant 496 : index
      %get3A_583 = tpu.vector_load %arg10[%get3A_581, %get3A_582] {strides = array<i32>} : memref<16x1024xf32, #tpu.memory_space<vmem>>, vector<1x16xf32>,
      %get3A_584 = vector.shape_cast %get3A_583 : vector<1x16xf32> to vector<16xf32>
      %add3A_585 = arith.addf %get3A_580, %get3A_584 : vector<16xf32>
      %swap3A_586 = arith.index_cast %scan3A_144 : i32 to index
      %swap3A_587 = arith.constant 496 : index
      %swap3A_588 = tpu.vector_load %arg8[%swap3A_586, %swap3A_587] {strides = array<i32>} : memref<16x1024xf32, #tpu.memory_space<vmem>>, vector<1x16xf32>,
      %swap3A_589 = vector.shape_cast %swap3A_588 : vector<1x16xf32> to vector<16xf32>
      %swap3A_590 = vector.shape_cast %add3A_585 : vector<16xf32> to vector<1x16xf32>
      tpu.vector_store %arg8[%swap3A_586, %swap3A_587], %swap3A_590 {strides = array<i32>} : memref<16x1024xf32, #tpu.memory_space<vmem>>, vector<1x16xf32>,
      %get3A_591 = arith.index_cast %scan3A_144 : i32 to index
      %get3A_592 = arith.constant 512 : index
      %get3A_593 = tpu.vector_load %arg8[%get3A_591, %get3A_592] {strides = array<i32>} : memref<16x1024xf32, #tpu.memory_space<vmem>>, vector<1x16xf32>,
      %get3A_594 = vector.shape_cast %get3A_593 : vector<1x16xf32> to vector<16xf32>
      %get3A_595 = arith.index_cast %scan3A_144 : i32 to index
      %get3A_596 = arith.constant 512 : index
      %get3A_597 = tpu.vector_load %arg10[%get3A_595, %get3A_596] {strides = array<i32>} : memref<16x1024xf32, #tpu.memory_space<vmem>>, vector<1x16xf32>,
      %get3A_598 = vector.shape_cast %get3A_597 : vector<1x16xf32> to vector<16xf32>
      %add3A_599 = arith.addf %get3A_594, %get3A_598 : vector<16xf32>
      %swap3A_600 = arith.index_cast %scan3A_144 : i32 to index
      %swap3A_601 = arith.constant 512 : index
      %swap3A_602 = tpu.vector_load %arg8[%swap3A_600, %swap3A_601] {strides = array<i32>} : memref<16x1024xf32, #tpu.memory_space<vmem>>, vector<1x16xf32>,
      %swap3A_603 = vector.shape_cast %swap3A_602 : vector<1x16xf32> to vector<16xf32>
      %swap3A_604 = vector.shape_cast %add3A_599 : vector<16xf32> to vector<1x16xf32>
      tpu.vector_store %arg8[%swap3A_600, %swap3A_601], %swap3A_604 {strides = array<i32>} : memref<16x1024xf32, #tpu.memory_space<vmem>>, vector<1x16xf32>,
      %get3A_605 = arith.index_cast %scan3A_144 : i32 to index
      %get3A_606 = arith.constant 528 : index
      %get3A_607 = tpu.vector_load %arg8[%get3A_605, %get3A_606] {strides = array<i32>} : memref<16x1024xf32, #tpu.memory_space<vmem>>, vector<1x16xf32>,
      %get3A_608 = vector.shape_cast %get3A_607 : vector<1x16xf32> to vector<16xf32>
      %get3A_609 = arith.index_cast %scan3A_144 : i32 to index
      %get3A_610 = arith.constant 528 : index
      %get3A_611 = tpu.vector_load %arg10[%get3A_609, %get3A_610] {strides = array<i32>} : memref<16x1024xf32, #tpu.memory_space<vmem>>, vector<1x16xf32>,
      %get3A_612 = vector.shape_cast %get3A_611 : vector<1x16xf32> to vector<16xf32>
      %add3A_613 = arith.addf %get3A_608, %get3A_612 : vector<16xf32>
      %swap3A_614 = arith.index_cast %scan3A_144 : i32 to index
      %swap3A_615 = arith.constant 528 : index
      %swap3A_616 = tpu.vector_load %arg8[%swap3A_614, %swap3A_615] {strides = array<i32>} : memref<16x1024xf32, #tpu.memory_space<vmem>>, vector<1x16xf32>,
      %swap3A_617 = vector.shape_cast %swap3A_616 : vector<1x16xf32> to vector<16xf32>
      %swap3A_618 = vector.shape_cast %add3A_613 : vector<16xf32> to vector<1x16xf32>
      tpu.vector_store %arg8[%swap3A_614, %swap3A_615], %swap3A_618 {strides = array<i32>} : memref<16x1024xf32, #tpu.memory_space<vmem>>, vector<1x16xf32>,
      %get3A_619 = arith.index_cast %scan3A_144 : i32 to index
      %get3A_620 = arith.constant 544 : index
      %get3A_621 = tpu.vector_load %arg8[%get3A_619, %get3A_620] {strides = array<i32>} : memref<16x1024xf32, #tpu.memory_space<vmem>>, vector<1x16xf32>,
      %get3A_622 = vector.shape_cast %get3A_621 : vector<1x16xf32> to vector<16xf32>
      %get3A_623 = arith.index_cast %scan3A_144 : i32 to index
      %get3A_624 = arith.constant 544 : index
      %get3A_625 = tpu.vector_load %arg10[%get3A_623, %get3A_624] {strides = array<i32>} : memref<16x1024xf32, #tpu.memory_space<vmem>>, vector<1x16xf32>,
      %get3A_626 = vector.shape_cast %get3A_625 : vector<1x16xf32> to vector<16xf32>
      %add3A_627 = arith.addf %get3A_622, %get3A_626 : vector<16xf32>
      %swap3A_628 = arith.index_cast %scan3A_144 : i32 to index
      %swap3A_629 = arith.constant 544 : index
      %swap3A_630 = tpu.vector_load %arg8[%swap3A_628, %swap3A_629] {strides = array<i32>} : memref<16x1024xf32, #tpu.memory_space<vmem>>, vector<1x16xf32>,
      %swap3A_631 = vector.shape_cast %swap3A_630 : vector<1x16xf32> to vector<16xf32>
      %swap3A_632 = vector.shape_cast %add3A_627 : vector<16xf32> to vector<1x16xf32>
      tpu.vector_store %arg8[%swap3A_628, %swap3A_629], %swap3A_632 {strides = array<i32>} : memref<16x1024xf32, #tpu.memory_space<vmem>>, vector<1x16xf32>,
      %get3A_633 = arith.index_cast %scan3A_144 : i32 to index
      %get3A_634 = arith.constant 560 : index
      %get3A_635 = tpu.vector_load %arg8[%get3A_633, %get3A_634] {strides = array<i32>} : memref<16x1024xf32, #tpu.memory_space<vmem>>, vector<1x16xf32>,
      %get3A_636 = vector.shape_cast %get3A_635 : vector<1x16xf32> to vector<16xf32>
      %get3A_637 = arith.index_cast %scan3A_144 : i32 to index
      %get3A_638 = arith.constant 560 : index
      %get3A_639 = tpu.vector_load %arg10[%get3A_637, %get3A_638] {strides = array<i32>} : memref<16x1024xf32, #tpu.memory_space<vmem>>, vector<1x16xf32>,
      %get3A_640 = vector.shape_cast %get3A_639 : vector<1x16xf32> to vector<16xf32>
      %add3A_641 = arith.addf %get3A_636, %get3A_640 : vector<16xf32>
      %swap3A_642 = arith.index_cast %scan3A_144 : i32 to index
      %swap3A_643 = arith.constant 560 : index
      %swap3A_644 = tpu.vector_load %arg8[%swap3A_642, %swap3A_643] {strides = array<i32>} : memref<16x1024xf32, #tpu.memory_space<vmem>>, vector<1x16xf32>,
      %swap3A_645 = vector.shape_cast %swap3A_644 : vector<1x16xf32> to vector<16xf32>
      %swap3A_646 = vector.shape_cast %add3A_641 : vector<16xf32> to vector<1x16xf32>
      tpu.vector_store %arg8[%swap3A_642, %swap3A_643], %swap3A_646 {strides = array<i32>} : memref<16x1024xf32, #tpu.memory_space<vmem>>, vector<1x16xf32>,
      %get3A_647 = arith.index_cast %scan3A_144 : i32 to index
      %get3A_648 = arith.constant 576 : index
      %get3A_649 = tpu.vector_load %arg8[%get3A_647, %get3A_648] {strides = array<i32>} : memref<16x1024xf32, #tpu.memory_space<vmem>>, vector<1x16xf32>,
      %get3A_650 = vector.shape_cast %get3A_649 : vector<1x16xf32> to vector<16xf32>
      %get3A_651 = arith.index_cast %scan3A_144 : i32 to index
      %get3A_652 = arith.constant 576 : index
      %get3A_653 = tpu.vector_load %arg10[%get3A_651, %get3A_652] {strides = array<i32>} : memref<16x1024xf32, #tpu.memory_space<vmem>>, vector<1x16xf32>,
      %get3A_654 = vector.shape_cast %get3A_653 : vector<1x16xf32> to vector<16xf32>
      %add3A_655 = arith.addf %get3A_650, %get3A_654 : vector<16xf32>
      %swap3A_656 = arith.index_cast %scan3A_144 : i32 to index
      %swap3A_657 = arith.constant 576 : index
      %swap3A_658 = tpu.vector_load %arg8[%swap3A_656, %swap3A_657] {strides = array<i32>} : memref<16x1024xf32, #tpu.memory_space<vmem>>, vector<1x16xf32>,
      %swap3A_659 = vector.shape_cast %swap3A_658 : vector<1x16xf32> to vector<16xf32>
      %swap3A_660 = vector.shape_cast %add3A_655 : vector<16xf32> to vector<1x16xf32>
      tpu.vector_store %arg8[%swap3A_656, %swap3A_657], %swap3A_660 {strides = array<i32>} : memref<16x1024xf32, #tpu.memory_space<vmem>>, vector<1x16xf32>,
      %get3A_661 = arith.index_cast %scan3A_144 : i32 to index
      %get3A_662 = arith.constant 592 : index
      %get3A_663 = tpu.vector_load %arg8[%get3A_661, %get3A_662] {strides = array<i32>} : memref<16x1024xf32, #tpu.memory_space<vmem>>, vector<1x16xf32>,
      %get3A_664 = vector.shape_cast %get3A_663 : vector<1x16xf32> to vector<16xf32>
      %get3A_665 = arith.index_cast %scan3A_144 : i32 to index
      %get3A_666 = arith.constant 592 : index
      %get3A_667 = tpu.vector_load %arg10[%get3A_665, %get3A_666] {strides = array<i32>} : memref<16x1024xf32, #tpu.memory_space<vmem>>, vector<1x16xf32>,
      %get3A_668 = vector.shape_cast %get3A_667 : vector<1x16xf32> to vector<16xf32>
      %add3A_669 = arith.addf %get3A_664, %get3A_668 : vector<16xf32>
      %swap3A_670 = arith.index_cast %scan3A_144 : i32 to index
      %swap3A_671 = arith.constant 592 : index
      %swap3A_672 = tpu.vector_load %arg8[%swap3A_670, %swap3A_671] {strides = array<i32>} : memref<16x1024xf32, #tpu.memory_space<vmem>>, vector<1x16xf32>,
      %swap3A_673 = vector.shape_cast %swap3A_672 : vector<1x16xf32> to vector<16xf32>
      %swap3A_674 = vector.shape_cast %add3A_669 : vector<16xf32> to vector<1x16xf32>
      tpu.vector_store %arg8[%swap3A_670, %swap3A_671], %swap3A_674 {strides = array<i32>} : memref<16x1024xf32, #tpu.memory_space<vmem>>, vector<1x16xf32>,
      %get3A_675 = arith.index_cast %scan3A_144 : i32 to index
      %get3A_676 = arith.constant 608 : index
      %get3A_677 = tpu.vector_load %arg8[%get3A_675, %get3A_676] {strides = array<i32>} : memref<16x1024xf32, #tpu.memory_space<vmem>>, vector<1x16xf32>,
      %get3A_678 = vector.shape_cast %get3A_677 : vector<1x16xf32> to vector<16xf32>
      %get3A_679 = arith.index_cast %scan3A_144 : i32 to index
      %get3A_680 = arith.constant 608 : index
      %get3A_681 = tpu.vector_load %arg10[%get3A_679, %get3A_680] {strides = array<i32>} : memref<16x1024xf32, #tpu.memory_space<vmem>>, vector<1x16xf32>,
      %get3A_682 = vector.shape_cast %get3A_681 : vector<1x16xf32> to vector<16xf32>
      %add3A_683 = arith.addf %get3A_678, %get3A_682 : vector<16xf32>
      %swap3A_684 = arith.index_cast %scan3A_144 : i32 to index
      %swap3A_685 = arith.constant 608 : index
      %swap3A_686 = tpu.vector_load %arg8[%swap3A_684, %swap3A_685] {strides = array<i32>} : memref<16x1024xf32, #tpu.memory_space<vmem>>, vector<1x16xf32>,
      %swap3A_687 = vector.shape_cast %swap3A_686 : vector<1x16xf32> to vector<16xf32>
      %swap3A_688 = vector.shape_cast %add3A_683 : vector<16xf32> to vector<1x16xf32>
      tpu.vector_store %arg8[%swap3A_684, %swap3A_685], %swap3A_688 {strides = array<i32>} : memref<16x1024xf32, #tpu.memory_space<vmem>>, vector<1x16xf32>,
      %get3A_689 = arith.index_cast %scan3A_144 : i32 to index
      %get3A_690 = arith.constant 624 : index
      %get3A_691 = tpu.vector_load %arg8[%get3A_689, %get3A_690] {strides = array<i32>} : memref<16x1024xf32, #tpu.memory_space<vmem>>, vector<1x16xf32>,
      %get3A_692 = vector.shape_cast %get3A_691 : vector<1x16xf32> to vector<16xf32>
      %get3A_693 = arith.index_cast %scan3A_144 : i32 to index
      %get3A_694 = arith.constant 624 : index
      %get3A_695 = tpu.vector_load %arg10[%get3A_693, %get3A_694] {strides = array<i32>} : memref<16x1024xf32, #tpu.memory_space<vmem>>, vector<1x16xf32>,
      %get3A_696 = vector.shape_cast %get3A_695 : vector<1x16xf32> to vector<16xf32>
      %add3A_697 = arith.addf %get3A_692, %get3A_696 : vector<16xf32>
      %swap3A_698 = arith.index_cast %scan3A_144 : i32 to index
      %swap3A_699 = arith.constant 624 : index
      %swap3A_700 = tpu.vector_load %arg8[%swap3A_698, %swap3A_699] {strides = array<i32>} : memref<16x1024xf32, #tpu.memory_space<vmem>>, vector<1x16xf32>,
      %swap3A_701 = vector.shape_cast %swap3A_700 : vector<1x16xf32> to vector<16xf32>
      %swap3A_702 = vector.shape_cast %add3A_697 : vector<16xf32> to vector<1x16xf32>
      tpu.vector_store %arg8[%swap3A_698, %swap3A_699], %swap3A_702 {strides = array<i32>} : memref<16x1024xf32, #tpu.memory_space<vmem>>, vector<1x16xf32>,
      %get3A_703 = arith.index_cast %scan3A_144 : i32 to index
      %get3A_704 = arith.constant 640 : index
      %get3A_705 = tpu.vector_load %arg8[%get3A_703, %get3A_704] {strides = array<i32>} : memref<16x1024xf32, #tpu.memory_space<vmem>>, vector<1x16xf32>,
      %get3A_706 = vector.shape_cast %get3A_705 : vector<1x16xf32> to vector<16xf32>
      %get3A_707 = arith.index_cast %scan3A_144 : i32 to index
      %get3A_708 = arith.constant 640 : index
      %get3A_709 = tpu.vector_load %arg10[%get3A_707, %get3A_708] {strides = array<i32>} : memref<16x1024xf32, #tpu.memory_space<vmem>>, vector<1x16xf32>,
      %get3A_710 = vector.shape_cast %get3A_709 : vector<1x16xf32> to vector<16xf32>
      %add3A_711 = arith.addf %get3A_706, %get3A_710 : vector<16xf32>
      %swap3A_712 = arith.index_cast %scan3A_144 : i32 to index
      %swap3A_713 = arith.constant 640 : index
      %swap3A_714 = tpu.vector_load %arg8[%swap3A_712, %swap3A_713] {strides = array<i32>} : memref<16x1024xf32, #tpu.memory_space<vmem>>, vector<1x16xf32>,
      %swap3A_715 = vector.shape_cast %swap3A_714 : vector<1x16xf32> to vector<16xf32>
      %swap3A_716 = vector.shape_cast %add3A_711 : vector<16xf32> to vector<1x16xf32>
      tpu.vector_store %arg8[%swap3A_712, %swap3A_713], %swap3A_716 {strides = array<i32>} : memref<16x1024xf32, #tpu.memory_space<vmem>>, vector<1x16xf32>,
      %get3A_717 = arith.index_cast %scan3A_144 : i32 to index
      %get3A_718 = arith.constant 656 : index
      %get3A_719 = tpu.vector_load %arg8[%get3A_717, %get3A_718] {strides = array<i32>} : memref<16x1024xf32, #tpu.memory_space<vmem>>, vector<1x16xf32>,
      %get3A_720 = vector.shape_cast %get3A_719 : vector<1x16xf32> to vector<16xf32>
      %get3A_721 = arith.index_cast %scan3A_144 : i32 to index
      %get3A_722 = arith.constant 656 : index
      %get3A_723 = tpu.vector_load %arg10[%get3A_721, %get3A_722] {strides = array<i32>} : memref<16x1024xf32, #tpu.memory_space<vmem>>, vector<1x16xf32>,
      %get3A_724 = vector.shape_cast %get3A_723 : vector<1x16xf32> to vector<16xf32>
      %add3A_725 = arith.addf %get3A_720, %get3A_724 : vector<16xf32>
      %swap3A_726 = arith.index_cast %scan3A_144 : i32 to index
      %swap3A_727 = arith.constant 656 : index
      %swap3A_728 = tpu.vector_load %arg8[%swap3A_726, %swap3A_727] {strides = array<i32>} : memref<16x1024xf32, #tpu.memory_space<vmem>>, vector<1x16xf32>,
      %swap3A_729 = vector.shape_cast %swap3A_728 : vector<1x16xf32> to vector<16xf32>
      %swap3A_730 = vector.shape_cast %add3A_725 : vector<16xf32> to vector<1x16xf32>
      tpu.vector_store %arg8[%swap3A_726, %swap3A_727], %swap3A_730 {strides = array<i32>} : memref<16x1024xf32, #tpu.memory_space<vmem>>, vector<1x16xf32>,
      %get3A_731 = arith.index_cast %scan3A_144 : i32 to index
      %get3A_732 = arith.constant 672 : index
      %get3A_733 = tpu.vector_load %arg8[%get3A_731, %get3A_732] {strides = array<i32>} : memref<16x1024xf32, #tpu.memory_space<vmem>>, vector<1x16xf32>,
      %get3A_734 = vector.shape_cast %get3A_733 : vector<1x16xf32> to vector<16xf32>
      %get3A_735 = arith.index_cast %scan3A_144 : i32 to index
      %get3A_736 = arith.constant 672 : index
      %get3A_737 = tpu.vector_load %arg10[%get3A_735, %get3A_736] {strides = array<i32>} : memref<16x1024xf32, #tpu.memory_space<vmem>>, vector<1x16xf32>,
      %get3A_738 = vector.shape_cast %get3A_737 : vector<1x16xf32> to vector<16xf32>
      %add3A_739 = arith.addf %get3A_734, %get3A_738 : vector<16xf32>
      %swap3A_740 = arith.index_cast %scan3A_144 : i32 to index
      %swap3A_741 = arith.constant 672 : index
      %swap3A_742 = tpu.vector_load %arg8[%swap3A_740, %swap3A_741] {strides = array<i32>} : memref<16x1024xf32, #tpu.memory_space<vmem>>, vector<1x16xf32>,
      %swap3A_743 = vector.shape_cast %swap3A_742 : vector<1x16xf32> to vector<16xf32>
      %swap3A_744 = vector.shape_cast %add3A_739 : vector<16xf32> to vector<1x16xf32>
      tpu.vector_store %arg8[%swap3A_740, %swap3A_741], %swap3A_744 {strides = array<i32>} : memref<16x1024xf32, #tpu.memory_space<vmem>>, vector<1x16xf32>,
      %get3A_745 = arith.index_cast %scan3A_144 : i32 to index
      %get3A_746 = arith.constant 688 : index
      %get3A_747 = tpu.vector_load %arg8[%get3A_745, %get3A_746] {strides = array<i32>} : memref<16x1024xf32, #tpu.memory_space<vmem>>, vector<1x16xf32>,
      %get3A_748 = vector.shape_cast %get3A_747 : vector<1x16xf32> to vector<16xf32>
      %get3A_749 = arith.index_cast %scan3A_144 : i32 to index
      %get3A_750 = arith.constant 688 : index
      %get3A_751 = tpu.vector_load %arg10[%get3A_749, %get3A_750] {strides = array<i32>} : memref<16x1024xf32, #tpu.memory_space<vmem>>, vector<1x16xf32>,
      %get3A_752 = vector.shape_cast %get3A_751 : vector<1x16xf32> to vector<16xf32>
      %add3A_753 = arith.addf %get3A_748, %get3A_752 : vector<16xf32>
      %swap3A_754 = arith.index_cast %scan3A_144 : i32 to index
      %swap3A_755 = arith.constant 688 : index
      %swap3A_756 = tpu.vector_load %arg8[%swap3A_754, %swap3A_755] {strides = array<i32>} : memref<16x1024xf32, #tpu.memory_space<vmem>>, vector<1x16xf32>,
      %swap3A_757 = vector.shape_cast %swap3A_756 : vector<1x16xf32> to vector<16xf32>
      %swap3A_758 = vector.shape_cast %add3A_753 : vector<16xf32> to vector<1x16xf32>
      tpu.vector_store %arg8[%swap3A_754, %swap3A_755], %swap3A_758 {strides = array<i32>} : memref<16x1024xf32, #tpu.memory_space<vmem>>, vector<1x16xf32>,
      %get3A_759 = arith.index_cast %scan3A_144 : i32 to index
      %get3A_760 = arith.constant 704 : index
      %get3A_761 = tpu.vector_load %arg8[%get3A_759, %get3A_760] {strides = array<i32>} : memref<16x1024xf32, #tpu.memory_space<vmem>>, vector<1x16xf32>,
      %get3A_762 = vector.shape_cast %get3A_761 : vector<1x16xf32> to vector<16xf32>
      %get3A_763 = arith.index_cast %scan3A_144 : i32 to index
      %get3A_764 = arith.constant 704 : index
      %get3A_765 = tpu.vector_load %arg10[%get3A_763, %get3A_764] {strides = array<i32>} : memref<16x1024xf32, #tpu.memory_space<vmem>>, vector<1x16xf32>,
      %get3A_766 = vector.shape_cast %get3A_765 : vector<1x16xf32> to vector<16xf32>
      %add3A_767 = arith.addf %get3A_762, %get3A_766 : vector<16xf32>
      %swap3A_768 = arith.index_cast %scan3A_144 : i32 to index
      %swap3A_769 = arith.constant 704 : index
      %swap3A_770 = tpu.vector_load %arg8[%swap3A_768, %swap3A_769] {strides = array<i32>} : memref<16x1024xf32, #tpu.memory_space<vmem>>, vector<1x16xf32>,
      %swap3A_771 = vector.shape_cast %swap3A_770 : vector<1x16xf32> to vector<16xf32>
      %swap3A_772 = vector.shape_cast %add3A_767 : vector<16xf32> to vector<1x16xf32>
      tpu.vector_store %arg8[%swap3A_768, %swap3A_769], %swap3A_772 {strides = array<i32>} : memref<16x1024xf32, #tpu.memory_space<vmem>>, vector<1x16xf32>,
      %get3A_773 = arith.index_cast %scan3A_144 : i32 to index
      %get3A_774 = arith.constant 720 : index
      %get3A_775 = tpu.vector_load %arg8[%get3A_773, %get3A_774] {strides = array<i32>} : memref<16x1024xf32, #tpu.memory_space<vmem>>, vector<1x16xf32>,
      %get3A_776 = vector.shape_cast %get3A_775 : vector<1x16xf32> to vector<16xf32>
      %get3A_777 = arith.index_cast %scan3A_144 : i32 to index
      %get3A_778 = arith.constant 720 : index
      %get3A_779 = tpu.vector_load %arg10[%get3A_777, %get3A_778] {strides = array<i32>} : memref<16x1024xf32, #tpu.memory_space<vmem>>, vector<1x16xf32>,
      %get3A_780 = vector.shape_cast %get3A_779 : vector<1x16xf32> to vector<16xf32>
      %add3A_781 = arith.addf %get3A_776, %get3A_780 : vector<16xf32>
      %swap3A_782 = arith.index_cast %scan3A_144 : i32 to index
      %swap3A_783 = arith.constant 720 : index
      %swap3A_784 = tpu.vector_load %arg8[%swap3A_782, %swap3A_783] {strides = array<i32>} : memref<16x1024xf32, #tpu.memory_space<vmem>>, vector<1x16xf32>,
      %swap3A_785 = vector.shape_cast %swap3A_784 : vector<1x16xf32> to vector<16xf32>
      %swap3A_786 = vector.shape_cast %add3A_781 : vector<16xf32> to vector<1x16xf32>
      tpu.vector_store %arg8[%swap3A_782, %swap3A_783], %swap3A_786 {strides = array<i32>} : memref<16x1024xf32, #tpu.memory_space<vmem>>, vector<1x16xf32>,
      %get3A_787 = arith.index_cast %scan3A_144 : i32 to index
      %get3A_788 = arith.constant 736 : index
      %get3A_789 = tpu.vector_load %arg8[%get3A_787, %get3A_788] {strides = array<i32>} : memref<16x1024xf32, #tpu.memory_space<vmem>>, vector<1x16xf32>,
      %get3A_790 = vector.shape_cast %get3A_789 : vector<1x16xf32> to vector<16xf32>
      %get3A_791 = arith.index_cast %scan3A_144 : i32 to index
      %get3A_792 = arith.constant 736 : index
      %get3A_793 = tpu.vector_load %arg10[%get3A_791, %get3A_792] {strides = array<i32>} : memref<16x1024xf32, #tpu.memory_space<vmem>>, vector<1x16xf32>,
      %get3A_794 = vector.shape_cast %get3A_793 : vector<1x16xf32> to vector<16xf32>
      %add3A_795 = arith.addf %get3A_790, %get3A_794 : vector<16xf32>
      %swap3A_796 = arith.index_cast %scan3A_144 : i32 to index
      %swap3A_797 = arith.constant 736 : index
      %swap3A_798 = tpu.vector_load %arg8[%swap3A_796, %swap3A_797] {strides = array<i32>} : memref<16x1024xf32, #tpu.memory_space<vmem>>, vector<1x16xf32>,
      %swap3A_799 = vector.shape_cast %swap3A_798 : vector<1x16xf32> to vector<16xf32>
      %swap3A_800 = vector.shape_cast %add3A_795 : vector<16xf32> to vector<1x16xf32>
      tpu.vector_store %arg8[%swap3A_796, %swap3A_797], %swap3A_800 {strides = array<i32>} : memref<16x1024xf32, #tpu.memory_space<vmem>>, vector<1x16xf32>,
      %get3A_801 = arith.index_cast %scan3A_144 : i32 to index
      %get3A_802 = arith.constant 752 : index
      %get3A_803 = tpu.vector_load %arg8[%get3A_801, %get3A_802] {strides = array<i32>} : memref<16x1024xf32, #tpu.memory_space<vmem>>, vector<1x16xf32>,
      %get3A_804 = vector.shape_cast %get3A_803 : vector<1x16xf32> to vector<16xf32>
      %get3A_805 = arith.index_cast %scan3A_144 : i32 to index
      %get3A_806 = arith.constant 752 : index
      %get3A_807 = tpu.vector_load %arg10[%get3A_805, %get3A_806] {strides = array<i32>} : memref<16x1024xf32, #tpu.memory_space<vmem>>, vector<1x16xf32>,
      %get3A_808 = vector.shape_cast %get3A_807 : vector<1x16xf32> to vector<16xf32>
      %add3A_809 = arith.addf %get3A_804, %get3A_808 : vector<16xf32>
      %swap3A_810 = arith.index_cast %scan3A_144 : i32 to index
      %swap3A_811 = arith.constant 752 : index
      %swap3A_812 = tpu.vector_load %arg8[%swap3A_810, %swap3A_811] {strides = array<i32>} : memref<16x1024xf32, #tpu.memory_space<vmem>>, vector<1x16xf32>,
      %swap3A_813 = vector.shape_cast %swap3A_812 : vector<1x16xf32> to vector<16xf32>
      %swap3A_814 = vector.shape_cast %add3A_809 : vector<16xf32> to vector<1x16xf32>
      tpu.vector_store %arg8[%swap3A_810, %swap3A_811], %swap3A_814 {strides = array<i32>} : memref<16x1024xf32, #tpu.memory_space<vmem>>, vector<1x16xf32>,
      %get3A_815 = arith.index_cast %scan3A_144 : i32 to index
      %get3A_816 = arith.constant 768 : index
      %get3A_817 = tpu.vector_load %arg8[%get3A_815, %get3A_816] {strides = array<i32>} : memref<16x1024xf32, #tpu.memory_space<vmem>>, vector<1x16xf32>,
      %get3A_818 = vector.shape_cast %get3A_817 : vector<1x16xf32> to vector<16xf32>
      %get3A_819 = arith.index_cast %scan3A_144 : i32 to index
      %get3A_820 = arith.constant 768 : index
      %get3A_821 = tpu.vector_load %arg10[%get3A_819, %get3A_820] {strides = array<i32>} : memref<16x1024xf32, #tpu.memory_space<vmem>>, vector<1x16xf32>,
      %get3A_822 = vector.shape_cast %get3A_821 : vector<1x16xf32> to vector<16xf32>
      %add3A_823 = arith.addf %get3A_818, %get3A_822 : vector<16xf32>
      %swap3A_824 = arith.index_cast %scan3A_144 : i32 to index
      %swap3A_825 = arith.constant 768 : index
      %swap3A_826 = tpu.vector_load %arg8[%swap3A_824, %swap3A_825] {strides = array<i32>} : memref<16x1024xf32, #tpu.memory_space<vmem>>, vector<1x16xf32>,
      %swap3A_827 = vector.shape_cast %swap3A_826 : vector<1x16xf32> to vector<16xf32>
      %swap3A_828 = vector.shape_cast %add3A_823 : vector<16xf32> to vector<1x16xf32>
      tpu.vector_store %arg8[%swap3A_824, %swap3A_825], %swap3A_828 {strides = array<i32>} : memref<16x1024xf32, #tpu.memory_space<vmem>>, vector<1x16xf32>,
      %get3A_829 = arith.index_cast %scan3A_144 : i32 to index
      %get3A_830 = arith.constant 784 : index
      %get3A_831 = tpu.vector_load %arg8[%get3A_829, %get3A_830] {strides = array<i32>} : memref<16x1024xf32, #tpu.memory_space<vmem>>, vector<1x16xf32>,
      %get3A_832 = vector.shape_cast %get3A_831 : vector<1x16xf32> to vector<16xf32>
      %get3A_833 = arith.index_cast %scan3A_144 : i32 to index
      %get3A_834 = arith.constant 784 : index
      %get3A_835 = tpu.vector_load %arg10[%get3A_833, %get3A_834] {strides = array<i32>} : memref<16x1024xf32, #tpu.memory_space<vmem>>, vector<1x16xf32>,
      %get3A_836 = vector.shape_cast %get3A_835 : vector<1x16xf32> to vector<16xf32>
      %add3A_837 = arith.addf %get3A_832, %get3A_836 : vector<16xf32>
      %swap3A_838 = arith.index_cast %scan3A_144 : i32 to index
      %swap3A_839 = arith.constant 784 : index
      %swap3A_840 = tpu.vector_load %arg8[%swap3A_838, %swap3A_839] {strides = array<i32>} : memref<16x1024xf32, #tpu.memory_space<vmem>>, vector<1x16xf32>,
      %swap3A_841 = vector.shape_cast %swap3A_840 : vector<1x16xf32> to vector<16xf32>
      %swap3A_842 = vector.shape_cast %add3A_837 : vector<16xf32> to vector<1x16xf32>
      tpu.vector_store %arg8[%swap3A_838, %swap3A_839], %swap3A_842 {strides = array<i32>} : memref<16x1024xf32, #tpu.memory_space<vmem>>, vector<1x16xf32>,
      %get3A_843 = arith.index_cast %scan3A_144 : i32 to index
      %get3A_844 = arith.constant 800 : index
      %get3A_845 = tpu.vector_load %arg8[%get3A_843, %get3A_844] {strides = array<i32>} : memref<16x1024xf32, #tpu.memory_space<vmem>>, vector<1x16xf32>,
      %get3A_846 = vector.shape_cast %get3A_845 : vector<1x16xf32> to vector<16xf32>
      %get3A_847 = arith.index_cast %scan3A_144 : i32 to index
      %get3A_848 = arith.constant 800 : index
      %get3A_849 = tpu.vector_load %arg10[%get3A_847, %get3A_848] {strides = array<i32>} : memref<16x1024xf32, #tpu.memory_space<vmem>>, vector<1x16xf32>,
      %get3A_850 = vector.shape_cast %get3A_849 : vector<1x16xf32> to vector<16xf32>
      %add3A_851 = arith.addf %get3A_846, %get3A_850 : vector<16xf32>
      %swap3A_852 = arith.index_cast %scan3A_144 : i32 to index
      %swap3A_853 = arith.constant 800 : index
      %swap3A_854 = tpu.vector_load %arg8[%swap3A_852, %swap3A_853] {strides = array<i32>} : memref<16x1024xf32, #tpu.memory_space<vmem>>, vector<1x16xf32>,
      %swap3A_855 = vector.shape_cast %swap3A_854 : vector<1x16xf32> to vector<16xf32>
      %swap3A_856 = vector.shape_cast %add3A_851 : vector<16xf32> to vector<1x16xf32>
      tpu.vector_store %arg8[%swap3A_852, %swap3A_853], %swap3A_856 {strides = array<i32>} : memref<16x1024xf32, #tpu.memory_space<vmem>>, vector<1x16xf32>,
      %get3A_857 = arith.index_cast %scan3A_144 : i32 to index
      %get3A_858 = arith.constant 816 : index
      %get3A_859 = tpu.vector_load %arg8[%get3A_857, %get3A_858] {strides = array<i32>} : memref<16x1024xf32, #tpu.memory_space<vmem>>, vector<1x16xf32>,
      %get3A_860 = vector.shape_cast %get3A_859 : vector<1x16xf32> to vector<16xf32>
      %get3A_861 = arith.index_cast %scan3A_144 : i32 to index
      %get3A_862 = arith.constant 816 : index
      %get3A_863 = tpu.vector_load %arg10[%get3A_861, %get3A_862] {strides = array<i32>} : memref<16x1024xf32, #tpu.memory_space<vmem>>, vector<1x16xf32>,
      %get3A_864 = vector.shape_cast %get3A_863 : vector<1x16xf32> to vector<16xf32>
      %add3A_865 = arith.addf %get3A_860, %get3A_864 : vector<16xf32>
      %swap3A_866 = arith.index_cast %scan3A_144 : i32 to index
      %swap3A_867 = arith.constant 816 : index
      %swap3A_868 = tpu.vector_load %arg8[%swap3A_866, %swap3A_867] {strides = array<i32>} : memref<16x1024xf32, #tpu.memory_space<vmem>>, vector<1x16xf32>,
      %swap3A_869 = vector.shape_cast %swap3A_868 : vector<1x16xf32> to vector<16xf32>
      %swap3A_870 = vector.shape_cast %add3A_865 : vector<16xf32> to vector<1x16xf32>
      tpu.vector_store %arg8[%swap3A_866, %swap3A_867], %swap3A_870 {strides = array<i32>} : memref<16x1024xf32, #tpu.memory_space<vmem>>, vector<1x16xf32>,
      %get3A_871 = arith.index_cast %scan3A_144 : i32 to index
      %get3A_872 = arith.constant 832 : index
      %get3A_873 = tpu.vector_load %arg8[%get3A_871, %get3A_872] {strides = array<i32>} : memref<16x1024xf32, #tpu.memory_space<vmem>>, vector<1x16xf32>,
      %get3A_874 = vector.shape_cast %get3A_873 : vector<1x16xf32> to vector<16xf32>
      %get3A_875 = arith.index_cast %scan3A_144 : i32 to index
      %get3A_876 = arith.constant 832 : index
      %get3A_877 = tpu.vector_load %arg10[%get3A_875, %get3A_876] {strides = array<i32>} : memref<16x1024xf32, #tpu.memory_space<vmem>>, vector<1x16xf32>,
      %get3A_878 = vector.shape_cast %get3A_877 : vector<1x16xf32> to vector<16xf32>
      %add3A_879 = arith.addf %get3A_874, %get3A_878 : vector<16xf32>
      %swap3A_880 = arith.index_cast %scan3A_144 : i32 to index
      %swap3A_881 = arith.constant 832 : index
      %swap3A_882 = tpu.vector_load %arg8[%swap3A_880, %swap3A_881] {strides = array<i32>} : memref<16x1024xf32, #tpu.memory_space<vmem>>, vector<1x16xf32>,
      %swap3A_883 = vector.shape_cast %swap3A_882 : vector<1x16xf32> to vector<16xf32>
      %swap3A_884 = vector.shape_cast %add3A_879 : vector<16xf32> to vector<1x16xf32>
      tpu.vector_store %arg8[%swap3A_880, %swap3A_881], %swap3A_884 {strides = array<i32>} : memref<16x1024xf32, #tpu.memory_space<vmem>>, vector<1x16xf32>,
      %get3A_885 = arith.index_cast %scan3A_144 : i32 to index
      %get3A_886 = arith.constant 848 : index
      %get3A_887 = tpu.vector_load %arg8[%get3A_885, %get3A_886] {strides = array<i32>} : memref<16x1024xf32, #tpu.memory_space<vmem>>, vector<1x16xf32>,
      %get3A_888 = vector.shape_cast %get3A_887 : vector<1x16xf32> to vector<16xf32>
      %get3A_889 = arith.index_cast %scan3A_144 : i32 to index
      %get3A_890 = arith.constant 848 : index
      %get3A_891 = tpu.vector_load %arg10[%get3A_889, %get3A_890] {strides = array<i32>} : memref<16x1024xf32, #tpu.memory_space<vmem>>, vector<1x16xf32>,
      %get3A_892 = vector.shape_cast %get3A_891 : vector<1x16xf32> to vector<16xf32>
      %add3A_893 = arith.addf %get3A_888, %get3A_892 : vector<16xf32>
      %swap3A_894 = arith.index_cast %scan3A_144 : i32 to index
      %swap3A_895 = arith.constant 848 : index
      %swap3A_896 = tpu.vector_load %arg8[%swap3A_894, %swap3A_895] {strides = array<i32>} : memref<16x1024xf32, #tpu.memory_space<vmem>>, vector<1x16xf32>,
      %swap3A_897 = vector.shape_cast %swap3A_896 : vector<1x16xf32> to vector<16xf32>
      %swap3A_898 = vector.shape_cast %add3A_893 : vector<16xf32> to vector<1x16xf32>
      tpu.vector_store %arg8[%swap3A_894, %swap3A_895], %swap3A_898 {strides = array<i32>} : memref<16x1024xf32, #tpu.memory_space<vmem>>, vector<1x16xf32>,
      %get3A_899 = arith.index_cast %scan3A_144 : i32 to index
      %get3A_900 = arith.constant 864 : index
      %get3A_901 = tpu.vector_load %arg8[%get3A_899, %get3A_900] {strides = array<i32>} : memref<16x1024xf32, #tpu.memory_space<vmem>>, vector<1x16xf32>,
      %get3A_902 = vector.shape_cast %get3A_901 : vector<1x16xf32> to vector<16xf32>
      %get3A_903 = arith.index_cast %scan3A_144 : i32 to index
      %get3A_904 = arith.constant 864 : index
      %get3A_905 = tpu.vector_load %arg10[%get3A_903, %get3A_904] {strides = array<i32>} : memref<16x1024xf32, #tpu.memory_space<vmem>>, vector<1x16xf32>,
      %get3A_906 = vector.shape_cast %get3A_905 : vector<1x16xf32> to vector<16xf32>
      %add3A_907 = arith.addf %get3A_902, %get3A_906 : vector<16xf32>
      %swap3A_908 = arith.index_cast %scan3A_144 : i32 to index
      %swap3A_909 = arith.constant 864 : index
      %swap3A_910 = tpu.vector_load %arg8[%swap3A_908, %swap3A_909] {strides = array<i32>} : memref<16x1024xf32, #tpu.memory_space<vmem>>, vector<1x16xf32>,
      %swap3A_911 = vector.shape_cast %swap3A_910 : vector<1x16xf32> to vector<16xf32>
      %swap3A_912 = vector.shape_cast %add3A_907 : vector<16xf32> to vector<1x16xf32>
      tpu.vector_store %arg8[%swap3A_908, %swap3A_909], %swap3A_912 {strides = array<i32>} : memref<16x1024xf32, #tpu.memory_space<vmem>>, vector<1x16xf32>,
      %get3A_913 = arith.index_cast %scan3A_144 : i32 to index
      %get3A_914 = arith.constant 880 : index
      %get3A_915 = tpu.vector_load %arg8[%get3A_913, %get3A_914] {strides = array<i32>} : memref<16x1024xf32, #tpu.memory_space<vmem>>, vector<1x16xf32>,
      %get3A_916 = vector.shape_cast %get3A_915 : vector<1x16xf32> to vector<16xf32>
      %get3A_917 = arith.index_cast %scan3A_144 : i32 to index
      %get3A_918 = arith.constant 880 : index
      %get3A_919 = tpu.vector_load %arg10[%get3A_917, %get3A_918] {strides = array<i32>} : memref<16x1024xf32, #tpu.memory_space<vmem>>, vector<1x16xf32>,
      %get3A_920 = vector.shape_cast %get3A_919 : vector<1x16xf32> to vector<16xf32>
      %add3A_921 = arith.addf %get3A_916, %get3A_920 : vector<16xf32>
      %swap3A_922 = arith.index_cast %scan3A_144 : i32 to index
      %swap3A_923 = arith.constant 880 : index
      %swap3A_924 = tpu.vector_load %arg8[%swap3A_922, %swap3A_923] {strides = array<i32>} : memref<16x1024xf32, #tpu.memory_space<vmem>>, vector<1x16xf32>,
      %swap3A_925 = vector.shape_cast %swap3A_924 : vector<1x16xf32> to vector<16xf32>
      %swap3A_926 = vector.shape_cast %add3A_921 : vector<16xf32> to vector<1x16xf32>
      tpu.vector_store %arg8[%swap3A_922, %swap3A_923], %swap3A_926 {strides = array<i32>} : memref<16x1024xf32, #tpu.memory_space<vmem>>, vector<1x16xf32>,
      %get3A_927 = arith.index_cast %scan3A_144 : i32 to index
      %get3A_928 = arith.constant 896 : index
      %get3A_929 = tpu.vector_load %arg8[%get3A_927, %get3A_928] {strides = array<i32>} : memref<16x1024xf32, #tpu.memory_space<vmem>>, vector<1x16xf32>,
      %get3A_930 = vector.shape_cast %get3A_929 : vector<1x16xf32> to vector<16xf32>
      %get3A_931 = arith.index_cast %scan3A_144 : i32 to index
      %get3A_932 = arith.constant 896 : index
      %get3A_933 = tpu.vector_load %arg10[%get3A_931, %get3A_932] {strides = array<i32>} : memref<16x1024xf32, #tpu.memory_space<vmem>>, vector<1x16xf32>,
      %get3A_934 = vector.shape_cast %get3A_933 : vector<1x16xf32> to vector<16xf32>
      %add3A_935 = arith.addf %get3A_930, %get3A_934 : vector<16xf32>
      %swap3A_936 = arith.index_cast %scan3A_144 : i32 to index
      %swap3A_937 = arith.constant 896 : index
      %swap3A_938 = tpu.vector_load %arg8[%swap3A_936, %swap3A_937] {strides = array<i32>} : memref<16x1024xf32, #tpu.memory_space<vmem>>, vector<1x16xf32>,
      %swap3A_939 = vector.shape_cast %swap3A_938 : vector<1x16xf32> to vector<16xf32>
      %swap3A_940 = vector.shape_cast %add3A_935 : vector<16xf32> to vector<1x16xf32>
      tpu.vector_store %arg8[%swap3A_936, %swap3A_937], %swap3A_940 {strides = array<i32>} : memref<16x1024xf32, #tpu.memory_space<vmem>>, vector<1x16xf32>,
      %get3A_941 = arith.index_cast %scan3A_144 : i32 to index
      %get3A_942 = arith.constant 912 : index
      %get3A_943 = tpu.vector_load %arg8[%get3A_941, %get3A_942] {strides = array<i32>} : memref<16x1024xf32, #tpu.memory_space<vmem>>, vector<1x16xf32>,
      %get3A_944 = vector.shape_cast %get3A_943 : vector<1x16xf32> to vector<16xf32>
      %get3A_945 = arith.index_cast %scan3A_144 : i32 to index
      %get3A_946 = arith.constant 912 : index
      %get3A_947 = tpu.vector_load %arg10[%get3A_945, %get3A_946] {strides = array<i32>} : memref<16x1024xf32, #tpu.memory_space<vmem>>, vector<1x16xf32>,
      %get3A_948 = vector.shape_cast %get3A_947 : vector<1x16xf32> to vector<16xf32>
      %add3A_949 = arith.addf %get3A_944, %get3A_948 : vector<16xf32>
      %swap3A_950 = arith.index_cast %scan3A_144 : i32 to index
      %swap3A_951 = arith.constant 912 : index
      %swap3A_952 = tpu.vector_load %arg8[%swap3A_950, %swap3A_951] {strides = array<i32>} : memref<16x1024xf32, #tpu.memory_space<vmem>>, vector<1x16xf32>,
      %swap3A_953 = vector.shape_cast %swap3A_952 : vector<1x16xf32> to vector<16xf32>
      %swap3A_954 = vector.shape_cast %add3A_949 : vector<16xf32> to vector<1x16xf32>
      tpu.vector_store %arg8[%swap3A_950, %swap3A_951], %swap3A_954 {strides = array<i32>} : memref<16x1024xf32, #tpu.memory_space<vmem>>, vector<1x16xf32>,
      %get3A_955 = arith.index_cast %scan3A_144 : i32 to index
      %get3A_956 = arith.constant 928 : index
      %get3A_957 = tpu.vector_load %arg8[%get3A_955, %get3A_956] {strides = array<i32>} : memref<16x1024xf32, #tpu.memory_space<vmem>>, vector<1x16xf32>,
      %get3A_958 = vector.shape_cast %get3A_957 : vector<1x16xf32> to vector<16xf32>
      %get3A_959 = arith.index_cast %scan3A_144 : i32 to index
      %get3A_960 = arith.constant 928 : index
      %get3A_961 = tpu.vector_load %arg10[%get3A_959, %get3A_960] {strides = array<i32>} : memref<16x1024xf32, #tpu.memory_space<vmem>>, vector<1x16xf32>,
      %get3A_962 = vector.shape_cast %get3A_961 : vector<1x16xf32> to vector<16xf32>
      %add3A_963 = arith.addf %get3A_958, %get3A_962 : vector<16xf32>
      %swap3A_964 = arith.index_cast %scan3A_144 : i32 to index
      %swap3A_965 = arith.constant 928 : index
      %swap3A_966 = tpu.vector_load %arg8[%swap3A_964, %swap3A_965] {strides = array<i32>} : memref<16x1024xf32, #tpu.memory_space<vmem>>, vector<1x16xf32>,
      %swap3A_967 = vector.shape_cast %swap3A_966 : vector<1x16xf32> to vector<16xf32>
      %swap3A_968 = vector.shape_cast %add3A_963 : vector<16xf32> to vector<1x16xf32>
      tpu.vector_store %arg8[%swap3A_964, %swap3A_965], %swap3A_968 {strides = array<i32>} : memref<16x1024xf32, #tpu.memory_space<vmem>>, vector<1x16xf32>,
      %get3A_969 = arith.index_cast %scan3A_144 : i32 to index
      %get3A_970 = arith.constant 944 : index
      %get3A_971 = tpu.vector_load %arg8[%get3A_969, %get3A_970] {strides = array<i32>} : memref<16x1024xf32, #tpu.memory_space<vmem>>, vector<1x16xf32>,
      %get3A_972 = vector.shape_cast %get3A_971 : vector<1x16xf32> to vector<16xf32>
      %get3A_973 = arith.index_cast %scan3A_144 : i32 to index
      %get3A_974 = arith.constant 944 : index
      %get3A_975 = tpu.vector_load %arg10[%get3A_973, %get3A_974] {strides = array<i32>} : memref<16x1024xf32, #tpu.memory_space<vmem>>, vector<1x16xf32>,
      %get3A_976 = vector.shape_cast %get3A_975 : vector<1x16xf32> to vector<16xf32>
      %add3A_977 = arith.addf %get3A_972, %get3A_976 : vector<16xf32>
      %swap3A_978 = arith.index_cast %scan3A_144 : i32 to index
      %swap3A_979 = arith.constant 944 : index
      %swap3A_980 = tpu.vector_load %arg8[%swap3A_978, %swap3A_979] {strides = array<i32>} : memref<16x1024xf32, #tpu.memory_space<vmem>>, vector<1x16xf32>,
      %swap3A_981 = vector.shape_cast %swap3A_980 : vector<1x16xf32> to vector<16xf32>
      %swap3A_982 = vector.shape_cast %add3A_977 : vector<16xf32> to vector<1x16xf32>
      tpu.vector_store %arg8[%swap3A_978, %swap3A_979], %swap3A_982 {strides = array<i32>} : memref<16x1024xf32, #tpu.memory_space<vmem>>, vector<1x16xf32>,
      %get3A_983 = arith.index_cast %scan3A_144 : i32 to index
      %get3A_984 = arith.constant 960 : index
      %get3A_985 = tpu.vector_load %arg8[%get3A_983, %get3A_984] {strides = array<i32>} : memref<16x1024xf32, #tpu.memory_space<vmem>>, vector<1x16xf32>,
      %get3A_986 = vector.shape_cast %get3A_985 : vector<1x16xf32> to vector<16xf32>
      %get3A_987 = arith.index_cast %scan3A_144 : i32 to index
      %get3A_988 = arith.constant 960 : index
      %get3A_989 = tpu.vector_load %arg10[%get3A_987, %get3A_988] {strides = array<i32>} : memref<16x1024xf32, #tpu.memory_space<vmem>>, vector<1x16xf32>,
      %get3A_990 = vector.shape_cast %get3A_989 : vector<1x16xf32> to vector<16xf32>
      %add3A_991 = arith.addf %get3A_986, %get3A_990 : vector<16xf32>
      %swap3A_992 = arith.index_cast %scan3A_144 : i32 to index
      %swap3A_993 = arith.constant 960 : index
      %swap3A_994 = tpu.vector_load %arg8[%swap3A_992, %swap3A_993] {strides = array<i32>} : memref<16x1024xf32, #tpu.memory_space<vmem>>, vector<1x16xf32>,
      %swap3A_995 = vector.shape_cast %swap3A_994 : vector<1x16xf32> to vector<16xf32>
      %swap3A_996 = vector.shape_cast %add3A_991 : vector<16xf32> to vector<1x16xf32>
      tpu.vector_store %arg8[%swap3A_992, %swap3A_993], %swap3A_996 {strides = array<i32>} : memref<16x1024xf32, #tpu.memory_space<vmem>>, vector<1x16xf32>,
      %get3A_997 = arith.index_cast %scan3A_144 : i32 to index
      %get3A_998 = arith.constant 976 : index
      %get3A_999 = tpu.vector_load %arg8[%get3A_997, %get3A_998] {strides = array<i32>} : memref<16x1024xf32, #tpu.memory_space<vmem>>, vector<1x16xf32>,
      %get3A_1000 = vector.shape_cast %get3A_999 : vector<1x16xf32> to vector<16xf32>
      %get3A_1001 = arith.index_cast %scan3A_144 : i32 to index
      %get3A_1002 = arith.constant 976 : index
      %get3A_1003 = tpu.vector_load %arg10[%get3A_1001, %get3A_1002] {strides = array<i32>} : memref<16x1024xf32, #tpu.memory_space<vmem>>, vector<1x16xf32>,
      %get3A_1004 = vector.shape_cast %get3A_1003 : vector<1x16xf32> to vector<16xf32>
      %add3A_1005 = arith.addf %get3A_1000, %get3A_1004 : vector<16xf32>
      %swap3A_1006 = arith.index_cast %scan3A_144 : i32 to index
      %swap3A_1007 = arith.constant 976 : index
      %swap3A_1008 = tpu.vector_load %arg8[%swap3A_1006, %swap3A_1007] {strides = array<i32>} : memref<16x1024xf32, #tpu.memory_space<vmem>>, vector<1x16xf32>,
      %swap3A_1009 = vector.shape_cast %swap3A_1008 : vector<1x16xf32> to vector<16xf32>
      %swap3A_1010 = vector.shape_cast %add3A_1005 : vector<16xf32> to vector<1x16xf32>
      tpu.vector_store %arg8[%swap3A_1006, %swap3A_1007], %swap3A_1010 {strides = array<i32>} : memref<16x1024xf32, #tpu.memory_space<vmem>>, vector<1x16xf32>,
      %get3A_1011 = arith.index_cast %scan3A_144 : i32 to index
      %get3A_1012 = arith.constant 992 : index
      %get3A_1013 = tpu.vector_load %arg8[%get3A_1011, %get3A_1012] {strides = array<i32>} : memref<16x1024xf32, #tpu.memory_space<vmem>>, vector<1x16xf32>,
      %get3A_1014 = vector.shape_cast %get3A_1013 : vector<1x16xf32> to vector<16xf32>
      %get3A_1015 = arith.index_cast %scan3A_144 : i32 to index
      %get3A_1016 = arith.constant 992 : index
      %get3A_1017 = tpu.vector_load %arg10[%get3A_1015, %get3A_1016] {strides = array<i32>} : memref<16x1024xf32, #tpu.memory_space<vmem>>, vector<1x16xf32>,
      %get3A_1018 = vector.shape_cast %get3A_1017 : vector<1x16xf32> to vector<16xf32>
      %add3A_1019 = arith.addf %get3A_1014, %get3A_1018 : vector<16xf32>
      %swap3A_1020 = arith.index_cast %scan3A_144 : i32 to index
      %swap3A_1021 = arith.constant 992 : index
      %swap3A_1022 = tpu.vector_load %arg8[%swap3A_1020, %swap3A_1021] {strides = array<i32>} : memref<16x1024xf32, #tpu.memory_space<vmem>>, vector<1x16xf32>,
      %swap3A_1023 = vector.shape_cast %swap3A_1022 : vector<1x16xf32> to vector<16xf32>
      %swap3A_1024 = vector.shape_cast %add3A_1019 : vector<16xf32> to vector<1x16xf32>
      tpu.vector_store %arg8[%swap3A_1020, %swap3A_1021], %swap3A_1024 {strides = array<i32>} : memref<16x1024xf32, #tpu.memory_space<vmem>>, vector<1x16xf32>,
      %get3A_1025 = arith.index_cast %scan3A_144 : i32 to index
      %get3A_1026 = arith.constant 1008 : index
      %get3A_1027 = tpu.vector_load %arg8[%get3A_1025, %get3A_1026] {strides = array<i32>} : memref<16x1024xf32, #tpu.memory_space<vmem>>, vector<1x16xf32>,
      %get3A_1028 = vector.shape_cast %get3A_1027 : vector<1x16xf32> to vector<16xf32>
      %get3A_1029 = arith.index_cast %scan3A_144 : i32 to index
      %get3A_1030 = arith.constant 1008 : index
      %get3A_1031 = tpu.vector_load %arg10[%get3A_1029, %get3A_1030] {strides = array<i32>} : memref<16x1024xf32, #tpu.memory_space<vmem>>, vector<1x16xf32>,
      %get3A_1032 = vector.shape_cast %get3A_1031 : vector<1x16xf32> to vector<16xf32>
      %add3A_1033 = arith.addf %get3A_1028, %get3A_1032 : vector<16xf32>
      %swap3A_1034 = arith.index_cast %scan3A_144 : i32 to index
      %swap3A_1035 = arith.constant 1008 : index
      %swap3A_1036 = tpu.vector_load %arg8[%swap3A_1034, %swap3A_1035] {strides = array<i32>} : memref<16x1024xf32, #tpu.memory_space<vmem>>, vector<1x16xf32>,
      %swap3A_1037 = vector.shape_cast %swap3A_1036 : vector<1x16xf32> to vector<16xf32>
      %swap3A_1038 = vector.shape_cast %add3A_1033 : vector<16xf32> to vector<1x16xf32>
      tpu.vector_store %arg8[%swap3A_1034, %swap3A_1035], %swap3A_1038 {strides = array<i32>} : memref<16x1024xf32, #tpu.memory_space<vmem>>, vector<1x16xf32>,
    }
    %scan3A_107 = arith.constant 16 : i32
    %add3A_108 = arith.constant 32 : i32
    %add3A_109 = arith.addi %mul3A_2, %add3A_108 : i32
    %dma_start3A_110 = arith.constant 0 : i32
    %dma_start3A_111 = tpu.memref_slice %arg5[%add3A_109, %dma_start3A_110] : memref<2048x1024xf32, #tpu.memory_space<hbm>> -> memref<16x1024xf32, #tpu.memory_space<hbm>>
    %dma_start3A_112 = arith.constant 0 : i32
    %dma_start3A_113 = tpu.memref_slice %arg5[%add3A_109, %dma_start3A_112] : memref<2048x1024xf32, #tpu.memory_space<hbm>> -> memref<16x1024xf32, #tpu.memory_space<hbm>>
    tpu.enqueue_dma source(%arg8 : memref<16x1024xf32, #tpu.memory_space<vmem>>) target(%dma_start3A_113 : memref<16x1024xf32, #tpu.memory_space<hbm>>) target_semaphore(%arg14 : memref<!tpu.dma_semaphore, #tpu.memory_space<semaphore_mem>>)
    %dma_wait3A_114 = arith.constant 48 : i32
    %dma_wait3A_115 = tpu.memref_slice %arg6[%dma_wait3A_114] : memref<64xi32, #tpu.memory_space<vmem>> -> memref<16xi32, #tpu.memory_space<vmem>>
    %dma_wait3A_116 = arith.constant 0 : i32
    %dma_wait3A_117 = arith.constant 0 : i32
    %dma_wait3A_118 = tpu.memref_slice %arg2[%dma_wait3A_116, %dma_wait3A_117] : memref<5120x1024xf32, #tpu.memory_space<hbm>> -> memref<5120x1024xf32, #tpu.memory_space<hbm>>
    tpu.wait_indirect_dma semaphore(%arg13 : memref<!tpu.dma_semaphore, #tpu.memory_space<semaphore_mem>>) src(%dma_wait3A_118 : memref<5120x1024xf32, #tpu.memory_space<hbm>>) dst(%arg9 : memref<16x1024xf32, #tpu.memory_space<vmem>>)
    %dma_wait3A_119 = arith.constant 48 : i32
    %dma_wait3A_120 = tpu.memref_slice %arg7[%dma_wait3A_119] : memref<64xi32, #tpu.memory_space<vmem>> -> memref<16xi32, #tpu.memory_space<vmem>>
    %dma_wait3A_121 = arith.constant 0 : i32
    %dma_wait3A_122 = arith.constant 0 : i32
    %dma_wait3A_123 = tpu.memref_slice %arg2[%dma_wait3A_121, %dma_wait3A_122] : memref<5120x1024xf32, #tpu.memory_space<hbm>> -> memref<5120x1024xf32, #tpu.memory_space<hbm>>
    tpu.wait_indirect_dma semaphore(%arg13 : memref<!tpu.dma_semaphore, #tpu.memory_space<semaphore_mem>>) src(%dma_wait3A_123 : memref<5120x1024xf32, #tpu.memory_space<hbm>>) dst(%arg11 : memref<16x1024xf32, #tpu.memory_space<vmem>>)
    %scan3A_124 = arith.constant 0 : i32
    %scan3A_125 = arith.constant 0 : i32
    %scan3A_126 = arith.constant 16 : i32
    %scan3A_127 = arith.addi %scan3A_125, %scan3A_126 : i32
    %scan3A_128 = arith.constant 1 : i32
    scf.for %scan3A_144 = %scan3A_125 to %scan3A_127 step %scan3A_128  : i32 {
      %get3A = arith.index_cast %scan3A_144 : i32 to index
      %get3A_145 = arith.constant 0 : index
      %get3A_146 = tpu.vector_load %arg9[%get3A, %get3A_145] {strides = array<i32>} : memref<16x1024xf32, #tpu.memory_space<vmem>>, vector<1x16xf32>,
      %get3A_147 = vector.shape_cast %get3A_146 : vector<1x16xf32> to vector<16xf32>
      %get3A_148 = arith.index_cast %scan3A_144 : i32 to index
      %get3A_149 = arith.constant 0 : index
      %get3A_150 = tpu.vector_load %arg11[%get3A_148, %get3A_149] {strides = array<i32>} : memref<16x1024xf32, #tpu.memory_space<vmem>>, vector<1x16xf32>,
      %get3A_151 = vector.shape_cast %get3A_150 : vector<1x16xf32> to vector<16xf32>
      %add3A_152 = arith.addf %get3A_147, %get3A_151 : vector<16xf32>
      %swap3A = arith.index_cast %scan3A_144 : i32 to index
      %swap3A_153 = arith.constant 0 : index
      %swap3A_154 = tpu.vector_load %arg9[%swap3A, %swap3A_153] {strides = array<i32>} : memref<16x1024xf32, #tpu.memory_space<vmem>>, vector<1x16xf32>,
      %swap3A_155 = vector.shape_cast %swap3A_154 : vector<1x16xf32> to vector<16xf32>
      %swap3A_156 = vector.shape_cast %add3A_152 : vector<16xf32> to vector<1x16xf32>
      tpu.vector_store %arg9[%swap3A, %swap3A_153], %swap3A_156 {strides = array<i32>} : memref<16x1024xf32, #tpu.memory_space<vmem>>, vector<1x16xf32>,
      %get3A_157 = arith.index_cast %scan3A_144 : i32 to index
      %get3A_158 = arith.constant 16 : index
      %get3A_159 = tpu.vector_load %arg9[%get3A_157, %get3A_158] {strides = array<i32>} : memref<16x1024xf32, #tpu.memory_space<vmem>>, vector<1x16xf32>,
      %get3A_160 = vector.shape_cast %get3A_159 : vector<1x16xf32> to vector<16xf32>
      %get3A_161 = arith.index_cast %scan3A_144 : i32 to index
      %get3A_162 = arith.constant 16 : index
      %get3A_163 = tpu.vector_load %arg11[%get3A_161, %get3A_162] {strides = array<i32>} : memref<16x1024xf32, #tpu.memory_space<vmem>>, vector<1x16xf32>,
      %get3A_164 = vector.shape_cast %get3A_163 : vector<1x16xf32> to vector<16xf32>
      %add3A_165 = arith.addf %get3A_160, %get3A_164 : vector<16xf32>
      %swap3A_166 = arith.index_cast %scan3A_144 : i32 to index
      %swap3A_167 = arith.constant 16 : index
      %swap3A_168 = tpu.vector_load %arg9[%swap3A_166, %swap3A_167] {strides = array<i32>} : memref<16x1024xf32, #tpu.memory_space<vmem>>, vector<1x16xf32>,
      %swap3A_169 = vector.shape_cast %swap3A_168 : vector<1x16xf32> to vector<16xf32>
      %swap3A_170 = vector.shape_cast %add3A_165 : vector<16xf32> to vector<1x16xf32>
      tpu.vector_store %arg9[%swap3A_166, %swap3A_167], %swap3A_170 {strides = array<i32>} : memref<16x1024xf32, #tpu.memory_space<vmem>>, vector<1x16xf32>,
      %get3A_171 = arith.index_cast %scan3A_144 : i32 to index
      %get3A_172 = arith.constant 32 : index
      %get3A_173 = tpu.vector_load %arg9[%get3A_171, %get3A_172] {strides = array<i32>} : memref<16x1024xf32, #tpu.memory_space<vmem>>, vector<1x16xf32>,
      %get3A_174 = vector.shape_cast %get3A_173 : vector<1x16xf32> to vector<16xf32>
      %get3A_175 = arith.index_cast %scan3A_144 : i32 to index
      %get3A_176 = arith.constant 32 : index
      %get3A_177 = tpu.vector_load %arg11[%get3A_175, %get3A_176] {strides = array<i32>} : memref<16x1024xf32, #tpu.memory_space<vmem>>, vector<1x16xf32>,
      %get3A_178 = vector.shape_cast %get3A_177 : vector<1x16xf32> to vector<16xf32>
      %add3A_179 = arith.addf %get3A_174, %get3A_178 : vector<16xf32>
      %swap3A_180 = arith.index_cast %scan3A_144 : i32 to index
      %swap3A_181 = arith.constant 32 : index
      %swap3A_182 = tpu.vector_load %arg9[%swap3A_180, %swap3A_181] {strides = array<i32>} : memref<16x1024xf32, #tpu.memory_space<vmem>>, vector<1x16xf32>,
      %swap3A_183 = vector.shape_cast %swap3A_182 : vector<1x16xf32> to vector<16xf32>
      %swap3A_184 = vector.shape_cast %add3A_179 : vector<16xf32> to vector<1x16xf32>
      tpu.vector_store %arg9[%swap3A_180, %swap3A_181], %swap3A_184 {strides = array<i32>} : memref<16x1024xf32, #tpu.memory_space<vmem>>, vector<1x16xf32>,
      %get3A_185 = arith.index_cast %scan3A_144 : i32 to index
      %get3A_186 = arith.constant 48 : index
      %get3A_187 = tpu.vector_load %arg9[%get3A_185, %get3A_186] {strides = array<i32>} : memref<16x1024xf32, #tpu.memory_space<vmem>>, vector<1x16xf32>,
      %get3A_188 = vector.shape_cast %get3A_187 : vector<1x16xf32> to vector<16xf32>
      %get3A_189 = arith.index_cast %scan3A_144 : i32 to index
      %get3A_190 = arith.constant 48 : index
      %get3A_191 = tpu.vector_load %arg11[%get3A_189, %get3A_190] {strides = array<i32>} : memref<16x1024xf32, #tpu.memory_space<vmem>>, vector<1x16xf32>,
      %get3A_192 = vector.shape_cast %get3A_191 : vector<1x16xf32> to vector<16xf32>
      %add3A_193 = arith.addf %get3A_188, %get3A_192 : vector<16xf32>
      %swap3A_194 = arith.index_cast %scan3A_144 : i32 to index
      %swap3A_195 = arith.constant 48 : index
      %swap3A_196 = tpu.vector_load %arg9[%swap3A_194, %swap3A_195] {strides = array<i32>} : memref<16x1024xf32, #tpu.memory_space<vmem>>, vector<1x16xf32>,
      %swap3A_197 = vector.shape_cast %swap3A_196 : vector<1x16xf32> to vector<16xf32>
      %swap3A_198 = vector.shape_cast %add3A_193 : vector<16xf32> to vector<1x16xf32>
      tpu.vector_store %arg9[%swap3A_194, %swap3A_195], %swap3A_198 {strides = array<i32>} : memref<16x1024xf32, #tpu.memory_space<vmem>>, vector<1x16xf32>,
      %get3A_199 = arith.index_cast %scan3A_144 : i32 to index
      %get3A_200 = arith.constant 64 : index
      %get3A_201 = tpu.vector_load %arg9[%get3A_199, %get3A_200] {strides = array<i32>} : memref<16x1024xf32, #tpu.memory_space<vmem>>, vector<1x16xf32>,
      %get3A_202 = vector.shape_cast %get3A_201 : vector<1x16xf32> to vector<16xf32>
      %get3A_203 = arith.index_cast %scan3A_144 : i32 to index
      %get3A_204 = arith.constant 64 : index
      %get3A_205 = tpu.vector_load %arg11[%get3A_203, %get3A_204] {strides = array<i32>} : memref<16x1024xf32, #tpu.memory_space<vmem>>, vector<1x16xf32>,
      %get3A_206 = vector.shape_cast %get3A_205 : vector<1x16xf32> to vector<16xf32>
      %add3A_207 = arith.addf %get3A_202, %get3A_206 : vector<16xf32>
      %swap3A_208 = arith.index_cast %scan3A_144 : i32 to index
      %swap3A_209 = arith.constant 64 : index
      %swap3A_210 = tpu.vector_load %arg9[%swap3A_208, %swap3A_209] {strides = array<i32>} : memref<16x1024xf32, #tpu.memory_space<vmem>>, vector<1x16xf32>,
      %swap3A_211 = vector.shape_cast %swap3A_210 : vector<1x16xf32> to vector<16xf32>
      %swap3A_212 = vector.shape_cast %add3A_207 : vector<16xf32> to vector<1x16xf32>
      tpu.vector_store %arg9[%swap3A_208, %swap3A_209], %swap3A_212 {strides = array<i32>} : memref<16x1024xf32, #tpu.memory_space<vmem>>, vector<1x16xf32>,
      %get3A_213 = arith.index_cast %scan3A_144 : i32 to index
      %get3A_214 = arith.constant 80 : index
      %get3A_215 = tpu.vector_load %arg9[%get3A_213, %get3A_214] {strides = array<i32>} : memref<16x1024xf32, #tpu.memory_space<vmem>>, vector<1x16xf32>,
      %get3A_216 = vector.shape_cast %get3A_215 : vector<1x16xf32> to vector<16xf32>
      %get3A_217 = arith.index_cast %scan3A_144 : i32 to index
      %get3A_218 = arith.constant 80 : index
      %get3A_219 = tpu.vector_load %arg11[%get3A_217, %get3A_218] {strides = array<i32>} : memref<16x1024xf32, #tpu.memory_space<vmem>>, vector<1x16xf32>,
      %get3A_220 = vector.shape_cast %get3A_219 : vector<1x16xf32> to vector<16xf32>
      %add3A_221 = arith.addf %get3A_216, %get3A_220 : vector<16xf32>
      %swap3A_222 = arith.index_cast %scan3A_144 : i32 to index
      %swap3A_223 = arith.constant 80 : index
      %swap3A_224 = tpu.vector_load %arg9[%swap3A_222, %swap3A_223] {strides = array<i32>} : memref<16x1024xf32, #tpu.memory_space<vmem>>, vector<1x16xf32>,
      %swap3A_225 = vector.shape_cast %swap3A_224 : vector<1x16xf32> to vector<16xf32>
      %swap3A_226 = vector.shape_cast %add3A_221 : vector<16xf32> to vector<1x16xf32>
      tpu.vector_store %arg9[%swap3A_222, %swap3A_223], %swap3A_226 {strides = array<i32>} : memref<16x1024xf32, #tpu.memory_space<vmem>>, vector<1x16xf32>,
      %get3A_227 = arith.index_cast %scan3A_144 : i32 to index
      %get3A_228 = arith.constant 96 : index
      %get3A_229 = tpu.vector_load %arg9[%get3A_227, %get3A_228] {strides = array<i32>} : memref<16x1024xf32, #tpu.memory_space<vmem>>, vector<1x16xf32>,
      %get3A_230 = vector.shape_cast %get3A_229 : vector<1x16xf32> to vector<16xf32>
      %get3A_231 = arith.index_cast %scan3A_144 : i32 to index
      %get3A_232 = arith.constant 96 : index
      %get3A_233 = tpu.vector_load %arg11[%get3A_231, %get3A_232] {strides = array<i32>} : memref<16x1024xf32, #tpu.memory_space<vmem>>, vector<1x16xf32>,
      %get3A_234 = vector.shape_cast %get3A_233 : vector<1x16xf32> to vector<16xf32>
      %add3A_235 = arith.addf %get3A_230, %get3A_234 : vector<16xf32>
      %swap3A_236 = arith.index_cast %scan3A_144 : i32 to index
      %swap3A_237 = arith.constant 96 : index
      %swap3A_238 = tpu.vector_load %arg9[%swap3A_236, %swap3A_237] {strides = array<i32>} : memref<16x1024xf32, #tpu.memory_space<vmem>>, vector<1x16xf32>,
      %swap3A_239 = vector.shape_cast %swap3A_238 : vector<1x16xf32> to vector<16xf32>
      %swap3A_240 = vector.shape_cast %add3A_235 : vector<16xf32> to vector<1x16xf32>
      tpu.vector_store %arg9[%swap3A_236, %swap3A_237], %swap3A_240 {strides = array<i32>} : memref<16x1024xf32, #tpu.memory_space<vmem>>, vector<1x16xf32>,
      %get3A_241 = arith.index_cast %scan3A_144 : i32 to index
      %get3A_242 = arith.constant 112 : index
      %get3A_243 = tpu.vector_load %arg9[%get3A_241, %get3A_242] {strides = array<i32>} : memref<16x1024xf32, #tpu.memory_space<vmem>>, vector<1x16xf32>,
      %get3A_244 = vector.shape_cast %get3A_243 : vector<1x16xf32> to vector<16xf32>
      %get3A_245 = arith.index_cast %scan3A_144 : i32 to index
      %get3A_246 = arith.constant 112 : index
      %get3A_247 = tpu.vector_load %arg11[%get3A_245, %get3A_246] {strides = array<i32>} : memref<16x1024xf32, #tpu.memory_space<vmem>>, vector<1x16xf32>,
      %get3A_248 = vector.shape_cast %get3A_247 : vector<1x16xf32> to vector<16xf32>
      %add3A_249 = arith.addf %get3A_244, %get3A_248 : vector<16xf32>
      %swap3A_250 = arith.index_cast %scan3A_144 : i32 to index
      %swap3A_251 = arith.constant 112 : index
      %swap3A_252 = tpu.vector_load %arg9[%swap3A_250, %swap3A_251] {strides = array<i32>} : memref<16x1024xf32, #tpu.memory_space<vmem>>, vector<1x16xf32>,
      %swap3A_253 = vector.shape_cast %swap3A_252 : vector<1x16xf32> to vector<16xf32>
      %swap3A_254 = vector.shape_cast %add3A_249 : vector<16xf32> to vector<1x16xf32>
      tpu.vector_store %arg9[%swap3A_250, %swap3A_251], %swap3A_254 {strides = array<i32>} : memref<16x1024xf32, #tpu.memory_space<vmem>>, vector<1x16xf32>,
      %get3A_255 = arith.index_cast %scan3A_144 : i32 to index
      %get3A_256 = arith.constant 128 : index
      %get3A_257 = tpu.vector_load %arg9[%get3A_255, %get3A_256] {strides = array<i32>} : memref<16x1024xf32, #tpu.memory_space<vmem>>, vector<1x16xf32>,
      %get3A_258 = vector.shape_cast %get3A_257 : vector<1x16xf32> to vector<16xf32>
      %get3A_259 = arith.index_cast %scan3A_144 : i32 to index
      %get3A_260 = arith.constant 128 : index
      %get3A_261 = tpu.vector_load %arg11[%get3A_259, %get3A_260] {strides = array<i32>} : memref<16x1024xf32, #tpu.memory_space<vmem>>, vector<1x16xf32>,
      %get3A_262 = vector.shape_cast %get3A_261 : vector<1x16xf32> to vector<16xf32>
      %add3A_263 = arith.addf %get3A_258, %get3A_262 : vector<16xf32>
      %swap3A_264 = arith.index_cast %scan3A_144 : i32 to index
      %swap3A_265 = arith.constant 128 : index
      %swap3A_266 = tpu.vector_load %arg9[%swap3A_264, %swap3A_265] {strides = array<i32>} : memref<16x1024xf32, #tpu.memory_space<vmem>>, vector<1x16xf32>,
      %swap3A_267 = vector.shape_cast %swap3A_266 : vector<1x16xf32> to vector<16xf32>
      %swap3A_268 = vector.shape_cast %add3A_263 : vector<16xf32> to vector<1x16xf32>
      tpu.vector_store %arg9[%swap3A_264, %swap3A_265], %swap3A_268 {strides = array<i32>} : memref<16x1024xf32, #tpu.memory_space<vmem>>, vector<1x16xf32>,
      %get3A_269 = arith.index_cast %scan3A_144 : i32 to index
      %get3A_270 = arith.constant 144 : index
      %get3A_271 = tpu.vector_load %arg9[%get3A_269, %get3A_270] {strides = array<i32>} : memref<16x1024xf32, #tpu.memory_space<vmem>>, vector<1x16xf32>,
      %get3A_272 = vector.shape_cast %get3A_271 : vector<1x16xf32> to vector<16xf32>
      %get3A_273 = arith.index_cast %scan3A_144 : i32 to index
      %get3A_274 = arith.constant 144 : index
      %get3A_275 = tpu.vector_load %arg11[%get3A_273, %get3A_274] {strides = array<i32>} : memref<16x1024xf32, #tpu.memory_space<vmem>>, vector<1x16xf32>,
      %get3A_276 = vector.shape_cast %get3A_275 : vector<1x16xf32> to vector<16xf32>
      %add3A_277 = arith.addf %get3A_272, %get3A_276 : vector<16xf32>
      %swap3A_278 = arith.index_cast %scan3A_144 : i32 to index
      %swap3A_279 = arith.constant 144 : index
      %swap3A_280 = tpu.vector_load %arg9[%swap3A_278, %swap3A_279] {strides = array<i32>} : memref<16x1024xf32, #tpu.memory_space<vmem>>, vector<1x16xf32>,
      %swap3A_281 = vector.shape_cast %swap3A_280 : vector<1x16xf32> to vector<16xf32>
      %swap3A_282 = vector.shape_cast %add3A_277 : vector<16xf32> to vector<1x16xf32>
      tpu.vector_store %arg9[%swap3A_278, %swap3A_279], %swap3A_282 {strides = array<i32>} : memref<16x1024xf32, #tpu.memory_space<vmem>>, vector<1x16xf32>,
      %get3A_283 = arith.index_cast %scan3A_144 : i32 to index
      %get3A_284 = arith.constant 160 : index
      %get3A_285 = tpu.vector_load %arg9[%get3A_283, %get3A_284] {strides = array<i32>} : memref<16x1024xf32, #tpu.memory_space<vmem>>, vector<1x16xf32>,
      %get3A_286 = vector.shape_cast %get3A_285 : vector<1x16xf32> to vector<16xf32>
      %get3A_287 = arith.index_cast %scan3A_144 : i32 to index
      %get3A_288 = arith.constant 160 : index
      %get3A_289 = tpu.vector_load %arg11[%get3A_287, %get3A_288] {strides = array<i32>} : memref<16x1024xf32, #tpu.memory_space<vmem>>, vector<1x16xf32>,
      %get3A_290 = vector.shape_cast %get3A_289 : vector<1x16xf32> to vector<16xf32>
      %add3A_291 = arith.addf %get3A_286, %get3A_290 : vector<16xf32>
      %swap3A_292 = arith.index_cast %scan3A_144 : i32 to index
      %swap3A_293 = arith.constant 160 : index
      %swap3A_294 = tpu.vector_load %arg9[%swap3A_292, %swap3A_293] {strides = array<i32>} : memref<16x1024xf32, #tpu.memory_space<vmem>>, vector<1x16xf32>,
      %swap3A_295 = vector.shape_cast %swap3A_294 : vector<1x16xf32> to vector<16xf32>
      %swap3A_296 = vector.shape_cast %add3A_291 : vector<16xf32> to vector<1x16xf32>
      tpu.vector_store %arg9[%swap3A_292, %swap3A_293], %swap3A_296 {strides = array<i32>} : memref<16x1024xf32, #tpu.memory_space<vmem>>, vector<1x16xf32>,
      %get3A_297 = arith.index_cast %scan3A_144 : i32 to index
      %get3A_298 = arith.constant 176 : index
      %get3A_299 = tpu.vector_load %arg9[%get3A_297, %get3A_298] {strides = array<i32>} : memref<16x1024xf32, #tpu.memory_space<vmem>>, vector<1x16xf32>,
      %get3A_300 = vector.shape_cast %get3A_299 : vector<1x16xf32> to vector<16xf32>
      %get3A_301 = arith.index_cast %scan3A_144 : i32 to index
      %get3A_302 = arith.constant 176 : index
      %get3A_303 = tpu.vector_load %arg11[%get3A_301, %get3A_302] {strides = array<i32>} : memref<16x1024xf32, #tpu.memory_space<vmem>>, vector<1x16xf32>,
      %get3A_304 = vector.shape_cast %get3A_303 : vector<1x16xf32> to vector<16xf32>
      %add3A_305 = arith.addf %get3A_300, %get3A_304 : vector<16xf32>
      %swap3A_306 = arith.index_cast %scan3A_144 : i32 to index
      %swap3A_307 = arith.constant 176 : index
      %swap3A_308 = tpu.vector_load %arg9[%swap3A_306, %swap3A_307] {strides = array<i32>} : memref<16x1024xf32, #tpu.memory_space<vmem>>, vector<1x16xf32>,
      %swap3A_309 = vector.shape_cast %swap3A_308 : vector<1x16xf32> to vector<16xf32>
      %swap3A_310 = vector.shape_cast %add3A_305 : vector<16xf32> to vector<1x16xf32>
      tpu.vector_store %arg9[%swap3A_306, %swap3A_307], %swap3A_310 {strides = array<i32>} : memref<16x1024xf32, #tpu.memory_space<vmem>>, vector<1x16xf32>,
      %get3A_311 = arith.index_cast %scan3A_144 : i32 to index
      %get3A_312 = arith.constant 192 : index
      %get3A_313 = tpu.vector_load %arg9[%get3A_311, %get3A_312] {strides = array<i32>} : memref<16x1024xf32, #tpu.memory_space<vmem>>, vector<1x16xf32>,
      %get3A_314 = vector.shape_cast %get3A_313 : vector<1x16xf32> to vector<16xf32>
      %get3A_315 = arith.index_cast %scan3A_144 : i32 to index
      %get3A_316 = arith.constant 192 : index
      %get3A_317 = tpu.vector_load %arg11[%get3A_315, %get3A_316] {strides = array<i32>} : memref<16x1024xf32, #tpu.memory_space<vmem>>, vector<1x16xf32>,
      %get3A_318 = vector.shape_cast %get3A_317 : vector<1x16xf32> to vector<16xf32>
      %add3A_319 = arith.addf %get3A_314, %get3A_318 : vector<16xf32>
      %swap3A_320 = arith.index_cast %scan3A_144 : i32 to index
      %swap3A_321 = arith.constant 192 : index
      %swap3A_322 = tpu.vector_load %arg9[%swap3A_320, %swap3A_321] {strides = array<i32>} : memref<16x1024xf32, #tpu.memory_space<vmem>>, vector<1x16xf32>,
      %swap3A_323 = vector.shape_cast %swap3A_322 : vector<1x16xf32> to vector<16xf32>
      %swap3A_324 = vector.shape_cast %add3A_319 : vector<16xf32> to vector<1x16xf32>
      tpu.vector_store %arg9[%swap3A_320, %swap3A_321], %swap3A_324 {strides = array<i32>} : memref<16x1024xf32, #tpu.memory_space<vmem>>, vector<1x16xf32>,
      %get3A_325 = arith.index_cast %scan3A_144 : i32 to index
      %get3A_326 = arith.constant 208 : index
      %get3A_327 = tpu.vector_load %arg9[%get3A_325, %get3A_326] {strides = array<i32>} : memref<16x1024xf32, #tpu.memory_space<vmem>>, vector<1x16xf32>,
      %get3A_328 = vector.shape_cast %get3A_327 : vector<1x16xf32> to vector<16xf32>
      %get3A_329 = arith.index_cast %scan3A_144 : i32 to index
      %get3A_330 = arith.constant 208 : index
      %get3A_331 = tpu.vector_load %arg11[%get3A_329, %get3A_330] {strides = array<i32>} : memref<16x1024xf32, #tpu.memory_space<vmem>>, vector<1x16xf32>,
      %get3A_332 = vector.shape_cast %get3A_331 : vector<1x16xf32> to vector<16xf32>
      %add3A_333 = arith.addf %get3A_328, %get3A_332 : vector<16xf32>
      %swap3A_334 = arith.index_cast %scan3A_144 : i32 to index
      %swap3A_335 = arith.constant 208 : index
      %swap3A_336 = tpu.vector_load %arg9[%swap3A_334, %swap3A_335] {strides = array<i32>} : memref<16x1024xf32, #tpu.memory_space<vmem>>, vector<1x16xf32>,
      %swap3A_337 = vector.shape_cast %swap3A_336 : vector<1x16xf32> to vector<16xf32>
      %swap3A_338 = vector.shape_cast %add3A_333 : vector<16xf32> to vector<1x16xf32>
      tpu.vector_store %arg9[%swap3A_334, %swap3A_335], %swap3A_338 {strides = array<i32>} : memref<16x1024xf32, #tpu.memory_space<vmem>>, vector<1x16xf32>,
      %get3A_339 = arith.index_cast %scan3A_144 : i32 to index
      %get3A_340 = arith.constant 224 : index
      %get3A_341 = tpu.vector_load %arg9[%get3A_339, %get3A_340] {strides = array<i32>} : memref<16x1024xf32, #tpu.memory_space<vmem>>, vector<1x16xf32>,
      %get3A_342 = vector.shape_cast %get3A_341 : vector<1x16xf32> to vector<16xf32>
      %get3A_343 = arith.index_cast %scan3A_144 : i32 to index
      %get3A_344 = arith.constant 224 : index
      %get3A_345 = tpu.vector_load %arg11[%get3A_343, %get3A_344] {strides = array<i32>} : memref<16x1024xf32, #tpu.memory_space<vmem>>, vector<1x16xf32>,
      %get3A_346 = vector.shape_cast %get3A_345 : vector<1x16xf32> to vector<16xf32>
      %add3A_347 = arith.addf %get3A_342, %get3A_346 : vector<16xf32>
      %swap3A_348 = arith.index_cast %scan3A_144 : i32 to index
      %swap3A_349 = arith.constant 224 : index
      %swap3A_350 = tpu.vector_load %arg9[%swap3A_348, %swap3A_349] {strides = array<i32>} : memref<16x1024xf32, #tpu.memory_space<vmem>>, vector<1x16xf32>,
      %swap3A_351 = vector.shape_cast %swap3A_350 : vector<1x16xf32> to vector<16xf32>
      %swap3A_352 = vector.shape_cast %add3A_347 : vector<16xf32> to vector<1x16xf32>
      tpu.vector_store %arg9[%swap3A_348, %swap3A_349], %swap3A_352 {strides = array<i32>} : memref<16x1024xf32, #tpu.memory_space<vmem>>, vector<1x16xf32>,
      %get3A_353 = arith.index_cast %scan3A_144 : i32 to index
      %get3A_354 = arith.constant 240 : index
      %get3A_355 = tpu.vector_load %arg9[%get3A_353, %get3A_354] {strides = array<i32>} : memref<16x1024xf32, #tpu.memory_space<vmem>>, vector<1x16xf32>,
      %get3A_356 = vector.shape_cast %get3A_355 : vector<1x16xf32> to vector<16xf32>
      %get3A_357 = arith.index_cast %scan3A_144 : i32 to index
      %get3A_358 = arith.constant 240 : index
      %get3A_359 = tpu.vector_load %arg11[%get3A_357, %get3A_358] {strides = array<i32>} : memref<16x1024xf32, #tpu.memory_space<vmem>>, vector<1x16xf32>,
      %get3A_360 = vector.shape_cast %get3A_359 : vector<1x16xf32> to vector<16xf32>
      %add3A_361 = arith.addf %get3A_356, %get3A_360 : vector<16xf32>
      %swap3A_362 = arith.index_cast %scan3A_144 : i32 to index
      %swap3A_363 = arith.constant 240 : index
      %swap3A_364 = tpu.vector_load %arg9[%swap3A_362, %swap3A_363] {strides = array<i32>} : memref<16x1024xf32, #tpu.memory_space<vmem>>, vector<1x16xf32>,
      %swap3A_365 = vector.shape_cast %swap3A_364 : vector<1x16xf32> to vector<16xf32>
      %swap3A_366 = vector.shape_cast %add3A_361 : vector<16xf32> to vector<1x16xf32>
      tpu.vector_store %arg9[%swap3A_362, %swap3A_363], %swap3A_366 {strides = array<i32>} : memref<16x1024xf32, #tpu.memory_space<vmem>>, vector<1x16xf32>,
      %get3A_367 = arith.index_cast %scan3A_144 : i32 to index
      %get3A_368 = arith.constant 256 : index
      %get3A_369 = tpu.vector_load %arg9[%get3A_367, %get3A_368] {strides = array<i32>} : memref<16x1024xf32, #tpu.memory_space<vmem>>, vector<1x16xf32>,
      %get3A_370 = vector.shape_cast %get3A_369 : vector<1x16xf32> to vector<16xf32>
      %get3A_371 = arith.index_cast %scan3A_144 : i32 to index
      %get3A_372 = arith.constant 256 : index
      %get3A_373 = tpu.vector_load %arg11[%get3A_371, %get3A_372] {strides = array<i32>} : memref<16x1024xf32, #tpu.memory_space<vmem>>, vector<1x16xf32>,
      %get3A_374 = vector.shape_cast %get3A_373 : vector<1x16xf32> to vector<16xf32>
      %add3A_375 = arith.addf %get3A_370, %get3A_374 : vector<16xf32>
      %swap3A_376 = arith.index_cast %scan3A_144 : i32 to index
      %swap3A_377 = arith.constant 256 : index
      %swap3A_378 = tpu.vector_load %arg9[%swap3A_376, %swap3A_377] {strides = array<i32>} : memref<16x1024xf32, #tpu.memory_space<vmem>>, vector<1x16xf32>,
      %swap3A_379 = vector.shape_cast %swap3A_378 : vector<1x16xf32> to vector<16xf32>
      %swap3A_380 = vector.shape_cast %add3A_375 : vector<16xf32> to vector<1x16xf32>
      tpu.vector_store %arg9[%swap3A_376, %swap3A_377], %swap3A_380 {strides = array<i32>} : memref<16x1024xf32, #tpu.memory_space<vmem>>, vector<1x16xf32>,
      %get3A_381 = arith.index_cast %scan3A_144 : i32 to index
      %get3A_382 = arith.constant 272 : index
      %get3A_383 = tpu.vector_load %arg9[%get3A_381, %get3A_382] {strides = array<i32>} : memref<16x1024xf32, #tpu.memory_space<vmem>>, vector<1x16xf32>,
      %get3A_384 = vector.shape_cast %get3A_383 : vector<1x16xf32> to vector<16xf32>
      %get3A_385 = arith.index_cast %scan3A_144 : i32 to index
      %get3A_386 = arith.constant 272 : index
      %get3A_387 = tpu.vector_load %arg11[%get3A_385, %get3A_386] {strides = array<i32>} : memref<16x1024xf32, #tpu.memory_space<vmem>>, vector<1x16xf32>,
      %get3A_388 = vector.shape_cast %get3A_387 : vector<1x16xf32> to vector<16xf32>
      %add3A_389 = arith.addf %get3A_384, %get3A_388 : vector<16xf32>
      %swap3A_390 = arith.index_cast %scan3A_144 : i32 to index
      %swap3A_391 = arith.constant 272 : index
      %swap3A_392 = tpu.vector_load %arg9[%swap3A_390, %swap3A_391] {strides = array<i32>} : memref<16x1024xf32, #tpu.memory_space<vmem>>, vector<1x16xf32>,
      %swap3A_393 = vector.shape_cast %swap3A_392 : vector<1x16xf32> to vector<16xf32>
      %swap3A_394 = vector.shape_cast %add3A_389 : vector<16xf32> to vector<1x16xf32>
      tpu.vector_store %arg9[%swap3A_390, %swap3A_391], %swap3A_394 {strides = array<i32>} : memref<16x1024xf32, #tpu.memory_space<vmem>>, vector<1x16xf32>,
      %get3A_395 = arith.index_cast %scan3A_144 : i32 to index
      %get3A_396 = arith.constant 288 : index
      %get3A_397 = tpu.vector_load %arg9[%get3A_395, %get3A_396] {strides = array<i32>} : memref<16x1024xf32, #tpu.memory_space<vmem>>, vector<1x16xf32>,
      %get3A_398 = vector.shape_cast %get3A_397 : vector<1x16xf32> to vector<16xf32>
      %get3A_399 = arith.index_cast %scan3A_144 : i32 to index
      %get3A_400 = arith.constant 288 : index
      %get3A_401 = tpu.vector_load %arg11[%get3A_399, %get3A_400] {strides = array<i32>} : memref<16x1024xf32, #tpu.memory_space<vmem>>, vector<1x16xf32>,
      %get3A_402 = vector.shape_cast %get3A_401 : vector<1x16xf32> to vector<16xf32>
      %add3A_403 = arith.addf %get3A_398, %get3A_402 : vector<16xf32>
      %swap3A_404 = arith.index_cast %scan3A_144 : i32 to index
      %swap3A_405 = arith.constant 288 : index
      %swap3A_406 = tpu.vector_load %arg9[%swap3A_404, %swap3A_405] {strides = array<i32>} : memref<16x1024xf32, #tpu.memory_space<vmem>>, vector<1x16xf32>,
      %swap3A_407 = vector.shape_cast %swap3A_406 : vector<1x16xf32> to vector<16xf32>
      %swap3A_408 = vector.shape_cast %add3A_403 : vector<16xf32> to vector<1x16xf32>
      tpu.vector_store %arg9[%swap3A_404, %swap3A_405], %swap3A_408 {strides = array<i32>} : memref<16x1024xf32, #tpu.memory_space<vmem>>, vector<1x16xf32>,
      %get3A_409 = arith.index_cast %scan3A_144 : i32 to index
      %get3A_410 = arith.constant 304 : index
      %get3A_411 = tpu.vector_load %arg9[%get3A_409, %get3A_410] {strides = array<i32>} : memref<16x1024xf32, #tpu.memory_space<vmem>>, vector<1x16xf32>,
      %get3A_412 = vector.shape_cast %get3A_411 : vector<1x16xf32> to vector<16xf32>
      %get3A_413 = arith.index_cast %scan3A_144 : i32 to index
      %get3A_414 = arith.constant 304 : index
      %get3A_415 = tpu.vector_load %arg11[%get3A_413, %get3A_414] {strides = array<i32>} : memref<16x1024xf32, #tpu.memory_space<vmem>>, vector<1x16xf32>,
      %get3A_416 = vector.shape_cast %get3A_415 : vector<1x16xf32> to vector<16xf32>
      %add3A_417 = arith.addf %get3A_412, %get3A_416 : vector<16xf32>
      %swap3A_418 = arith.index_cast %scan3A_144 : i32 to index
      %swap3A_419 = arith.constant 304 : index
      %swap3A_420 = tpu.vector_load %arg9[%swap3A_418, %swap3A_419] {strides = array<i32>} : memref<16x1024xf32, #tpu.memory_space<vmem>>, vector<1x16xf32>,
      %swap3A_421 = vector.shape_cast %swap3A_420 : vector<1x16xf32> to vector<16xf32>
      %swap3A_422 = vector.shape_cast %add3A_417 : vector<16xf32> to vector<1x16xf32>
      tpu.vector_store %arg9[%swap3A_418, %swap3A_419], %swap3A_422 {strides = array<i32>} : memref<16x1024xf32, #tpu.memory_space<vmem>>, vector<1x16xf32>,
      %get3A_423 = arith.index_cast %scan3A_144 : i32 to index
      %get3A_424 = arith.constant 320 : index
      %get3A_425 = tpu.vector_load %arg9[%get3A_423, %get3A_424] {strides = array<i32>} : memref<16x1024xf32, #tpu.memory_space<vmem>>, vector<1x16xf32>,
      %get3A_426 = vector.shape_cast %get3A_425 : vector<1x16xf32> to vector<16xf32>
      %get3A_427 = arith.index_cast %scan3A_144 : i32 to index
      %get3A_428 = arith.constant 320 : index
      %get3A_429 = tpu.vector_load %arg11[%get3A_427, %get3A_428] {strides = array<i32>} : memref<16x1024xf32, #tpu.memory_space<vmem>>, vector<1x16xf32>,
      %get3A_430 = vector.shape_cast %get3A_429 : vector<1x16xf32> to vector<16xf32>
      %add3A_431 = arith.addf %get3A_426, %get3A_430 : vector<16xf32>
      %swap3A_432 = arith.index_cast %scan3A_144 : i32 to index
      %swap3A_433 = arith.constant 320 : index
      %swap3A_434 = tpu.vector_load %arg9[%swap3A_432, %swap3A_433] {strides = array<i32>} : memref<16x1024xf32, #tpu.memory_space<vmem>>, vector<1x16xf32>,
      %swap3A_435 = vector.shape_cast %swap3A_434 : vector<1x16xf32> to vector<16xf32>
      %swap3A_436 = vector.shape_cast %add3A_431 : vector<16xf32> to vector<1x16xf32>
      tpu.vector_store %arg9[%swap3A_432, %swap3A_433], %swap3A_436 {strides = array<i32>} : memref<16x1024xf32, #tpu.memory_space<vmem>>, vector<1x16xf32>,
      %get3A_437 = arith.index_cast %scan3A_144 : i32 to index
      %get3A_438 = arith.constant 336 : index
      %get3A_439 = tpu.vector_load %arg9[%get3A_437, %get3A_438] {strides = array<i32>} : memref<16x1024xf32, #tpu.memory_space<vmem>>, vector<1x16xf32>,
      %get3A_440 = vector.shape_cast %get3A_439 : vector<1x16xf32> to vector<16xf32>
      %get3A_441 = arith.index_cast %scan3A_144 : i32 to index
      %get3A_442 = arith.constant 336 : index
      %get3A_443 = tpu.vector_load %arg11[%get3A_441, %get3A_442] {strides = array<i32>} : memref<16x1024xf32, #tpu.memory_space<vmem>>, vector<1x16xf32>,
      %get3A_444 = vector.shape_cast %get3A_443 : vector<1x16xf32> to vector<16xf32>
      %add3A_445 = arith.addf %get3A_440, %get3A_444 : vector<16xf32>
      %swap3A_446 = arith.index_cast %scan3A_144 : i32 to index
      %swap3A_447 = arith.constant 336 : index
      %swap3A_448 = tpu.vector_load %arg9[%swap3A_446, %swap3A_447] {strides = array<i32>} : memref<16x1024xf32, #tpu.memory_space<vmem>>, vector<1x16xf32>,
      %swap3A_449 = vector.shape_cast %swap3A_448 : vector<1x16xf32> to vector<16xf32>
      %swap3A_450 = vector.shape_cast %add3A_445 : vector<16xf32> to vector<1x16xf32>
      tpu.vector_store %arg9[%swap3A_446, %swap3A_447], %swap3A_450 {strides = array<i32>} : memref<16x1024xf32, #tpu.memory_space<vmem>>, vector<1x16xf32>,
      %get3A_451 = arith.index_cast %scan3A_144 : i32 to index
      %get3A_452 = arith.constant 352 : index
      %get3A_453 = tpu.vector_load %arg9[%get3A_451, %get3A_452] {strides = array<i32>} : memref<16x1024xf32, #tpu.memory_space<vmem>>, vector<1x16xf32>,
      %get3A_454 = vector.shape_cast %get3A_453 : vector<1x16xf32> to vector<16xf32>
      %get3A_455 = arith.index_cast %scan3A_144 : i32 to index
      %get3A_456 = arith.constant 352 : index
      %get3A_457 = tpu.vector_load %arg11[%get3A_455, %get3A_456] {strides = array<i32>} : memref<16x1024xf32, #tpu.memory_space<vmem>>, vector<1x16xf32>,
      %get3A_458 = vector.shape_cast %get3A_457 : vector<1x16xf32> to vector<16xf32>
      %add3A_459 = arith.addf %get3A_454, %get3A_458 : vector<16xf32>
      %swap3A_460 = arith.index_cast %scan3A_144 : i32 to index
      %swap3A_461 = arith.constant 352 : index
      %swap3A_462 = tpu.vector_load %arg9[%swap3A_460, %swap3A_461] {strides = array<i32>} : memref<16x1024xf32, #tpu.memory_space<vmem>>, vector<1x16xf32>,
      %swap3A_463 = vector.shape_cast %swap3A_462 : vector<1x16xf32> to vector<16xf32>
      %swap3A_464 = vector.shape_cast %add3A_459 : vector<16xf32> to vector<1x16xf32>
      tpu.vector_store %arg9[%swap3A_460, %swap3A_461], %swap3A_464 {strides = array<i32>} : memref<16x1024xf32, #tpu.memory_space<vmem>>, vector<1x16xf32>,
      %get3A_465 = arith.index_cast %scan3A_144 : i32 to index
      %get3A_466 = arith.constant 368 : index
      %get3A_467 = tpu.vector_load %arg9[%get3A_465, %get3A_466] {strides = array<i32>} : memref<16x1024xf32, #tpu.memory_space<vmem>>, vector<1x16xf32>,
      %get3A_468 = vector.shape_cast %get3A_467 : vector<1x16xf32> to vector<16xf32>
      %get3A_469 = arith.index_cast %scan3A_144 : i32 to index
      %get3A_470 = arith.constant 368 : index
      %get3A_471 = tpu.vector_load %arg11[%get3A_469, %get3A_470] {strides = array<i32>} : memref<16x1024xf32, #tpu.memory_space<vmem>>, vector<1x16xf32>,
      %get3A_472 = vector.shape_cast %get3A_471 : vector<1x16xf32> to vector<16xf32>
      %add3A_473 = arith.addf %get3A_468, %get3A_472 : vector<16xf32>
      %swap3A_474 = arith.index_cast %scan3A_144 : i32 to index
      %swap3A_475 = arith.constant 368 : index
      %swap3A_476 = tpu.vector_load %arg9[%swap3A_474, %swap3A_475] {strides = array<i32>} : memref<16x1024xf32, #tpu.memory_space<vmem>>, vector<1x16xf32>,
      %swap3A_477 = vector.shape_cast %swap3A_476 : vector<1x16xf32> to vector<16xf32>
      %swap3A_478 = vector.shape_cast %add3A_473 : vector<16xf32> to vector<1x16xf32>
      tpu.vector_store %arg9[%swap3A_474, %swap3A_475], %swap3A_478 {strides = array<i32>} : memref<16x1024xf32, #tpu.memory_space<vmem>>, vector<1x16xf32>,
      %get3A_479 = arith.index_cast %scan3A_144 : i32 to index
      %get3A_480 = arith.constant 384 : index
      %get3A_481 = tpu.vector_load %arg9[%get3A_479, %get3A_480] {strides = array<i32>} : memref<16x1024xf32, #tpu.memory_space<vmem>>, vector<1x16xf32>,
      %get3A_482 = vector.shape_cast %get3A_481 : vector<1x16xf32> to vector<16xf32>
      %get3A_483 = arith.index_cast %scan3A_144 : i32 to index
      %get3A_484 = arith.constant 384 : index
      %get3A_485 = tpu.vector_load %arg11[%get3A_483, %get3A_484] {strides = array<i32>} : memref<16x1024xf32, #tpu.memory_space<vmem>>, vector<1x16xf32>,
      %get3A_486 = vector.shape_cast %get3A_485 : vector<1x16xf32> to vector<16xf32>
      %add3A_487 = arith.addf %get3A_482, %get3A_486 : vector<16xf32>
      %swap3A_488 = arith.index_cast %scan3A_144 : i32 to index
      %swap3A_489 = arith.constant 384 : index
      %swap3A_490 = tpu.vector_load %arg9[%swap3A_488, %swap3A_489] {strides = array<i32>} : memref<16x1024xf32, #tpu.memory_space<vmem>>, vector<1x16xf32>,
      %swap3A_491 = vector.shape_cast %swap3A_490 : vector<1x16xf32> to vector<16xf32>
      %swap3A_492 = vector.shape_cast %add3A_487 : vector<16xf32> to vector<1x16xf32>
      tpu.vector_store %arg9[%swap3A_488, %swap3A_489], %swap3A_492 {strides = array<i32>} : memref<16x1024xf32, #tpu.memory_space<vmem>>, vector<1x16xf32>,
      %get3A_493 = arith.index_cast %scan3A_144 : i32 to index
      %get3A_494 = arith.constant 400 : index
      %get3A_495 = tpu.vector_load %arg9[%get3A_493, %get3A_494] {strides = array<i32>} : memref<16x1024xf32, #tpu.memory_space<vmem>>, vector<1x16xf32>,
      %get3A_496 = vector.shape_cast %get3A_495 : vector<1x16xf32> to vector<16xf32>
      %get3A_497 = arith.index_cast %scan3A_144 : i32 to index
      %get3A_498 = arith.constant 400 : index
      %get3A_499 = tpu.vector_load %arg11[%get3A_497, %get3A_498] {strides = array<i32>} : memref<16x1024xf32, #tpu.memory_space<vmem>>, vector<1x16xf32>,
      %get3A_500 = vector.shape_cast %get3A_499 : vector<1x16xf32> to vector<16xf32>
      %add3A_501 = arith.addf %get3A_496, %get3A_500 : vector<16xf32>
      %swap3A_502 = arith.index_cast %scan3A_144 : i32 to index
      %swap3A_503 = arith.constant 400 : index
      %swap3A_504 = tpu.vector_load %arg9[%swap3A_502, %swap3A_503] {strides = array<i32>} : memref<16x1024xf32, #tpu.memory_space<vmem>>, vector<1x16xf32>,
      %swap3A_505 = vector.shape_cast %swap3A_504 : vector<1x16xf32> to vector<16xf32>
      %swap3A_506 = vector.shape_cast %add3A_501 : vector<16xf32> to vector<1x16xf32>
      tpu.vector_store %arg9[%swap3A_502, %swap3A_503], %swap3A_506 {strides = array<i32>} : memref<16x1024xf32, #tpu.memory_space<vmem>>, vector<1x16xf32>,
      %get3A_507 = arith.index_cast %scan3A_144 : i32 to index
      %get3A_508 = arith.constant 416 : index
      %get3A_509 = tpu.vector_load %arg9[%get3A_507, %get3A_508] {strides = array<i32>} : memref<16x1024xf32, #tpu.memory_space<vmem>>, vector<1x16xf32>,
      %get3A_510 = vector.shape_cast %get3A_509 : vector<1x16xf32> to vector<16xf32>
      %get3A_511 = arith.index_cast %scan3A_144 : i32 to index
      %get3A_512 = arith.constant 416 : index
      %get3A_513 = tpu.vector_load %arg11[%get3A_511, %get3A_512] {strides = array<i32>} : memref<16x1024xf32, #tpu.memory_space<vmem>>, vector<1x16xf32>,
      %get3A_514 = vector.shape_cast %get3A_513 : vector<1x16xf32> to vector<16xf32>
      %add3A_515 = arith.addf %get3A_510, %get3A_514 : vector<16xf32>
      %swap3A_516 = arith.index_cast %scan3A_144 : i32 to index
      %swap3A_517 = arith.constant 416 : index
      %swap3A_518 = tpu.vector_load %arg9[%swap3A_516, %swap3A_517] {strides = array<i32>} : memref<16x1024xf32, #tpu.memory_space<vmem>>, vector<1x16xf32>,
      %swap3A_519 = vector.shape_cast %swap3A_518 : vector<1x16xf32> to vector<16xf32>
      %swap3A_520 = vector.shape_cast %add3A_515 : vector<16xf32> to vector<1x16xf32>
      tpu.vector_store %arg9[%swap3A_516, %swap3A_517], %swap3A_520 {strides = array<i32>} : memref<16x1024xf32, #tpu.memory_space<vmem>>, vector<1x16xf32>,
      %get3A_521 = arith.index_cast %scan3A_144 : i32 to index
      %get3A_522 = arith.constant 432 : index
      %get3A_523 = tpu.vector_load %arg9[%get3A_521, %get3A_522] {strides = array<i32>} : memref<16x1024xf32, #tpu.memory_space<vmem>>, vector<1x16xf32>,
      %get3A_524 = vector.shape_cast %get3A_523 : vector<1x16xf32> to vector<16xf32>
      %get3A_525 = arith.index_cast %scan3A_144 : i32 to index
      %get3A_526 = arith.constant 432 : index
      %get3A_527 = tpu.vector_load %arg11[%get3A_525, %get3A_526] {strides = array<i32>} : memref<16x1024xf32, #tpu.memory_space<vmem>>, vector<1x16xf32>,
      %get3A_528 = vector.shape_cast %get3A_527 : vector<1x16xf32> to vector<16xf32>
      %add3A_529 = arith.addf %get3A_524, %get3A_528 : vector<16xf32>
      %swap3A_530 = arith.index_cast %scan3A_144 : i32 to index
      %swap3A_531 = arith.constant 432 : index
      %swap3A_532 = tpu.vector_load %arg9[%swap3A_530, %swap3A_531] {strides = array<i32>} : memref<16x1024xf32, #tpu.memory_space<vmem>>, vector<1x16xf32>,
      %swap3A_533 = vector.shape_cast %swap3A_532 : vector<1x16xf32> to vector<16xf32>
      %swap3A_534 = vector.shape_cast %add3A_529 : vector<16xf32> to vector<1x16xf32>
      tpu.vector_store %arg9[%swap3A_530, %swap3A_531], %swap3A_534 {strides = array<i32>} : memref<16x1024xf32, #tpu.memory_space<vmem>>, vector<1x16xf32>,
      %get3A_535 = arith.index_cast %scan3A_144 : i32 to index
      %get3A_536 = arith.constant 448 : index
      %get3A_537 = tpu.vector_load %arg9[%get3A_535, %get3A_536] {strides = array<i32>} : memref<16x1024xf32, #tpu.memory_space<vmem>>, vector<1x16xf32>,
      %get3A_538 = vector.shape_cast %get3A_537 : vector<1x16xf32> to vector<16xf32>
      %get3A_539 = arith.index_cast %scan3A_144 : i32 to index
      %get3A_540 = arith.constant 448 : index
      %get3A_541 = tpu.vector_load %arg11[%get3A_539, %get3A_540] {strides = array<i32>} : memref<16x1024xf32, #tpu.memory_space<vmem>>, vector<1x16xf32>,
      %get3A_542 = vector.shape_cast %get3A_541 : vector<1x16xf32> to vector<16xf32>
      %add3A_543 = arith.addf %get3A_538, %get3A_542 : vector<16xf32>
      %swap3A_544 = arith.index_cast %scan3A_144 : i32 to index
      %swap3A_545 = arith.constant 448 : index
      %swap3A_546 = tpu.vector_load %arg9[%swap3A_544, %swap3A_545] {strides = array<i32>} : memref<16x1024xf32, #tpu.memory_space<vmem>>, vector<1x16xf32>,
      %swap3A_547 = vector.shape_cast %swap3A_546 : vector<1x16xf32> to vector<16xf32>
      %swap3A_548 = vector.shape_cast %add3A_543 : vector<16xf32> to vector<1x16xf32>
      tpu.vector_store %arg9[%swap3A_544, %swap3A_545], %swap3A_548 {strides = array<i32>} : memref<16x1024xf32, #tpu.memory_space<vmem>>, vector<1x16xf32>,
      %get3A_549 = arith.index_cast %scan3A_144 : i32 to index
      %get3A_550 = arith.constant 464 : index
      %get3A_551 = tpu.vector_load %arg9[%get3A_549, %get3A_550] {strides = array<i32>} : memref<16x1024xf32, #tpu.memory_space<vmem>>, vector<1x16xf32>,
      %get3A_552 = vector.shape_cast %get3A_551 : vector<1x16xf32> to vector<16xf32>
      %get3A_553 = arith.index_cast %scan3A_144 : i32 to index
      %get3A_554 = arith.constant 464 : index
      %get3A_555 = tpu.vector_load %arg11[%get3A_553, %get3A_554] {strides = array<i32>} : memref<16x1024xf32, #tpu.memory_space<vmem>>, vector<1x16xf32>,
      %get3A_556 = vector.shape_cast %get3A_555 : vector<1x16xf32> to vector<16xf32>
      %add3A_557 = arith.addf %get3A_552, %get3A_556 : vector<16xf32>
      %swap3A_558 = arith.index_cast %scan3A_144 : i32 to index
      %swap3A_559 = arith.constant 464 : index
      %swap3A_560 = tpu.vector_load %arg9[%swap3A_558, %swap3A_559] {strides = array<i32>} : memref<16x1024xf32, #tpu.memory_space<vmem>>, vector<1x16xf32>,
      %swap3A_561 = vector.shape_cast %swap3A_560 : vector<1x16xf32> to vector<16xf32>
      %swap3A_562 = vector.shape_cast %add3A_557 : vector<16xf32> to vector<1x16xf32>
      tpu.vector_store %arg9[%swap3A_558, %swap3A_559], %swap3A_562 {strides = array<i32>} : memref<16x1024xf32, #tpu.memory_space<vmem>>, vector<1x16xf32>,
      %get3A_563 = arith.index_cast %scan3A_144 : i32 to index
      %get3A_564 = arith.constant 480 : index
      %get3A_565 = tpu.vector_load %arg9[%get3A_563, %get3A_564] {strides = array<i32>} : memref<16x1024xf32, #tpu.memory_space<vmem>>, vector<1x16xf32>,
      %get3A_566 = vector.shape_cast %get3A_565 : vector<1x16xf32> to vector<16xf32>
      %get3A_567 = arith.index_cast %scan3A_144 : i32 to index
      %get3A_568 = arith.constant 480 : index
      %get3A_569 = tpu.vector_load %arg11[%get3A_567, %get3A_568] {strides = array<i32>} : memref<16x1024xf32, #tpu.memory_space<vmem>>, vector<1x16xf32>,
      %get3A_570 = vector.shape_cast %get3A_569 : vector<1x16xf32> to vector<16xf32>
      %add3A_571 = arith.addf %get3A_566, %get3A_570 : vector<16xf32>
      %swap3A_572 = arith.index_cast %scan3A_144 : i32 to index
      %swap3A_573 = arith.constant 480 : index
      %swap3A_574 = tpu.vector_load %arg9[%swap3A_572, %swap3A_573] {strides = array<i32>} : memref<16x1024xf32, #tpu.memory_space<vmem>>, vector<1x16xf32>,
      %swap3A_575 = vector.shape_cast %swap3A_574 : vector<1x16xf32> to vector<16xf32>
      %swap3A_576 = vector.shape_cast %add3A_571 : vector<16xf32> to vector<1x16xf32>
      tpu.vector_store %arg9[%swap3A_572, %swap3A_573], %swap3A_576 {strides = array<i32>} : memref<16x1024xf32, #tpu.memory_space<vmem>>, vector<1x16xf32>,
      %get3A_577 = arith.index_cast %scan3A_144 : i32 to index
      %get3A_578 = arith.constant 496 : index
      %get3A_579 = tpu.vector_load %arg9[%get3A_577, %get3A_578] {strides = array<i32>} : memref<16x1024xf32, #tpu.memory_space<vmem>>, vector<1x16xf32>,
      %get3A_580 = vector.shape_cast %get3A_579 : vector<1x16xf32> to vector<16xf32>
      %get3A_581 = arith.index_cast %scan3A_144 : i32 to index
      %get3A_582 = arith.constant 496 : index
      %get3A_583 = tpu.vector_load %arg11[%get3A_581, %get3A_582] {strides = array<i32>} : memref<16x1024xf32, #tpu.memory_space<vmem>>, vector<1x16xf32>,
      %get3A_584 = vector.shape_cast %get3A_583 : vector<1x16xf32> to vector<16xf32>
      %add3A_585 = arith.addf %get3A_580, %get3A_584 : vector<16xf32>
      %swap3A_586 = arith.index_cast %scan3A_144 : i32 to index
      %swap3A_587 = arith.constant 496 : index
      %swap3A_588 = tpu.vector_load %arg9[%swap3A_586, %swap3A_587] {strides = array<i32>} : memref<16x1024xf32, #tpu.memory_space<vmem>>, vector<1x16xf32>,
      %swap3A_589 = vector.shape_cast %swap3A_588 : vector<1x16xf32> to vector<16xf32>
      %swap3A_590 = vector.shape_cast %add3A_585 : vector<16xf32> to vector<1x16xf32>
      tpu.vector_store %arg9[%swap3A_586, %swap3A_587], %swap3A_590 {strides = array<i32>} : memref<16x1024xf32, #tpu.memory_space<vmem>>, vector<1x16xf32>,
      %get3A_591 = arith.index_cast %scan3A_144 : i32 to index
      %get3A_592 = arith.constant 512 : index
      %get3A_593 = tpu.vector_load %arg9[%get3A_591, %get3A_592] {strides = array<i32>} : memref<16x1024xf32, #tpu.memory_space<vmem>>, vector<1x16xf32>,
      %get3A_594 = vector.shape_cast %get3A_593 : vector<1x16xf32> to vector<16xf32>
      %get3A_595 = arith.index_cast %scan3A_144 : i32 to index
      %get3A_596 = arith.constant 512 : index
      %get3A_597 = tpu.vector_load %arg11[%get3A_595, %get3A_596] {strides = array<i32>} : memref<16x1024xf32, #tpu.memory_space<vmem>>, vector<1x16xf32>,
      %get3A_598 = vector.shape_cast %get3A_597 : vector<1x16xf32> to vector<16xf32>
      %add3A_599 = arith.addf %get3A_594, %get3A_598 : vector<16xf32>
      %swap3A_600 = arith.index_cast %scan3A_144 : i32 to index
      %swap3A_601 = arith.constant 512 : index
      %swap3A_602 = tpu.vector_load %arg9[%swap3A_600, %swap3A_601] {strides = array<i32>} : memref<16x1024xf32, #tpu.memory_space<vmem>>, vector<1x16xf32>,
      %swap3A_603 = vector.shape_cast %swap3A_602 : vector<1x16xf32> to vector<16xf32>
      %swap3A_604 = vector.shape_cast %add3A_599 : vector<16xf32> to vector<1x16xf32>
      tpu.vector_store %arg9[%swap3A_600, %swap3A_601], %swap3A_604 {strides = array<i32>} : memref<16x1024xf32, #tpu.memory_space<vmem>>, vector<1x16xf32>,
      %get3A_605 = arith.index_cast %scan3A_144 : i32 to index
      %get3A_606 = arith.constant 528 : index
      %get3A_607 = tpu.vector_load %arg9[%get3A_605, %get3A_606] {strides = array<i32>} : memref<16x1024xf32, #tpu.memory_space<vmem>>, vector<1x16xf32>,
      %get3A_608 = vector.shape_cast %get3A_607 : vector<1x16xf32> to vector<16xf32>
      %get3A_609 = arith.index_cast %scan3A_144 : i32 to index
      %get3A_610 = arith.constant 528 : index
      %get3A_611 = tpu.vector_load %arg11[%get3A_609, %get3A_610] {strides = array<i32>} : memref<16x1024xf32, #tpu.memory_space<vmem>>, vector<1x16xf32>,
      %get3A_612 = vector.shape_cast %get3A_611 : vector<1x16xf32> to vector<16xf32>
      %add3A_613 = arith.addf %get3A_608, %get3A_612 : vector<16xf32>
      %swap3A_614 = arith.index_cast %scan3A_144 : i32 to index
      %swap3A_615 = arith.constant 528 : index
      %swap3A_616 = tpu.vector_load %arg9[%swap3A_614, %swap3A_615] {strides = array<i32>} : memref<16x1024xf32, #tpu.memory_space<vmem>>, vector<1x16xf32>,
      %swap3A_617 = vector.shape_cast %swap3A_616 : vector<1x16xf32> to vector<16xf32>
      %swap3A_618 = vector.shape_cast %add3A_613 : vector<16xf32> to vector<1x16xf32>
      tpu.vector_store %arg9[%swap3A_614, %swap3A_615], %swap3A_618 {strides = array<i32>} : memref<16x1024xf32, #tpu.memory_space<vmem>>, vector<1x16xf32>,
      %get3A_619 = arith.index_cast %scan3A_144 : i32 to index
      %get3A_620 = arith.constant 544 : index
      %get3A_621 = tpu.vector_load %arg9[%get3A_619, %get3A_620] {strides = array<i32>} : memref<16x1024xf32, #tpu.memory_space<vmem>>, vector<1x16xf32>,
      %get3A_622 = vector.shape_cast %get3A_621 : vector<1x16xf32> to vector<16xf32>
      %get3A_623 = arith.index_cast %scan3A_144 : i32 to index
      %get3A_624 = arith.constant 544 : index
      %get3A_625 = tpu.vector_load %arg11[%get3A_623, %get3A_624] {strides = array<i32>} : memref<16x1024xf32, #tpu.memory_space<vmem>>, vector<1x16xf32>,
      %get3A_626 = vector.shape_cast %get3A_625 : vector<1x16xf32> to vector<16xf32>
      %add3A_627 = arith.addf %get3A_622, %get3A_626 : vector<16xf32>
      %swap3A_628 = arith.index_cast %scan3A_144 : i32 to index
      %swap3A_629 = arith.constant 544 : index
      %swap3A_630 = tpu.vector_load %arg9[%swap3A_628, %swap3A_629] {strides = array<i32>} : memref<16x1024xf32, #tpu.memory_space<vmem>>, vector<1x16xf32>,
      %swap3A_631 = vector.shape_cast %swap3A_630 : vector<1x16xf32> to vector<16xf32>
      %swap3A_632 = vector.shape_cast %add3A_627 : vector<16xf32> to vector<1x16xf32>
      tpu.vector_store %arg9[%swap3A_628, %swap3A_629], %swap3A_632 {strides = array<i32>} : memref<16x1024xf32, #tpu.memory_space<vmem>>, vector<1x16xf32>,
      %get3A_633 = arith.index_cast %scan3A_144 : i32 to index
      %get3A_634 = arith.constant 560 : index
      %get3A_635 = tpu.vector_load %arg9[%get3A_633, %get3A_634] {strides = array<i32>} : memref<16x1024xf32, #tpu.memory_space<vmem>>, vector<1x16xf32>,
      %get3A_636 = vector.shape_cast %get3A_635 : vector<1x16xf32> to vector<16xf32>
      %get3A_637 = arith.index_cast %scan3A_144 : i32 to index
      %get3A_638 = arith.constant 560 : index
      %get3A_639 = tpu.vector_load %arg11[%get3A_637, %get3A_638] {strides = array<i32>} : memref<16x1024xf32, #tpu.memory_space<vmem>>, vector<1x16xf32>,
      %get3A_640 = vector.shape_cast %get3A_639 : vector<1x16xf32> to vector<16xf32>
      %add3A_641 = arith.addf %get3A_636, %get3A_640 : vector<16xf32>
      %swap3A_642 = arith.index_cast %scan3A_144 : i32 to index
      %swap3A_643 = arith.constant 560 : index
      %swap3A_644 = tpu.vector_load %arg9[%swap3A_642, %swap3A_643] {strides = array<i32>} : memref<16x1024xf32, #tpu.memory_space<vmem>>, vector<1x16xf32>,
      %swap3A_645 = vector.shape_cast %swap3A_644 : vector<1x16xf32> to vector<16xf32>
      %swap3A_646 = vector.shape_cast %add3A_641 : vector<16xf32> to vector<1x16xf32>
      tpu.vector_store %arg9[%swap3A_642, %swap3A_643], %swap3A_646 {strides = array<i32>} : memref<16x1024xf32, #tpu.memory_space<vmem>>, vector<1x16xf32>,
      %get3A_647 = arith.index_cast %scan3A_144 : i32 to index
      %get3A_648 = arith.constant 576 : index
      %get3A_649 = tpu.vector_load %arg9[%get3A_647, %get3A_648] {strides = array<i32>} : memref<16x1024xf32, #tpu.memory_space<vmem>>, vector<1x16xf32>,
      %get3A_650 = vector.shape_cast %get3A_649 : vector<1x16xf32> to vector<16xf32>
      %get3A_651 = arith.index_cast %scan3A_144 : i32 to index
      %get3A_652 = arith.constant 576 : index
      %get3A_653 = tpu.vector_load %arg11[%get3A_651, %get3A_652] {strides = array<i32>} : memref<16x1024xf32, #tpu.memory_space<vmem>>, vector<1x16xf32>,
      %get3A_654 = vector.shape_cast %get3A_653 : vector<1x16xf32> to vector<16xf32>
      %add3A_655 = arith.addf %get3A_650, %get3A_654 : vector<16xf32>
      %swap3A_656 = arith.index_cast %scan3A_144 : i32 to index
      %swap3A_657 = arith.constant 576 : index
      %swap3A_658 = tpu.vector_load %arg9[%swap3A_656, %swap3A_657] {strides = array<i32>} : memref<16x1024xf32, #tpu.memory_space<vmem>>, vector<1x16xf32>,
      %swap3A_659 = vector.shape_cast %swap3A_658 : vector<1x16xf32> to vector<16xf32>
      %swap3A_660 = vector.shape_cast %add3A_655 : vector<16xf32> to vector<1x16xf32>
      tpu.vector_store %arg9[%swap3A_656, %swap3A_657], %swap3A_660 {strides = array<i32>} : memref<16x1024xf32, #tpu.memory_space<vmem>>, vector<1x16xf32>,
      %get3A_661 = arith.index_cast %scan3A_144 : i32 to index
      %get3A_662 = arith.constant 592 : index
      %get3A_663 = tpu.vector_load %arg9[%get3A_661, %get3A_662] {strides = array<i32>} : memref<16x1024xf32, #tpu.memory_space<vmem>>, vector<1x16xf32>,
      %get3A_664 = vector.shape_cast %get3A_663 : vector<1x16xf32> to vector<16xf32>
      %get3A_665 = arith.index_cast %scan3A_144 : i32 to index
      %get3A_666 = arith.constant 592 : index
      %get3A_667 = tpu.vector_load %arg11[%get3A_665, %get3A_666] {strides = array<i32>} : memref<16x1024xf32, #tpu.memory_space<vmem>>, vector<1x16xf32>,
      %get3A_668 = vector.shape_cast %get3A_667 : vector<1x16xf32> to vector<16xf32>
      %add3A_669 = arith.addf %get3A_664, %get3A_668 : vector<16xf32>
      %swap3A_670 = arith.index_cast %scan3A_144 : i32 to index
      %swap3A_671 = arith.constant 592 : index
      %swap3A_672 = tpu.vector_load %arg9[%swap3A_670, %swap3A_671] {strides = array<i32>} : memref<16x1024xf32, #tpu.memory_space<vmem>>, vector<1x16xf32>,
      %swap3A_673 = vector.shape_cast %swap3A_672 : vector<1x16xf32> to vector<16xf32>
      %swap3A_674 = vector.shape_cast %add3A_669 : vector<16xf32> to vector<1x16xf32>
      tpu.vector_store %arg9[%swap3A_670, %swap3A_671], %swap3A_674 {strides = array<i32>} : memref<16x1024xf32, #tpu.memory_space<vmem>>, vector<1x16xf32>,
      %get3A_675 = arith.index_cast %scan3A_144 : i32 to index
      %get3A_676 = arith.constant 608 : index
      %get3A_677 = tpu.vector_load %arg9[%get3A_675, %get3A_676] {strides = array<i32>} : memref<16x1024xf32, #tpu.memory_space<vmem>>, vector<1x16xf32>,
      %get3A_678 = vector.shape_cast %get3A_677 : vector<1x16xf32> to vector<16xf32>
      %get3A_679 = arith.index_cast %scan3A_144 : i32 to index
      %get3A_680 = arith.constant 608 : index
      %get3A_681 = tpu.vector_load %arg11[%get3A_679, %get3A_680] {strides = array<i32>} : memref<16x1024xf32, #tpu.memory_space<vmem>>, vector<1x16xf32>,
      %get3A_682 = vector.shape_cast %get3A_681 : vector<1x16xf32> to vector<16xf32>
      %add3A_683 = arith.addf %get3A_678, %get3A_682 : vector<16xf32>
      %swap3A_684 = arith.index_cast %scan3A_144 : i32 to index
      %swap3A_685 = arith.constant 608 : index
      %swap3A_686 = tpu.vector_load %arg9[%swap3A_684, %swap3A_685] {strides = array<i32>} : memref<16x1024xf32, #tpu.memory_space<vmem>>, vector<1x16xf32>,
      %swap3A_687 = vector.shape_cast %swap3A_686 : vector<1x16xf32> to vector<16xf32>
      %swap3A_688 = vector.shape_cast %add3A_683 : vector<16xf32> to vector<1x16xf32>
      tpu.vector_store %arg9[%swap3A_684, %swap3A_685], %swap3A_688 {strides = array<i32>} : memref<16x1024xf32, #tpu.memory_space<vmem>>, vector<1x16xf32>,
      %get3A_689 = arith.index_cast %scan3A_144 : i32 to index
      %get3A_690 = arith.constant 624 : index
      %get3A_691 = tpu.vector_load %arg9[%get3A_689, %get3A_690] {strides = array<i32>} : memref<16x1024xf32, #tpu.memory_space<vmem>>, vector<1x16xf32>,
      %get3A_692 = vector.shape_cast %get3A_691 : vector<1x16xf32> to vector<16xf32>
      %get3A_693 = arith.index_cast %scan3A_144 : i32 to index
      %get3A_694 = arith.constant 624 : index
      %get3A_695 = tpu.vector_load %arg11[%get3A_693, %get3A_694] {strides = array<i32>} : memref<16x1024xf32, #tpu.memory_space<vmem>>, vector<1x16xf32>,
      %get3A_696 = vector.shape_cast %get3A_695 : vector<1x16xf32> to vector<16xf32>
      %add3A_697 = arith.addf %get3A_692, %get3A_696 : vector<16xf32>
      %swap3A_698 = arith.index_cast %scan3A_144 : i32 to index
      %swap3A_699 = arith.constant 624 : index
      %swap3A_700 = tpu.vector_load %arg9[%swap3A_698, %swap3A_699] {strides = array<i32>} : memref<16x1024xf32, #tpu.memory_space<vmem>>, vector<1x16xf32>,
      %swap3A_701 = vector.shape_cast %swap3A_700 : vector<1x16xf32> to vector<16xf32>
      %swap3A_702 = vector.shape_cast %add3A_697 : vector<16xf32> to vector<1x16xf32>
      tpu.vector_store %arg9[%swap3A_698, %swap3A_699], %swap3A_702 {strides = array<i32>} : memref<16x1024xf32, #tpu.memory_space<vmem>>, vector<1x16xf32>,
      %get3A_703 = arith.index_cast %scan3A_144 : i32 to index
      %get3A_704 = arith.constant 640 : index
      %get3A_705 = tpu.vector_load %arg9[%get3A_703, %get3A_704] {strides = array<i32>} : memref<16x1024xf32, #tpu.memory_space<vmem>>, vector<1x16xf32>,
      %get3A_706 = vector.shape_cast %get3A_705 : vector<1x16xf32> to vector<16xf32>
      %get3A_707 = arith.index_cast %scan3A_144 : i32 to index
      %get3A_708 = arith.constant 640 : index
      %get3A_709 = tpu.vector_load %arg11[%get3A_707, %get3A_708] {strides = array<i32>} : memref<16x1024xf32, #tpu.memory_space<vmem>>, vector<1x16xf32>,
      %get3A_710 = vector.shape_cast %get3A_709 : vector<1x16xf32> to vector<16xf32>
      %add3A_711 = arith.addf %get3A_706, %get3A_710 : vector<16xf32>
      %swap3A_712 = arith.index_cast %scan3A_144 : i32 to index
      %swap3A_713 = arith.constant 640 : index
      %swap3A_714 = tpu.vector_load %arg9[%swap3A_712, %swap3A_713] {strides = array<i32>} : memref<16x1024xf32, #tpu.memory_space<vmem>>, vector<1x16xf32>,
      %swap3A_715 = vector.shape_cast %swap3A_714 : vector<1x16xf32> to vector<16xf32>
      %swap3A_716 = vector.shape_cast %add3A_711 : vector<16xf32> to vector<1x16xf32>
      tpu.vector_store %arg9[%swap3A_712, %swap3A_713], %swap3A_716 {strides = array<i32>} : memref<16x1024xf32, #tpu.memory_space<vmem>>, vector<1x16xf32>,
      %get3A_717 = arith.index_cast %scan3A_144 : i32 to index
      %get3A_718 = arith.constant 656 : index
      %get3A_719 = tpu.vector_load %arg9[%get3A_717, %get3A_718] {strides = array<i32>} : memref<16x1024xf32, #tpu.memory_space<vmem>>, vector<1x16xf32>,
      %get3A_720 = vector.shape_cast %get3A_719 : vector<1x16xf32> to vector<16xf32>
      %get3A_721 = arith.index_cast %scan3A_144 : i32 to index
      %get3A_722 = arith.constant 656 : index
      %get3A_723 = tpu.vector_load %arg11[%get3A_721, %get3A_722] {strides = array<i32>} : memref<16x1024xf32, #tpu.memory_space<vmem>>, vector<1x16xf32>,
      %get3A_724 = vector.shape_cast %get3A_723 : vector<1x16xf32> to vector<16xf32>
      %add3A_725 = arith.addf %get3A_720, %get3A_724 : vector<16xf32>
      %swap3A_726 = arith.index_cast %scan3A_144 : i32 to index
      %swap3A_727 = arith.constant 656 : index
      %swap3A_728 = tpu.vector_load %arg9[%swap3A_726, %swap3A_727] {strides = array<i32>} : memref<16x1024xf32, #tpu.memory_space<vmem>>, vector<1x16xf32>,
      %swap3A_729 = vector.shape_cast %swap3A_728 : vector<1x16xf32> to vector<16xf32>
      %swap3A_730 = vector.shape_cast %add3A_725 : vector<16xf32> to vector<1x16xf32>
      tpu.vector_store %arg9[%swap3A_726, %swap3A_727], %swap3A_730 {strides = array<i32>} : memref<16x1024xf32, #tpu.memory_space<vmem>>, vector<1x16xf32>,
      %get3A_731 = arith.index_cast %scan3A_144 : i32 to index
      %get3A_732 = arith.constant 672 : index
      %get3A_733 = tpu.vector_load %arg9[%get3A_731, %get3A_732] {strides = array<i32>} : memref<16x1024xf32, #tpu.memory_space<vmem>>, vector<1x16xf32>,
      %get3A_734 = vector.shape_cast %get3A_733 : vector<1x16xf32> to vector<16xf32>
      %get3A_735 = arith.index_cast %scan3A_144 : i32 to index
      %get3A_736 = arith.constant 672 : index
      %get3A_737 = tpu.vector_load %arg11[%get3A_735, %get3A_736] {strides = array<i32>} : memref<16x1024xf32, #tpu.memory_space<vmem>>, vector<1x16xf32>,
      %get3A_738 = vector.shape_cast %get3A_737 : vector<1x16xf32> to vector<16xf32>
      %add3A_739 = arith.addf %get3A_734, %get3A_738 : vector<16xf32>
      %swap3A_740 = arith.index_cast %scan3A_144 : i32 to index
      %swap3A_741 = arith.constant 672 : index
      %swap3A_742 = tpu.vector_load %arg9[%swap3A_740, %swap3A_741] {strides = array<i32>} : memref<16x1024xf32, #tpu.memory_space<vmem>>, vector<1x16xf32>,
      %swap3A_743 = vector.shape_cast %swap3A_742 : vector<1x16xf32> to vector<16xf32>
      %swap3A_744 = vector.shape_cast %add3A_739 : vector<16xf32> to vector<1x16xf32>
      tpu.vector_store %arg9[%swap3A_740, %swap3A_741], %swap3A_744 {strides = array<i32>} : memref<16x1024xf32, #tpu.memory_space<vmem>>, vector<1x16xf32>,
      %get3A_745 = arith.index_cast %scan3A_144 : i32 to index
      %get3A_746 = arith.constant 688 : index
      %get3A_747 = tpu.vector_load %arg9[%get3A_745, %get3A_746] {strides = array<i32>} : memref<16x1024xf32, #tpu.memory_space<vmem>>, vector<1x16xf32>,
      %get3A_748 = vector.shape_cast %get3A_747 : vector<1x16xf32> to vector<16xf32>
      %get3A_749 = arith.index_cast %scan3A_144 : i32 to index
      %get3A_750 = arith.constant 688 : index
      %get3A_751 = tpu.vector_load %arg11[%get3A_749, %get3A_750] {strides = array<i32>} : memref<16x1024xf32, #tpu.memory_space<vmem>>, vector<1x16xf32>,
      %get3A_752 = vector.shape_cast %get3A_751 : vector<1x16xf32> to vector<16xf32>
      %add3A_753 = arith.addf %get3A_748, %get3A_752 : vector<16xf32>
      %swap3A_754 = arith.index_cast %scan3A_144 : i32 to index
      %swap3A_755 = arith.constant 688 : index
      %swap3A_756 = tpu.vector_load %arg9[%swap3A_754, %swap3A_755] {strides = array<i32>} : memref<16x1024xf32, #tpu.memory_space<vmem>>, vector<1x16xf32>,
      %swap3A_757 = vector.shape_cast %swap3A_756 : vector<1x16xf32> to vector<16xf32>
      %swap3A_758 = vector.shape_cast %add3A_753 : vector<16xf32> to vector<1x16xf32>
      tpu.vector_store %arg9[%swap3A_754, %swap3A_755], %swap3A_758 {strides = array<i32>} : memref<16x1024xf32, #tpu.memory_space<vmem>>, vector<1x16xf32>,
      %get3A_759 = arith.index_cast %scan3A_144 : i32 to index
      %get3A_760 = arith.constant 704 : index
      %get3A_761 = tpu.vector_load %arg9[%get3A_759, %get3A_760] {strides = array<i32>} : memref<16x1024xf32, #tpu.memory_space<vmem>>, vector<1x16xf32>,
      %get3A_762 = vector.shape_cast %get3A_761 : vector<1x16xf32> to vector<16xf32>
      %get3A_763 = arith.index_cast %scan3A_144 : i32 to index
      %get3A_764 = arith.constant 704 : index
      %get3A_765 = tpu.vector_load %arg11[%get3A_763, %get3A_764] {strides = array<i32>} : memref<16x1024xf32, #tpu.memory_space<vmem>>, vector<1x16xf32>,
      %get3A_766 = vector.shape_cast %get3A_765 : vector<1x16xf32> to vector<16xf32>
      %add3A_767 = arith.addf %get3A_762, %get3A_766 : vector<16xf32>
      %swap3A_768 = arith.index_cast %scan3A_144 : i32 to index
      %swap3A_769 = arith.constant 704 : index
      %swap3A_770 = tpu.vector_load %arg9[%swap3A_768, %swap3A_769] {strides = array<i32>} : memref<16x1024xf32, #tpu.memory_space<vmem>>, vector<1x16xf32>,
      %swap3A_771 = vector.shape_cast %swap3A_770 : vector<1x16xf32> to vector<16xf32>
      %swap3A_772 = vector.shape_cast %add3A_767 : vector<16xf32> to vector<1x16xf32>
      tpu.vector_store %arg9[%swap3A_768, %swap3A_769], %swap3A_772 {strides = array<i32>} : memref<16x1024xf32, #tpu.memory_space<vmem>>, vector<1x16xf32>,
      %get3A_773 = arith.index_cast %scan3A_144 : i32 to index
      %get3A_774 = arith.constant 720 : index
      %get3A_775 = tpu.vector_load %arg9[%get3A_773, %get3A_774] {strides = array<i32>} : memref<16x1024xf32, #tpu.memory_space<vmem>>, vector<1x16xf32>,
      %get3A_776 = vector.shape_cast %get3A_775 : vector<1x16xf32> to vector<16xf32>
      %get3A_777 = arith.index_cast %scan3A_144 : i32 to index
      %get3A_778 = arith.constant 720 : index
      %get3A_779 = tpu.vector_load %arg11[%get3A_777, %get3A_778] {strides = array<i32>} : memref<16x1024xf32, #tpu.memory_space<vmem>>, vector<1x16xf32>,
      %get3A_780 = vector.shape_cast %get3A_779 : vector<1x16xf32> to vector<16xf32>
      %add3A_781 = arith.addf %get3A_776, %get3A_780 : vector<16xf32>
      %swap3A_782 = arith.index_cast %scan3A_144 : i32 to index
      %swap3A_783 = arith.constant 720 : index
      %swap3A_784 = tpu.vector_load %arg9[%swap3A_782, %swap3A_783] {strides = array<i32>} : memref<16x1024xf32, #tpu.memory_space<vmem>>, vector<1x16xf32>,
      %swap3A_785 = vector.shape_cast %swap3A_784 : vector<1x16xf32> to vector<16xf32>
      %swap3A_786 = vector.shape_cast %add3A_781 : vector<16xf32> to vector<1x16xf32>
      tpu.vector_store %arg9[%swap3A_782, %swap3A_783], %swap3A_786 {strides = array<i32>} : memref<16x1024xf32, #tpu.memory_space<vmem>>, vector<1x16xf32>,
      %get3A_787 = arith.index_cast %scan3A_144 : i32 to index
      %get3A_788 = arith.constant 736 : index
      %get3A_789 = tpu.vector_load %arg9[%get3A_787, %get3A_788] {strides = array<i32>} : memref<16x1024xf32, #tpu.memory_space<vmem>>, vector<1x16xf32>,
      %get3A_790 = vector.shape_cast %get3A_789 : vector<1x16xf32> to vector<16xf32>
      %get3A_791 = arith.index_cast %scan3A_144 : i32 to index
      %get3A_792 = arith.constant 736 : index
      %get3A_793 = tpu.vector_load %arg11[%get3A_791, %get3A_792] {strides = array<i32>} : memref<16x1024xf32, #tpu.memory_space<vmem>>, vector<1x16xf32>,
      %get3A_794 = vector.shape_cast %get3A_793 : vector<1x16xf32> to vector<16xf32>
      %add3A_795 = arith.addf %get3A_790, %get3A_794 : vector<16xf32>
      %swap3A_796 = arith.index_cast %scan3A_144 : i32 to index
      %swap3A_797 = arith.constant 736 : index
      %swap3A_798 = tpu.vector_load %arg9[%swap3A_796, %swap3A_797] {strides = array<i32>} : memref<16x1024xf32, #tpu.memory_space<vmem>>, vector<1x16xf32>,
      %swap3A_799 = vector.shape_cast %swap3A_798 : vector<1x16xf32> to vector<16xf32>
      %swap3A_800 = vector.shape_cast %add3A_795 : vector<16xf32> to vector<1x16xf32>
      tpu.vector_store %arg9[%swap3A_796, %swap3A_797], %swap3A_800 {strides = array<i32>} : memref<16x1024xf32, #tpu.memory_space<vmem>>, vector<1x16xf32>,
      %get3A_801 = arith.index_cast %scan3A_144 : i32 to index
      %get3A_802 = arith.constant 752 : index
      %get3A_803 = tpu.vector_load %arg9[%get3A_801, %get3A_802] {strides = array<i32>} : memref<16x1024xf32, #tpu.memory_space<vmem>>, vector<1x16xf32>,
      %get3A_804 = vector.shape_cast %get3A_803 : vector<1x16xf32> to vector<16xf32>
      %get3A_805 = arith.index_cast %scan3A_144 : i32 to index
      %get3A_806 = arith.constant 752 : index
      %get3A_807 = tpu.vector_load %arg11[%get3A_805, %get3A_806] {strides = array<i32>} : memref<16x1024xf32, #tpu.memory_space<vmem>>, vector<1x16xf32>,
      %get3A_808 = vector.shape_cast %get3A_807 : vector<1x16xf32> to vector<16xf32>
      %add3A_809 = arith.addf %get3A_804, %get3A_808 : vector<16xf32>
      %swap3A_810 = arith.index_cast %scan3A_144 : i32 to index
      %swap3A_811 = arith.constant 752 : index
      %swap3A_812 = tpu.vector_load %arg9[%swap3A_810, %swap3A_811] {strides = array<i32>} : memref<16x1024xf32, #tpu.memory_space<vmem>>, vector<1x16xf32>,
      %swap3A_813 = vector.shape_cast %swap3A_812 : vector<1x16xf32> to vector<16xf32>
      %swap3A_814 = vector.shape_cast %add3A_809 : vector<16xf32> to vector<1x16xf32>
      tpu.vector_store %arg9[%swap3A_810, %swap3A_811], %swap3A_814 {strides = array<i32>} : memref<16x1024xf32, #tpu.memory_space<vmem>>, vector<1x16xf32>,
      %get3A_815 = arith.index_cast %scan3A_144 : i32 to index
      %get3A_816 = arith.constant 768 : index
      %get3A_817 = tpu.vector_load %arg9[%get3A_815, %get3A_816] {strides = array<i32>} : memref<16x1024xf32, #tpu.memory_space<vmem>>, vector<1x16xf32>,
      %get3A_818 = vector.shape_cast %get3A_817 : vector<1x16xf32> to vector<16xf32>
      %get3A_819 = arith.index_cast %scan3A_144 : i32 to index
      %get3A_820 = arith.constant 768 : index
      %get3A_821 = tpu.vector_load %arg11[%get3A_819, %get3A_820] {strides = array<i32>} : memref<16x1024xf32, #tpu.memory_space<vmem>>, vector<1x16xf32>,
      %get3A_822 = vector.shape_cast %get3A_821 : vector<1x16xf32> to vector<16xf32>
      %add3A_823 = arith.addf %get3A_818, %get3A_822 : vector<16xf32>
      %swap3A_824 = arith.index_cast %scan3A_144 : i32 to index
      %swap3A_825 = arith.constant 768 : index
      %swap3A_826 = tpu.vector_load %arg9[%swap3A_824, %swap3A_825] {strides = array<i32>} : memref<16x1024xf32, #tpu.memory_space<vmem>>, vector<1x16xf32>,
      %swap3A_827 = vector.shape_cast %swap3A_826 : vector<1x16xf32> to vector<16xf32>
      %swap3A_828 = vector.shape_cast %add3A_823 : vector<16xf32> to vector<1x16xf32>
      tpu.vector_store %arg9[%swap3A_824, %swap3A_825], %swap3A_828 {strides = array<i32>} : memref<16x1024xf32, #tpu.memory_space<vmem>>, vector<1x16xf32>,
      %get3A_829 = arith.index_cast %scan3A_144 : i32 to index
      %get3A_830 = arith.constant 784 : index
      %get3A_831 = tpu.vector_load %arg9[%get3A_829, %get3A_830] {strides = array<i32>} : memref<16x1024xf32, #tpu.memory_space<vmem>>, vector<1x16xf32>,
      %get3A_832 = vector.shape_cast %get3A_831 : vector<1x16xf32> to vector<16xf32>
      %get3A_833 = arith.index_cast %scan3A_144 : i32 to index
      %get3A_834 = arith.constant 784 : index
      %get3A_835 = tpu.vector_load %arg11[%get3A_833, %get3A_834] {strides = array<i32>} : memref<16x1024xf32, #tpu.memory_space<vmem>>, vector<1x16xf32>,
      %get3A_836 = vector.shape_cast %get3A_835 : vector<1x16xf32> to vector<16xf32>
      %add3A_837 = arith.addf %get3A_832, %get3A_836 : vector<16xf32>
      %swap3A_838 = arith.index_cast %scan3A_144 : i32 to index
      %swap3A_839 = arith.constant 784 : index
      %swap3A_840 = tpu.vector_load %arg9[%swap3A_838, %swap3A_839] {strides = array<i32>} : memref<16x1024xf32, #tpu.memory_space<vmem>>, vector<1x16xf32>,
      %swap3A_841 = vector.shape_cast %swap3A_840 : vector<1x16xf32> to vector<16xf32>
      %swap3A_842 = vector.shape_cast %add3A_837 : vector<16xf32> to vector<1x16xf32>
      tpu.vector_store %arg9[%swap3A_838, %swap3A_839], %swap3A_842 {strides = array<i32>} : memref<16x1024xf32, #tpu.memory_space<vmem>>, vector<1x16xf32>,
      %get3A_843 = arith.index_cast %scan3A_144 : i32 to index
      %get3A_844 = arith.constant 800 : index
      %get3A_845 = tpu.vector_load %arg9[%get3A_843, %get3A_844] {strides = array<i32>} : memref<16x1024xf32, #tpu.memory_space<vmem>>, vector<1x16xf32>,
      %get3A_846 = vector.shape_cast %get3A_845 : vector<1x16xf32> to vector<16xf32>
      %get3A_847 = arith.index_cast %scan3A_144 : i32 to index
      %get3A_848 = arith.constant 800 : index
      %get3A_849 = tpu.vector_load %arg11[%get3A_847, %get3A_848] {strides = array<i32>} : memref<16x1024xf32, #tpu.memory_space<vmem>>, vector<1x16xf32>,
      %get3A_850 = vector.shape_cast %get3A_849 : vector<1x16xf32> to vector<16xf32>
      %add3A_851 = arith.addf %get3A_846, %get3A_850 : vector<16xf32>
      %swap3A_852 = arith.index_cast %scan3A_144 : i32 to index
      %swap3A_853 = arith.constant 800 : index
      %swap3A_854 = tpu.vector_load %arg9[%swap3A_852, %swap3A_853] {strides = array<i32>} : memref<16x1024xf32, #tpu.memory_space<vmem>>, vector<1x16xf32>,
      %swap3A_855 = vector.shape_cast %swap3A_854 : vector<1x16xf32> to vector<16xf32>
      %swap3A_856 = vector.shape_cast %add3A_851 : vector<16xf32> to vector<1x16xf32>
      tpu.vector_store %arg9[%swap3A_852, %swap3A_853], %swap3A_856 {strides = array<i32>} : memref<16x1024xf32, #tpu.memory_space<vmem>>, vector<1x16xf32>,
      %get3A_857 = arith.index_cast %scan3A_144 : i32 to index
      %get3A_858 = arith.constant 816 : index
      %get3A_859 = tpu.vector_load %arg9[%get3A_857, %get3A_858] {strides = array<i32>} : memref<16x1024xf32, #tpu.memory_space<vmem>>, vector<1x16xf32>,
      %get3A_860 = vector.shape_cast %get3A_859 : vector<1x16xf32> to vector<16xf32>
      %get3A_861 = arith.index_cast %scan3A_144 : i32 to index
      %get3A_862 = arith.constant 816 : index
      %get3A_863 = tpu.vector_load %arg11[%get3A_861, %get3A_862] {strides = array<i32>} : memref<16x1024xf32, #tpu.memory_space<vmem>>, vector<1x16xf32>,
      %get3A_864 = vector.shape_cast %get3A_863 : vector<1x16xf32> to vector<16xf32>
      %add3A_865 = arith.addf %get3A_860, %get3A_864 : vector<16xf32>
      %swap3A_866 = arith.index_cast %scan3A_144 : i32 to index
      %swap3A_867 = arith.constant 816 : index
      %swap3A_868 = tpu.vector_load %arg9[%swap3A_866, %swap3A_867] {strides = array<i32>} : memref<16x1024xf32, #tpu.memory_space<vmem>>, vector<1x16xf32>,
      %swap3A_869 = vector.shape_cast %swap3A_868 : vector<1x16xf32> to vector<16xf32>
      %swap3A_870 = vector.shape_cast %add3A_865 : vector<16xf32> to vector<1x16xf32>
      tpu.vector_store %arg9[%swap3A_866, %swap3A_867], %swap3A_870 {strides = array<i32>} : memref<16x1024xf32, #tpu.memory_space<vmem>>, vector<1x16xf32>,
      %get3A_871 = arith.index_cast %scan3A_144 : i32 to index
      %get3A_872 = arith.constant 832 : index
      %get3A_873 = tpu.vector_load %arg9[%get3A_871, %get3A_872] {strides = array<i32>} : memref<16x1024xf32, #tpu.memory_space<vmem>>, vector<1x16xf32>,
      %get3A_874 = vector.shape_cast %get3A_873 : vector<1x16xf32> to vector<16xf32>
      %get3A_875 = arith.index_cast %scan3A_144 : i32 to index
      %get3A_876 = arith.constant 832 : index
      %get3A_877 = tpu.vector_load %arg11[%get3A_875, %get3A_876] {strides = array<i32>} : memref<16x1024xf32, #tpu.memory_space<vmem>>, vector<1x16xf32>,
      %get3A_878 = vector.shape_cast %get3A_877 : vector<1x16xf32> to vector<16xf32>
      %add3A_879 = arith.addf %get3A_874, %get3A_878 : vector<16xf32>
      %swap3A_880 = arith.index_cast %scan3A_144 : i32 to index
      %swap3A_881 = arith.constant 832 : index
      %swap3A_882 = tpu.vector_load %arg9[%swap3A_880, %swap3A_881] {strides = array<i32>} : memref<16x1024xf32, #tpu.memory_space<vmem>>, vector<1x16xf32>,
      %swap3A_883 = vector.shape_cast %swap3A_882 : vector<1x16xf32> to vector<16xf32>
      %swap3A_884 = vector.shape_cast %add3A_879 : vector<16xf32> to vector<1x16xf32>
      tpu.vector_store %arg9[%swap3A_880, %swap3A_881], %swap3A_884 {strides = array<i32>} : memref<16x1024xf32, #tpu.memory_space<vmem>>, vector<1x16xf32>,
      %get3A_885 = arith.index_cast %scan3A_144 : i32 to index
      %get3A_886 = arith.constant 848 : index
      %get3A_887 = tpu.vector_load %arg9[%get3A_885, %get3A_886] {strides = array<i32>} : memref<16x1024xf32, #tpu.memory_space<vmem>>, vector<1x16xf32>,
      %get3A_888 = vector.shape_cast %get3A_887 : vector<1x16xf32> to vector<16xf32>
      %get3A_889 = arith.index_cast %scan3A_144 : i32 to index
      %get3A_890 = arith.constant 848 : index
      %get3A_891 = tpu.vector_load %arg11[%get3A_889, %get3A_890] {strides = array<i32>} : memref<16x1024xf32, #tpu.memory_space<vmem>>, vector<1x16xf32>,
      %get3A_892 = vector.shape_cast %get3A_891 : vector<1x16xf32> to vector<16xf32>
      %add3A_893 = arith.addf %get3A_888, %get3A_892 : vector<16xf32>
      %swap3A_894 = arith.index_cast %scan3A_144 : i32 to index
      %swap3A_895 = arith.constant 848 : index
      %swap3A_896 = tpu.vector_load %arg9[%swap3A_894, %swap3A_895] {strides = array<i32>} : memref<16x1024xf32, #tpu.memory_space<vmem>>, vector<1x16xf32>,
      %swap3A_897 = vector.shape_cast %swap3A_896 : vector<1x16xf32> to vector<16xf32>
      %swap3A_898 = vector.shape_cast %add3A_893 : vector<16xf32> to vector<1x16xf32>
      tpu.vector_store %arg9[%swap3A_894, %swap3A_895], %swap3A_898 {strides = array<i32>} : memref<16x1024xf32, #tpu.memory_space<vmem>>, vector<1x16xf32>,
      %get3A_899 = arith.index_cast %scan3A_144 : i32 to index
      %get3A_900 = arith.constant 864 : index
      %get3A_901 = tpu.vector_load %arg9[%get3A_899, %get3A_900] {strides = array<i32>} : memref<16x1024xf32, #tpu.memory_space<vmem>>, vector<1x16xf32>,
      %get3A_902 = vector.shape_cast %get3A_901 : vector<1x16xf32> to vector<16xf32>
      %get3A_903 = arith.index_cast %scan3A_144 : i32 to index
      %get3A_904 = arith.constant 864 : index
      %get3A_905 = tpu.vector_load %arg11[%get3A_903, %get3A_904] {strides = array<i32>} : memref<16x1024xf32, #tpu.memory_space<vmem>>, vector<1x16xf32>,
      %get3A_906 = vector.shape_cast %get3A_905 : vector<1x16xf32> to vector<16xf32>
      %add3A_907 = arith.addf %get3A_902, %get3A_906 : vector<16xf32>
      %swap3A_908 = arith.index_cast %scan3A_144 : i32 to index
      %swap3A_909 = arith.constant 864 : index
      %swap3A_910 = tpu.vector_load %arg9[%swap3A_908, %swap3A_909] {strides = array<i32>} : memref<16x1024xf32, #tpu.memory_space<vmem>>, vector<1x16xf32>,
      %swap3A_911 = vector.shape_cast %swap3A_910 : vector<1x16xf32> to vector<16xf32>
      %swap3A_912 = vector.shape_cast %add3A_907 : vector<16xf32> to vector<1x16xf32>
      tpu.vector_store %arg9[%swap3A_908, %swap3A_909], %swap3A_912 {strides = array<i32>} : memref<16x1024xf32, #tpu.memory_space<vmem>>, vector<1x16xf32>,
      %get3A_913 = arith.index_cast %scan3A_144 : i32 to index
      %get3A_914 = arith.constant 880 : index
      %get3A_915 = tpu.vector_load %arg9[%get3A_913, %get3A_914] {strides = array<i32>} : memref<16x1024xf32, #tpu.memory_space<vmem>>, vector<1x16xf32>,
      %get3A_916 = vector.shape_cast %get3A_915 : vector<1x16xf32> to vector<16xf32>
      %get3A_917 = arith.index_cast %scan3A_144 : i32 to index
      %get3A_918 = arith.constant 880 : index
      %get3A_919 = tpu.vector_load %arg11[%get3A_917, %get3A_918] {strides = array<i32>} : memref<16x1024xf32, #tpu.memory_space<vmem>>, vector<1x16xf32>,
      %get3A_920 = vector.shape_cast %get3A_919 : vector<1x16xf32> to vector<16xf32>
      %add3A_921 = arith.addf %get3A_916, %get3A_920 : vector<16xf32>
      %swap3A_922 = arith.index_cast %scan3A_144 : i32 to index
      %swap3A_923 = arith.constant 880 : index
      %swap3A_924 = tpu.vector_load %arg9[%swap3A_922, %swap3A_923] {strides = array<i32>} : memref<16x1024xf32, #tpu.memory_space<vmem>>, vector<1x16xf32>,
      %swap3A_925 = vector.shape_cast %swap3A_924 : vector<1x16xf32> to vector<16xf32>
      %swap3A_926 = vector.shape_cast %add3A_921 : vector<16xf32> to vector<1x16xf32>
      tpu.vector_store %arg9[%swap3A_922, %swap3A_923], %swap3A_926 {strides = array<i32>} : memref<16x1024xf32, #tpu.memory_space<vmem>>, vector<1x16xf32>,
      %get3A_927 = arith.index_cast %scan3A_144 : i32 to index
      %get3A_928 = arith.constant 896 : index
      %get3A_929 = tpu.vector_load %arg9[%get3A_927, %get3A_928] {strides = array<i32>} : memref<16x1024xf32, #tpu.memory_space<vmem>>, vector<1x16xf32>,
      %get3A_930 = vector.shape_cast %get3A_929 : vector<1x16xf32> to vector<16xf32>
      %get3A_931 = arith.index_cast %scan3A_144 : i32 to index
      %get3A_932 = arith.constant 896 : index
      %get3A_933 = tpu.vector_load %arg11[%get3A_931, %get3A_932] {strides = array<i32>} : memref<16x1024xf32, #tpu.memory_space<vmem>>, vector<1x16xf32>,
      %get3A_934 = vector.shape_cast %get3A_933 : vector<1x16xf32> to vector<16xf32>
      %add3A_935 = arith.addf %get3A_930, %get3A_934 : vector<16xf32>
      %swap3A_936 = arith.index_cast %scan3A_144 : i32 to index
      %swap3A_937 = arith.constant 896 : index
      %swap3A_938 = tpu.vector_load %arg9[%swap3A_936, %swap3A_937] {strides = array<i32>} : memref<16x1024xf32, #tpu.memory_space<vmem>>, vector<1x16xf32>,
      %swap3A_939 = vector.shape_cast %swap3A_938 : vector<1x16xf32> to vector<16xf32>
      %swap3A_940 = vector.shape_cast %add3A_935 : vector<16xf32> to vector<1x16xf32>
      tpu.vector_store %arg9[%swap3A_936, %swap3A_937], %swap3A_940 {strides = array<i32>} : memref<16x1024xf32, #tpu.memory_space<vmem>>, vector<1x16xf32>,
      %get3A_941 = arith.index_cast %scan3A_144 : i32 to index
      %get3A_942 = arith.constant 912 : index
      %get3A_943 = tpu.vector_load %arg9[%get3A_941, %get3A_942] {strides = array<i32>} : memref<16x1024xf32, #tpu.memory_space<vmem>>, vector<1x16xf32>,
      %get3A_944 = vector.shape_cast %get3A_943 : vector<1x16xf32> to vector<16xf32>
      %get3A_945 = arith.index_cast %scan3A_144 : i32 to index
      %get3A_946 = arith.constant 912 : index
      %get3A_947 = tpu.vector_load %arg11[%get3A_945, %get3A_946] {strides = array<i32>} : memref<16x1024xf32, #tpu.memory_space<vmem>>, vector<1x16xf32>,
      %get3A_948 = vector.shape_cast %get3A_947 : vector<1x16xf32> to vector<16xf32>
      %add3A_949 = arith.addf %get3A_944, %get3A_948 : vector<16xf32>
      %swap3A_950 = arith.index_cast %scan3A_144 : i32 to index
      %swap3A_951 = arith.constant 912 : index
      %swap3A_952 = tpu.vector_load %arg9[%swap3A_950, %swap3A_951] {strides = array<i32>} : memref<16x1024xf32, #tpu.memory_space<vmem>>, vector<1x16xf32>,
      %swap3A_953 = vector.shape_cast %swap3A_952 : vector<1x16xf32> to vector<16xf32>
      %swap3A_954 = vector.shape_cast %add3A_949 : vector<16xf32> to vector<1x16xf32>
      tpu.vector_store %arg9[%swap3A_950, %swap3A_951], %swap3A_954 {strides = array<i32>} : memref<16x1024xf32, #tpu.memory_space<vmem>>, vector<1x16xf32>,
      %get3A_955 = arith.index_cast %scan3A_144 : i32 to index
      %get3A_956 = arith.constant 928 : index
      %get3A_957 = tpu.vector_load %arg9[%get3A_955, %get3A_956] {strides = array<i32>} : memref<16x1024xf32, #tpu.memory_space<vmem>>, vector<1x16xf32>,
      %get3A_958 = vector.shape_cast %get3A_957 : vector<1x16xf32> to vector<16xf32>
      %get3A_959 = arith.index_cast %scan3A_144 : i32 to index
      %get3A_960 = arith.constant 928 : index
      %get3A_961 = tpu.vector_load %arg11[%get3A_959, %get3A_960] {strides = array<i32>} : memref<16x1024xf32, #tpu.memory_space<vmem>>, vector<1x16xf32>,
      %get3A_962 = vector.shape_cast %get3A_961 : vector<1x16xf32> to vector<16xf32>
      %add3A_963 = arith.addf %get3A_958, %get3A_962 : vector<16xf32>
      %swap3A_964 = arith.index_cast %scan3A_144 : i32 to index
      %swap3A_965 = arith.constant 928 : index
      %swap3A_966 = tpu.vector_load %arg9[%swap3A_964, %swap3A_965] {strides = array<i32>} : memref<16x1024xf32, #tpu.memory_space<vmem>>, vector<1x16xf32>,
      %swap3A_967 = vector.shape_cast %swap3A_966 : vector<1x16xf32> to vector<16xf32>
      %swap3A_968 = vector.shape_cast %add3A_963 : vector<16xf32> to vector<1x16xf32>
      tpu.vector_store %arg9[%swap3A_964, %swap3A_965], %swap3A_968 {strides = array<i32>} : memref<16x1024xf32, #tpu.memory_space<vmem>>, vector<1x16xf32>,
      %get3A_969 = arith.index_cast %scan3A_144 : i32 to index
      %get3A_970 = arith.constant 944 : index
      %get3A_971 = tpu.vector_load %arg9[%get3A_969, %get3A_970] {strides = array<i32>} : memref<16x1024xf32, #tpu.memory_space<vmem>>, vector<1x16xf32>,
      %get3A_972 = vector.shape_cast %get3A_971 : vector<1x16xf32> to vector<16xf32>
      %get3A_973 = arith.index_cast %scan3A_144 : i32 to index
      %get3A_974 = arith.constant 944 : index
      %get3A_975 = tpu.vector_load %arg11[%get3A_973, %get3A_974] {strides = array<i32>} : memref<16x1024xf32, #tpu.memory_space<vmem>>, vector<1x16xf32>,
      %get3A_976 = vector.shape_cast %get3A_975 : vector<1x16xf32> to vector<16xf32>
      %add3A_977 = arith.addf %get3A_972, %get3A_976 : vector<16xf32>
      %swap3A_978 = arith.index_cast %scan3A_144 : i32 to index
      %swap3A_979 = arith.constant 944 : index
      %swap3A_980 = tpu.vector_load %arg9[%swap3A_978, %swap3A_979] {strides = array<i32>} : memref<16x1024xf32, #tpu.memory_space<vmem>>, vector<1x16xf32>,
      %swap3A_981 = vector.shape_cast %swap3A_980 : vector<1x16xf32> to vector<16xf32>
      %swap3A_982 = vector.shape_cast %add3A_977 : vector<16xf32> to vector<1x16xf32>
      tpu.vector_store %arg9[%swap3A_978, %swap3A_979], %swap3A_982 {strides = array<i32>} : memref<16x1024xf32, #tpu.memory_space<vmem>>, vector<1x16xf32>,
      %get3A_983 = arith.index_cast %scan3A_144 : i32 to index
      %get3A_984 = arith.constant 960 : index
      %get3A_985 = tpu.vector_load %arg9[%get3A_983, %get3A_984] {strides = array<i32>} : memref<16x1024xf32, #tpu.memory_space<vmem>>, vector<1x16xf32>,
      %get3A_986 = vector.shape_cast %get3A_985 : vector<1x16xf32> to vector<16xf32>
      %get3A_987 = arith.index_cast %scan3A_144 : i32 to index
      %get3A_988 = arith.constant 960 : index
      %get3A_989 = tpu.vector_load %arg11[%get3A_987, %get3A_988] {strides = array<i32>} : memref<16x1024xf32, #tpu.memory_space<vmem>>, vector<1x16xf32>,
      %get3A_990 = vector.shape_cast %get3A_989 : vector<1x16xf32> to vector<16xf32>
      %add3A_991 = arith.addf %get3A_986, %get3A_990 : vector<16xf32>
      %swap3A_992 = arith.index_cast %scan3A_144 : i32 to index
      %swap3A_993 = arith.constant 960 : index
      %swap3A_994 = tpu.vector_load %arg9[%swap3A_992, %swap3A_993] {strides = array<i32>} : memref<16x1024xf32, #tpu.memory_space<vmem>>, vector<1x16xf32>,
      %swap3A_995 = vector.shape_cast %swap3A_994 : vector<1x16xf32> to vector<16xf32>
      %swap3A_996 = vector.shape_cast %add3A_991 : vector<16xf32> to vector<1x16xf32>
      tpu.vector_store %arg9[%swap3A_992, %swap3A_993], %swap3A_996 {strides = array<i32>} : memref<16x1024xf32, #tpu.memory_space<vmem>>, vector<1x16xf32>,
      %get3A_997 = arith.index_cast %scan3A_144 : i32 to index
      %get3A_998 = arith.constant 976 : index
      %get3A_999 = tpu.vector_load %arg9[%get3A_997, %get3A_998] {strides = array<i32>} : memref<16x1024xf32, #tpu.memory_space<vmem>>, vector<1x16xf32>,
      %get3A_1000 = vector.shape_cast %get3A_999 : vector<1x16xf32> to vector<16xf32>
      %get3A_1001 = arith.index_cast %scan3A_144 : i32 to index
      %get3A_1002 = arith.constant 976 : index
      %get3A_1003 = tpu.vector_load %arg11[%get3A_1001, %get3A_1002] {strides = array<i32>} : memref<16x1024xf32, #tpu.memory_space<vmem>>, vector<1x16xf32>,
      %get3A_1004 = vector.shape_cast %get3A_1003 : vector<1x16xf32> to vector<16xf32>
      %add3A_1005 = arith.addf %get3A_1000, %get3A_1004 : vector<16xf32>
      %swap3A_1006 = arith.index_cast %scan3A_144 : i32 to index
      %swap3A_1007 = arith.constant 976 : index
      %swap3A_1008 = tpu.vector_load %arg9[%swap3A_1006, %swap3A_1007] {strides = array<i32>} : memref<16x1024xf32, #tpu.memory_space<vmem>>, vector<1x16xf32>,
      %swap3A_1009 = vector.shape_cast %swap3A_1008 : vector<1x16xf32> to vector<16xf32>
      %swap3A_1010 = vector.shape_cast %add3A_1005 : vector<16xf32> to vector<1x16xf32>
      tpu.vector_store %arg9[%swap3A_1006, %swap3A_1007], %swap3A_1010 {strides = array<i32>} : memref<16x1024xf32, #tpu.memory_space<vmem>>, vector<1x16xf32>,
      %get3A_1011 = arith.index_cast %scan3A_144 : i32 to index
      %get3A_1012 = arith.constant 992 : index
      %get3A_1013 = tpu.vector_load %arg9[%get3A_1011, %get3A_1012] {strides = array<i32>} : memref<16x1024xf32, #tpu.memory_space<vmem>>, vector<1x16xf32>,
      %get3A_1014 = vector.shape_cast %get3A_1013 : vector<1x16xf32> to vector<16xf32>
      %get3A_1015 = arith.index_cast %scan3A_144 : i32 to index
      %get3A_1016 = arith.constant 992 : index
      %get3A_1017 = tpu.vector_load %arg11[%get3A_1015, %get3A_1016] {strides = array<i32>} : memref<16x1024xf32, #tpu.memory_space<vmem>>, vector<1x16xf32>,
      %get3A_1018 = vector.shape_cast %get3A_1017 : vector<1x16xf32> to vector<16xf32>
      %add3A_1019 = arith.addf %get3A_1014, %get3A_1018 : vector<16xf32>
      %swap3A_1020 = arith.index_cast %scan3A_144 : i32 to index
      %swap3A_1021 = arith.constant 992 : index
      %swap3A_1022 = tpu.vector_load %arg9[%swap3A_1020, %swap3A_1021] {strides = array<i32>} : memref<16x1024xf32, #tpu.memory_space<vmem>>, vector<1x16xf32>,
      %swap3A_1023 = vector.shape_cast %swap3A_1022 : vector<1x16xf32> to vector<16xf32>
      %swap3A_1024 = vector.shape_cast %add3A_1019 : vector<16xf32> to vector<1x16xf32>
      tpu.vector_store %arg9[%swap3A_1020, %swap3A_1021], %swap3A_1024 {strides = array<i32>} : memref<16x1024xf32, #tpu.memory_space<vmem>>, vector<1x16xf32>,
      %get3A_1025 = arith.index_cast %scan3A_144 : i32 to index
      %get3A_1026 = arith.constant 1008 : index
      %get3A_1027 = tpu.vector_load %arg9[%get3A_1025, %get3A_1026] {strides = array<i32>} : memref<16x1024xf32, #tpu.memory_space<vmem>>, vector<1x16xf32>,
      %get3A_1028 = vector.shape_cast %get3A_1027 : vector<1x16xf32> to vector<16xf32>
      %get3A_1029 = arith.index_cast %scan3A_144 : i32 to index
      %get3A_1030 = arith.constant 1008 : index
      %get3A_1031 = tpu.vector_load %arg11[%get3A_1029, %get3A_1030] {strides = array<i32>} : memref<16x1024xf32, #tpu.memory_space<vmem>>, vector<1x16xf32>,
      %get3A_1032 = vector.shape_cast %get3A_1031 : vector<1x16xf32> to vector<16xf32>
      %add3A_1033 = arith.addf %get3A_1028, %get3A_1032 : vector<16xf32>
      %swap3A_1034 = arith.index_cast %scan3A_144 : i32 to index
      %swap3A_1035 = arith.constant 1008 : index
      %swap3A_1036 = tpu.vector_load %arg9[%swap3A_1034, %swap3A_1035] {strides = array<i32>} : memref<16x1024xf32, #tpu.memory_space<vmem>>, vector<1x16xf32>,
      %swap3A_1037 = vector.shape_cast %swap3A_1036 : vector<1x16xf32> to vector<16xf32>
      %swap3A_1038 = vector.shape_cast %add3A_1033 : vector<16xf32> to vector<1x16xf32>
      tpu.vector_store %arg9[%swap3A_1034, %swap3A_1035], %swap3A_1038 {strides = array<i32>} : memref<16x1024xf32, #tpu.memory_space<vmem>>, vector<1x16xf32>,
    }
    %scan3A_129 = arith.constant 16 : i32
    %add3A_130 = arith.constant 48 : i32
    %add3A_131 = arith.addi %mul3A_2, %add3A_130 : i32
    %dma_start3A_132 = arith.constant 0 : i32
    %dma_start3A_133 = tpu.memref_slice %arg5[%add3A_131, %dma_start3A_132] : memref<2048x1024xf32, #tpu.memory_space<hbm>> -> memref<16x1024xf32, #tpu.memory_space<hbm>>
    %dma_start3A_134 = arith.constant 0 : i32
    %dma_start3A_135 = tpu.memref_slice %arg5[%add3A_131, %dma_start3A_134] : memref<2048x1024xf32, #tpu.memory_space<hbm>> -> memref<16x1024xf32, #tpu.memory_space<hbm>>
    tpu.enqueue_dma source(%arg9 : memref<16x1024xf32, #tpu.memory_space<vmem>>) target(%dma_start3A_135 : memref<16x1024xf32, #tpu.memory_space<hbm>>) target_semaphore(%arg15 : memref<!tpu.dma_semaphore, #tpu.memory_space<semaphore_mem>>)
    %dma_wait3A_136 = arith.constant 0 : i32
    %dma_wait3A_137 = tpu.memref_slice %arg5[%add3A_109, %dma_wait3A_136] : memref<2048x1024xf32, #tpu.memory_space<hbm>> -> memref<16x1024xf32, #tpu.memory_space<hbm>>
    %dma_wait3A_138 = arith.constant 0 : i32
    %dma_wait3A_139 = tpu.memref_slice %arg5[%add3A_109, %dma_wait3A_138] : memref<2048x1024xf32, #tpu.memory_space<hbm>> -> memref<16x1024xf32, #tpu.memory_space<hbm>>
    tpu.wait_dma2 semaphore(%arg14 : memref<!tpu.dma_semaphore, #tpu.memory_space<semaphore_mem>>) src(%arg8 : memref<16x1024xf32, #tpu.memory_space<vmem>>) dst(%dma_wait3A_139 : memref<16x1024xf32, #tpu.memory_space<hbm>>)
    %dma_wait3A_140 = arith.constant 0 : i32
    %dma_wait3A_141 = tpu.memref_slice %arg5[%add3A_131, %dma_wait3A_140] : memref<2048x1024xf32, #tpu.memory_space<hbm>> -> memref<16x1024xf32, #tpu.memory_space<hbm>>
    %dma_wait3A_142 = arith.constant 0 : i32
    %dma_wait3A_143 = tpu.memref_slice %arg5[%add3A_131, %dma_wait3A_142] : memref<2048x1024xf32, #tpu.memory_space<hbm>> -> memref<16x1024xf32, #tpu.memory_space<hbm>>
    tpu.wait_dma2 semaphore(%arg15 : memref<!tpu.dma_semaphore, #tpu.memory_space<semaphore_mem>>) src(%arg9 : memref<16x1024xf32, #tpu.memory_space<vmem>>) dst(%dma_wait3A_143 : memref<16x1024xf32, #tpu.memory_space<hbm>>)
    return
  }
}

module attributes {stable_mosaic.version = 14 : i64} {
  func.func @body(%arg0: i32, %arg1: memref<40xi32, #tpu.memory_space<smem>>, %arg2: memref<128x1024xf32, #tpu.memory_space<vmem>>, %arg3: memref<1x1024x1024xf32, #tpu.memory_space<vmem>>, %arg4: memref<1x1024x512xf32, #tpu.memory_space<vmem>>, %arg5: memref<128x1xf32, #tpu.memory_space<vmem>>, %arg6: memref<128x1024xf32, #tpu.memory_space<vmem>>) attributes {dimension_semantics = [#tpu.dimension_semantics<arbitrary>], iteration_bounds = array<i64: 40>, scalar_prefetch = 1 : i64, scratch_operands = 0 : i64, tpu.core_type = #tpu.core_type<tc>, window_params = [{transform_indices = @transform_0, window_bounds = array<i64: 128, 1024>}, {transform_indices = @transform_1, window_bounds = array<i64: 1, 1024, 1024>}, {transform_indices = @transform_2, window_bounds = array<i64: 1, 1024, 512>}, {transform_indices = @transform_3, window_bounds = array<i64: 128, 1>}, {transform_indices = @transform_4, window_bounds = array<i64: 128, 1024>}]} {
    %get3A = arith.constant 0 : index
    %get3A_0 = arith.constant 0 : index
    %get3A_1 = vector.load %arg2[%get3A, %get3A_0] : memref<128x1024xf32, #tpu.memory_space<vmem>>, vector<128x1024xf32>
    %get3A_2 = arith.constant 0 : index
    %get3A_3 = arith.constant 0 : index
    %get3A_4 = arith.constant 0 : index
    %get3A_5 = vector.load %arg3[%get3A_2, %get3A_3, %get3A_4] : memref<1x1024x1024xf32, #tpu.memory_space<vmem>>, vector<1x1024x1024xf32>
    %get3A_6 = vector.shape_cast %get3A_5 : vector<1x1024x1024xf32> to vector<1024x1024xf32>
    %dot_general3A = arith.constant dense<0.000000e+00> : vector<128x1024xf32>
    %dot_general3A_7 = tpu.matmul %get3A_1, %get3A_6, %dot_general3A {dimension_numbers = #tpu.dot_dimension_numbers<[1], [1], [0], [0], [0, 0, 1, 0], [], []>, transpose_lhs_hint = false} : vector<128x1024xf32>, vector<1024x1024xf32>, vector<128x1024xf32> -> vector<128x1024xf32>
    %slice3A = vector.extract_strided_slice %dot_general3A_7 {offsets = [0, 0], sizes = [128, 512], strides = [1, 1]} : vector<128x1024xf32> to vector<128x512xf32>
    %slice3A_8 = vector.extract_strided_slice %dot_general3A_7 {offsets = [0, 512], sizes = [128, 512], strides = [1, 1]} : vector<128x1024xf32> to vector<128x512xf32>
    %logistic3A = arith.negf %slice3A : vector<128x512xf32>
    %logistic3A_9 = math.exp %logistic3A : vector<128x512xf32>
    %logistic3A_10 = arith.constant 1.000000e+00 : f32
    %logistic3A_11 = vector.broadcast %logistic3A_10 : f32 to vector<128x512xf32>
    %logistic3A_12 = arith.addf %logistic3A_11, %logistic3A_9 : vector<128x512xf32>
    %logistic3A_13 = arith.divf %logistic3A_11, %logistic3A_12 : vector<128x512xf32>
    %mul3A = arith.mulf %slice3A, %logistic3A_13 : vector<128x512xf32>
    %mul3A_14 = arith.mulf %mul3A, %slice3A_8 : vector<128x512xf32>
    %get3A_15 = arith.constant 0 : index
    %get3A_16 = arith.constant 0 : index
    %get3A_17 = arith.constant 0 : index
    %get3A_18 = vector.load %arg4[%get3A_15, %get3A_16, %get3A_17] : memref<1x1024x512xf32, #tpu.memory_space<vmem>>, vector<1x1024x512xf32>
    %get3A_19 = vector.shape_cast %get3A_18 : vector<1x1024x512xf32> to vector<1024x512xf32>
    %dot_general3A_20 = arith.constant dense<0.000000e+00> : vector<128x1024xf32>
    %dot_general3A_21 = tpu.matmul %mul3A_14, %get3A_19, %dot_general3A_20 {dimension_numbers = #tpu.dot_dimension_numbers<[1], [1], [0], [0], [0, 0, 1, 0], [], []>, transpose_lhs_hint = false} : vector<128x512xf32>, vector<1024x512xf32>, vector<128x1024xf32> -> vector<128x1024xf32>
    %get3A_22 = arith.constant 0 : index
    %get3A_23 = arith.constant 0 : index
    %get3A_24 = vector.load %arg5[%get3A_22, %get3A_23] : memref<128x1xf32, #tpu.memory_space<vmem>>, vector<128x1xf32>
    %mul3A_25 = vector.broadcast %get3A_24 : vector<128x1xf32> to vector<128x1024xf32>
    %mul3A_26 = arith.mulf %dot_general3A_21, %mul3A_25 : vector<128x1024xf32>
    %swap3A = arith.constant 0 : index
    %swap3A_27 = arith.constant 0 : index
    %swap3A_28 = vector.load %arg6[%swap3A, %swap3A_27] : memref<128x1024xf32, #tpu.memory_space<vmem>>, vector<128x1024xf32>
    tpu.vector_store %arg6[%swap3A, %swap3A_27], %mul3A_26 {strides = array<i32>} : memref<128x1024xf32, #tpu.memory_space<vmem>>, vector<128x1024xf32>,
    return
  }
  func.func @transform_0(%arg0: i32, %arg1: memref<40xi32, #tpu.memory_space<smem>>) -> (i32, i32) {
    %c0_i32 = arith.constant 0 : i32
    %c0_i32_0 = arith.constant 0 : i32
    return %arg0, %c0_i32 : i32, i32
  }
  func.func @transform_1(%arg0: i32, %arg1: memref<40xi32, #tpu.memory_space<smem>>) -> (i32, i32, i32) {
    %get3A = arith.index_cast %arg0 : i32 to index
    %get3A_0 = memref.load %arg1[%get3A] : memref<40xi32, #tpu.memory_space<smem>>
    %c0_i32 = arith.constant 0 : i32
    %c0_i32_1 = arith.constant 0 : i32
    %c0_i32_2 = arith.constant 0 : i32
    return %get3A_0, %c0_i32, %c0_i32_1 : i32, i32, i32
  }
  func.func @transform_2(%arg0: i32, %arg1: memref<40xi32, #tpu.memory_space<smem>>) -> (i32, i32, i32) {
    %get3A = arith.index_cast %arg0 : i32 to index
    %get3A_0 = memref.load %arg1[%get3A] : memref<40xi32, #tpu.memory_space<smem>>
    %c0_i32 = arith.constant 0 : i32
    %c0_i32_1 = arith.constant 0 : i32
    %c0_i32_2 = arith.constant 0 : i32
    return %get3A_0, %c0_i32, %c0_i32_1 : i32, i32, i32
  }
  func.func @transform_3(%arg0: i32, %arg1: memref<40xi32, #tpu.memory_space<smem>>) -> (i32, i32) {
    %c0_i32 = arith.constant 0 : i32
    %c0_i32_0 = arith.constant 0 : i32
    return %arg0, %c0_i32 : i32, i32
  }
  func.func @transform_4(%arg0: i32, %arg1: memref<40xi32, #tpu.memory_space<smem>>) -> (i32, i32) {
    %c0_i32 = arith.constant 0 : i32
    %c0_i32_0 = arith.constant 0 : i32
    return %arg0, %c0_i32 : i32, i32
  }
}

</mosaic_0001>

<sc_bundles>
// kernel: kernel.5.cloned.1.call-start
scs
__scs_entry_jumppad:
0x0: {  	(pc) =	sbr.rel $0x88, $3  }
0x1: {  	(tag) =	ssettag $0x0;
	lr =	simm.s32 $0x1  }
0x2: {  	[smem:$0x3F9C] =	sst lr;
	_ =	strace $0xD0000000  }
0x3: {  	_ = 	snop  }
0x4: {  	_ = 	snop  }
0x5: {  	_ = 	snop  }
0x6: {  	_ = 	snop  }
0x7: {  	_ = 	snop  }
__scs_overlays_trampoline_lowered:
0x8: {  	[smem:$0x3FAB] =	sst s0  }
0x9: {  	[smem:$0x3FAC] =	sst s1  }
0xa: {  	[smem:$0x3FAD] =	sst s2  }
0xb: {  	[smem:$0x3FAE] =	sst s3  }
0xc: {  	[smem:$0x3FAF] =	sst s4  }
0xd: {  	[smem:$0x3FB0] =	sst s5  }
0xe: {  	[smem:$0x3FB1] =	sst s6  }
0xf: {  	[smem:$0x3FB2] =	sst s7  }
0x10: {  	[smem:$0x3FB3] =	sst s8  }
0x11: {  	[smem:$0x3FB4] =	sst s9;
	s0 =	simm.s32 @!p0 $0x0  }
0x12: {  	s1 =	sld [smem:$0x3F9A];
	s0 =	simm.s32 @p0 $0x1  }
0x13: {  	[smem:$0x3FB5] =	sst s0;
	s0 =	simm.s32 @!p1 $0x0  }
0x14: {  	s2 =	sld [smem:$0x3F99];
	s0 =	simm.s32 @p1 $0x1  }
0x15: {  	[smem:$0x3FB6] =	sst s0;
	s0 =	simm.s32 @!p2 $0x0  }
0x16: {  	s3 =	sld [smem:$0x3FDB];
	s0 =	simm.s32 @p2 $0x1  }
0x17: {  	s4 =	simm.s32 $0x1BF5;
	[smem:$0x3FB8] =	sst s0  }
0x18: {  	s0 =	sld [smem:$0x3F9B];
	_ =	swait.ge [sflag:s4], $0x0  }
0x19: {  	s7 =	sld [smem:$0x3F9C]  }
0x1a: {  	s8 =	sadd.s32 $0xFFFFE003, lr  }
0x1b: {  	s9 =	sadd.s32 $0xFFFFFEF7, lr;
	s5 =	simm.s32 $0xFFFFFFFF;
	p2 =	slt.u32 s8, $0xFFFFF086  }
0x1c: {  	p1 =	slt.u32 s9, $0xF7A;
	s5 =	simm.s32 @!p2 $0x0  }
0x1d: {  	s5 =	simm.s32 @p1 $0x1;
	p0 =	seq.s32 s7, s2  }
0x1e: {  	s7 =	smul.u32 @!p0 $0xF7A, s2;
	p2 =	seq.s32 @!p0 s5, $0x0  }
0x1f: {  	s9 =	smul.u32 $0xF7A, s1;
	s8 =	simm.s32 @!p0 $0x1BF5;
	p2 =	por !p2, p0  }
0x20: {  	[sflag:s8] =	ssyncset.s32 @!p0 $0xFFFFF086;
	s6 =	sadd.s32 @!p0 s3, s7;
	s7 =	simm.s32 @!p0 $0x108  }
0x21: {  	s3 =	sadd.s32 s3, s9;
	s6 =	sadd.s32 @!p0 $0x88, s6;
	s7 =	simm.s32 @p2 $0x1082  }
0x22: {  	[simem:s7], [sflag:s8] =	dma.local @!p0 [hbm:s6], $0xF7A  }
0x23: {  	s9 =	sor.u32 $0xD0000000, s2;
	s6 =	simm.s32 $0x108;
	_ =	swait.ge @!p0 [sflag:s8], $0x0  }
0x24: {  	s3 =	sadd.s32 $0x88, s3;
	s6 =	simm.s32 @!p1 $0x1082;
	[sflag:s4] =	ssyncset.s32 $0xFFFFF086  }
0x25: {  	[simem:s6], [sflag:s4] =	dma.local [hbm:s3], $0xF7A  }
0x26: {  	[smem:$0x3F9C] =	sst s1;
	(tag) =	ssettag s2;
	_ =	strace s9  }
0x27: {  	s1 =	sld [smem:$0x3FAC]  }
0x28: {  	s2 =	sld [smem:$0x3FAD]  }
0x29: {  	s4 =	sld [smem:$0x3FAF]  }
0x2a: {  	p0 =	seq.s32 s5, $0x0;
	s5 =	sld [smem:$0x3FB0]  }
0x2b: {  	s6 =	sld [smem:$0x3FB1]  }
0x2c: {  	s7 =	sld [smem:$0x3FB2]  }
0x2d: {  	s3 =	simm.s32 $0x108;
	s8 =	sld [smem:$0x3FB3]  }
0x2e: {  	s3 =	simm.s32 @!p0 $0x1082;
	s9 =	sld [smem:$0x3FB4]  }
0x2f: {  	lr =	sadd.s32 s0, s3;
	s0 =	sld [smem:$0x3FAB]  }
0x30: {  	s3 =	sld [smem:$0x3FAE]  }
0x31: {  	[smem:$0x3FB7] =	sst s10  }
0x32: {  	s10 =	sld [smem:$0x3FB5];
	_ =	sdelay $0x3  }
0x33: {  	p0 =	seq.s32 s10, $0x1;
	s10 =	sld [smem:$0x3FB7];
	_ =	sdelay $0x3  }
0x34: {  	[smem:$0x3FB7] =	sst s10  }
0x35: {  	s10 =	sld [smem:$0x3FB6];
	_ =	sdelay $0x3  }
0x36: {  	p1 =	seq.s32 s10, $0x1;
	s10 =	sld [smem:$0x3FB7];
	_ =	sdelay $0x3  }
0x37: {  	[smem:$0x3FB7] =	sst s10  }
0x38: {  	s10 =	sld [smem:$0x3FB8]  }
0x39: {  	_ = 	snop;
	(pc) =	sbr.ind lr, $3  }
0x3a: {  	_ = 	snop  }
0x3b: {  	_ = 	snop  }
0x3c: {  	p2 =	seq.s32 s10, $0x1;
	s10 =	sld [smem:$0x3FB7]  }
0x3d: {  	_ =	shalt  }
0x3e: {  	_ =	shalt  }
0x3f: {  	_ =	shalt  }
0x40: {  	_ =	shalt  }
0x41: {  	_ =	shalt  }
0x42: {  	_ =	shalt  }
0x43: {  	_ =	shalt  }
0x44: {  	_ =	shalt  }
0x45: {  	_ =	shalt  }
0x46: {  	_ =	shalt  }
0x47: {  	_ =	shalt  }
0x48: {  	_ =	shalt  }
0x49: {  	_ =	shalt  }
0x4a: {  	_ =	shalt  }
0x4b: {  	_ =	shalt  }
0x4c: {  	_ =	shalt  }
0x4d: {  	_ =	shalt  }
0x4e: {  	_ =	shalt  }
0x4f: {  	_ =	shalt  }
0x50: {  	_ =	shalt  }
0x51: {  	_ =	shalt  }
0x52: {  	_ =	shalt  }
0x53: {  	_ =	shalt  }
0x54: {  	_ =	shalt  }
0x55: {  	_ =	shalt  }
0x56: {  	_ =	shalt  }
0x57: {  	_ =	shalt  }
0x58: {  	_ =	shalt  }
0x59: {  	_ =	shalt  }
0x5a: {  	_ =	shalt  }
0x5b: {  	_ =	shalt  }
0x5c: {  	_ =	shalt  }
0x5d: {  	_ =	shalt  }
0x5e: {  	_ =	shalt  }
0x5f: {  	_ =	shalt  }
0x60: {  	_ =	shalt  }
0x61: {  	_ =	shalt  }
0x62: {  	_ =	shalt  }
0x63: {  	_ =	shalt  }
0x64: {  	_ =	shalt  }
0x65: {  	_ =	shalt  }
0x66: {  	_ =	shalt  }
0x67: {  	_ =	shalt  }
0x68: {  	_ =	shalt  }
0x69: {  	_ =	shalt  }
0x6a: {  	_ =	shalt  }
0x6b: {  	_ =	shalt  }
0x6c: {  	_ =	shalt  }
0x6d: {  	_ =	shalt  }
0x6e: {  	_ =	shalt  }
0x6f: {  	_ =	shalt  }
0x70: {  	_ =	shalt  }
0x71: {  	_ =	shalt  }
0x72: {  	_ =	shalt  }
0x73: {  	_ =	shalt  }
0x74: {  	_ =	shalt  }
0x75: {  	_ =	shalt  }
0x76: {  	_ =	shalt  }
0x77: {  	_ =	shalt  }
0x78: {  	_ =	shalt  }
0x79: {  	_ =	shalt  }
0x7a: {  	_ =	shalt  }
0x7b: {  	_ =	shalt  }
0x7c: {  	_ =	shalt  }
0x7d: {  	_ =	shalt  }
0x7e: {  	_ =	shalt  }
0x7f: {  	_ =	shalt  }
0x80: {  	_ =	shalt  }
0x81: {  	_ =	shalt  }
0x82: {  	_ =	shalt  }
0x83: {  	_ =	shalt  }
0x84: {  	_ =	shalt  }
0x85: {  	_ =	shalt  }
0x86: {  	_ =	shalt  }
0x87: {  	_ =	shalt  }
.Lfunc_end0:
.L_simem_size_0:
called_computation_lowered:
.L_overlay_start_0:
0x88: {  	s2 =	sld [smem:$0x3FD9]  }
0x89: {  	s3 =	sld [smem:$0x3FFE];
	_ =	sdelay $0x1  }
0x8a: {  	s1 =	srdreg.scid  }
0x8b: {  	s0 =	sand.u32 $0x1, s1  }
0x8c: {  	s17 =	sshll.u32 s0, $0xA;
	s2 =	sadd.s32 s3, s2  }
0x8d: {  	s2 =	sadd.s32 s2, s17  }
0x8e: {  	[smem:$0x3FC3] =	sst s2  }
0x8f: {  	_ = 	snop  }
0x90: {  	s2 =	sld [smem:$0x3FC9]  }
0x91: {  	s18 =	sld [smem:$0x3FD0];
	(tm) =	ssettm $0x1  }
0x92: {  	s4 =	sld [smem:$0x3FFB];
	_ =	sdelay $0x3  }
0x93: {  	_ =	strace s4  }
0x94: {  	s4 =	sld [smem:$0x3FFC];
	_ =	sdelay $0x3  }
0x95: {  	_ =	strace s4  }
0x96: {  	s4 =	sld [smem:$0x3FFD];
	_ =	sdelay $0x3  }
0x97: {  	_ =	strace s4  }
0x98: {  	_ =	strace $0x8FFFFFFF  }
0x99: {  	s19 =	sld [smem:$0x3FDB];
	_ =	sdelay $0x1  }
0x9a: {  	s5 =	simm.s32 $_scs_section_size  }
0x9b: {  	s6 =	simm.s32 $_size__tile_overlayer_lowered;
	s7 =	simm.s32 $_tile_overlayer_lowered  }
0x9c: {  	s22 =	simm.s32 $0x1BFF;
	s21 =	sshll.u32 s7, $0x1;
	s4 =	sadd.s32 s5, s19  }
0x9d: {  	s8 =	simm.s32 $0x0;
	s20 =	sshll.u32 s6, $0x1;
	s6 =	sadd.s32 s21, s4  }
0x9e: {  	[timem:s8], [sflag:s22] =	dma.local [hbm:s6], s20  }
0x9f: {  	_ =	swait.ge [sflag:s22], s20  }
0xa0: {  	s5 =	ssub.s32 $0x0, s20;
	[sflag:s22] =	ssyncset.done $0x0  }
0xa1: {  	[sflag:s22] =	ssyncadd.s32 s5;
	_ =	sdelay $0x1  }
0xa2: {  	s23 =	simm.s32 $0x1B8B  }
0xa3: {  	_ =	swait.ge [sflag:s23], $0x1  }
0xa4: {  	[sflag:s23] =	ssyncset.done $0x0  }
0xa5: {  	s25 =	simm.s32 $0x1B8E;
	s24 =	sld [smem:$0x3FFE];
	[sflag:s23] =	ssyncadd.s32 $0xFFFFFFFF  }
0xa6: {  	s26 =	simm.s32 $execute0_lowered;
	[smem:$0x3FD2] =	sst s25  }
0xa7: {  	s6 =	sshll.u32 s26, $0x1;
	_ =	strace $0x80000046;
	[dreg:$0x1] =	wrdreg $0xFFFFFFFF  }
0xa8: {  	s28 =	simm.s32 $_size_execute0_lowered;
	s4 =	sadd.s32 s4, s6;
	[dreg:$0x0] =	wrdreg $0x0  }
0xa9: {  	s6 =	sshll.u32 s28, $0x1;
	[dreg:$0x2] =	wrdreg s4  }
0xaa: {  	[dreg:$0x3] =	wrdreg s6  }
0xab: {  	[dreg:$0x4] =	wrdreg $0xC0  }
0xac: {  	_ =	task [dreg:s8], $0x5FFFF  }
0xad: {  	[dreg:$0x1] =	wrdreg $0xFFFFFFFF  }
0xae: {  	[dreg:$0x0] =	wrdreg $0x60  }
0xaf: {  	[dreg:$0x2] =	wrdreg s2  }
0xb0: {  	[dreg:$0x3] =	wrdreg s24  }
0xb1: {  	[dreg:$0x4] =	wrdreg s18  }
0xb2: {  	[dreg:$0x5] =	wrdreg $0x9  }
0xb3: {  	_ =	task.clear_ibuf [dreg:s8], $0x6FFFF;
	_ =	strace $0x90000046  }
0xb4: {  	s29 =	simm.s32 $0x9;
	_ =	strace $0x80000048  }
0xb5: {  	_ =	swait.ge [sflag:s29], $0x1  }
0xb6: {  	[sflag:s29] =	ssyncadd.s32 $0xFFFFFFFF  }
0xb7: {  	_ =	strace $0x90000048  }
0xb8: {  	_ =	sfence  }
0xb9: {  	s30 =	sld [smem:$0x0];
	_ =	sdelay $0x2  }
0xba: {  	s31 =	sshll.u32 s1, $0xD;
	s1 =	sshrl.u32 s1, $0x2  }
0xbb: {  	s3 =	sand.u32 $0x4000, s31;
	s1 =	sadd.s32 s1, s30  }
0xbc: {  	s0 =	sor.u32 s3, s0;
	s1 =	sshll.u32 s1, $0x11  }
0xbd: {  	s0 =	sor.u32 s1, s0  }
0xbe: {  	s0 =	sadd.s32 $0x8F2B, s0  }
0xbf: {  	[sflag:s0] =	ssyncadd.remote.s32 $0x1  }
0xc0: {  	_ =	sfence.sel $0xFFFF  }
0xc1: {  	[dreg:$0x0] =	wrdreg $0xFFFFFFFF;
	(pc) =	sbr.abs _section_cstart, $3  }
0xc2: {  	[dreg:$0x1] =	wrdreg $0xFFFFFFFF  }
0xc3: {  	_ =	task.clear_ibuf [dreg:s8], $0x2FFFF;
	_ =	strace $0x9FFFFFFF  }
0xc4: {  	(tm) =	ssettm $0x7FFFFFFF  }
0xc5: {  	_ =	shalt  }
tec
execute0_lowered:
.L_overlay_start_1:
0x0: {  	(tag) =	ssettag $0x1  }
0x1: {  	s1 =	rddreg [dreg:$0x0]  }
0x2: {  	s0 =	rddreg [dreg:$0x1]  }
0x3: {  	s2 =	rddreg [dreg:$0x2];
	s4 =	srdreg.scid  }
0x4: {  	s6 =	stileid.u32;
	s3 =	simm.s32 $0x0;
	s31 =	simm.s32 $0x80  }
0x5: {  	s30 =	simm.s32 $0x6280;
	s5 =	sand.u32 $0x1, s4;
	s29 =	sshll.u32 s6, $0x1  }
0x6: {  	[smem:$0x7FF] =	sst s3;
	s4 =	sadd.s32 $0x200, s0;
	s9 =	sadd.s32 $0x400, s0  }
0x7: {  	s10 =	sadd.s32 $0x500, s0;
	s6 =	sor.u32 s5, s29;
	_ =	strace $0x80000047  }
0x8: {  	s5 =	ssub.s32 $0x2, s5;
	[dreg:$0x6] =	wrdreg s31;
	s7 =	sshll.u32 s6, $0x4  }
0x9: {  	s6 =	sshll.u32 s6, $0x6;
	s8 =	sshrl.u32 s5, $0x1;
	s7 =	sadd.s32 s0, s7  }
0xa: {  	v2 =	vlaneseq.u32;
	s2 =	sadd.s32 s2, s6;
	s11 =	ssub.s32 s5, s8;
	s5 =	sadd.s32 $0x100, s1  }
0xb: {  	vm0 =	vmmov $0xffff;
	v1 =	vshrl.u32 v2, $0x3;
	s6 =	sadd.s32 $0x200, s1;
	s8 =	sadd.s32 $0x300, s0;
	[dreg:$0x4] =	wrdreg s7  }
0xc: {  	v0 =	vand.u32 $0x7, v2;
	v2 =	vor.u32 $0x8, v2;
	v1 =	vmul.u32 $0x8, v1;
	[dreg:$0x5] =	wrdreg s2;
	s7 =	sadd.s32 $0x300, s1;
	s20 =	smax.u32 s11, $0x1  }
.LBB2_1:
0xd: {  	s31 =	rddreg [dreg:$0x4];
	s2 =	simm.s32 $0x5  }
0xe: {  	[tilespmem:s3], [sflag:$0x5] =	stream.linear.gather [hbm4b:s31+s3], $0x80, $0x38;
	[tilespmem:$0x10280] =	vst v63  }
0xf: {  	_ =	swait.ge [sflag:s2], $0x80  }
0x10: {  	s18 =	rddreg [dreg:$0x5];
	[sflag:s2] =	ssyncset.done $0x0  }
0x11: {  	s0 =	rddreg [dreg:$0x6];
	[sflag:s2] =	ssyncadd.s32 $0xFFFFFF80  }
0x12: {  	[tilespmem:s0], [sflag:$0x5] =	stream.linear.gather [hbm4b:s18+s3], $0x200, $0x38;
	[tilespmem:$0x10280] =	vst v63  }
0x13: {  	_ =	swait.ge [sflag:s2], $0x200  }
0x14: {  	[sflag:s2] =	ssyncset.done $0x0  }
0x15: {  	[sflag:s2] =	ssyncadd.s32 $0xFFFFFE00  }
0x16: {  	v3 =	vld [tilespmem:$0x0];
	_ =	sdelay $0x4  }
0x17: {  	v4 =	vshll.u32 v3, $0x3  }
0x18: {  	v3 =	vand.u32 $0x7, v3;
	v4 =	vand.u32 $0xFFFFFFC0, v4  }
0x19: {  	v3 =	vor.u32 v3, v4  }
0x1a: {  	v4 =	vperm.xlane v3, v0;
	_ =	sdelay $0x1  }
0x1b: {  	v4 =	vadd.s32 v1, v4;
	_ =	sdelay $0x3  }
0x1c: {  	s19 =	simm.s32 $0x280  }
0x1d: {  	[tilespmem:s19], [sflag:$0x1] =	stream.indirect_vreg.gather [hbm4b:s1+s3], $0x80, v4, vm0, $0xb8;
	[tilespmem:$0x10280] =	vst v63  }
0x1e: {  	s31 =	simm.s32 $0xA80;
	v3 =	vperm.xlane v3, v2  }
0x1f: {  	[tilespmem:s31], [sflag:$0x1] =	stream.indirect_vreg.gather [hbm4b:s5+s3], $0x80, v4, vm0, $0xb8;
	[tilespmem:$0x10280] =	vst v63  }
0x20: {  	s29 =	simm.s32 $0x1280;
	v3 =	vadd.s32 v1, v3  }
0x21: {  	[tilespmem:s29], [sflag:$0x1] =	stream.indirect_vreg.gather [hbm4b:s6+s3], $0x80, v4, vm0, $0xb8;
	[tilespmem:$0x10280] =	vst v63  }
0x22: {  	s21 =	simm.s32 $0x1A80  }
0x23: {  	[tilespmem:s21], [sflag:$0x1] =	stream.indirect_vreg.gather [hbm4b:s7+s3], $0x80, v4, vm0, $0xb8;
	[tilespmem:$0x10280] =	vst v63  }
0x24: {  	s23 =	simm.s32 $0x2280  }
0x25: {  	[tilespmem:s23], [sflag:$0x1] =	stream.indirect_vreg.gather [hbm4b:s1+s3], $0x80, v3, vm0, $0xb8;
	[tilespmem:$0x10280] =	vst v63  }
0x26: {  	s24 =	simm.s32 $0x2A80  }
0x27: {  	[tilespmem:s24], [sflag:$0x1] =	stream.indirect_vreg.gather [hbm4b:s5+s3], $0x80, v3, vm0, $0xb8;
	[tilespmem:$0x10280] =	vst v63  }
0x28: {  	s25 =	simm.s32 $0x3280  }
0x29: {  	[tilespmem:s25], [sflag:$0x1] =	stream.indirect_vreg.gather [hbm4b:s6+s3], $0x80, v3, vm0, $0xb8;
	[tilespmem:$0x10280] =	vst v63  }
0x2a: {  	s26 =	simm.s32 $0x3A80  }
0x2b: {  	[tilespmem:s26], [sflag:$0x1] =	stream.indirect_vreg.gather [hbm4b:s7+s3], $0x80, v3, vm0, $0xb8;
	[tilespmem:$0x10280] =	vst v63  }
0x2c: {  	v3 =	vld [tilespmem:$0x10];
	_ =	sdelay $0x4  }
0x2d: {  	v49 =	vshll.u32 v3, $0x3  }
0x2e: {  	v3 =	vand.u32 $0x7, v3;
	v4 =	vand.u32 $0xFFFFFFC0, v49  }
0x2f: {  	v3 =	vor.u32 v3, v4  }
0x30: {  	v4 =	vperm.xlane v3, v0;
	_ =	sdelay $0x1  }
0x31: {  	v4 =	vadd.s32 v1, v4;
	_ =	sdelay $0x3  }
0x32: {  	s28 =	simm.s32 $0x4280  }
0x33: {  	[tilespmem:s28], [sflag:$0x1] =	stream.indirect_vreg.gather [hbm4b:s1+s3], $0x80, v4, vm0, $0xb8;
	[tilespmem:$0x10280] =	vst v63  }
0x34: {  	s13 =	simm.s32 $0x4A80;
	v3 =	vperm.xlane v3, v2  }
0x35: {  	[tilespmem:s13], [sflag:$0x1] =	stream.indirect_vreg.gather [hbm4b:s5+s3], $0x80, v4, vm0, $0xb8;
	[tilespmem:$0x10280] =	vst v63  }
0x36: {  	s15 =	simm.s32 $0x5280;
	v3 =	vadd.s32 v1, v3  }
0x37: {  	[tilespmem:s15], [sflag:$0x1] =	stream.indirect_vreg.gather [hbm4b:s6+s3], $0x80, v4, vm0, $0xb8;
	[tilespmem:$0x10280] =	vst v63  }
0x38: {  	s16 =	simm.s32 $0x5A80  }
0x39: {  	[tilespmem:s16], [sflag:$0x1] =	stream.indirect_vreg.gather [hbm4b:s7+s3], $0x80, v4, vm0, $0xb8;
	[tilespmem:$0x10280] =	vst v63  }
0x3a: {  	s17 =	simm.s32 $0x6280  }
0x3b: {  	[tilespmem:s17], [sflag:$0x1] =	stream.indirect_vreg.gather [hbm4b:s1+s3], $0x80, v3, vm0, $0xb8;
	[tilespmem:$0x10280] =	vst v63  }
0x3c: {  	s24 =	simm.s32 $0x6A80  }
0x3d: {  	[tilespmem:s24], [sflag:$0x1] =	stream.indirect_vreg.gather [hbm4b:s5+s3], $0x80, v3, vm0, $0xb8;
	[tilespmem:$0x10280] =	vst v63  }
0x3e: {  	s25 =	simm.s32 $0x7280  }
0x3f: {  	[tilespmem:s25], [sflag:$0x1] =	stream.indirect_vreg.gather [hbm4b:s6+s3], $0x80, v3, vm0, $0xb8;
	[tilespmem:$0x10280] =	vst v63  }
0x40: {  	s26 =	simm.s32 $0x7A80  }
0x41: {  	[tilespmem:s26], [sflag:$0x1] =	stream.indirect_vreg.gather [hbm4b:s7+s3], $0x80, v3, vm0, $0xb8;
	[tilespmem:$0x10280] =	vst v63  }
0x42: {  	s26 =	simm.s32 $0x1  }
0x43: {  	_ =	swait.ge [sflag:s26], $0x8000  }
0x44: {  	[sflag:s26] =	ssyncset.done $0x0  }
0x45: {  	[sflag:s26] =	ssyncadd.s32 $0xFFFF8000  }
0x46: {  	v3 =	vld [tilespmem:$0x80];
	_ =	sdelay $0x4  }
0x47: {  	v50 =	vshll.u32 v3, $0x3  }
0x48: {  	v3 =	vand.u32 $0x7, v3;
	v4 =	vand.u32 $0xFFFFFFC0, v50  }
0x49: {  	v3 =	vor.u32 v3, v4  }
0x4a: {  	v4 =	vperm.xlane v3, v0;
	_ =	sdelay $0x1  }
0x4b: {  	v4 =	vadd.s32 v1, v4;
	_ =	sdelay $0x3  }
0x4c: {  	s22 =	simm.s32 $0x280  }
0x4d: {  	[hbm4b:s4+s3] =	stream.indirect_vreg.scatter [tilespmem:s22], [sflag:$0x3], $0x80, v4, vm0, $0xb8;
	[tilespmem:$0x10280] =	vst v63  }
0x4e: {  	v3 =	vperm.xlane v3, v2  }
0x4f: {  	[hbm4b:s8+s3] =	stream.indirect_vreg.scatter [tilespmem:s31], [sflag:$0x3], $0x80, v4, vm0, $0xb8;
	[tilespmem:$0x10280] =	vst v63  }
0x50: {  	v3 =	vadd.s32 v1, v3  }
0x51: {  	[hbm4b:s9+s3] =	stream.indirect_vreg.scatter [tilespmem:s29], [sflag:$0x3], $0x80, v4, vm0, $0xb8;
	[tilespmem:$0x10280] =	vst v63  }
0x52: {  	s2 =	simm.s32 $0x1A80  }
0x53: {  	[hbm4b:s10+s3] =	stream.indirect_vreg.scatter [tilespmem:s2], [sflag:$0x3], $0x80, v4, vm0, $0xb8;
	[tilespmem:$0x10280] =	vst v63  }
0x54: {  	s11 =	simm.s32 $0x2280  }
0x55: {  	[hbm4b:s4+s3] =	stream.indirect_vreg.scatter [tilespmem:s11], [sflag:$0x3], $0x80, v3, vm0, $0xb8;
	[tilespmem:$0x10280] =	vst v63  }
0x56: {  	s18 =	simm.s32 $0x2A80  }
0x57: {  	[hbm4b:s8+s3] =	stream.indirect_vreg.scatter [tilespmem:s18], [sflag:$0x3], $0x80, v3, vm0, $0xb8;
	[tilespmem:$0x10280] =	vst v63  }
0x58: {  	s12 =	simm.s32 $0x3280  }
0x59: {  	[hbm4b:s9+s3] =	stream.indirect_vreg.scatter [tilespmem:s12], [sflag:$0x3], $0x80, v3, vm0, $0xb8;
	[tilespmem:$0x10280] =	vst v63  }
0x5a: {  	s19 =	simm.s32 $0x3A80  }
0x5b: {  	[hbm4b:s10+s3] =	stream.indirect_vreg.scatter [tilespmem:s19], [sflag:$0x3], $0x80, v3, vm0, $0xb8;
	[tilespmem:$0x10280] =	vst v63  }
0x5c: {  	v3 =	vld [tilespmem:$0x90];
	_ =	sdelay $0x4  }
0x5d: {  	v51 =	vshll.u32 v3, $0x3  }
0x5e: {  	v3 =	vand.u32 $0x7, v3;
	v4 =	vand.u32 $0xFFFFFFC0, v51  }
0x5f: {  	v3 =	vor.u32 v3, v4  }
0x60: {  	v4 =	vperm.xlane v3, v0;
	_ =	sdelay $0x1  }
0x61: {  	v4 =	vadd.s32 v1, v4;
	_ =	sdelay $0x3  }
0x62: {  	s14 =	simm.s32 $0x4280  }
0x63: {  	[hbm4b:s4+s3] =	stream.indirect_vreg.scatter [tilespmem:s14], [sflag:$0x3], $0x80, v4, vm0, $0xb8;
	[tilespmem:$0x10280] =	vst v63  }
0x64: {  	s21 =	simm.s32 $0x4A80;
	v3 =	vperm.xlane v3, v2  }
0x65: {  	[hbm4b:s8+s3] =	stream.indirect_vreg.scatter [tilespmem:s21], [sflag:$0x3], $0x80, v4, vm0, $0xb8;
	[tilespmem:$0x10280] =	vst v63  }
0x66: {  	s13 =	simm.s32 $0x5280;
	v3 =	vadd.s32 v1, v3  }
0x67: {  	[hbm4b:s9+s3] =	stream.indirect_vreg.scatter [tilespmem:s13], [sflag:$0x3], $0x80, v4, vm0, $0xb8;
	[tilespmem:$0x10280] =	vst v63  }
0x68: {  	s23 =	simm.s32 $0x5A80  }
0x69: {  	[hbm4b:s10+s3] =	stream.indirect_vreg.scatter [tilespmem:s23], [sflag:$0x3], $0x80, v4, vm0, $0xb8;
	[tilespmem:$0x10280] =	vst v63  }
0x6a: {  	s15 =	simm.s32 $0x6280  }
0x6b: {  	[hbm4b:s4+s3] =	stream.indirect_vreg.scatter [tilespmem:s15], [sflag:$0x3], $0x80, v3, vm0, $0xb8;
	[tilespmem:$0x10280] =	vst v63  }
0x6c: {  	s16 =	simm.s32 $0x6A80  }
0x6d: {  	[hbm4b:s8+s3] =	stream.indirect_vreg.scatter [tilespmem:s16], [sflag:$0x3], $0x80, v3, vm0, $0xb8;
	[tilespmem:$0x10280] =	vst v63  }
0x6e: {  	s17 =	simm.s32 $0x7280  }
0x6f: {  	[hbm4b:s9+s3] =	stream.indirect_vreg.scatter [tilespmem:s17], [sflag:$0x3], $0x80, v3, vm0, $0xb8;
	[tilespmem:$0x10280] =	vst v63  }
0x70: {  	s28 =	simm.s32 $0x7A80  }
0x71: {  	[hbm4b:s10+s3] =	stream.indirect_vreg.scatter [tilespmem:s28], [sflag:$0x3], $0x80, v3, vm0, $0xb8;
	[tilespmem:$0x10280] =	vst v63  }
0x72: {  	v3 =	vld [tilespmem:$0x20];
	_ =	sdelay $0x4  }
0x73: {  	v52 =	vshll.u32 v3, $0x3  }
0x74: {  	v3 =	vand.u32 $0x7, v3;
	v4 =	vand.u32 $0xFFFFFFC0, v52  }
0x75: {  	v3 =	vor.u32 v3, v4  }
0x76: {  	v4 =	vperm.xlane v3, v0;
	_ =	sdelay $0x1  }
0x77: {  	v4 =	vadd.s32 v1, v4;
	_ =	sdelay $0x3  }
0x78: {  	s24 =	simm.s32 $0x8280  }
0x79: {  	[tilespmem:s24], [sflag:$0x2] =	stream.indirect_vreg.gather [hbm4b:s1+s3], $0x80, v4, vm0, $0xb8;
	[tilespmem:$0x10280] =	vst v63  }
0x7a: {  	s25 =	simm.s32 $0x8A80;
	v3 =	vperm.xlane v3, v2  }
0x7b: {  	[tilespmem:s25], [sflag:$0x2] =	stream.indirect_vreg.gather [hbm4b:s5+s3], $0x80, v4, vm0, $0xb8;
	[tilespmem:$0x10280] =	vst v63  }
0x7c: {  	s28 =	simm.s32 $0x9280;
	v3 =	vadd.s32 v1, v3  }
0x7d: {  	[tilespmem:s28], [sflag:$0x2] =	stream.indirect_vreg.gather [hbm4b:s6+s3], $0x80, v4, vm0, $0xb8;
	[tilespmem:$0x10280] =	vst v63  }
0x7e: {  	s11 =	simm.s32 $0x9A80  }
0x7f: {  	[tilespmem:s11], [sflag:$0x2] =	stream.indirect_vreg.gather [hbm4b:s7+s3], $0x80, v4, vm0, $0xb8;
	[tilespmem:$0x10280] =	vst v63  }
0x80: {  	s12 =	simm.s32 $0xA280  }
0x81: {  	[tilespmem:s12], [sflag:$0x2] =	stream.indirect_vreg.gather [hbm4b:s1+s3], $0x80, v3, vm0, $0xb8;
	[tilespmem:$0x10280] =	vst v63  }
0x82: {  	s15 =	simm.s32 $0xAA80  }
0x83: {  	[tilespmem:s15], [sflag:$0x2] =	stream.indirect_vreg.gather [hbm4b:s5+s3], $0x80, v3, vm0, $0xb8;
	[tilespmem:$0x10280] =	vst v63  }
0x84: {  	s16 =	simm.s32 $0xB280  }
0x85: {  	[tilespmem:s16], [sflag:$0x2] =	stream.indirect_vreg.gather [hbm4b:s6+s3], $0x80, v3, vm0, $0xb8;
	[tilespmem:$0x10280] =	vst v63  }
0x86: {  	s17 =	simm.s32 $0xBA80  }
0x87: {  	[tilespmem:s17], [sflag:$0x2] =	stream.indirect_vreg.gather [hbm4b:s7+s3], $0x80, v3, vm0, $0xb8;
	[tilespmem:$0x10280] =	vst v63  }
0x88: {  	v3 =	vld [tilespmem:$0x30];
	_ =	sdelay $0x4  }
0x89: {  	v53 =	vshll.u32 v3, $0x3  }
0x8a: {  	v3 =	vand.u32 $0x7, v3;
	v4 =	vand.u32 $0xFFFFFFC0, v53  }
0x8b: {  	v3 =	vor.u32 v3, v4  }
0x8c: {  	v4 =	vperm.xlane v3, v0;
	_ =	sdelay $0x1  }
0x8d: {  	v4 =	vadd.s32 v1, v4;
	_ =	sdelay $0x3  }
0x8e: {  	s18 =	simm.s32 $0xC280  }
0x8f: {  	[tilespmem:s18], [sflag:$0x2] =	stream.indirect_vreg.gather [hbm4b:s1+s3], $0x80, v4, vm0, $0xb8;
	[tilespmem:$0x10280] =	vst v63  }
0x90: {  	s19 =	simm.s32 $0xCA80;
	v3 =	vperm.xlane v3, v2  }
0x91: {  	[tilespmem:s19], [sflag:$0x2] =	stream.indirect_vreg.gather [hbm4b:s5+s3], $0x80, v4, vm0, $0xb8;
	[tilespmem:$0x10280] =	vst v63  }
0x92: {  	s25 =	simm.s32 $0xD280;
	v3 =	vadd.s32 v1, v3  }
0x93: {  	[tilespmem:s25], [sflag:$0x2] =	stream.indirect_vreg.gather [hbm4b:s6+s3], $0x80, v4, vm0, $0xb8;
	[tilespmem:$0x10280] =	vst v63  }
0x94: {  	s28 =	simm.s32 $0xDA80  }
0x95: {  	[tilespmem:s28], [sflag:$0x2] =	stream.indirect_vreg.gather [hbm4b:s7+s3], $0x80, v4, vm0, $0xb8;
	[tilespmem:$0x10280] =	vst v63  }
0x96: {  	s15 =	simm.s32 $0xE280  }
0x97: {  	[tilespmem:s15], [sflag:$0x2] =	stream.indirect_vreg.gather [hbm4b:s1+s3], $0x80, v3, vm0, $0xb8;
	[tilespmem:$0x10280] =	vst v63  }
0x98: {  	s16 =	simm.s32 $0xEA80  }
0x99: {  	[tilespmem:s16], [sflag:$0x2] =	stream.indirect_vreg.gather [hbm4b:s5+s3], $0x80, v3, vm0, $0xb8;
	[tilespmem:$0x10280] =	vst v63  }
0x9a: {  	s17 =	simm.s32 $0xF280  }
0x9b: {  	[tilespmem:s17], [sflag:$0x2] =	stream.indirect_vreg.gather [hbm4b:s6+s3], $0x80, v3, vm0, $0xb8;
	[tilespmem:$0x10280] =	vst v63  }
0x9c: {  	s0 =	simm.s32 $0x2;
	s19 =	simm.s32 $0xFA80  }
0x9d: {  	[tilespmem:s19], [sflag:$0x2] =	stream.indirect_vreg.gather [hbm4b:s7+s3], $0x80, v3, vm0, $0xb8;
	[tilespmem:$0x10280] =	vst v63  }
0x9e: {  	_ =	swait.ge [sflag:s0], $0x8000  }
0x9f: {  	[sflag:s0] =	ssyncset.done $0x0  }
0xa0: {  	[sflag:s0] =	ssyncadd.s32 $0xFFFF8000  }
0xa1: {  	v3 =	vld [tilespmem:$0x100];
	_ =	sdelay $0x4  }
0xa2: {  	v54 =	vshll.u32 v3, $0x3  }
0xa3: {  	v3 =	vand.u32 $0x7, v3;
	v4 =	vand.u32 $0xFFFFFFC0, v54  }
0xa4: {  	v3 =	vor.u32 v3, v4  }
0xa5: {  	v4 =	vperm.xlane v3, v0;
	_ =	sdelay $0x1  }
0xa6: {  	v4 =	vadd.s32 v1, v4;
	_ =	sdelay $0x3  }
0xa7: {  	s2 =	simm.s32 $0x8280  }
0xa8: {  	[hbm4b:s4+s3] =	stream.indirect_vreg.scatter [tilespmem:s2], [sflag:$0x4], $0x80, v4, vm0, $0xb8;
	[tilespmem:$0x10280] =	vst v63  }
0xa9: {  	s13 =	simm.s32 $0x8A80;
	v3 =	vperm.xlane v3, v2  }
0xaa: {  	[hbm4b:s8+s3] =	stream.indirect_vreg.scatter [tilespmem:s13], [sflag:$0x4], $0x80, v4, vm0, $0xb8;
	[tilespmem:$0x10280] =	vst v63  }
0xab: {  	s22 =	simm.s32 $0x9280;
	v3 =	vadd.s32 v1, v3  }
0xac: {  	[hbm4b:s9+s3] =	stream.indirect_vreg.scatter [tilespmem:s22], [sflag:$0x4], $0x80, v4, vm0, $0xb8;
	[tilespmem:$0x10280] =	vst v63  }
0xad: {  	s14 =	simm.s32 $0x9A80  }
0xae: {  	[hbm4b:s10+s3] =	stream.indirect_vreg.scatter [tilespmem:s14], [sflag:$0x4], $0x80, v4, vm0, $0xb8;
	[tilespmem:$0x10280] =	vst v63  }
0xaf: {  	s21 =	simm.s32 $0xA280  }
0xb0: {  	[hbm4b:s4+s3] =	stream.indirect_vreg.scatter [tilespmem:s21], [sflag:$0x4], $0x80, v3, vm0, $0xb8;
	[tilespmem:$0x10280] =	vst v63  }
0xb1: {  	s23 =	simm.s32 $0xAA80  }
0xb2: {  	[hbm4b:s8+s3] =	stream.indirect_vreg.scatter [tilespmem:s23], [sflag:$0x4], $0x80, v3, vm0, $0xb8;
	[tilespmem:$0x10280] =	vst v63  }
0xb3: {  	s24 =	simm.s32 $0xB280  }
0xb4: {  	[hbm4b:s9+s3] =	stream.indirect_vreg.scatter [tilespmem:s24], [sflag:$0x4], $0x80, v3, vm0, $0xb8;
	[tilespmem:$0x10280] =	vst v63  }
0xb5: {  	s11 =	simm.s32 $0xBA80  }
0xb6: {  	[hbm4b:s10+s3] =	stream.indirect_vreg.scatter [tilespmem:s11], [sflag:$0x4], $0x80, v3, vm0, $0xb8;
	[tilespmem:$0x10280] =	vst v63  }
0xb7: {  	v3 =	vld [tilespmem:$0x110];
	_ =	sdelay $0x4  }
0xb8: {  	v55 =	vshll.u32 v3, $0x3  }
0xb9: {  	v3 =	vand.u32 $0x7, v3;
	v4 =	vand.u32 $0xFFFFFFC0, v55  }
0xba: {  	v3 =	vor.u32 v3, v4  }
0xbb: {  	v4 =	vperm.xlane v3, v0;
	_ =	sdelay $0x1  }
0xbc: {  	v4 =	vadd.s32 v1, v4;
	_ =	sdelay $0x3  }
0xbd: {  	s18 =	simm.s32 $0xC280  }
0xbe: {  	[hbm4b:s4+s3] =	stream.indirect_vreg.scatter [tilespmem:s18], [sflag:$0x4], $0x80, v4, vm0, $0xb8;
	[tilespmem:$0x10280] =	vst v63  }
0xbf: {  	s12 =	simm.s32 $0xCA80;
	v3 =	vperm.xlane v3, v2  }
0xc0: {  	[hbm4b:s8+s3] =	stream.indirect_vreg.scatter [tilespmem:s12], [sflag:$0x4], $0x80, v4, vm0, $0xb8;
	[tilespmem:$0x10280] =	vst v63  }
0xc1: {  	s25 =	simm.s32 $0xD280;
	v3 =	vadd.s32 v1, v3  }
0xc2: {  	[hbm4b:s9+s3] =	stream.indirect_vreg.scatter [tilespmem:s25], [sflag:$0x4], $0x80, v4, vm0, $0xb8;
	[tilespmem:$0x10280] =	vst v63  }
0xc3: {  	s28 =	simm.s32 $0xDA80  }
0xc4: {  	[hbm4b:s10+s3] =	stream.indirect_vreg.scatter [tilespmem:s28], [sflag:$0x4], $0x80, v4, vm0, $0xb8;
	[tilespmem:$0x10280] =	vst v63  }
0xc5: {  	s15 =	simm.s32 $0xE280  }
0xc6: {  	[hbm4b:s4+s3] =	stream.indirect_vreg.scatter [tilespmem:s15], [sflag:$0x4], $0x80, v3, vm0, $0xb8;
	[tilespmem:$0x10280] =	vst v63  }
0xc7: {  	s16 =	simm.s32 $0xEA80  }
0xc8: {  	[hbm4b:s8+s3] =	stream.indirect_vreg.scatter [tilespmem:s16], [sflag:$0x4], $0x80, v3, vm0, $0xb8;
	[tilespmem:$0x10280] =	vst v63  }
0xc9: {  	s17 =	simm.s32 $0xF280  }
0xca: {  	[hbm4b:s9+s3] =	stream.indirect_vreg.scatter [tilespmem:s17], [sflag:$0x4], $0x80, v3, vm0, $0xb8;
	[tilespmem:$0x10280] =	vst v63  }
0xcb: {  	s19 =	simm.s32 $0xFA80;
	s11 =	simm.s32 $0x3  }
0xcc: {  	[hbm4b:s10+s3] =	stream.indirect_vreg.scatter [tilespmem:s19], [sflag:$0x4], $0x80, v3, vm0, $0xb8;
	[tilespmem:$0x10280] =	vst v63  }
0xcd: {  	_ =	swait.ge [sflag:s11], $0x8000  }
0xce: {  	[sflag:s11] =	ssyncset.done $0x0  }
0xcf: {  	[sflag:s11] =	ssyncadd.s32 $0xFFFF8000  }
0xd0: {  	v3 =	vld [tilespmem:$0x40];
	_ =	sdelay $0x4  }
0xd1: {  	v56 =	vshll.u32 v3, $0x3  }
0xd2: {  	v3 =	vand.u32 $0x7, v3;
	v4 =	vand.u32 $0xFFFFFFC0, v56  }
0xd3: {  	v3 =	vor.u32 v3, v4  }
0xd4: {  	v4 =	vperm.xlane v3, v0;
	_ =	sdelay $0x1  }
0xd5: {  	v4 =	vadd.s32 v1, v4;
	_ =	sdelay $0x3  }
0xd6: {  	s14 =	simm.s32 $0x280  }
0xd7: {  	[tilespmem:s14], [sflag:$0x1] =	stream.indirect_vreg.gather [hbm4b:s1+s3], $0x80, v4, vm0, $0xb8;
	[tilespmem:$0x10280] =	vst v63  }
0xd8: {  	v3 =	vperm.xlane v3, v2  }
0xd9: {  	[tilespmem:s31], [sflag:$0x1] =	stream.indirect_vreg.gather [hbm4b:s5+s3], $0x80, v4, vm0, $0xb8;
	[tilespmem:$0x10280] =	vst v63  }
0xda: {  	v3 =	vadd.s32 v1, v3  }
0xdb: {  	[tilespmem:s29], [sflag:$0x1] =	stream.indirect_vreg.gather [hbm4b:s6+s3], $0x80, v4, vm0, $0xb8;
	[tilespmem:$0x10280] =	vst v63  }
0xdc: {  	s2 =	simm.s32 $0x1A80  }
0xdd: {  	[tilespmem:s2], [sflag:$0x1] =	stream.indirect_vreg.gather [hbm4b:s7+s3], $0x80, v4, vm0, $0xb8;
	[tilespmem:$0x10280] =	vst v63  }
0xde: {  	s19 =	simm.s32 $0x2280  }
0xdf: {  	[tilespmem:s19], [sflag:$0x1] =	stream.indirect_vreg.gather [hbm4b:s1+s3], $0x80, v3, vm0, $0xb8;
	[tilespmem:$0x10280] =	vst v63  }
0xe0: {  	s23 =	simm.s32 $0x2A80  }
0xe1: {  	[tilespmem:s23], [sflag:$0x1] =	stream.indirect_vreg.gather [hbm4b:s5+s3], $0x80, v3, vm0, $0xb8;
	[tilespmem:$0x10280] =	vst v63  }
0xe2: {  	s24 =	simm.s32 $0x3280  }
0xe3: {  	[tilespmem:s24], [sflag:$0x1] =	stream.indirect_vreg.gather [hbm4b:s6+s3], $0x80, v3, vm0, $0xb8;
	[tilespmem:$0x10280] =	vst v63  }
0xe4: {  	s18 =	simm.s32 $0x3A80  }
0xe5: {  	[tilespmem:s18], [sflag:$0x1] =	stream.indirect_vreg.gather [hbm4b:s7+s3], $0x80, v3, vm0, $0xb8;
	[tilespmem:$0x10280] =	vst v63  }
0xe6: {  	v3 =	vld [tilespmem:$0x50];
	_ =	sdelay $0x4  }
0xe7: {  	v57 =	vshll.u32 v3, $0x3  }
0xe8: {  	v3 =	vand.u32 $0x7, v3;
	v4 =	vand.u32 $0xFFFFFFC0, v57  }
0xe9: {  	v3 =	vor.u32 v3, v4  }
0xea: {  	v4 =	vperm.xlane v3, v0;
	_ =	sdelay $0x1  }
0xeb: {  	v4 =	vadd.s32 v1, v4;
	_ =	sdelay $0x3  }
0xec: {  	s12 =	simm.s32 $0x4280  }
0xed: {  	[tilespmem:s12], [sflag:$0x1] =	stream.indirect_vreg.gather [hbm4b:s1+s3], $0x80, v4, vm0, $0xb8;
	[tilespmem:$0x10280] =	vst v63  }
0xee: {  	s13 =	simm.s32 $0x4A80;
	v3 =	vperm.xlane v3, v2  }
0xef: {  	[tilespmem:s13], [sflag:$0x1] =	stream.indirect_vreg.gather [hbm4b:s5+s3], $0x80, v4, vm0, $0xb8;
	[tilespmem:$0x10280] =	vst v63  }
0xf0: {  	s25 =	simm.s32 $0x5280;
	v3 =	vadd.s32 v1, v3  }
0xf1: {  	[tilespmem:s25], [sflag:$0x1] =	stream.indirect_vreg.gather [hbm4b:s6+s3], $0x80, v4, vm0, $0xb8;
	[tilespmem:$0x10280] =	vst v63  }
0xf2: {  	s28 =	simm.s32 $0x5A80  }
0xf3: {  	[tilespmem:s28], [sflag:$0x1] =	stream.indirect_vreg.gather [hbm4b:s7+s3], $0x80, v4, vm0, $0xb8;
	[tilespmem:$0x10280] =	vst v63  }
0xf4: {  	_ = 	snop  }
0xf5: {  	[tilespmem:s30], [sflag:$0x1] =	stream.indirect_vreg.gather [hbm4b:s1+s3], $0x80, v3, vm0, $0xb8;
	[tilespmem:$0x10280] =	vst v63  }
0xf6: {  	s15 =	simm.s32 $0x6A80  }
0xf7: {  	[tilespmem:s15], [sflag:$0x1] =	stream.indirect_vreg.gather [hbm4b:s5+s3], $0x80, v3, vm0, $0xb8;
	[tilespmem:$0x10280] =	vst v63  }
0xf8: {  	s16 =	simm.s32 $0x7280  }
0xf9: {  	[tilespmem:s16], [sflag:$0x1] =	stream.indirect_vreg.gather [hbm4b:s6+s3], $0x80, v3, vm0, $0xb8;
	[tilespmem:$0x10280] =	vst v63  }
0xfa: {  	s17 =	simm.s32 $0x7A80  }
0xfb: {  	[tilespmem:s17], [sflag:$0x1] =	stream.indirect_vreg.gather [hbm4b:s7+s3], $0x80, v3, vm0, $0xb8;
	[tilespmem:$0x10280] =	vst v63  }
0xfc: {  	_ =	swait.ge [sflag:s26], $0x8000  }
0xfd: {  	[sflag:s26] =	ssyncset.done $0x0  }
0xfe: {  	[sflag:s26] =	ssyncadd.s32 $0xFFFF8000  }
0xff: {  	v3 =	vld [tilespmem:$0x180];
	_ =	sdelay $0x4  }
0x100: {  	v58 =	vshll.u32 v3, $0x3  }
0x101: {  	v3 =	vand.u32 $0x7, v3;
	v4 =	vand.u32 $0xFFFFFFC0, v58  }
0x102: {  	v3 =	vor.u32 v3, v4  }
0x103: {  	v4 =	vperm.xlane v3, v0;
	_ =	sdelay $0x1  }
0x104: {  	v4 =	vadd.s32 v1, v4;
	_ =	sdelay $0x4  }
0x105: {  	[hbm4b:s4+s3] =	stream.indirect_vreg.scatter [tilespmem:s14], [sflag:$0x3], $0x80, v4, vm0, $0xb8;
	[tilespmem:$0x10280] =	vst v63  }
0x106: {  	v3 =	vperm.xlane v3, v2  }
0x107: {  	[hbm4b:s8+s3] =	stream.indirect_vreg.scatter [tilespmem:s31], [sflag:$0x3], $0x80, v4, vm0, $0xb8;
	[tilespmem:$0x10280] =	vst v63  }
0x108: {  	v3 =	vadd.s32 v1, v3  }
0x109: {  	[hbm4b:s9+s3] =	stream.indirect_vreg.scatter [tilespmem:s29], [sflag:$0x3], $0x80, v4, vm0, $0xb8;
	[tilespmem:$0x10280] =	vst v63  }
0x10a: {  	_ = 	snop  }
0x10b: {  	[hbm4b:s10+s3] =	stream.indirect_vreg.scatter [tilespmem:s2], [sflag:$0x3], $0x80, v4, vm0, $0xb8;
	[tilespmem:$0x10280] =	vst v63  }
0x10c: {  	_ = 	snop  }
0x10d: {  	[hbm4b:s4+s3] =	stream.indirect_vreg.scatter [tilespmem:s19], [sflag:$0x3], $0x80, v3, vm0, $0xb8;
	[tilespmem:$0x10280] =	vst v63  }
0x10e: {  	_ = 	snop  }
0x10f: {  	[hbm4b:s8+s3] =	stream.indirect_vreg.scatter [tilespmem:s23], [sflag:$0x3], $0x80, v3, vm0, $0xb8;
	[tilespmem:$0x10280] =	vst v63  }
0x110: {  	_ = 	snop  }
0x111: {  	[hbm4b:s9+s3] =	stream.indirect_vreg.scatter [tilespmem:s24], [sflag:$0x3], $0x80, v3, vm0, $0xb8;
	[tilespmem:$0x10280] =	vst v63  }
0x112: {  	_ = 	snop  }
0x113: {  	[hbm4b:s10+s3] =	stream.indirect_vreg.scatter [tilespmem:s18], [sflag:$0x3], $0x80, v3, vm0, $0xb8;
	[tilespmem:$0x10280] =	vst v63  }
0x114: {  	v3 =	vld [tilespmem:$0x190];
	_ =	sdelay $0x4  }
0x115: {  	v59 =	vshll.u32 v3, $0x3  }
0x116: {  	v3 =	vand.u32 $0x7, v3;
	v4 =	vand.u32 $0xFFFFFFC0, v59  }
0x117: {  	v3 =	vor.u32 v3, v4  }
0x118: {  	v4 =	vperm.xlane v3, v0;
	_ =	sdelay $0x1  }
0x119: {  	v4 =	vadd.s32 v1, v4;
	_ =	sdelay $0x4  }
0x11a: {  	[hbm4b:s4+s3] =	stream.indirect_vreg.scatter [tilespmem:s12], [sflag:$0x3], $0x80, v4, vm0, $0xb8;
	[tilespmem:$0x10280] =	vst v63  }
0x11b: {  	v3 =	vperm.xlane v3, v2  }
0x11c: {  	[hbm4b:s8+s3] =	stream.indirect_vreg.scatter [tilespmem:s13], [sflag:$0x3], $0x80, v4, vm0, $0xb8;
	[tilespmem:$0x10280] =	vst v63  }
0x11d: {  	v3 =	vadd.s32 v1, v3  }
0x11e: {  	[hbm4b:s9+s3] =	stream.indirect_vreg.scatter [tilespmem:s25], [sflag:$0x3], $0x80, v4, vm0, $0xb8;
	[tilespmem:$0x10280] =	vst v63  }
0x11f: {  	_ = 	snop  }
0x120: {  	[hbm4b:s10+s3] =	stream.indirect_vreg.scatter [tilespmem:s28], [sflag:$0x3], $0x80, v4, vm0, $0xb8;
	[tilespmem:$0x10280] =	vst v63  }
0x121: {  	_ = 	snop  }
0x122: {  	[hbm4b:s4+s3] =	stream.indirect_vreg.scatter [tilespmem:s30], [sflag:$0x3], $0x80, v3, vm0, $0xb8;
	[tilespmem:$0x10280] =	vst v63  }
0x123: {  	_ = 	snop  }
0x124: {  	[hbm4b:s8+s3] =	stream.indirect_vreg.scatter [tilespmem:s15], [sflag:$0x3], $0x80, v3, vm0, $0xb8;
	[tilespmem:$0x10280] =	vst v63  }
0x125: {  	_ = 	snop  }
0x126: {  	[hbm4b:s9+s3] =	stream.indirect_vreg.scatter [tilespmem:s16], [sflag:$0x3], $0x80, v3, vm0, $0xb8;
	[tilespmem:$0x10280] =	vst v63  }
0x127: {  	s2 =	simm.s32 $0x4  }
0x128: {  	[hbm4b:s10+s3] =	stream.indirect_vreg.scatter [tilespmem:s17], [sflag:$0x3], $0x80, v3, vm0, $0xb8;
	[tilespmem:$0x10280] =	vst v63  }
0x129: {  	_ =	swait.ge [sflag:s2], $0x8000  }
0x12a: {  	[sflag:s2] =	ssyncset.done $0x0  }
0x12b: {  	[sflag:s2] =	ssyncadd.s32 $0xFFFF8000  }
0x12c: {  	v3 =	vld [tilespmem:$0x60];
	_ =	sdelay $0x4  }
0x12d: {  	v60 =	vshll.u32 v3, $0x3  }
0x12e: {  	v3 =	vand.u32 $0x7, v3;
	v4 =	vand.u32 $0xFFFFFFC0, v60  }
0x12f: {  	v3 =	vor.u32 v3, v4  }
0x130: {  	v4 =	vperm.xlane v3, v0;
	_ =	sdelay $0x1  }
0x131: {  	v4 =	vadd.s32 v1, v4;
	_ =	sdelay $0x3  }
0x132: {  	s26 =	simm.s32 $0x8280  }
0x133: {  	[tilespmem:s26], [sflag:$0x2] =	stream.indirect_vreg.gather [hbm4b:s1+s3], $0x80, v4, vm0, $0xb8;
	[tilespmem:$0x10280] =	vst v63  }
0x134: {  	s29 =	simm.s32 $0x8A80;
	v3 =	vperm.xlane v3, v2  }
0x135: {  	[tilespmem:s29], [sflag:$0x2] =	stream.indirect_vreg.gather [hbm4b:s5+s3], $0x80, v4, vm0, $0xb8;
	[tilespmem:$0x10280] =	vst v63  }
0x136: {  	s19 =	simm.s32 $0x9280;
	v3 =	vadd.s32 v1, v3  }
0x137: {  	[tilespmem:s19], [sflag:$0x2] =	stream.indirect_vreg.gather [hbm4b:s6+s3], $0x80, v4, vm0, $0xb8;
	[tilespmem:$0x10280] =	vst v63  }
0x138: {  	s25 =	simm.s32 $0x9A80  }
0x139: {  	[tilespmem:s25], [sflag:$0x2] =	stream.indirect_vreg.gather [hbm4b:s7+s3], $0x80, v4, vm0, $0xb8;
	[tilespmem:$0x10280] =	vst v63  }
0x13a: {  	s23 =	simm.s32 $0xA280  }
0x13b: {  	[tilespmem:s23], [sflag:$0x2] =	stream.indirect_vreg.gather [hbm4b:s1+s3], $0x80, v3, vm0, $0xb8;
	[tilespmem:$0x10280] =	vst v63  }
0x13c: {  	s24 =	simm.s32 $0xAA80  }
0x13d: {  	[tilespmem:s24], [sflag:$0x2] =	stream.indirect_vreg.gather [hbm4b:s5+s3], $0x80, v3, vm0, $0xb8;
	[tilespmem:$0x10280] =	vst v63  }
0x13e: {  	s22 =	simm.s32 $0xB280  }
0x13f: {  	[tilespmem:s22], [sflag:$0x2] =	stream.indirect_vreg.gather [hbm4b:s6+s3], $0x80, v3, vm0, $0xb8;
	[tilespmem:$0x10280] =	vst v63  }
0x140: {  	s14 =	simm.s32 $0xBA80  }
0x141: {  	[tilespmem:s14], [sflag:$0x2] =	stream.indirect_vreg.gather [hbm4b:s7+s3], $0x80, v3, vm0, $0xb8;
	[tilespmem:$0x10280] =	vst v63  }
0x142: {  	v3 =	vld [tilespmem:$0x70];
	_ =	sdelay $0x4  }
0x143: {  	v61 =	vshll.u32 v3, $0x3  }
0x144: {  	v3 =	vand.u32 $0x7, v3;
	v4 =	vand.u32 $0xFFFFFFC0, v61  }
0x145: {  	v3 =	vor.u32 v3, v4  }
0x146: {  	v4 =	vperm.xlane v3, v0;
	_ =	sdelay $0x1  }
0x147: {  	v4 =	vadd.s32 v1, v4;
	_ =	sdelay $0x3  }
0x148: {  	s21 =	simm.s32 $0xC280  }
0x149: {  	[tilespmem:s21], [sflag:$0x2] =	stream.indirect_vreg.gather [hbm4b:s1+s3], $0x80, v4, vm0, $0xb8;
	[tilespmem:$0x10280] =	vst v63  }
0x14a: {  	s18 =	simm.s32 $0xCA80;
	v3 =	vperm.xlane v3, v2  }
0x14b: {  	[tilespmem:s18], [sflag:$0x2] =	stream.indirect_vreg.gather [hbm4b:s5+s3], $0x80, v4, vm0, $0xb8;
	[tilespmem:$0x10280] =	vst v63  }
0x14c: {  	s12 =	simm.s32 $0xD280;
	v3 =	vadd.s32 v1, v3  }
0x14d: {  	[tilespmem:s12], [sflag:$0x2] =	stream.indirect_vreg.gather [hbm4b:s6+s3], $0x80, v4, vm0, $0xb8;
	[tilespmem:$0x10280] =	vst v63  }
0x14e: {  	s13 =	simm.s32 $0xDA80  }
0x14f: {  	[tilespmem:s13], [sflag:$0x2] =	stream.indirect_vreg.gather [hbm4b:s7+s3], $0x80, v4, vm0, $0xb8;
	[tilespmem:$0x10280] =	vst v63  }
0x150: {  	s15 =	simm.s32 $0xE280  }
0x151: {  	[tilespmem:s15], [sflag:$0x2] =	stream.indirect_vreg.gather [hbm4b:s1+s3], $0x80, v3, vm0, $0xb8;
	[tilespmem:$0x10280] =	vst v63  }
0x152: {  	s17 =	simm.s32 $0xEA80  }
0x153: {  	[tilespmem:s17], [sflag:$0x2] =	stream.indirect_vreg.gather [hbm4b:s5+s3], $0x80, v3, vm0, $0xb8;
	[tilespmem:$0x10280] =	vst v63  }
0x154: {  	s16 =	simm.s32 $0xF280  }
0x155: {  	[tilespmem:s16], [sflag:$0x2] =	stream.indirect_vreg.gather [hbm4b:s6+s3], $0x80, v3, vm0, $0xb8;
	[tilespmem:$0x10280] =	vst v63  }
0x156: {  	s31 =	simm.s32 $0xFA80  }
0x157: {  	[tilespmem:s31], [sflag:$0x2] =	stream.indirect_vreg.gather [hbm4b:s7+s3], $0x80, v3, vm0, $0xb8;
	[tilespmem:$0x10280] =	vst v63  }
0x158: {  	_ =	swait.ge [sflag:s0], $0x8000  }
0x159: {  	[sflag:s0] =	ssyncset.done $0x0  }
0x15a: {  	[sflag:s0] =	ssyncadd.s32 $0xFFFF8000  }
0x15b: {  	v3 =	vld [tilespmem:$0x200];
	_ =	sdelay $0x4  }
0x15c: {  	v62 =	vshll.u32 v3, $0x3  }
0x15d: {  	v3 =	vand.u32 $0x7, v3;
	v4 =	vand.u32 $0xFFFFFFC0, v62  }
0x15e: {  	v3 =	vor.u32 v3, v4  }
0x15f: {  	v4 =	vperm.xlane v3, v0;
	_ =	sdelay $0x1  }
0x160: {  	v4 =	vadd.s32 v1, v4;
	_ =	sdelay $0x4  }
0x161: {  	[hbm4b:s4+s3] =	stream.indirect_vreg.scatter [tilespmem:s26], [sflag:$0x4], $0x80, v4, vm0, $0xb8;
	[tilespmem:$0x10280] =	vst v63  }
0x162: {  	v3 =	vperm.xlane v3, v2  }
0x163: {  	[hbm4b:s8+s3] =	stream.indirect_vreg.scatter [tilespmem:s29], [sflag:$0x4], $0x80, v4, vm0, $0xb8;
	[tilespmem:$0x10280] =	vst v63  }
0x164: {  	v3 =	vadd.s32 v1, v3  }
0x165: {  	[hbm4b:s9+s3] =	stream.indirect_vreg.scatter [tilespmem:s19], [sflag:$0x4], $0x80, v4, vm0, $0xb8;
	[tilespmem:$0x10280] =	vst v63  }
0x166: {  	_ = 	snop  }
0x167: {  	[hbm4b:s10+s3] =	stream.indirect_vreg.scatter [tilespmem:s25], [sflag:$0x4], $0x80, v4, vm0, $0xb8;
	[tilespmem:$0x10280] =	vst v63  }
0x168: {  	_ = 	snop  }
0x169: {  	[hbm4b:s4+s3] =	stream.indirect_vreg.scatter [tilespmem:s23], [sflag:$0x4], $0x80, v3, vm0, $0xb8;
	[tilespmem:$0x10280] =	vst v63  }
0x16a: {  	_ = 	snop  }
0x16b: {  	[hbm4b:s8+s3] =	stream.indirect_vreg.scatter [tilespmem:s24], [sflag:$0x4], $0x80, v3, vm0, $0xb8;
	[tilespmem:$0x10280] =	vst v63  }
0x16c: {  	_ = 	snop  }
0x16d: {  	[hbm4b:s9+s3] =	stream.indirect_vreg.scatter [tilespmem:s22], [sflag:$0x4], $0x80, v3, vm0, $0xb8;
	[tilespmem:$0x10280] =	vst v63  }
0x16e: {  	_ = 	snop  }
0x16f: {  	[hbm4b:s10+s3] =	stream.indirect_vreg.scatter [tilespmem:s14], [sflag:$0x4], $0x80, v3, vm0, $0xb8;
	[tilespmem:$0x10280] =	vst v63  }
0x170: {  	v3 =	vld [tilespmem:$0x210];
	_ =	sdelay $0x4  }
0x171: {  	v63 =	vshll.u32 v3, $0x3  }
0x172: {  	v3 =	vand.u32 $0x7, v3;
	v4 =	vand.u32 $0xFFFFFFC0, v63  }
0x173: {  	v3 =	vor.u32 v3, v4  }
0x174: {  	v4 =	vperm.xlane v3, v0;
	_ =	sdelay $0x1  }
0x175: {  	v4 =	vadd.s32 v1, v4;
	_ =	sdelay $0x4  }
0x176: {  	[hbm4b:s4+s3] =	stream.indirect_vreg.scatter [tilespmem:s21], [sflag:$0x4], $0x80, v4, vm0, $0xb8;
	[tilespmem:$0x10280] =	vst v63  }
0x177: {  	v3 =	vperm.xlane v3, v2  }
0x178: {  	[hbm4b:s8+s3] =	stream.indirect_vreg.scatter [tilespmem:s18], [sflag:$0x4], $0x80, v4, vm0, $0xb8;
	[tilespmem:$0x10280] =	vst v63  }
0x179: {  	v3 =	vadd.s32 v1, v3  }
0x17a: {  	[hbm4b:s9+s3] =	stream.indirect_vreg.scatter [tilespmem:s12], [sflag:$0x4], $0x80, v4, vm0, $0xb8;
	[tilespmem:$0x10280] =	vst v63  }
0x17b: {  	_ = 	snop  }
0x17c: {  	[hbm4b:s10+s3] =	stream.indirect_vreg.scatter [tilespmem:s13], [sflag:$0x4], $0x80, v4, vm0, $0xb8;
	[tilespmem:$0x10280] =	vst v63  }
0x17d: {  	_ = 	snop  }
0x17e: {  	[hbm4b:s4+s3] =	stream.indirect_vreg.scatter [tilespmem:s15], [sflag:$0x4], $0x80, v3, vm0, $0xb8;
	[tilespmem:$0x10280] =	vst v63  }
0x17f: {  	_ = 	snop  }
0x180: {  	[hbm4b:s8+s3] =	stream.indirect_vreg.scatter [tilespmem:s17], [sflag:$0x4], $0x80, v3, vm0, $0xb8;
	[tilespmem:$0x10280] =	vst v63  }
0x181: {  	_ = 	snop  }
0x182: {  	[hbm4b:s9+s3] =	stream.indirect_vreg.scatter [tilespmem:s16], [sflag:$0x4], $0x80, v3, vm0, $0xb8;
	[tilespmem:$0x10280] =	vst v63  }
0x183: {  	_ = 	snop  }
0x184: {  	[hbm4b:s10+s3] =	stream.indirect_vreg.scatter [tilespmem:s31], [sflag:$0x4], $0x80, v3, vm0, $0xb8;
	[tilespmem:$0x10280] =	vst v63  }
0x185: {  	p0 =	sne.s32 s20, $0x1;
	_ =	swait.ge [sflag:s11], $0x8000  }
.Ltmp0:
0x186: {  	[sflag:s11] =	ssyncset.done $0x0;
	(pc) =	sbr.rel @p0 .LBB2_1-.Ltmp0, $4  }
0x187: {  	[sflag:s11] =	ssyncadd.s32 $0xFFFF8000  }
0x188: {  	_ =	swait.ge [sflag:s2], $0x8000  }
0x189: {  	[sflag:s2] =	ssyncset.done $0x0  }
0x18a: {  	s20 =	sadd.s32 $0xFFFFFFFF, s20;
	[sflag:s2] =	ssyncadd.s32 $0xFFFF8000  }
0x18b: {  	_ =	sfence.sel $0x180000  }
0x18c: {  	[bflag:$0x0] =	sbarrier.arrive $0xFFFF  }
0x18d: {  	_ =	strace $0x90000047  }
0x18e: {  	s0 =	stileid.u32;
	[bflag:$0x2] =	sbarrier.arrive $0xFFFF  }
0x18f: {  	p0 =	sne.s32 s0, $0x0;
	s0 =	rddreg [dreg:$0x3]  }
0x190: {  	s0 =	sadd.s32 @!p0 $0x100000, s0  }
0x191: {  	[sflag:s0] =	ssyncadd.tile.s32 @!p0 $0x1;
	_ =	shalt  }
.Lfunc_end2:
_tile_overlayer_lowered:
.L_overlay_start_2:
0x192: {  	(tag) =	ssettag $0x2  }
0x193: {  	s0 =	rddreg [dreg:$0x0];
	s2 =	stileid.u32  }
0x194: {  	s1 =	rddreg [dreg:$0x1];
	p0 =	sne.s32 s2, $0x0  }
0x195: {  	s3 =	rddreg [dreg:$0x2];
	[bflag:$0x3] =	sbarrier.arrive $0xFFFF;
	s2 =	simm.s32 @!p0 $0x1C05  }
0x196: {  	[timem:s3], [sflag:s2] =	dma.local @!p0 [hbm:s0], s1  }
0x197: {  	s0 =	simm.s32 @!p0 $0x5  }
0x198: {  	_ =	swait.ge @!p0 [sflag:s0], s1  }
0x199: {  	s1 =	ssub.s32 @!p0 $0x0, s1;
	[sflag:s0] =	ssyncset.done @!p0 $0x0  }
0x19a: {  	[sflag:s0] =	ssyncadd.s32 @!p0 s1  }
0x19b: {  	[bflag:$0x3] =	sbarrier.arrive $0xFFFF  }
0x19c: {  	_ =	shalt  }

// kernel: kernel.8.cloned.1.call-start
scs
__scs_entry_jumppad:
0x0: {  	(pc) =	sbr.rel $0x88, $3  }
0x1: {  	(tag) =	ssettag $0x0;
	lr =	simm.s32 $0x1  }
0x2: {  	[smem:$0x3F9C] =	sst lr;
	_ =	strace $0xD0000000  }
0x3: {  	_ = 	snop  }
0x4: {  	_ = 	snop  }
0x5: {  	_ = 	snop  }
0x6: {  	_ = 	snop  }
0x7: {  	_ = 	snop  }
__scs_overlays_trampoline_lowered:
0x8: {  	[smem:$0x3FAB] =	sst s0  }
0x9: {  	[smem:$0x3FAC] =	sst s1  }
0xa: {  	[smem:$0x3FAD] =	sst s2  }
0xb: {  	[smem:$0x3FAE] =	sst s3  }
0xc: {  	[smem:$0x3FAF] =	sst s4  }
0xd: {  	[smem:$0x3FB0] =	sst s5  }
0xe: {  	[smem:$0x3FB1] =	sst s6  }
0xf: {  	[smem:$0x3FB2] =	sst s7  }
0x10: {  	[smem:$0x3FB3] =	sst s8  }
0x11: {  	[smem:$0x3FB4] =	sst s9;
	s0 =	simm.s32 @!p0 $0x0  }
0x12: {  	s1 =	sld [smem:$0x3F9A];
	s0 =	simm.s32 @p0 $0x1  }
0x13: {  	[smem:$0x3FB5] =	sst s0;
	s0 =	simm.s32 @!p1 $0x0  }
0x14: {  	s2 =	sld [smem:$0x3F99];
	s0 =	simm.s32 @p1 $0x1  }
0x15: {  	[smem:$0x3FB6] =	sst s0;
	s0 =	simm.s32 @!p2 $0x0  }
0x16: {  	s3 =	sld [smem:$0x3FDB];
	s0 =	simm.s32 @p2 $0x1  }
0x17: {  	s4 =	simm.s32 $0x1BF5;
	[smem:$0x3FB8] =	sst s0  }
0x18: {  	s0 =	sld [smem:$0x3F9B];
	_ =	swait.ge [sflag:s4], $0x0  }
0x19: {  	s7 =	sld [smem:$0x3F9C]  }
0x1a: {  	s8 =	sadd.s32 $0xFFFFE003, lr  }
0x1b: {  	s9 =	sadd.s32 $0xFFFFFEF7, lr;
	s5 =	simm.s32 $0xFFFFFFFF;
	p2 =	slt.u32 s8, $0xFFFFF086  }
0x1c: {  	p1 =	slt.u32 s9, $0xF7A;
	s5 =	simm.s32 @!p2 $0x0  }
0x1d: {  	s5 =	simm.s32 @p1 $0x1;
	p0 =	seq.s32 s7, s2  }
0x1e: {  	s7 =	smul.u32 @!p0 $0xF7A, s2;
	p2 =	seq.s32 @!p0 s5, $0x0  }
0x1f: {  	s9 =	smul.u32 $0xF7A, s1;
	s8 =	simm.s32 @!p0 $0x1BF5;
	p2 =	por !p2, p0  }
0x20: {  	[sflag:s8] =	ssyncset.s32 @!p0 $0xFFFFF086;
	s6 =	sadd.s32 @!p0 s3, s7;
	s7 =	simm.s32 @!p0 $0x108  }
0x21: {  	s3 =	sadd.s32 s3, s9;
	s6 =	sadd.s32 @!p0 $0x88, s6;
	s7 =	simm.s32 @p2 $0x1082  }
0x22: {  	[simem:s7], [sflag:s8] =	dma.local @!p0 [hbm:s6], $0xF7A  }
0x23: {  	s9 =	sor.u32 $0xD0000000, s2;
	s6 =	simm.s32 $0x108;
	_ =	swait.ge @!p0 [sflag:s8], $0x0  }
0x24: {  	s3 =	sadd.s32 $0x88, s3;
	s6 =	simm.s32 @!p1 $0x1082;
	[sflag:s4] =	ssyncset.s32 $0xFFFFF086  }
0x25: {  	[simem:s6], [sflag:s4] =	dma.local [hbm:s3], $0xF7A  }
0x26: {  	[smem:$0x3F9C] =	sst s1;
	(tag) =	ssettag s2;
	_ =	strace s9  }
0x27: {  	s1 =	sld [smem:$0x3FAC]  }
0x28: {  	s2 =	sld [smem:$0x3FAD]  }
0x29: {  	s4 =	sld [smem:$0x3FAF]  }
0x2a: {  	p0 =	seq.s32 s5, $0x0;
	s5 =	sld [smem:$0x3FB0]  }
0x2b: {  	s6 =	sld [smem:$0x3FB1]  }
0x2c: {  	s7 =	sld [smem:$0x3FB2]  }
0x2d: {  	s3 =	simm.s32 $0x108;
	s8 =	sld [smem:$0x3FB3]  }
0x2e: {  	s3 =	simm.s32 @!p0 $0x1082;
	s9 =	sld [smem:$0x3FB4]  }
0x2f: {  	lr =	sadd.s32 s0, s3;
	s0 =	sld [smem:$0x3FAB]  }
0x30: {  	s3 =	sld [smem:$0x3FAE]  }
0x31: {  	[smem:$0x3FB7] =	sst s10  }
0x32: {  	s10 =	sld [smem:$0x3FB5];
	_ =	sdelay $0x3  }
0x33: {  	p0 =	seq.s32 s10, $0x1;
	s10 =	sld [smem:$0x3FB7];
	_ =	sdelay $0x3  }
0x34: {  	[smem:$0x3FB7] =	sst s10  }
0x35: {  	s10 =	sld [smem:$0x3FB6];
	_ =	sdelay $0x3  }
0x36: {  	p1 =	seq.s32 s10, $0x1;
	s10 =	sld [smem:$0x3FB7];
	_ =	sdelay $0x3  }
0x37: {  	[smem:$0x3FB7] =	sst s10  }
0x38: {  	s10 =	sld [smem:$0x3FB8]  }
0x39: {  	_ = 	snop;
	(pc) =	sbr.ind lr, $3  }
0x3a: {  	_ = 	snop  }
0x3b: {  	_ = 	snop  }
0x3c: {  	p2 =	seq.s32 s10, $0x1;
	s10 =	sld [smem:$0x3FB7]  }
0x3d: {  	_ =	shalt  }
0x3e: {  	_ =	shalt  }
0x3f: {  	_ =	shalt  }
0x40: {  	_ =	shalt  }
0x41: {  	_ =	shalt  }
0x42: {  	_ =	shalt  }
0x43: {  	_ =	shalt  }
0x44: {  	_ =	shalt  }
0x45: {  	_ =	shalt  }
0x46: {  	_ =	shalt  }
0x47: {  	_ =	shalt  }
0x48: {  	_ =	shalt  }
0x49: {  	_ =	shalt  }
0x4a: {  	_ =	shalt  }
0x4b: {  	_ =	shalt  }
0x4c: {  	_ =	shalt  }
0x4d: {  	_ =	shalt  }
0x4e: {  	_ =	shalt  }
0x4f: {  	_ =	shalt  }
0x50: {  	_ =	shalt  }
0x51: {  	_ =	shalt  }
0x52: {  	_ =	shalt  }
0x53: {  	_ =	shalt  }
0x54: {  	_ =	shalt  }
0x55: {  	_ =	shalt  }
0x56: {  	_ =	shalt  }
0x57: {  	_ =	shalt  }
0x58: {  	_ =	shalt  }
0x59: {  	_ =	shalt  }
0x5a: {  	_ =	shalt  }
0x5b: {  	_ =	shalt  }
0x5c: {  	_ =	shalt  }
0x5d: {  	_ =	shalt  }
0x5e: {  	_ =	shalt  }
0x5f: {  	_ =	shalt  }
0x60: {  	_ =	shalt  }
0x61: {  	_ =	shalt  }
0x62: {  	_ =	shalt  }
0x63: {  	_ =	shalt  }
0x64: {  	_ =	shalt  }
0x65: {  	_ =	shalt  }
0x66: {  	_ =	shalt  }
0x67: {  	_ =	shalt  }
0x68: {  	_ =	shalt  }
0x69: {  	_ =	shalt  }
0x6a: {  	_ =	shalt  }
0x6b: {  	_ =	shalt  }
0x6c: {  	_ =	shalt  }
0x6d: {  	_ =	shalt  }
0x6e: {  	_ =	shalt  }
0x6f: {  	_ =	shalt  }
0x70: {  	_ =	shalt  }
0x71: {  	_ =	shalt  }
0x72: {  	_ =	shalt  }
0x73: {  	_ =	shalt  }
0x74: {  	_ =	shalt  }
0x75: {  	_ =	shalt  }
0x76: {  	_ =	shalt  }
0x77: {  	_ =	shalt  }
0x78: {  	_ =	shalt  }
0x79: {  	_ =	shalt  }
0x7a: {  	_ =	shalt  }
0x7b: {  	_ =	shalt  }
0x7c: {  	_ =	shalt  }
0x7d: {  	_ =	shalt  }
0x7e: {  	_ =	shalt  }
0x7f: {  	_ =	shalt  }
0x80: {  	_ =	shalt  }
0x81: {  	_ =	shalt  }
0x82: {  	_ =	shalt  }
0x83: {  	_ =	shalt  }
0x84: {  	_ =	shalt  }
0x85: {  	_ =	shalt  }
0x86: {  	_ =	shalt  }
0x87: {  	_ =	shalt  }
.Lfunc_end0:
.L_simem_size_0:
called_computation.1_lowered:
.L_overlay_start_0:
0x88: {  	s2 =	sld [smem:$0x3FD9]  }
0x89: {  	s3 =	sld [smem:$0x3FFE];
	_ =	sdelay $0x1  }
0x8a: {  	s1 =	srdreg.scid  }
0x8b: {  	s0 =	sand.u32 $0x1, s1  }
0x8c: {  	s17 =	sshll.u32 s0, $0xA;
	s2 =	sadd.s32 s3, s2  }
0x8d: {  	s2 =	sadd.s32 s2, s17  }
0x8e: {  	[smem:$0x3FC3] =	sst s2  }
0x8f: {  	_ = 	snop  }
0x90: {  	s2 =	sld [smem:$0x3FD0];
	(tm) =	ssettm $0x1  }
0x91: {  	s18 =	sld [smem:$0x3FFB];
	_ =	sdelay $0x3  }
0x92: {  	_ =	strace s18  }
0x93: {  	s3 =	sld [smem:$0x3FFC];
	_ =	sdelay $0x3  }
0x94: {  	_ =	strace s3  }
0x95: {  	s3 =	sld [smem:$0x3FFD];
	_ =	sdelay $0x3  }
0x96: {  	_ =	strace s3  }
0x97: {  	_ =	strace $0x8FFFFFFF  }
0x98: {  	s19 =	sld [smem:$0x3FDB];
	_ =	sdelay $0x1  }
0x99: {  	s4 =	simm.s32 $_scs_section_size  }
0x9a: {  	s5 =	simm.s32 $_size__tile_overlayer_lowered;
	s6 =	simm.s32 $_tile_overlayer_lowered  }
0x9b: {  	s22 =	simm.s32 $0x1BFF;
	s21 =	sshll.u32 s6, $0x1;
	s3 =	sadd.s32 s4, s19  }
0x9c: {  	s7 =	simm.s32 $0x0;
	s20 =	sshll.u32 s5, $0x1;
	s5 =	sadd.s32 s21, s3  }
0x9d: {  	[timem:s7], [sflag:s22] =	dma.local [hbm:s5], s20  }
0x9e: {  	_ =	swait.ge [sflag:s22], s20  }
0x9f: {  	s4 =	ssub.s32 $0x0, s20;
	[sflag:s22] =	ssyncset.done $0x0  }
0xa0: {  	[sflag:s22] =	ssyncadd.s32 s4;
	_ =	sdelay $0x1  }
0xa1: {  	s23 =	simm.s32 $0x1B8B  }
0xa2: {  	_ =	swait.ge [sflag:s23], $0x1  }
0xa3: {  	[sflag:s23] =	ssyncset.done $0x0  }
0xa4: {  	s25 =	simm.s32 $0x1B8E;
	s24 =	sld [smem:$0x3FFE];
	[sflag:s23] =	ssyncadd.s32 $0xFFFFFFFF  }
0xa5: {  	s26 =	simm.s32 $execute0_lowered;
	[smem:$0x3FD2] =	sst s25  }
0xa6: {  	s5 =	sshll.u32 s26, $0x1;
	_ =	strace $0x80000049;
	[dreg:$0x1] =	wrdreg $0xFFFFFFFF  }
0xa7: {  	s28 =	simm.s32 $_size_execute0_lowered;
	s3 =	sadd.s32 s3, s5;
	[dreg:$0x0] =	wrdreg $0x0  }
0xa8: {  	s5 =	sshll.u32 s28, $0x1;
	[dreg:$0x2] =	wrdreg s3  }
0xa9: {  	[dreg:$0x3] =	wrdreg s5  }
0xaa: {  	[dreg:$0x4] =	wrdreg $0xC0  }
0xab: {  	_ =	task [dreg:s7], $0x5FFFF  }
0xac: {  	[dreg:$0x1] =	wrdreg $0xFFFFFFFF  }
0xad: {  	[dreg:$0x0] =	wrdreg $0x60  }
0xae: {  	[dreg:$0x2] =	wrdreg s24  }
0xaf: {  	[dreg:$0x3] =	wrdreg s2  }
0xb0: {  	[dreg:$0x4] =	wrdreg $0x9  }
0xb1: {  	_ =	task.clear_ibuf [dreg:s7], $0x5FFFF;
	_ =	strace $0x90000049  }
0xb2: {  	s29 =	simm.s32 $0x9;
	_ =	strace $0x8000004B  }
0xb3: {  	_ =	swait.ge [sflag:s29], $0x1  }
0xb4: {  	[sflag:s29] =	ssyncadd.s32 $0xFFFFFFFF  }
0xb5: {  	_ =	strace $0x9000004B  }
0xb6: {  	_ =	sfence  }
0xb7: {  	s30 =	sld [smem:$0x0];
	_ =	sdelay $0x2  }
0xb8: {  	s31 =	sshll.u32 s1, $0xD;
	s1 =	sshrl.u32 s1, $0x2  }
0xb9: {  	s3 =	sand.u32 $0x4000, s31;
	s1 =	sadd.s32 s1, s30  }
0xba: {  	s0 =	sor.u32 s3, s0;
	s1 =	sshll.u32 s1, $0x11  }
0xbb: {  	s0 =	sor.u32 s1, s0  }
0xbc: {  	s0 =	sadd.s32 $0x8F2B, s0  }
0xbd: {  	[sflag:s0] =	ssyncadd.remote.s32 $0x1  }
0xbe: {  	_ =	sfence.sel $0xFFFF  }
0xbf: {  	[dreg:$0x0] =	wrdreg $0xFFFFFFFF;
	(pc) =	sbr.abs _section_cstart, $3  }
0xc0: {  	[dreg:$0x1] =	wrdreg $0xFFFFFFFF  }
0xc1: {  	_ =	task.clear_ibuf [dreg:s7], $0x2FFFF;
	_ =	strace $0x9FFFFFFF  }
0xc2: {  	(tm) =	ssettm $0x7FFFFFFF  }
0xc3: {  	_ =	shalt  }
tec
execute0_lowered:
.L_overlay_start_1:
0x0: {  	(tag) =	ssettag $0x1  }
0x1: {  	s0 =	rddreg [dreg:$0x0]  }
0x2: {  	s1 =	rddreg [dreg:$0x1]  }
0x3: {  	s2 =	srdreg.scid;
	s4 =	stileid.u32  }
0x4: {  	s14 =	simm.s32 $0x5;
	s16 =	simm.s32 $0x100;
	s15 =	simm.s32 $0x4100  }
0x5: {  	s28 =	simm.s32 $0xE900;
	s29 =	simm.s32 $0xF100;
	s30 =	simm.s32 $0xF900  }
0x6: {  	s31 =	simm.s32 $0x2;
	s11 =	simm.s32 $0x0;
	s3 =	sand.u32 $0x1, s2  }
0x7: {  	s2 =	simm.s32 $0x0;
	s4 =	sshll.u32 s4, $0x7;
	s8 =	sadd.s32 $0xA0800, s0  }
0x8: {  	s9 =	sadd.s32 $0xA0900, s0;
	s5 =	sshll.u32 s3, $0x6;
	[smem:$0x7FF] =	sst s2  }
0x9: {  	s6 =	ssub.s32 $0x2, s3;
	s3 =	sadd.s32 $0xA0600, s0;
	s4 =	sor.u32 s5, s4  }
0xa: {  	_ =	strace $0x8000004A;
	s7 =	sshrl.u32 s6, $0x1;
	s5 =	sshrl.u32 s4, $0x3  }
0xb: {  	s10 =	ssub.s32 s6, s7;
	s4 =	sshll.u32 s4, $0x7;
	s6 =	sadd.s32 $0xA0700, s0  }
0xc: {  	s5 =	sadd.s32 s5, s0;
	s7 =	sadd.s32 s1, s4;
	s26 =	smax.u32 s10, $0x1  }
0xd: {  	s1 =	simm.s32 $0x1;
	s22 =	sadd.s32 $0xA0400, s5;
	[dreg:$0x8] =	wrdreg s26  }
0xe: {  	s4 =	simm.s32 $0xC900;
	s5 =	sadd.s32 $0xA0200, s5;
	[dreg:$0x3] =	wrdreg s22  }
0xf: {  	s0 =	simm.s32 $0x3;
	s23 =	sadd.s32 $0x800, s7;
	[dreg:$0x4] =	wrdreg s5  }
0x10: {  	s10 =	simm.s32 $0x4;
	s24 =	sadd.s32 $0x1000, s7;
	[dreg:$0x5] =	wrdreg s23  }
0x11: {  	v2 =	vlaneseq.u32;
	s25 =	sadd.s32 $0x1800, s7;
	s26 =	simm.s32 $0xD900;
	[dreg:$0x6] =	wrdreg s24  }
0x12: {  	vm0 =	vmmov $0xffff;
	v1 =	vshrl.u32 v2, $0x3;
	[dreg:$0x7] =	wrdreg s25;
	s22 =	simm.s32 $0x7100;
	s23 =	simm.s32 $0x7900  }
0x13: {  	v0 =	vand.u32 $0x7, v2;
	v2 =	vor.u32 $0x8, v2;
	v1 =	vmul.u32 $0x8, v1;
	s24 =	simm.s32 $0xC100;
	s25 =	simm.s32 $0xD100;
	s5 =	simm.s32 $0xE100  }
.LBB2_1:
0x14: {  	s12 =	rddreg [dreg:$0x3]  }
0x15: {  	[tilespmem:s2], [sflag:$0x5] =	stream.linear.gather [hbm4b:s12+s2], $0x40, $0x38;
	[tilespmem:$0x10100] =	vst v63  }
0x16: {  	_ =	swait.ge [sflag:s14], $0x40  }
0x17: {  	[sflag:s14] =	ssyncset.done $0x0  }
0x18: {  	s13 =	simm.s32 $0x80;
	s19 =	rddreg [dreg:$0x4];
	[sflag:s14] =	ssyncadd.s32 $0xFFFFFFC0  }
0x19: {  	[tilespmem:s13], [sflag:$0x5] =	stream.linear.gather [hbm4b:s19+s2], $0x40, $0x38;
	[tilespmem:$0x10100] =	vst v63  }
0x1a: {  	_ =	swait.ge [sflag:s14], $0x40  }
0x1b: {  	[sflag:s14] =	ssyncset.done $0x0  }
0x1c: {  	[sflag:s14] =	ssyncadd.s32 $0xFFFFFFC0  }
0x1d: {  	v3 =	vld [tilespmem:$0x0];
	_ =	sdelay $0x4  }
0x1e: {  	v4 =	vshll.u32 v3, $0x3  }
0x1f: {  	v3 =	vand.u32 $0x7, v3;
	v4 =	vand.u32 $0xFFFFFFC0, v4  }
0x20: {  	v3 =	vor.u32 v3, v4  }
0x21: {  	v4 =	vperm.xlane v3, v0;
	_ =	sdelay $0x1  }
0x22: {  	v4 =	vadd.s32 v1, v4;
	_ =	sdelay $0x4  }
0x23: {  	[tilespmem:s16], [sflag:$0x1] =	stream.indirect_vreg.gather [hbm4b:s3+s2], $0x80, v4, vm0, $0xb8;
	[tilespmem:$0x10100] =	vst v63  }
0x24: {  	s20 =	simm.s32 $0x900;
	v3 =	vperm.xlane v3, v2  }
0x25: {  	[tilespmem:s20], [sflag:$0x1] =	stream.indirect_vreg.gather [hbm4b:s6+s2], $0x80, v4, vm0, $0xb8;
	[tilespmem:$0x10100] =	vst v63  }
0x26: {  	s21 =	simm.s32 $0x1100;
	v3 =	vadd.s32 v1, v3  }
0x27: {  	[tilespmem:s21], [sflag:$0x1] =	stream.indirect_vreg.gather [hbm4b:s8+s2], $0x80, v4, vm0, $0xb8;
	[tilespmem:$0x10100] =	vst v63  }
0x28: {  	s13 =	simm.s32 $0x1900  }
0x29: {  	[tilespmem:s13], [sflag:$0x1] =	stream.indirect_vreg.gather [hbm4b:s9+s2], $0x80, v4, vm0, $0xb8;
	[tilespmem:$0x10100] =	vst v63  }
0x2a: {  	s17 =	simm.s32 $0x2100  }
0x2b: {  	[tilespmem:s17], [sflag:$0x1] =	stream.indirect_vreg.gather [hbm4b:s3+s2], $0x80, v3, vm0, $0xb8;
	[tilespmem:$0x10100] =	vst v63  }
0x2c: {  	s18 =	simm.s32 $0x2900  }
0x2d: {  	[tilespmem:s18], [sflag:$0x1] =	stream.indirect_vreg.gather [hbm4b:s6+s2], $0x80, v3, vm0, $0xb8;
	[tilespmem:$0x10100] =	vst v63  }
0x2e: {  	s19 =	simm.s32 $0x3100  }
0x2f: {  	[tilespmem:s19], [sflag:$0x1] =	stream.indirect_vreg.gather [hbm4b:s8+s2], $0x80, v3, vm0, $0xb8;
	[tilespmem:$0x10100] =	vst v63  }
0x30: {  	s20 =	simm.s32 $0x3900  }
0x31: {  	[tilespmem:s20], [sflag:$0x1] =	stream.indirect_vreg.gather [hbm4b:s9+s2], $0x80, v3, vm0, $0xb8;
	[tilespmem:$0x10100] =	vst v63  }
0x32: {  	v3 =	vld [tilespmem:$0x80];
	_ =	sdelay $0x4  }
0x33: {  	v61 =	vshll.u32 v3, $0x3  }
0x34: {  	v3 =	vand.u32 $0x7, v3;
	v4 =	vand.u32 $0xFFFFFFC0, v61  }
0x35: {  	v3 =	vor.u32 v3, v4  }
0x36: {  	v4 =	vperm.xlane v3, v0;
	_ =	sdelay $0x1  }
0x37: {  	v4 =	vadd.s32 v1, v4;
	_ =	sdelay $0x3  }
0x38: {  	s21 =	simm.s32 $0x8100  }
0x39: {  	[tilespmem:s21], [sflag:$0x1] =	stream.indirect_vreg.gather [hbm4b:s3+s2], $0x80, v4, vm0, $0xb8;
	[tilespmem:$0x10100] =	vst v63  }
0x3a: {  	s13 =	simm.s32 $0x8900;
	v3 =	vperm.xlane v3, v2  }
0x3b: {  	[tilespmem:s13], [sflag:$0x1] =	stream.indirect_vreg.gather [hbm4b:s6+s2], $0x80, v4, vm0, $0xb8;
	[tilespmem:$0x10100] =	vst v63  }
0x3c: {  	s17 =	simm.s32 $0x9100;
	v3 =	vadd.s32 v1, v3  }
0x3d: {  	[tilespmem:s17], [sflag:$0x1] =	stream.indirect_vreg.gather [hbm4b:s8+s2], $0x80, v4, vm0, $0xb8;
	[tilespmem:$0x10100] =	vst v63  }
0x3e: {  	s18 =	simm.s32 $0x9900  }
0x3f: {  	[tilespmem:s18], [sflag:$0x1] =	stream.indirect_vreg.gather [hbm4b:s9+s2], $0x80, v4, vm0, $0xb8;
	[tilespmem:$0x10100] =	vst v63  }
0x40: {  	s19 =	simm.s32 $0xA100  }
0x41: {  	[tilespmem:s19], [sflag:$0x1] =	stream.indirect_vreg.gather [hbm4b:s3+s2], $0x80, v3, vm0, $0xb8;
	[tilespmem:$0x10100] =	vst v63  }
0x42: {  	s20 =	simm.s32 $0xA900  }
0x43: {  	[tilespmem:s20], [sflag:$0x1] =	stream.indirect_vreg.gather [hbm4b:s6+s2], $0x80, v3, vm0, $0xb8;
	[tilespmem:$0x10100] =	vst v63  }
0x44: {  	s21 =	simm.s32 $0xB100  }
0x45: {  	[tilespmem:s21], [sflag:$0x1] =	stream.indirect_vreg.gather [hbm4b:s8+s2], $0x80, v3, vm0, $0xb8;
	[tilespmem:$0x10100] =	vst v63  }
0x46: {  	s13 =	simm.s32 $0xB900  }
0x47: {  	[tilespmem:s13], [sflag:$0x1] =	stream.indirect_vreg.gather [hbm4b:s9+s2], $0x80, v3, vm0, $0xb8;
	[tilespmem:$0x10100] =	vst v63  }
0x48: {  	_ =	swait.ge [sflag:s1], $0x4000  }
0x49: {  	[sflag:s1] =	ssyncset.done $0x0  }
0x4a: {  	[sflag:s1] =	ssyncadd.s32 $0xFFFFC000  }
0x4b: {  	_ =	swait.ge [sflag:s1], $0x4000  }
0x4c: {  	[sflag:s1] =	ssyncset.done $0x0  }
0x4d: {  	[sflag:s1] =	ssyncadd.s32 $0xFFFFC000  }
0x4e: {  	v3 =	vld [tilespmem:$0x10];
	_ =	sdelay $0x4  }
0x4f: {  	v62 =	vshll.u32 v3, $0x3  }
0x50: {  	v3 =	vand.u32 $0x7, v3;
	v4 =	vand.u32 $0xFFFFFFC0, v62  }
0x51: {  	v3 =	vor.u32 v3, v4  }
0x52: {  	v4 =	vperm.xlane v3, v0;
	_ =	sdelay $0x1  }
0x53: {  	v4 =	vadd.s32 v1, v4;
	_ =	sdelay $0x4  }
0x54: {  	[tilespmem:s15], [sflag:$0x2] =	stream.indirect_vreg.gather [hbm4b:s3+s2], $0x80, v4, vm0, $0xb8;
	[tilespmem:$0x10100] =	vst v63  }
0x55: {  	s17 =	simm.s32 $0x4900;
	v3 =	vperm.xlane v3, v2  }
0x56: {  	[tilespmem:s17], [sflag:$0x2] =	stream.indirect_vreg.gather [hbm4b:s6+s2], $0x80, v4, vm0, $0xb8;
	[tilespmem:$0x10100] =	vst v63  }
0x57: {  	s18 =	simm.s32 $0x5100;
	v3 =	vadd.s32 v1, v3  }
0x58: {  	[tilespmem:s18], [sflag:$0x2] =	stream.indirect_vreg.gather [hbm4b:s8+s2], $0x80, v4, vm0, $0xb8;
	[tilespmem:$0x10100] =	vst v63  }
0x59: {  	s19 =	simm.s32 $0x5900  }
0x5a: {  	[tilespmem:s19], [sflag:$0x2] =	stream.indirect_vreg.gather [hbm4b:s9+s2], $0x80, v4, vm0, $0xb8;
	[tilespmem:$0x10100] =	vst v63  }
0x5b: {  	s20 =	simm.s32 $0x6100  }
0x5c: {  	[tilespmem:s20], [sflag:$0x2] =	stream.indirect_vreg.gather [hbm4b:s3+s2], $0x80, v3, vm0, $0xb8;
	[tilespmem:$0x10100] =	vst v63  }
0x5d: {  	s21 =	simm.s32 $0x6900  }
0x5e: {  	[tilespmem:s21], [sflag:$0x2] =	stream.indirect_vreg.gather [hbm4b:s6+s2], $0x80, v3, vm0, $0xb8;
	[tilespmem:$0x10100] =	vst v63  }
0x5f: {  	_ = 	snop  }
0x60: {  	[tilespmem:s22], [sflag:$0x2] =	stream.indirect_vreg.gather [hbm4b:s8+s2], $0x80, v3, vm0, $0xb8;
	[tilespmem:$0x10100] =	vst v63  }
0x61: {  	_ = 	snop  }
0x62: {  	[tilespmem:s23], [sflag:$0x2] =	stream.indirect_vreg.gather [hbm4b:s9+s2], $0x80, v3, vm0, $0xb8;
	[tilespmem:$0x10100] =	vst v63  }
0x63: {  	v3 =	vld [tilespmem:$0x90];
	_ =	sdelay $0x4  }
0x64: {  	v63 =	vshll.u32 v3, $0x3  }
0x65: {  	v3 =	vand.u32 $0x7, v3;
	v4 =	vand.u32 $0xFFFFFFC0, v63  }
0x66: {  	v3 =	vor.u32 v3, v4  }
0x67: {  	v4 =	vperm.xlane v3, v0;
	_ =	sdelay $0x1  }
0x68: {  	v4 =	vadd.s32 v1, v4;
	_ =	sdelay $0x4  }
0x69: {  	[tilespmem:s24], [sflag:$0x2] =	stream.indirect_vreg.gather [hbm4b:s3+s2], $0x80, v4, vm0, $0xb8;
	[tilespmem:$0x10100] =	vst v63  }
0x6a: {  	v3 =	vperm.xlane v3, v2  }
0x6b: {  	[tilespmem:s4], [sflag:$0x2] =	stream.indirect_vreg.gather [hbm4b:s6+s2], $0x80, v4, vm0, $0xb8;
	[tilespmem:$0x10100] =	vst v63  }
0x6c: {  	v3 =	vadd.s32 v1, v3  }
0x6d: {  	[tilespmem:s25], [sflag:$0x2] =	stream.indirect_vreg.gather [hbm4b:s8+s2], $0x80, v4, vm0, $0xb8;
	[tilespmem:$0x10100] =	vst v63  }
0x6e: {  	_ = 	snop  }
0x6f: {  	[tilespmem:s26], [sflag:$0x2] =	stream.indirect_vreg.gather [hbm4b:s9+s2], $0x80, v4, vm0, $0xb8;
	[tilespmem:$0x10100] =	vst v63  }
0x70: {  	_ = 	snop  }
0x71: {  	[tilespmem:s5], [sflag:$0x2] =	stream.indirect_vreg.gather [hbm4b:s3+s2], $0x80, v3, vm0, $0xb8;
	[tilespmem:$0x10100] =	vst v63  }
0x72: {  	_ = 	snop  }
0x73: {  	[tilespmem:s28], [sflag:$0x2] =	stream.indirect_vreg.gather [hbm4b:s6+s2], $0x80, v3, vm0, $0xb8;
	[tilespmem:$0x10100] =	vst v63  }
0x74: {  	s12 =	simm.s32 $0xFFFFC000  }
0x75: {  	[tilespmem:s29], [sflag:$0x2] =	stream.indirect_vreg.gather [hbm4b:s8+s2], $0x80, v3, vm0, $0xb8;
	[tilespmem:$0x10100] =	vst v63  }
0x76: {  	s13 =	simm.s32 $0x0;
	s17 =	simm.s32 $0x0;
	s18 =	simm.s32 $0x0  }
0x77: {  	[tilespmem:s30], [sflag:$0x2] =	stream.indirect_vreg.gather [hbm4b:s9+s2], $0x80, v3, vm0, $0xb8;
	[tilespmem:$0x10100] =	vst v63  }
.LBB2_2:
0x78: {  	s19 =	sadd.s32 $0x4000, s12  }
0x79: {  	s20 =	sand.u32 $0x380, s18;
	s19 =	sand.u32 $0x2000, s19  }
0x7a: {  	s19 =	sor.u32 s20, s19  }
0x7b: {  	v3 =	vld [tilespmem:s19+$0x100]  }
0x7c: {  	v4 =	vld [tilespmem:s19+$0x8100]  }
0x7d: {  	v5 =	vld [tilespmem:s19+$0x110]  }
0x7e: {  	v6 =	vld [tilespmem:s19+$0x8110]  }
0x7f: {  	v7 =	vld [tilespmem:s19+$0x120]  }
0x80: {  	v8 =	vld [tilespmem:s19+$0x8120]  }
0x81: {  	v9 =	vld [tilespmem:s19+$0x130]  }
0x82: {  	v10 =	vld [tilespmem:s19+$0x8130]  }
0x83: {  	v11 =	vld [tilespmem:s19+$0x140]  }
0x84: {  	v12 =	vld [tilespmem:s19+$0x8140]  }
0x85: {  	v13 =	vld [tilespmem:s19+$0x150]  }
0x86: {  	v14 =	vld [tilespmem:s19+$0x8150]  }
0x87: {  	v15 =	vld [tilespmem:s19+$0x160]  }
0x88: {  	v16 =	vld [tilespmem:s19+$0x8160]  }
0x89: {  	v17 =	vld [tilespmem:s19+$0x170]  }
0x8a: {  	v18 =	vld [tilespmem:s19+$0x8170]  }
0x8b: {  	v19 =	vld [tilespmem:s19+$0x500]  }
0x8c: {  	v20 =	vld [tilespmem:s19+$0x8500]  }
0x8d: {  	v21 =	vld [tilespmem:s19+$0x510]  }
0x8e: {  	v22 =	vld [tilespmem:s19+$0x8510]  }
0x8f: {  	v23 =	vld [tilespmem:s19+$0x520]  }
0x90: {  	v24 =	vld [tilespmem:s19+$0x8520]  }
0x91: {  	v25 =	vld [tilespmem:s19+$0x530]  }
0x92: {  	v26 =	vld [tilespmem:s19+$0x8530]  }
0x93: {  	v27 =	vld [tilespmem:s19+$0x540]  }
0x94: {  	v28 =	vld [tilespmem:s19+$0x8540]  }
0x95: {  	v29 =	vld [tilespmem:s19+$0x550]  }
0x96: {  	v30 =	vld [tilespmem:s19+$0x8550]  }
0x97: {  	v31 =	vld [tilespmem:s19+$0x560]  }
0x98: {  	v32 =	vld [tilespmem:s19+$0x8560]  }
0x99: {  	v33 =	vld [tilespmem:s19+$0x570]  }
0x9a: {  	v34 =	vld [tilespmem:s19+$0x8570]  }
0x9b: {  	v35 =	vld [tilespmem:s19+$0x900]  }
0x9c: {  	v36 =	vld [tilespmem:s19+$0x8900]  }
0x9d: {  	v37 =	vld [tilespmem:s19+$0x910]  }
0x9e: {  	v38 =	vld [tilespmem:s19+$0x8910]  }
0x9f: {  	v39 =	vld [tilespmem:s19+$0x920]  }
0xa0: {  	v40 =	vld [tilespmem:s19+$0x8920]  }
0xa1: {  	v41 =	vld [tilespmem:s19+$0x930]  }
0xa2: {  	v42 =	vld [tilespmem:s19+$0x8930]  }
0xa3: {  	v43 =	vld [tilespmem:s19+$0x940]  }
0xa4: {  	v44 =	vld [tilespmem:s19+$0x8940]  }
0xa5: {  	v45 =	vld [tilespmem:s19+$0x950]  }
0xa6: {  	v46 =	vld [tilespmem:s19+$0x8950]  }
0xa7: {  	v47 =	vld [tilespmem:s19+$0x960]  }
0xa8: {  	v48 =	vld [tilespmem:s19+$0x8960]  }
0xa9: {  	v49 =	vld [tilespmem:s19+$0x970]  }
0xaa: {  	v50 =	vld [tilespmem:s19+$0x8970]  }
0xab: {  	v51 =	vld [tilespmem:s19+$0xD00]  }
0xac: {  	v52 =	vld [tilespmem:s19+$0x8D00]  }
0xad: {  	v53 =	vld [tilespmem:s19+$0xD10]  }
0xae: {  	v54 =	vld [tilespmem:s19+$0x8D10]  }
0xaf: {  	v55 =	vld [tilespmem:s19+$0xD20]  }
0xb0: {  	v56 =	vld [tilespmem:s19+$0x8D20]  }
0xb1: {  	v57 =	vld [tilespmem:s19+$0xD30]  }
0xb2: {  	v58 =	vld [tilespmem:s19+$0x8D30]  }
0xb3: {  	v59 =	vld [tilespmem:s19+$0xD40]  }
0xb4: {  	v60 =	vld [tilespmem:s19+$0x8D40]  }
0xb5: {  	v61 =	vld [tilespmem:s19+$0xD50]  }
0xb6: {  	v62 =	vld [tilespmem:s19+$0x8D50]  }
0xb7: {  	v63 =	vld [tilespmem:s19+$0xD60]  }
0xb8: {  	v3 =	vadd.f32 v4, v3;
	v4 =	vld [tilespmem:s19+$0x8D60]  }
0xb9: {  	v5 =	vadd.f32 v6, v5;
	v6 =	vld [tilespmem:s19+$0xD70]  }
0xba: {  	v14 =	vadd.f32 v14, v13;
	v13 =	vld [tilespmem:s19+$0x9120];
	[tilespmem:s19+$0x100] =	vst v3;
	v3 =	vadd.f32 v8, v7  }
0xbb: {  	v18 =	vadd.f32 v18, v17;
	v17 =	vld [tilespmem:s19+$0x9140];
	[tilespmem:s19+$0x110] =	vst v5  }
0xbc: {  	v22 =	vadd.f32 v22, v21;
	v21 =	vld [tilespmem:s19+$0x9160];
	[tilespmem:s19+$0x120] =	vst v3;
	v3 =	vadd.f32 v12, v11  }
0xbd: {  	v7 =	vld [tilespmem:s19+$0x8D70];
	[tilespmem:s19+$0x150] =	vst v14  }
0xbe: {  	v8 =	vld [tilespmem:s19+$0x1100];
	[tilespmem:s19+$0x140] =	vst v3;
	v3 =	vadd.f32 v16, v15  }
0xbf: {  	v5 =	vadd.f32 v10, v9;
	v9 =	vld [tilespmem:s19+$0x9100];
	[tilespmem:s19+$0x170] =	vst v18  }
0xc0: {  	v10 =	vld [tilespmem:s19+$0x1110];
	[tilespmem:s19+$0x160] =	vst v3;
	v3 =	vadd.f32 v20, v19  }
0xc1: {  	v26 =	vadd.f32 v26, v25;
	v14 =	vld [tilespmem:s19+$0x1130];
	[tilespmem:s19+$0x510] =	vst v22  }
0xc2: {  	v18 =	vld [tilespmem:s19+$0x1150];
	[tilespmem:s19+$0x500] =	vst v3;
	v3 =	vadd.f32 v24, v23  }
0xc3: {  	v30 =	vadd.f32 v30, v29;
	[tilespmem:s19+$0x530] =	vst v26;
	v22 =	vld [tilespmem:s19+$0x1170]  }
0xc4: {  	v19 =	vld [tilespmem:s19+$0x9150];
	[tilespmem:s19+$0x520] =	vst v3;
	v3 =	vadd.f32 v28, v27  }
0xc5: {  	v34 =	vadd.f32 v34, v33;
	[tilespmem:s19+$0x550] =	vst v30;
	v11 =	vld [tilespmem:s19+$0x9110]  }
0xc6: {  	v12 =	vld [tilespmem:s19+$0x1120];
	[tilespmem:s19+$0x540] =	vst v3;
	v3 =	vadd.f32 v32, v31  }
0xc7: {  	[tilespmem:s19+$0x570] =	vst v34;
	v15 =	vld [tilespmem:s19+$0x9130]  }
0xc8: {  	v16 =	vld [tilespmem:s19+$0x1140];
	[tilespmem:s19+$0x560] =	vst v3;
	v3 =	vadd.f32 v36, v35  }
0xc9: {  	[tilespmem:s19+$0x130] =	vst v5;
	v20 =	vld [tilespmem:s19+$0x1160];
	v19 =	vadd.f32 v19, v18  }
0xca: {  	v24 =	vld [tilespmem:s19+$0x1500];
	[tilespmem:s19+$0x900] =	vst v3;
	v3 =	vadd.f32 v40, v39  }
0xcb: {  	[tilespmem:s19+$0x1150] =	vst v19;
	v36 =	vadd.f32 v38, v37;
	v37 =	vld [tilespmem:s19+$0x9170]  }
0xcc: {  	v38 =	vadd.f32 v42, v41;
	v41 =	vld [tilespmem:s19+$0x1510];
	[tilespmem:s19+$0x920] =	vst v3;
	v3 =	vadd.f32 v44, v43  }
0xcd: {  	v42 =	vld [tilespmem:s19+$0x9510];
	[tilespmem:s19+$0x910] =	vst v36  }
0xce: {  	v35 =	vld [tilespmem:s19+$0x1910];
	[tilespmem:s19+$0x940] =	vst v3;
	v3 =	vadd.f32 v48, v47  }
0xcf: {  	v39 =	vld [tilespmem:s19+$0x9500];
	[tilespmem:s19+$0x930] =	vst v38;
	v40 =	vadd.f32 v46, v45  }
0xd0: {  	v45 =	vld [tilespmem:s19+$0x9520];
	[tilespmem:s19+$0x960] =	vst v3;
	v3 =	vadd.f32 v52, v51  }
0xd1: {  	v46 =	vadd.f32 v54, v53;
	v53 =	vld [tilespmem:s19+$0x1550];
	[tilespmem:s19+$0x950] =	vst v40  }
0xd2: {  	v54 =	vld [tilespmem:s19+$0x9550];
	[tilespmem:s19+$0xD00] =	vst v3;
	v3 =	vadd.f32 v56, v55  }
0xd3: {  	v36 =	vld [tilespmem:s19+$0x9910];
	v43 =	vadd.f32 v50, v49;
	[tilespmem:s19+$0xD10] =	vst v46  }
0xd4: {  	v38 =	vld [tilespmem:s19+$0x1920];
	[tilespmem:s19+$0xD20] =	vst v3;
	v3 =	vadd.f32 v60, v59  }
0xd5: {  	v44 =	vld [tilespmem:s19+$0x1520];
	v49 =	vadd.f32 v58, v57;
	[tilespmem:s19+$0x970] =	vst v43  }
0xd6: {  	v50 =	vld [tilespmem:s19+$0x1540];
	[tilespmem:s19+$0xD40] =	vst v3;
	v3 =	vadd.f32 v4, v63  }
0xd7: {  	v57 =	vld [tilespmem:s19+$0x9560];
	v58 =	vadd.f32 v11, v10;
	[tilespmem:s19+$0xD30] =	vst v49  }
0xd8: {  	v46 =	vld [tilespmem:s19+$0x9950];
	[tilespmem:s19+$0xD60] =	vst v3;
	v3 =	vadd.f32 v9, v8  }
0xd9: {  	v37 =	vadd.f32 v37, v22;
	v40 =	vadd.f32 v42, v41;
	v41 =	vld [tilespmem:s19+$0x1930];
	[tilespmem:s19+$0x1110] =	vst v58  }
0xda: {  	v42 =	vld [tilespmem:s19+$0x9930];
	[tilespmem:s19+$0x1100] =	vst v3;
	v3 =	vadd.f32 v13, v12  }
0xdb: {  	v47 =	vld [tilespmem:s19+$0x1530];
	[tilespmem:s19+$0x1170] =	vst v37  }
0xdc: {  	v48 =	vld [tilespmem:s19+$0x9530];
	[tilespmem:s19+$0x1120] =	vst v3;
	v3 =	vadd.f32 v17, v16  }
0xdd: {  	v49 =	vld [tilespmem:s19+$0x9960];
	[tilespmem:s19+$0x1510] =	vst v40;
	v52 =	vadd.f32 v62, v61  }
0xde: {  	v51 =	vld [tilespmem:s19+$0x9540];
	[tilespmem:s19+$0x1140] =	vst v3;
	v3 =	vadd.f32 v21, v20  }
0xdf: {  	v61 =	vadd.f32 v15, v14;
	v62 =	vld [tilespmem:s19+$0x1900];
	[tilespmem:s19+$0xD50] =	vst v52  }
0xe0: {  	v56 =	vld [tilespmem:s19+$0x1560];
	[tilespmem:s19+$0x1160] =	vst v3;
	v3 =	vadd.f32 v39, v24  }
0xe1: {  	v55 =	vadd.f32 v7, v6;
	[tilespmem:s19+$0x1130] =	vst v61;
	v52 =	vld [tilespmem:s19+$0x9970]  }
0xe2: {  	v43 =	vadd.f32 v48, v47;
	v47 =	vld [tilespmem:s19+$0x1960];
	[tilespmem:s19+$0x1500] =	vst v3;
	v3 =	vadd.f32 v45, v44  }
0xe3: {  	[tilespmem:s19+$0xD70] =	vst v55;
	v63 =	vld [tilespmem:s19+$0x9900]  }
0xe4: {  	v59 =	vld [tilespmem:s19+$0x1570];
	[tilespmem:s19+$0x1520] =	vst v3;
	v3 =	vadd.f32 v51, v50  }
0xe5: {  	[tilespmem:s19+$0x1530] =	vst v43;
	v4 =	vadd.f32 v54, v53;
	v39 =	vld [tilespmem:s19+$0x9920]  }
0xe6: {  	v60 =	vld [tilespmem:s19+$0x9570];
	[tilespmem:s19+$0x1540] =	vst v3;
	v3 =	vadd.f32 v57, v56  }
0xe7: {  	v54 =	vadd.f32 v42, v41;
	[tilespmem:s19+$0x1550] =	vst v4;
	v45 =	vld [tilespmem:s19+$0x1950]  }
0xe8: {  	v53 =	vld [tilespmem:s19+$0x9940];
	[tilespmem:s19+$0x1560] =	vst v3;
	v3 =	vadd.f32 v63, v62  }
0xe9: {  	[tilespmem:s19+$0x1930] =	vst v54;
	v55 =	vadd.f32 v49, v47;
	v50 =	vld [tilespmem:s19+$0x1970]  }
0xea: {  	v44 =	vld [tilespmem:s19+$0x1940];
	[tilespmem:s19+$0x1900] =	vst v3;
	v3 =	vadd.f32 v39, v38  }
0xeb: {  	v48 =	vadd.f32 v60, v59;
	[tilespmem:s19+$0x1960] =	vst v55  }
0xec: {  	[tilespmem:s19+$0x1920] =	vst v3;
	v3 =	vadd.f32 v46, v45  }
0xed: {  	s21 =	sand.u32 $0x7, s17;
	[tilespmem:s19+$0x1570] =	vst v48;
	v51 =	vadd.f32 v36, v35  }
0xee: {  	s20 =	sshll.u32 s21, $0x7;
	[tilespmem:s19+$0x1950] =	vst v3;
	v3 =	vadd.f32 v52, v50  }
0xef: {  	s20 =	sadd.s32 s20, s13;
	[tilespmem:s19+$0x1910] =	vst v51;
	v56 =	vadd.f32 v53, v44  }
0xf0: {  	s21 =	sor.u32 $0x1C00, s20;
	[tilespmem:s19+$0x1970] =	vst v3  }
0xf1: {  	[tilespmem:s19+$0x1940] =	vst v56;
	v3 =	vld [tilespmem:s21+$0x100]  }
0xf2: {  	v4 =	vld [tilespmem:s21+$0x8100];
	_ =	sdelay $0x4  }
0xf3: {  	v3 =	vadd.f32 v4, v3;
	_ =	sdelay $0x1  }
0xf4: {  	[tilespmem:s21+$0x100] =	vst v3;
	s21 =	sor.u32 $0x1C10, s20  }
0xf5: {  	v3 =	vld [tilespmem:s21+$0x100]  }
0xf6: {  	v57 =	vld [tilespmem:s21+$0x8100];
	_ =	sdelay $0x4  }
0xf7: {  	v3 =	vadd.f32 v57, v3;
	_ =	sdelay $0x1  }
0xf8: {  	[tilespmem:s21+$0x100] =	vst v3;
	s21 =	sor.u32 $0x1C20, s20  }
0xf9: {  	v3 =	vld [tilespmem:s21+$0x100]  }
0xfa: {  	v58 =	vld [tilespmem:s21+$0x8100];
	_ =	sdelay $0x4  }
0xfb: {  	v3 =	vadd.f32 v58, v3;
	_ =	sdelay $0x1  }
0xfc: {  	[tilespmem:s21+$0x100] =	vst v3;
	s21 =	sor.u32 $0x1C30, s20  }
0xfd: {  	v3 =	vld [tilespmem:s21+$0x100]  }
0xfe: {  	v59 =	vld [tilespmem:s21+$0x8100];
	_ =	sdelay $0x4  }
0xff: {  	v3 =	vadd.f32 v59, v3;
	_ =	sdelay $0x1  }
0x100: {  	[tilespmem:s21+$0x100] =	vst v3;
	s21 =	sor.u32 $0x1C40, s20  }
0x101: {  	v3 =	vld [tilespmem:s21+$0x100]  }
0x102: {  	v60 =	vld [tilespmem:s21+$0x8100];
	_ =	sdelay $0x4  }
0x103: {  	v3 =	vadd.f32 v60, v3;
	_ =	sdelay $0x1  }
0x104: {  	[tilespmem:s21+$0x100] =	vst v3;
	s21 =	sor.u32 $0x1C50, s20  }
0x105: {  	v3 =	vld [tilespmem:s21+$0x100]  }
0x106: {  	v61 =	vld [tilespmem:s21+$0x8100];
	_ =	sdelay $0x4  }
0x107: {  	v3 =	vadd.f32 v61, v3;
	_ =	sdelay $0x1  }
0x108: {  	[tilespmem:s21+$0x100] =	vst v3;
	s21 =	sor.u32 $0x1C60, s20  }
0x109: {  	v3 =	vld [tilespmem:s21+$0x100]  }
0x10a: {  	v62 =	vld [tilespmem:s21+$0x8100];
	_ =	sdelay $0x4  }
0x10b: {  	v3 =	vadd.f32 v62, v3;
	_ =	sdelay $0x1  }
0x10c: {  	[tilespmem:s21+$0x100] =	vst v3;
	s21 =	sor.u32 $0x1C70, s20  }
0x10d: {  	v3 =	vld [tilespmem:s21+$0x100]  }
0x10e: {  	v63 =	vld [tilespmem:s21+$0x8100];
	_ =	sdelay $0x1  }
0x10f: {  	p0 =	sne.s32 s18, $0x780  }
.Ltmp0:
0x110: {  	_ = 	snop;
	(pc) =	sbr.rel @p0 .LBB2_2-.Ltmp0, $4  }
0x111: {  	_ = 	snop  }
0x112: {  	v3 =	vadd.f32 v63, v3  }
0x113: {  	s17 =	sadd.s32 $0x1, s17  }
0x114: {  	s12 =	sadd.s32 $0x400, s12;
	s18 =	sadd.s32 $0x80, s18;
	s13 =	sadd.s32 $0x400, s13;
	[tilespmem:s21+$0x100] =	vst v3  }
0x115: {  	s12 =	simm.s32 $0x0  }
0x116: {  	[hbm4b:s7+s12] =	stream.linear.scatter [tilespmem:s16], [sflag:$0x3], $0x4000, $0x38;
	[tilespmem:$0x10100] =	vst v63  }
0x117: {  	_ =	swait.ge [sflag:s31], $0x4000  }
0x118: {  	[sflag:s31] =	ssyncset.done $0x0  }
0x119: {  	[sflag:s31] =	ssyncadd.s32 $0xFFFFC000  }
0x11a: {  	_ =	swait.ge [sflag:s31], $0x4000  }
0x11b: {  	[sflag:s31] =	ssyncset.done $0x0  }
0x11c: {  	[sflag:s31] =	ssyncadd.s32 $0xFFFFC000  }
0x11d: {  	_ =	swait.ge [sflag:s0], $0x4000  }
0x11e: {  	[sflag:s0] =	ssyncset.done $0x0  }
0x11f: {  	[sflag:s0] =	ssyncadd.s32 $0xFFFFC000  }
0x120: {  	v3 =	vld [tilespmem:$0x20];
	_ =	sdelay $0x4  }
0x121: {  	v4 =	vshll.u32 v3, $0x3  }
0x122: {  	v3 =	vand.u32 $0x7, v3;
	v4 =	vand.u32 $0xFFFFFFC0, v4  }
0x123: {  	v3 =	vor.u32 v3, v4  }
0x124: {  	v4 =	vperm.xlane v3, v0;
	_ =	sdelay $0x1  }
0x125: {  	v4 =	vadd.s32 v1, v4;
	_ =	sdelay $0x4  }
0x126: {  	[tilespmem:s16], [sflag:$0x1] =	stream.indirect_vreg.gather [hbm4b:s3+s12], $0x80, v4, vm0, $0xb8;
	[tilespmem:$0x10100] =	vst v63  }
0x127: {  	s13 =	simm.s32 $0x900;
	v3 =	vperm.xlane v3, v2  }
0x128: {  	[tilespmem:s13], [sflag:$0x1] =	stream.indirect_vreg.gather [hbm4b:s6+s12], $0x80, v4, vm0, $0xb8;
	[tilespmem:$0x10100] =	vst v63  }
0x129: {  	s18 =	simm.s32 $0x1100;
	v3 =	vadd.s32 v1, v3  }
0x12a: {  	[tilespmem:s18], [sflag:$0x1] =	stream.indirect_vreg.gather [hbm4b:s8+s12], $0x80, v4, vm0, $0xb8;
	[tilespmem:$0x10100] =	vst v63  }
0x12b: {  	s19 =	simm.s32 $0x1900  }
0x12c: {  	[tilespmem:s19], [sflag:$0x1] =	stream.indirect_vreg.gather [hbm4b:s9+s12], $0x80, v4, vm0, $0xb8;
	[tilespmem:$0x10100] =	vst v63  }
0x12d: {  	s20 =	simm.s32 $0x2100  }
0x12e: {  	[tilespmem:s20], [sflag:$0x1] =	stream.indirect_vreg.gather [hbm4b:s3+s12], $0x80, v3, vm0, $0xb8;
	[tilespmem:$0x10100] =	vst v63  }
0x12f: {  	s21 =	simm.s32 $0x2900  }
0x130: {  	[tilespmem:s21], [sflag:$0x1] =	stream.indirect_vreg.gather [hbm4b:s6+s12], $0x80, v3, vm0, $0xb8;
	[tilespmem:$0x10100] =	vst v63  }
0x131: {  	s17 =	simm.s32 $0x3100  }
0x132: {  	[tilespmem:s17], [sflag:$0x1] =	stream.indirect_vreg.gather [hbm4b:s8+s12], $0x80, v3, vm0, $0xb8;
	[tilespmem:$0x10100] =	vst v63  }
0x133: {  	s18 =	simm.s32 $0x3900  }
0x134: {  	[tilespmem:s18], [sflag:$0x1] =	stream.indirect_vreg.gather [hbm4b:s9+s12], $0x80, v3, vm0, $0xb8;
	[tilespmem:$0x10100] =	vst v63  }
0x135: {  	v3 =	vld [tilespmem:$0xA0];
	_ =	sdelay $0x4  }
0x136: {  	v63 =	vshll.u32 v3, $0x3  }
0x137: {  	v3 =	vand.u32 $0x7, v3;
	v4 =	vand.u32 $0xFFFFFFC0, v63  }
0x138: {  	v3 =	vor.u32 v3, v4  }
0x139: {  	v4 =	vperm.xlane v3, v0;
	_ =	sdelay $0x1  }
0x13a: {  	v4 =	vadd.s32 v1, v4;
	_ =	sdelay $0x3  }
0x13b: {  	s19 =	simm.s32 $0x8100  }
0x13c: {  	[tilespmem:s19], [sflag:$0x1] =	stream.indirect_vreg.gather [hbm4b:s3+s12], $0x80, v4, vm0, $0xb8;
	[tilespmem:$0x10100] =	vst v63  }
0x13d: {  	s20 =	simm.s32 $0x8900;
	v3 =	vperm.xlane v3, v2  }
0x13e: {  	[tilespmem:s20], [sflag:$0x1] =	stream.indirect_vreg.gather [hbm4b:s6+s12], $0x80, v4, vm0, $0xb8;
	[tilespmem:$0x10100] =	vst v63  }
0x13f: {  	s21 =	simm.s32 $0x9100;
	v3 =	vadd.s32 v1, v3  }
0x140: {  	[tilespmem:s21], [sflag:$0x1] =	stream.indirect_vreg.gather [hbm4b:s8+s12], $0x80, v4, vm0, $0xb8;
	[tilespmem:$0x10100] =	vst v63  }
0x141: {  	s17 =	simm.s32 $0x9900  }
0x142: {  	[tilespmem:s17], [sflag:$0x1] =	stream.indirect_vreg.gather [hbm4b:s9+s12], $0x80, v4, vm0, $0xb8;
	[tilespmem:$0x10100] =	vst v63  }
0x143: {  	s18 =	simm.s32 $0xA100  }
0x144: {  	[tilespmem:s18], [sflag:$0x1] =	stream.indirect_vreg.gather [hbm4b:s3+s12], $0x80, v3, vm0, $0xb8;
	[tilespmem:$0x10100] =	vst v63  }
0x145: {  	s19 =	simm.s32 $0xA900  }
0x146: {  	[tilespmem:s19], [sflag:$0x1] =	stream.indirect_vreg.gather [hbm4b:s6+s12], $0x80, v3, vm0, $0xb8;
	[tilespmem:$0x10100] =	vst v63  }
0x147: {  	s13 =	simm.s32 $0x0;
	s20 =	simm.s32 $0xB100  }
0x148: {  	[tilespmem:s20], [sflag:$0x1] =	stream.indirect_vreg.gather [hbm4b:s8+s12], $0x80, v3, vm0, $0xb8;
	[tilespmem:$0x10100] =	vst v63  }
0x149: {  	s21 =	simm.s32 $0xB900;
	s17 =	simm.s32 $0xFFFFC000;
	s18 =	simm.s32 $0x0  }
0x14a: {  	[tilespmem:s21], [sflag:$0x1] =	stream.indirect_vreg.gather [hbm4b:s9+s12], $0x80, v3, vm0, $0xb8;
	[tilespmem:$0x10100] =	vst v63  }
.LBB2_4:
0x14b: {  	s19 =	sadd.s32 $0x4000, s17  }
0x14c: {  	s20 =	sand.u32 $0x380, s18;
	s19 =	sand.u32 $0x2000, s19  }
0x14d: {  	s19 =	sor.u32 s20, s19  }
0x14e: {  	v3 =	vld [tilespmem:s19+$0x4100]  }
0x14f: {  	v4 =	vld [tilespmem:s19+$0xC100]  }
0x150: {  	v5 =	vld [tilespmem:s19+$0x4110]  }
0x151: {  	v6 =	vld [tilespmem:s19+$0xC110]  }
0x152: {  	v7 =	vld [tilespmem:s19+$0x4120]  }
0x153: {  	v8 =	vld [tilespmem:s19+$0xC120]  }
0x154: {  	v9 =	vld [tilespmem:s19+$0x4130]  }
0x155: {  	v10 =	vld [tilespmem:s19+$0xC130]  }
0x156: {  	v11 =	vld [tilespmem:s19+$0x4140]  }
0x157: {  	v12 =	vld [tilespmem:s19+$0xC140]  }
0x158: {  	v13 =	vld [tilespmem:s19+$0x4150]  }
0x159: {  	v14 =	vld [tilespmem:s19+$0xC150]  }
0x15a: {  	v15 =	vld [tilespmem:s19+$0x4160]  }
0x15b: {  	v16 =	vld [tilespmem:s19+$0xC160]  }
0x15c: {  	v17 =	vld [tilespmem:s19+$0x4170]  }
0x15d: {  	v18 =	vld [tilespmem:s19+$0xC170]  }
0x15e: {  	v19 =	vld [tilespmem:s19+$0x4500]  }
0x15f: {  	v20 =	vld [tilespmem:s19+$0xC500]  }
0x160: {  	v21 =	vld [tilespmem:s19+$0x4510]  }
0x161: {  	v22 =	vld [tilespmem:s19+$0xC510]  }
0x162: {  	v23 =	vld [tilespmem:s19+$0x4520]  }
0x163: {  	v24 =	vld [tilespmem:s19+$0xC520]  }
0x164: {  	v25 =	vld [tilespmem:s19+$0x4530]  }
0x165: {  	v26 =	vld [tilespmem:s19+$0xC530]  }
0x166: {  	v27 =	vld [tilespmem:s19+$0x4540]  }
0x167: {  	v28 =	vld [tilespmem:s19+$0xC540]  }
0x168: {  	v29 =	vld [tilespmem:s19+$0x4550]  }
0x169: {  	v30 =	vld [tilespmem:s19+$0xC550]  }
0x16a: {  	v31 =	vld [tilespmem:s19+$0x4560]  }
0x16b: {  	v32 =	vld [tilespmem:s19+$0xC560]  }
0x16c: {  	v33 =	vld [tilespmem:s19+$0x4570]  }
0x16d: {  	v34 =	vld [tilespmem:s19+$0xC570]  }
0x16e: {  	v35 =	vld [tilespmem:s19+$0x4900]  }
0x16f: {  	v36 =	vld [tilespmem:s19+$0xC900]  }
0x170: {  	v37 =	vld [tilespmem:s19+$0x4910]  }
0x171: {  	v38 =	vld [tilespmem:s19+$0xC910]  }
0x172: {  	v39 =	vld [tilespmem:s19+$0x4920]  }
0x173: {  	v40 =	vld [tilespmem:s19+$0xC920]  }
0x174: {  	v41 =	vld [tilespmem:s19+$0x4930]  }
0x175: {  	v42 =	vld [tilespmem:s19+$0xC930]  }
0x176: {  	v43 =	vld [tilespmem:s19+$0x4940]  }
0x177: {  	v44 =	vld [tilespmem:s19+$0xC940]  }
0x178: {  	v45 =	vld [tilespmem:s19+$0x4950]  }
0x179: {  	v46 =	vld [tilespmem:s19+$0xC950]  }
0x17a: {  	v47 =	vld [tilespmem:s19+$0x4960]  }
0x17b: {  	v48 =	vld [tilespmem:s19+$0xC960]  }
0x17c: {  	v49 =	vld [tilespmem:s19+$0x4970]  }
0x17d: {  	v50 =	vld [tilespmem:s19+$0xC970]  }
0x17e: {  	v51 =	vld [tilespmem:s19+$0x4D00]  }
0x17f: {  	v52 =	vld [tilespmem:s19+$0xCD00]  }
0x180: {  	v53 =	vld [tilespmem:s19+$0x4D10]  }
0x181: {  	v54 =	vld [tilespmem:s19+$0xCD10]  }
0x182: {  	v55 =	vld [tilespmem:s19+$0x4D20]  }
0x183: {  	v56 =	vld [tilespmem:s19+$0xCD20]  }
0x184: {  	v57 =	vld [tilespmem:s19+$0x4D30]  }
0x185: {  	v58 =	vld [tilespmem:s19+$0xCD30]  }
0x186: {  	v59 =	vld [tilespmem:s19+$0x4D40]  }
0x187: {  	v60 =	vld [tilespmem:s19+$0xCD40]  }
0x188: {  	v61 =	vld [tilespmem:s19+$0x4D50]  }
0x189: {  	v62 =	vld [tilespmem:s19+$0xCD50]  }
0x18a: {  	v63 =	vld [tilespmem:s19+$0x4D60]  }
0x18b: {  	v3 =	vadd.f32 v4, v3;
	v4 =	vld [tilespmem:s19+$0xCD60]  }
0x18c: {  	v5 =	vadd.f32 v6, v5;
	v6 =	vld [tilespmem:s19+$0x4D70]  }
0x18d: {  	v14 =	vadd.f32 v14, v13;
	v13 =	vld [tilespmem:s19+$0xD120];
	[tilespmem:s19+$0x4100] =	vst v3;
	v3 =	vadd.f32 v8, v7  }
0x18e: {  	v18 =	vadd.f32 v18, v17;
	v17 =	vld [tilespmem:s19+$0xD140];
	[tilespmem:s19+$0x4110] =	vst v5  }
0x18f: {  	v22 =	vadd.f32 v22, v21;
	v21 =	vld [tilespmem:s19+$0xD160];
	[tilespmem:s19+$0x4120] =	vst v3;
	v3 =	vadd.f32 v12, v11  }
0x190: {  	v7 =	vld [tilespmem:s19+$0xCD70];
	[tilespmem:s19+$0x4150] =	vst v14  }
0x191: {  	v8 =	vld [tilespmem:s19+$0x5100];
	[tilespmem:s19+$0x4140] =	vst v3;
	v3 =	vadd.f32 v16, v15  }
0x192: {  	v5 =	vadd.f32 v10, v9;
	v9 =	vld [tilespmem:s19+$0xD100];
	[tilespmem:s19+$0x4170] =	vst v18  }
0x193: {  	v10 =	vld [tilespmem:s19+$0x5110];
	[tilespmem:s19+$0x4160] =	vst v3;
	v3 =	vadd.f32 v20, v19  }
0x194: {  	v26 =	vadd.f32 v26, v25;
	v14 =	vld [tilespmem:s19+$0x5130];
	[tilespmem:s19+$0x4510] =	vst v22  }
0x195: {  	v18 =	vld [tilespmem:s19+$0x5150];
	[tilespmem:s19+$0x4500] =	vst v3;
	v3 =	vadd.f32 v24, v23  }
0x196: {  	v30 =	vadd.f32 v30, v29;
	[tilespmem:s19+$0x4530] =	vst v26;
	v22 =	vld [tilespmem:s19+$0x5170]  }
0x197: {  	v19 =	vld [tilespmem:s19+$0xD150];
	[tilespmem:s19+$0x4520] =	vst v3;
	v3 =	vadd.f32 v28, v27  }
0x198: {  	v34 =	vadd.f32 v34, v33;
	[tilespmem:s19+$0x4550] =	vst v30;
	v11 =	vld [tilespmem:s19+$0xD110]  }
0x199: {  	v12 =	vld [tilespmem:s19+$0x5120];
	[tilespmem:s19+$0x4540] =	vst v3;
	v3 =	vadd.f32 v32, v31  }
0x19a: {  	[tilespmem:s19+$0x4570] =	vst v34;
	v15 =	vld [tilespmem:s19+$0xD130]  }
0x19b: {  	v16 =	vld [tilespmem:s19+$0x5140];
	[tilespmem:s19+$0x4560] =	vst v3;
	v3 =	vadd.f32 v36, v35  }
0x19c: {  	[tilespmem:s19+$0x4130] =	vst v5;
	v20 =	vld [tilespmem:s19+$0x5160];
	v19 =	vadd.f32 v19, v18  }
0x19d: {  	v24 =	vld [tilespmem:s19+$0x5500];
	[tilespmem:s19+$0x4900] =	vst v3;
	v3 =	vadd.f32 v40, v39  }
0x19e: {  	[tilespmem:s19+$0x5150] =	vst v19;
	v36 =	vadd.f32 v38, v37;
	v37 =	vld [tilespmem:s19+$0xD170]  }
0x19f: {  	v38 =	vadd.f32 v42, v41;
	v41 =	vld [tilespmem:s19+$0x5510];
	[tilespmem:s19+$0x4920] =	vst v3;
	v3 =	vadd.f32 v44, v43  }
0x1a0: {  	v42 =	vld [tilespmem:s19+$0xD510];
	[tilespmem:s19+$0x4910] =	vst v36  }
0x1a1: {  	v35 =	vld [tilespmem:s19+$0x5910];
	[tilespmem:s19+$0x4940] =	vst v3;
	v3 =	vadd.f32 v48, v47  }
0x1a2: {  	v39 =	vld [tilespmem:s19+$0xD500];
	[tilespmem:s19+$0x4930] =	vst v38;
	v40 =	vadd.f32 v46, v45  }
0x1a3: {  	v45 =	vld [tilespmem:s19+$0xD520];
	[tilespmem:s19+$0x4960] =	vst v3;
	v3 =	vadd.f32 v52, v51  }
0x1a4: {  	v46 =	vadd.f32 v54, v53;
	v53 =	vld [tilespmem:s19+$0x5550];
	[tilespmem:s19+$0x4950] =	vst v40  }
0x1a5: {  	v54 =	vld [tilespmem:s19+$0xD550];
	[tilespmem:s19+$0x4D00] =	vst v3;
	v3 =	vadd.f32 v56, v55  }
0x1a6: {  	v36 =	vld [tilespmem:s19+$0xD910];
	v43 =	vadd.f32 v50, v49;
	[tilespmem:s19+$0x4D10] =	vst v46  }
0x1a7: {  	v38 =	vld [tilespmem:s19+$0x5920];
	[tilespmem:s19+$0x4D20] =	vst v3;
	v3 =	vadd.f32 v60, v59  }
0x1a8: {  	v44 =	vld [tilespmem:s19+$0x5520];
	v49 =	vadd.f32 v58, v57;
	[tilespmem:s19+$0x4970] =	vst v43  }
0x1a9: {  	v50 =	vld [tilespmem:s19+$0x5540];
	[tilespmem:s19+$0x4D40] =	vst v3;
	v3 =	vadd.f32 v4, v63  }
0x1aa: {  	v57 =	vld [tilespmem:s19+$0xD560];
	v58 =	vadd.f32 v11, v10;
	[tilespmem:s19+$0x4D30] =	vst v49  }
0x1ab: {  	v46 =	vld [tilespmem:s19+$0xD950];
	[tilespmem:s19+$0x4D60] =	vst v3;
	v3 =	vadd.f32 v9, v8  }
0x1ac: {  	v37 =	vadd.f32 v37, v22;
	v40 =	vadd.f32 v42, v41;
	v41 =	vld [tilespmem:s19+$0x5930];
	[tilespmem:s19+$0x5110] =	vst v58  }
0x1ad: {  	v42 =	vld [tilespmem:s19+$0xD930];
	[tilespmem:s19+$0x5100] =	vst v3;
	v3 =	vadd.f32 v13, v12  }
0x1ae: {  	v47 =	vld [tilespmem:s19+$0x5530];
	[tilespmem:s19+$0x5170] =	vst v37  }
0x1af: {  	v48 =	vld [tilespmem:s19+$0xD530];
	[tilespmem:s19+$0x5120] =	vst v3;
	v3 =	vadd.f32 v17, v16  }
0x1b0: {  	v49 =	vld [tilespmem:s19+$0xD960];
	[tilespmem:s19+$0x5510] =	vst v40;
	v52 =	vadd.f32 v62, v61  }
0x1b1: {  	v51 =	vld [tilespmem:s19+$0xD540];
	[tilespmem:s19+$0x5140] =	vst v3;
	v3 =	vadd.f32 v21, v20  }
0x1b2: {  	v61 =	vadd.f32 v15, v14;
	v62 =	vld [tilespmem:s19+$0x5900];
	[tilespmem:s19+$0x4D50] =	vst v52  }
0x1b3: {  	v56 =	vld [tilespmem:s19+$0x5560];
	[tilespmem:s19+$0x5160] =	vst v3;
	v3 =	vadd.f32 v39, v24  }
0x1b4: {  	v55 =	vadd.f32 v7, v6;
	[tilespmem:s19+$0x5130] =	vst v61;
	v52 =	vld [tilespmem:s19+$0xD970]  }
0x1b5: {  	v43 =	vadd.f32 v48, v47;
	v47 =	vld [tilespmem:s19+$0x5960];
	[tilespmem:s19+$0x5500] =	vst v3;
	v3 =	vadd.f32 v45, v44  }
0x1b6: {  	[tilespmem:s19+$0x4D70] =	vst v55;
	v63 =	vld [tilespmem:s19+$0xD900]  }
0x1b7: {  	v59 =	vld [tilespmem:s19+$0x5570];
	[tilespmem:s19+$0x5520] =	vst v3;
	v3 =	vadd.f32 v51, v50  }
0x1b8: {  	[tilespmem:s19+$0x5530] =	vst v43;
	v4 =	vadd.f32 v54, v53;
	v39 =	vld [tilespmem:s19+$0xD920]  }
0x1b9: {  	v60 =	vld [tilespmem:s19+$0xD570];
	[tilespmem:s19+$0x5540] =	vst v3;
	v3 =	vadd.f32 v57, v56  }
0x1ba: {  	v54 =	vadd.f32 v42, v41;
	[tilespmem:s19+$0x5550] =	vst v4;
	v45 =	vld [tilespmem:s19+$0x5950]  }
0x1bb: {  	v53 =	vld [tilespmem:s19+$0xD940];
	[tilespmem:s19+$0x5560] =	vst v3;
	v3 =	vadd.f32 v63, v62  }
0x1bc: {  	[tilespmem:s19+$0x5930] =	vst v54;
	v55 =	vadd.f32 v49, v47;
	v50 =	vld [tilespmem:s19+$0x5970]  }
0x1bd: {  	v44 =	vld [tilespmem:s19+$0x5940];
	[tilespmem:s19+$0x5900] =	vst v3;
	v3 =	vadd.f32 v39, v38  }
0x1be: {  	v48 =	vadd.f32 v60, v59;
	[tilespmem:s19+$0x5960] =	vst v55  }
0x1bf: {  	[tilespmem:s19+$0x5920] =	vst v3;
	v3 =	vadd.f32 v46, v45  }
0x1c0: {  	s21 =	sand.u32 $0x7, s12;
	[tilespmem:s19+$0x5570] =	vst v48;
	v51 =	vadd.f32 v36, v35  }
0x1c1: {  	s20 =	sshll.u32 s21, $0x7;
	[tilespmem:s19+$0x5950] =	vst v3;
	v3 =	vadd.f32 v52, v50  }
0x1c2: {  	s20 =	sadd.s32 s20, s13;
	[tilespmem:s19+$0x5910] =	vst v51;
	v56 =	vadd.f32 v53, v44  }
0x1c3: {  	s21 =	sor.u32 $0x1C00, s20;
	[tilespmem:s19+$0x5970] =	vst v3  }
0x1c4: {  	[tilespmem:s19+$0x5940] =	vst v56;
	v3 =	vld [tilespmem:s21+$0x4100]  }
0x1c5: {  	v4 =	vld [tilespmem:s21+$0xC100];
	_ =	sdelay $0x4  }
0x1c6: {  	v3 =	vadd.f32 v4, v3;
	_ =	sdelay $0x1  }
0x1c7: {  	[tilespmem:s21+$0x4100] =	vst v3;
	s21 =	sor.u32 $0x1C10, s20  }
0x1c8: {  	v3 =	vld [tilespmem:s21+$0x4100]  }
0x1c9: {  	v57 =	vld [tilespmem:s21+$0xC100];
	_ =	sdelay $0x4  }
0x1ca: {  	v3 =	vadd.f32 v57, v3;
	_ =	sdelay $0x1  }
0x1cb: {  	[tilespmem:s21+$0x4100] =	vst v3;
	s21 =	sor.u32 $0x1C20, s20  }
0x1cc: {  	v3 =	vld [tilespmem:s21+$0x4100]  }
0x1cd: {  	v58 =	vld [tilespmem:s21+$0xC100];
	_ =	sdelay $0x4  }
0x1ce: {  	v3 =	vadd.f32 v58, v3;
	_ =	sdelay $0x1  }
0x1cf: {  	[tilespmem:s21+$0x4100] =	vst v3;
	s21 =	sor.u32 $0x1C30, s20  }
0x1d0: {  	v3 =	vld [tilespmem:s21+$0x4100]  }
0x1d1: {  	v59 =	vld [tilespmem:s21+$0xC100];
	_ =	sdelay $0x4  }
0x1d2: {  	v3 =	vadd.f32 v59, v3;
	_ =	sdelay $0x1  }
0x1d3: {  	[tilespmem:s21+$0x4100] =	vst v3;
	s21 =	sor.u32 $0x1C40, s20  }
0x1d4: {  	v3 =	vld [tilespmem:s21+$0x4100]  }
0x1d5: {  	v60 =	vld [tilespmem:s21+$0xC100];
	_ =	sdelay $0x4  }
0x1d6: {  	v3 =	vadd.f32 v60, v3;
	_ =	sdelay $0x1  }
0x1d7: {  	[tilespmem:s21+$0x4100] =	vst v3;
	s21 =	sor.u32 $0x1C50, s20  }
0x1d8: {  	v3 =	vld [tilespmem:s21+$0x4100]  }
0x1d9: {  	v61 =	vld [tilespmem:s21+$0xC100];
	_ =	sdelay $0x4  }
0x1da: {  	v3 =	vadd.f32 v61, v3;
	_ =	sdelay $0x1  }
0x1db: {  	[tilespmem:s21+$0x4100] =	vst v3;
	s21 =	sor.u32 $0x1C60, s20  }
0x1dc: {  	v3 =	vld [tilespmem:s21+$0x4100]  }
0x1dd: {  	v62 =	vld [tilespmem:s21+$0xC100];
	_ =	sdelay $0x4  }
0x1de: {  	v3 =	vadd.f32 v62, v3;
	_ =	sdelay $0x1  }
0x1df: {  	[tilespmem:s21+$0x4100] =	vst v3;
	s21 =	sor.u32 $0x1C70, s20  }
0x1e0: {  	v3 =	vld [tilespmem:s21+$0x4100]  }
0x1e1: {  	v63 =	vld [tilespmem:s21+$0xC100];
	_ =	sdelay $0x1  }
0x1e2: {  	p0 =	sne.s32 s18, $0x780  }
.Ltmp1:
0x1e3: {  	_ = 	snop;
	(pc) =	sbr.rel @p0 .LBB2_4-.Ltmp1, $4  }
0x1e4: {  	_ = 	snop  }
0x1e5: {  	v3 =	vadd.f32 v63, v3  }
0x1e6: {  	s12 =	sadd.s32 $0x1, s12  }
0x1e7: {  	s17 =	sadd.s32 $0x400, s17;
	s18 =	sadd.s32 $0x80, s18;
	s13 =	sadd.s32 $0x400, s13;
	[tilespmem:s21+$0x4100] =	vst v3  }
0x1e8: {  	s12 =	simm.s32 $0x0;
	s13 =	rddreg [dreg:$0x5]  }
0x1e9: {  	[hbm4b:s13+s12] =	stream.linear.scatter [tilespmem:s15], [sflag:$0x4], $0x4000, $0x38;
	[tilespmem:$0x10100] =	vst v63  }
0x1ea: {  	_ =	swait.ge [sflag:s1], $0x4000  }
0x1eb: {  	[sflag:s1] =	ssyncset.done $0x0  }
0x1ec: {  	[sflag:s1] =	ssyncadd.s32 $0xFFFFC000  }
0x1ed: {  	_ =	swait.ge [sflag:s1], $0x4000  }
0x1ee: {  	[sflag:s1] =	ssyncset.done $0x0  }
0x1ef: {  	[sflag:s1] =	ssyncadd.s32 $0xFFFFC000  }
0x1f0: {  	_ =	swait.ge [sflag:s10], $0x4000  }
0x1f1: {  	[sflag:s10] =	ssyncset.done $0x0  }
0x1f2: {  	[sflag:s10] =	ssyncadd.s32 $0xFFFFC000  }
0x1f3: {  	v3 =	vld [tilespmem:$0x30];
	_ =	sdelay $0x4  }
0x1f4: {  	v4 =	vshll.u32 v3, $0x3  }
0x1f5: {  	v3 =	vand.u32 $0x7, v3;
	v4 =	vand.u32 $0xFFFFFFC0, v4  }
0x1f6: {  	v3 =	vor.u32 v3, v4  }
0x1f7: {  	v4 =	vperm.xlane v3, v0;
	_ =	sdelay $0x1  }
0x1f8: {  	v4 =	vadd.s32 v1, v4;
	_ =	sdelay $0x4  }
0x1f9: {  	[tilespmem:s15], [sflag:$0x2] =	stream.indirect_vreg.gather [hbm4b:s3+s12], $0x80, v4, vm0, $0xb8;
	[tilespmem:$0x10100] =	vst v63  }
0x1fa: {  	s17 =	simm.s32 $0x4900;
	v3 =	vperm.xlane v3, v2  }
0x1fb: {  	[tilespmem:s17], [sflag:$0x2] =	stream.indirect_vreg.gather [hbm4b:s6+s12], $0x80, v4, vm0, $0xb8;
	[tilespmem:$0x10100] =	vst v63  }
0x1fc: {  	s18 =	simm.s32 $0x5100;
	v3 =	vadd.s32 v1, v3  }
0x1fd: {  	[tilespmem:s18], [sflag:$0x2] =	stream.indirect_vreg.gather [hbm4b:s8+s12], $0x80, v4, vm0, $0xb8;
	[tilespmem:$0x10100] =	vst v63  }
0x1fe: {  	s19 =	simm.s32 $0x5900  }
0x1ff: {  	[tilespmem:s19], [sflag:$0x2] =	stream.indirect_vreg.gather [hbm4b:s9+s12], $0x80, v4, vm0, $0xb8;
	[tilespmem:$0x10100] =	vst v63  }
0x200: {  	s20 =	simm.s32 $0x6100  }
0x201: {  	[tilespmem:s20], [sflag:$0x2] =	stream.indirect_vreg.gather [hbm4b:s3+s12], $0x80, v3, vm0, $0xb8;
	[tilespmem:$0x10100] =	vst v63  }
0x202: {  	s21 =	simm.s32 $0x6900  }
0x203: {  	[tilespmem:s21], [sflag:$0x2] =	stream.indirect_vreg.gather [hbm4b:s6+s12], $0x80, v3, vm0, $0xb8;
	[tilespmem:$0x10100] =	vst v63  }
0x204: {  	_ = 	snop  }
0x205: {  	[tilespmem:s22], [sflag:$0x2] =	stream.indirect_vreg.gather [hbm4b:s8+s12], $0x80, v3, vm0, $0xb8;
	[tilespmem:$0x10100] =	vst v63  }
0x206: {  	_ = 	snop  }
0x207: {  	[tilespmem:s23], [sflag:$0x2] =	stream.indirect_vreg.gather [hbm4b:s9+s12], $0x80, v3, vm0, $0xb8;
	[tilespmem:$0x10100] =	vst v63  }
0x208: {  	v3 =	vld [tilespmem:$0xB0];
	_ =	sdelay $0x4  }
0x209: {  	v63 =	vshll.u32 v3, $0x3  }
0x20a: {  	v3 =	vand.u32 $0x7, v3;
	v4 =	vand.u32 $0xFFFFFFC0, v63  }
0x20b: {  	v3 =	vor.u32 v3, v4  }
0x20c: {  	v4 =	vperm.xlane v3, v0;
	_ =	sdelay $0x1  }
0x20d: {  	v4 =	vadd.s32 v1, v4;
	_ =	sdelay $0x4  }
0x20e: {  	[tilespmem:s24], [sflag:$0x2] =	stream.indirect_vreg.gather [hbm4b:s3+s12], $0x80, v4, vm0, $0xb8;
	[tilespmem:$0x10100] =	vst v63  }
0x20f: {  	v3 =	vperm.xlane v3, v2  }
0x210: {  	[tilespmem:s4], [sflag:$0x2] =	stream.indirect_vreg.gather [hbm4b:s6+s12], $0x80, v4, vm0, $0xb8;
	[tilespmem:$0x10100] =	vst v63  }
0x211: {  	v3 =	vadd.s32 v1, v3  }
0x212: {  	[tilespmem:s25], [sflag:$0x2] =	stream.indirect_vreg.gather [hbm4b:s8+s12], $0x80, v4, vm0, $0xb8;
	[tilespmem:$0x10100] =	vst v63  }
0x213: {  	_ = 	snop  }
0x214: {  	[tilespmem:s26], [sflag:$0x2] =	stream.indirect_vreg.gather [hbm4b:s9+s12], $0x80, v4, vm0, $0xb8;
	[tilespmem:$0x10100] =	vst v63  }
0x215: {  	_ = 	snop  }
0x216: {  	[tilespmem:s5], [sflag:$0x2] =	stream.indirect_vreg.gather [hbm4b:s3+s12], $0x80, v3, vm0, $0xb8;
	[tilespmem:$0x10100] =	vst v63  }
0x217: {  	_ = 	snop  }
0x218: {  	[tilespmem:s28], [sflag:$0x2] =	stream.indirect_vreg.gather [hbm4b:s6+s12], $0x80, v3, vm0, $0xb8;
	[tilespmem:$0x10100] =	vst v63  }
0x219: {  	_ = 	snop  }
0x21a: {  	[tilespmem:s29], [sflag:$0x2] =	stream.indirect_vreg.gather [hbm4b:s8+s12], $0x80, v3, vm0, $0xb8;
	[tilespmem:$0x10100] =	vst v63  }
0x21b: {  	s13 =	simm.s32 $0x0;
	s17 =	simm.s32 $0xFFFFC000;
	s18 =	simm.s32 $0x0  }
0x21c: {  	[tilespmem:s30], [sflag:$0x2] =	stream.indirect_vreg.gather [hbm4b:s9+s12], $0x80, v3, vm0, $0xb8;
	[tilespmem:$0x10100] =	vst v63  }
.LBB2_6:
0x21d: {  	s19 =	sadd.s32 $0x4000, s17  }
0x21e: {  	s20 =	sand.u32 $0x380, s18;
	s19 =	sand.u32 $0x2000, s19  }
0x21f: {  	s19 =	sor.u32 s20, s19  }
0x220: {  	v3 =	vld [tilespmem:s19+$0x100]  }
0x221: {  	v4 =	vld [tilespmem:s19+$0x8100]  }
0x222: {  	v5 =	vld [tilespmem:s19+$0x110]  }
0x223: {  	v6 =	vld [tilespmem:s19+$0x8110]  }
0x224: {  	v7 =	vld [tilespmem:s19+$0x120]  }
0x225: {  	v8 =	vld [tilespmem:s19+$0x8120]  }
0x226: {  	v9 =	vld [tilespmem:s19+$0x130]  }
0x227: {  	v10 =	vld [tilespmem:s19+$0x8130]  }
0x228: {  	v11 =	vld [tilespmem:s19+$0x140]  }
0x229: {  	v12 =	vld [tilespmem:s19+$0x8140]  }
0x22a: {  	v13 =	vld [tilespmem:s19+$0x150]  }
0x22b: {  	v14 =	vld [tilespmem:s19+$0x8150]  }
0x22c: {  	v15 =	vld [tilespmem:s19+$0x160]  }
0x22d: {  	v16 =	vld [tilespmem:s19+$0x8160]  }
0x22e: {  	v17 =	vld [tilespmem:s19+$0x170]  }
0x22f: {  	v18 =	vld [tilespmem:s19+$0x8170]  }
0x230: {  	v19 =	vld [tilespmem:s19+$0x500]  }
0x231: {  	v20 =	vld [tilespmem:s19+$0x8500]  }
0x232: {  	v21 =	vld [tilespmem:s19+$0x510]  }
0x233: {  	v22 =	vld [tilespmem:s19+$0x8510]  }
0x234: {  	v23 =	vld [tilespmem:s19+$0x520]  }
0x235: {  	v24 =	vld [tilespmem:s19+$0x8520]  }
0x236: {  	v25 =	vld [tilespmem:s19+$0x530]  }
0x237: {  	v26 =	vld [tilespmem:s19+$0x8530]  }
0x238: {  	v27 =	vld [tilespmem:s19+$0x540]  }
0x239: {  	v28 =	vld [tilespmem:s19+$0x8540]  }
0x23a: {  	v29 =	vld [tilespmem:s19+$0x550]  }
0x23b: {  	v30 =	vld [tilespmem:s19+$0x8550]  }
0x23c: {  	v31 =	vld [tilespmem:s19+$0x560]  }
0x23d: {  	v32 =	vld [tilespmem:s19+$0x8560]  }
0x23e: {  	v33 =	vld [tilespmem:s19+$0x570]  }
0x23f: {  	v34 =	vld [tilespmem:s19+$0x8570]  }
0x240: {  	v35 =	vld [tilespmem:s19+$0x900]  }
0x241: {  	v36 =	vld [tilespmem:s19+$0x8900]  }
0x242: {  	v37 =	vld [tilespmem:s19+$0x910]  }
0x243: {  	v38 =	vld [tilespmem:s19+$0x8910]  }
0x244: {  	v39 =	vld [tilespmem:s19+$0x920]  }
0x245: {  	v40 =	vld [tilespmem:s19+$0x8920]  }
0x246: {  	v41 =	vld [tilespmem:s19+$0x930]  }
0x247: {  	v42 =	vld [tilespmem:s19+$0x8930]  }
0x248: {  	v43 =	vld [tilespmem:s19+$0x940]  }
0x249: {  	v44 =	vld [tilespmem:s19+$0x8940]  }
0x24a: {  	v45 =	vld [tilespmem:s19+$0x950]  }
0x24b: {  	v46 =	vld [tilespmem:s19+$0x8950]  }
0x24c: {  	v47 =	vld [tilespmem:s19+$0x960]  }
0x24d: {  	v48 =	vld [tilespmem:s19+$0x8960]  }
0x24e: {  	v49 =	vld [tilespmem:s19+$0x970]  }
0x24f: {  	v50 =	vld [tilespmem:s19+$0x8970]  }
0x250: {  	v51 =	vld [tilespmem:s19+$0xD00]  }
0x251: {  	v52 =	vld [tilespmem:s19+$0x8D00]  }
0x252: {  	v53 =	vld [tilespmem:s19+$0xD10]  }
0x253: {  	v54 =	vld [tilespmem:s19+$0x8D10]  }
0x254: {  	v55 =	vld [tilespmem:s19+$0xD20]  }
0x255: {  	v56 =	vld [tilespmem:s19+$0x8D20]  }
0x256: {  	v57 =	vld [tilespmem:s19+$0xD30]  }
0x257: {  	v58 =	vld [tilespmem:s19+$0x8D30]  }
0x258: {  	v59 =	vld [tilespmem:s19+$0xD40]  }
0x259: {  	v60 =	vld [tilespmem:s19+$0x8D40]  }
0x25a: {  	v61 =	vld [tilespmem:s19+$0xD50]  }
0x25b: {  	v62 =	vld [tilespmem:s19+$0x8D50]  }
0x25c: {  	v63 =	vld [tilespmem:s19+$0xD60]  }
0x25d: {  	v3 =	vadd.f32 v4, v3;
	v4 =	vld [tilespmem:s19+$0x8D60]  }
0x25e: {  	v5 =	vadd.f32 v6, v5;
	v6 =	vld [tilespmem:s19+$0xD70]  }
0x25f: {  	v14 =	vadd.f32 v14, v13;
	v13 =	vld [tilespmem:s19+$0x9120];
	[tilespmem:s19+$0x100] =	vst v3;
	v3 =	vadd.f32 v8, v7  }
0x260: {  	v18 =	vadd.f32 v18, v17;
	v17 =	vld [tilespmem:s19+$0x9140];
	[tilespmem:s19+$0x110] =	vst v5  }
0x261: {  	v22 =	vadd.f32 v22, v21;
	v21 =	vld [tilespmem:s19+$0x9160];
	[tilespmem:s19+$0x120] =	vst v3;
	v3 =	vadd.f32 v12, v11  }
0x262: {  	v7 =	vld [tilespmem:s19+$0x8D70];
	[tilespmem:s19+$0x150] =	vst v14  }
0x263: {  	v8 =	vld [tilespmem:s19+$0x1100];
	[tilespmem:s19+$0x140] =	vst v3;
	v3 =	vadd.f32 v16, v15  }
0x264: {  	v5 =	vadd.f32 v10, v9;
	v9 =	vld [tilespmem:s19+$0x9100];
	[tilespmem:s19+$0x170] =	vst v18  }
0x265: {  	v10 =	vld [tilespmem:s19+$0x1110];
	[tilespmem:s19+$0x160] =	vst v3;
	v3 =	vadd.f32 v20, v19  }
0x266: {  	v26 =	vadd.f32 v26, v25;
	v14 =	vld [tilespmem:s19+$0x1130];
	[tilespmem:s19+$0x510] =	vst v22  }
0x267: {  	v18 =	vld [tilespmem:s19+$0x1150];
	[tilespmem:s19+$0x500] =	vst v3;
	v3 =	vadd.f32 v24, v23  }
0x268: {  	v30 =	vadd.f32 v30, v29;
	[tilespmem:s19+$0x530] =	vst v26;
	v22 =	vld [tilespmem:s19+$0x1170]  }
0x269: {  	v19 =	vld [tilespmem:s19+$0x9150];
	[tilespmem:s19+$0x520] =	vst v3;
	v3 =	vadd.f32 v28, v27  }
0x26a: {  	v34 =	vadd.f32 v34, v33;
	[tilespmem:s19+$0x550] =	vst v30;
	v11 =	vld [tilespmem:s19+$0x9110]  }
0x26b: {  	v12 =	vld [tilespmem:s19+$0x1120];
	[tilespmem:s19+$0x540] =	vst v3;
	v3 =	vadd.f32 v32, v31  }
0x26c: {  	[tilespmem:s19+$0x570] =	vst v34;
	v15 =	vld [tilespmem:s19+$0x9130]  }
0x26d: {  	v16 =	vld [tilespmem:s19+$0x1140];
	[tilespmem:s19+$0x560] =	vst v3;
	v3 =	vadd.f32 v36, v35  }
0x26e: {  	[tilespmem:s19+$0x130] =	vst v5;
	v20 =	vld [tilespmem:s19+$0x1160];
	v19 =	vadd.f32 v19, v18  }
0x26f: {  	v24 =	vld [tilespmem:s19+$0x1500];
	[tilespmem:s19+$0x900] =	vst v3;
	v3 =	vadd.f32 v40, v39  }
0x270: {  	[tilespmem:s19+$0x1150] =	vst v19;
	v36 =	vadd.f32 v38, v37;
	v37 =	vld [tilespmem:s19+$0x9170]  }
0x271: {  	v38 =	vadd.f32 v42, v41;
	v41 =	vld [tilespmem:s19+$0x1510];
	[tilespmem:s19+$0x920] =	vst v3;
	v3 =	vadd.f32 v44, v43  }
0x272: {  	v42 =	vld [tilespmem:s19+$0x9510];
	[tilespmem:s19+$0x910] =	vst v36  }
0x273: {  	v35 =	vld [tilespmem:s19+$0x1910];
	[tilespmem:s19+$0x940] =	vst v3;
	v3 =	vadd.f32 v48, v47  }
0x274: {  	v39 =	vld [tilespmem:s19+$0x9500];
	[tilespmem:s19+$0x930] =	vst v38;
	v40 =	vadd.f32 v46, v45  }
0x275: {  	v45 =	vld [tilespmem:s19+$0x9520];
	[tilespmem:s19+$0x960] =	vst v3;
	v3 =	vadd.f32 v52, v51  }
0x276: {  	v46 =	vadd.f32 v54, v53;
	v53 =	vld [tilespmem:s19+$0x1550];
	[tilespmem:s19+$0x950] =	vst v40  }
0x277: {  	v54 =	vld [tilespmem:s19+$0x9550];
	[tilespmem:s19+$0xD00] =	vst v3;
	v3 =	vadd.f32 v56, v55  }
0x278: {  	v36 =	vld [tilespmem:s19+$0x9910];
	v43 =	vadd.f32 v50, v49;
	[tilespmem:s19+$0xD10] =	vst v46  }
0x279: {  	v38 =	vld [tilespmem:s19+$0x1920];
	[tilespmem:s19+$0xD20] =	vst v3;
	v3 =	vadd.f32 v60, v59  }
0x27a: {  	v44 =	vld [tilespmem:s19+$0x1520];
	v49 =	vadd.f32 v58, v57;
	[tilespmem:s19+$0x970] =	vst v43  }
0x27b: {  	v50 =	vld [tilespmem:s19+$0x1540];
	[tilespmem:s19+$0xD40] =	vst v3;
	v3 =	vadd.f32 v4, v63  }
0x27c: {  	v57 =	vld [tilespmem:s19+$0x9560];
	v58 =	vadd.f32 v11, v10;
	[tilespmem:s19+$0xD30] =	vst v49  }
0x27d: {  	v46 =	vld [tilespmem:s19+$0x9950];
	[tilespmem:s19+$0xD60] =	vst v3;
	v3 =	vadd.f32 v9, v8  }
0x27e: {  	v37 =	vadd.f32 v37, v22;
	v40 =	vadd.f32 v42, v41;
	v41 =	vld [tilespmem:s19+$0x1930];
	[tilespmem:s19+$0x1110] =	vst v58  }
0x27f: {  	v42 =	vld [tilespmem:s19+$0x9930];
	[tilespmem:s19+$0x1100] =	vst v3;
	v3 =	vadd.f32 v13, v12  }
0x280: {  	v47 =	vld [tilespmem:s19+$0x1530];
	[tilespmem:s19+$0x1170] =	vst v37  }
0x281: {  	v48 =	vld [tilespmem:s19+$0x9530];
	[tilespmem:s19+$0x1120] =	vst v3;
	v3 =	vadd.f32 v17, v16  }
0x282: {  	v49 =	vld [tilespmem:s19+$0x9960];
	[tilespmem:s19+$0x1510] =	vst v40;
	v52 =	vadd.f32 v62, v61  }
0x283: {  	v51 =	vld [tilespmem:s19+$0x9540];
	[tilespmem:s19+$0x1140] =	vst v3;
	v3 =	vadd.f32 v21, v20  }
0x284: {  	v61 =	vadd.f32 v15, v14;
	v62 =	vld [tilespmem:s19+$0x1900];
	[tilespmem:s19+$0xD50] =	vst v52  }
0x285: {  	v56 =	vld [tilespmem:s19+$0x1560];
	[tilespmem:s19+$0x1160] =	vst v3;
	v3 =	vadd.f32 v39, v24  }
0x286: {  	v55 =	vadd.f32 v7, v6;
	[tilespmem:s19+$0x1130] =	vst v61;
	v52 =	vld [tilespmem:s19+$0x9970]  }
0x287: {  	v43 =	vadd.f32 v48, v47;
	v47 =	vld [tilespmem:s19+$0x1960];
	[tilespmem:s19+$0x1500] =	vst v3;
	v3 =	vadd.f32 v45, v44  }
0x288: {  	[tilespmem:s19+$0xD70] =	vst v55;
	v63 =	vld [tilespmem:s19+$0x9900]  }
0x289: {  	v59 =	vld [tilespmem:s19+$0x1570];
	[tilespmem:s19+$0x1520] =	vst v3;
	v3 =	vadd.f32 v51, v50  }
0x28a: {  	[tilespmem:s19+$0x1530] =	vst v43;
	v4 =	vadd.f32 v54, v53;
	v39 =	vld [tilespmem:s19+$0x9920]  }
0x28b: {  	v60 =	vld [tilespmem:s19+$0x9570];
	[tilespmem:s19+$0x1540] =	vst v3;
	v3 =	vadd.f32 v57, v56  }
0x28c: {  	v54 =	vadd.f32 v42, v41;
	[tilespmem:s19+$0x1550] =	vst v4;
	v45 =	vld [tilespmem:s19+$0x1950]  }
0x28d: {  	v53 =	vld [tilespmem:s19+$0x9940];
	[tilespmem:s19+$0x1560] =	vst v3;
	v3 =	vadd.f32 v63, v62  }
0x28e: {  	[tilespmem:s19+$0x1930] =	vst v54;
	v55 =	vadd.f32 v49, v47;
	v50 =	vld [tilespmem:s19+$0x1970]  }
0x28f: {  	v44 =	vld [tilespmem:s19+$0x1940];
	[tilespmem:s19+$0x1900] =	vst v3;
	v3 =	vadd.f32 v39, v38  }
0x290: {  	v48 =	vadd.f32 v60, v59;
	[tilespmem:s19+$0x1960] =	vst v55  }
0x291: {  	[tilespmem:s19+$0x1920] =	vst v3;
	v3 =	vadd.f32 v46, v45  }
0x292: {  	s21 =	sand.u32 $0x7, s12;
	[tilespmem:s19+$0x1570] =	vst v48;
	v51 =	vadd.f32 v36, v35  }
0x293: {  	s20 =	sshll.u32 s21, $0x7;
	[tilespmem:s19+$0x1950] =	vst v3;
	v3 =	vadd.f32 v52, v50  }
0x294: {  	s20 =	sadd.s32 s20, s13;
	[tilespmem:s19+$0x1910] =	vst v51;
	v56 =	vadd.f32 v53, v44  }
0x295: {  	s21 =	sor.u32 $0x1C00, s20;
	[tilespmem:s19+$0x1970] =	vst v3  }
0x296: {  	[tilespmem:s19+$0x1940] =	vst v56;
	v3 =	vld [tilespmem:s21+$0x100]  }
0x297: {  	v4 =	vld [tilespmem:s21+$0x8100];
	_ =	sdelay $0x4  }
0x298: {  	v3 =	vadd.f32 v4, v3;
	_ =	sdelay $0x1  }
0x299: {  	[tilespmem:s21+$0x100] =	vst v3;
	s21 =	sor.u32 $0x1C10, s20  }
0x29a: {  	v3 =	vld [tilespmem:s21+$0x100]  }
0x29b: {  	v57 =	vld [tilespmem:s21+$0x8100];
	_ =	sdelay $0x4  }
0x29c: {  	v3 =	vadd.f32 v57, v3;
	_ =	sdelay $0x1  }
0x29d: {  	[tilespmem:s21+$0x100] =	vst v3;
	s21 =	sor.u32 $0x1C20, s20  }
0x29e: {  	v3 =	vld [tilespmem:s21+$0x100]  }
0x29f: {  	v58 =	vld [tilespmem:s21+$0x8100];
	_ =	sdelay $0x4  }
0x2a0: {  	v3 =	vadd.f32 v58, v3;
	_ =	sdelay $0x1  }
0x2a1: {  	[tilespmem:s21+$0x100] =	vst v3;
	s21 =	sor.u32 $0x1C30, s20  }
0x2a2: {  	v3 =	vld [tilespmem:s21+$0x100]  }
0x2a3: {  	v59 =	vld [tilespmem:s21+$0x8100];
	_ =	sdelay $0x4  }
0x2a4: {  	v3 =	vadd.f32 v59, v3;
	_ =	sdelay $0x1  }
0x2a5: {  	[tilespmem:s21+$0x100] =	vst v3;
	s21 =	sor.u32 $0x1C40, s20  }
0x2a6: {  	v3 =	vld [tilespmem:s21+$0x100]  }
0x2a7: {  	v60 =	vld [tilespmem:s21+$0x8100];
	_ =	sdelay $0x4  }
0x2a8: {  	v3 =	vadd.f32 v60, v3;
	_ =	sdelay $0x1  }
0x2a9: {  	[tilespmem:s21+$0x100] =	vst v3;
	s21 =	sor.u32 $0x1C50, s20  }
0x2aa: {  	v3 =	vld [tilespmem:s21+$0x100]  }
0x2ab: {  	v61 =	vld [tilespmem:s21+$0x8100];
	_ =	sdelay $0x4  }
0x2ac: {  	v3 =	vadd.f32 v61, v3;
	_ =	sdelay $0x1  }
0x2ad: {  	[tilespmem:s21+$0x100] =	vst v3;
	s21 =	sor.u32 $0x1C60, s20  }
0x2ae: {  	v3 =	vld [tilespmem:s21+$0x100]  }
0x2af: {  	v62 =	vld [tilespmem:s21+$0x8100];
	_ =	sdelay $0x4  }
0x2b0: {  	v3 =	vadd.f32 v62, v3;
	_ =	sdelay $0x1  }
0x2b1: {  	[tilespmem:s21+$0x100] =	vst v3;
	s21 =	sor.u32 $0x1C70, s20  }
0x2b2: {  	v3 =	vld [tilespmem:s21+$0x100]  }
0x2b3: {  	v63 =	vld [tilespmem:s21+$0x8100];
	_ =	sdelay $0x1  }
0x2b4: {  	p0 =	sne.s32 s18, $0x780  }
.Ltmp2:
0x2b5: {  	_ = 	snop;
	(pc) =	sbr.rel @p0 .LBB2_6-.Ltmp2, $4  }
0x2b6: {  	_ = 	snop  }
0x2b7: {  	v3 =	vadd.f32 v63, v3  }
0x2b8: {  	s12 =	sadd.s32 $0x1, s12  }
0x2b9: {  	s17 =	sadd.s32 $0x400, s17;
	s18 =	sadd.s32 $0x80, s18;
	s13 =	sadd.s32 $0x400, s13;
	[tilespmem:s21+$0x100] =	vst v3  }
0x2ba: {  	s12 =	simm.s32 $0x0;
	s13 =	rddreg [dreg:$0x6]  }
0x2bb: {  	[hbm4b:s13+s12] =	stream.linear.scatter [tilespmem:s16], [sflag:$0x3], $0x4000, $0x38;
	[tilespmem:$0x10100] =	vst v63  }
0x2bc: {  	_ =	swait.ge [sflag:s31], $0x4000  }
0x2bd: {  	[sflag:s31] =	ssyncset.done $0x0  }
0x2be: {  	[sflag:s31] =	ssyncadd.s32 $0xFFFFC000  }
0x2bf: {  	_ =	swait.ge [sflag:s31], $0x4000  }
0x2c0: {  	s17 =	simm.s32 $0xFFFFC000;
	[sflag:s31] =	ssyncset.done $0x0  }
0x2c1: {  	s18 =	simm.s32 $0x0;
	s13 =	simm.s32 $0x0;
	[sflag:s31] =	ssyncadd.s32 $0xFFFFC000  }
.LBB2_8:
0x2c2: {  	s19 =	sadd.s32 $0x4000, s17  }
0x2c3: {  	s20 =	sand.u32 $0x380, s18;
	s19 =	sand.u32 $0x2000, s19  }
0x2c4: {  	s19 =	sor.u32 s20, s19  }
0x2c5: {  	v3 =	vld [tilespmem:s19+$0x4100]  }
0x2c6: {  	v4 =	vld [tilespmem:s19+$0xC100]  }
0x2c7: {  	v5 =	vld [tilespmem:s19+$0x4110]  }
0x2c8: {  	v6 =	vld [tilespmem:s19+$0xC110]  }
0x2c9: {  	v7 =	vld [tilespmem:s19+$0x4120]  }
0x2ca: {  	v8 =	vld [tilespmem:s19+$0xC120]  }
0x2cb: {  	v9 =	vld [tilespmem:s19+$0x4130]  }
0x2cc: {  	v10 =	vld [tilespmem:s19+$0xC130]  }
0x2cd: {  	v11 =	vld [tilespmem:s19+$0x4140]  }
0x2ce: {  	v12 =	vld [tilespmem:s19+$0xC140]  }
0x2cf: {  	v13 =	vld [tilespmem:s19+$0x4150]  }
0x2d0: {  	v14 =	vld [tilespmem:s19+$0xC150]  }
0x2d1: {  	v15 =	vld [tilespmem:s19+$0x4160]  }
0x2d2: {  	v16 =	vld [tilespmem:s19+$0xC160]  }
0x2d3: {  	v17 =	vld [tilespmem:s19+$0x4170]  }
0x2d4: {  	v18 =	vld [tilespmem:s19+$0xC170]  }
0x2d5: {  	v19 =	vld [tilespmem:s19+$0x4500]  }
0x2d6: {  	v20 =	vld [tilespmem:s19+$0xC500]  }
0x2d7: {  	v21 =	vld [tilespmem:s19+$0x4510]  }
0x2d8: {  	v22 =	vld [tilespmem:s19+$0xC510]  }
0x2d9: {  	v23 =	vld [tilespmem:s19+$0x4520]  }
0x2da: {  	v24 =	vld [tilespmem:s19+$0xC520]  }
0x2db: {  	v25 =	vld [tilespmem:s19+$0x4530]  }
0x2dc: {  	v26 =	vld [tilespmem:s19+$0xC530]  }
0x2dd: {  	v27 =	vld [tilespmem:s19+$0x4540]  }
0x2de: {  	v28 =	vld [tilespmem:s19+$0xC540]  }
0x2df: {  	v29 =	vld [tilespmem:s19+$0x4550]  }
0x2e0: {  	v30 =	vld [tilespmem:s19+$0xC550]  }
0x2e1: {  	v31 =	vld [tilespmem:s19+$0x4560]  }
0x2e2: {  	v32 =	vld [tilespmem:s19+$0xC560]  }
0x2e3: {  	v33 =	vld [tilespmem:s19+$0x4570]  }
0x2e4: {  	v34 =	vld [tilespmem:s19+$0xC570]  }
0x2e5: {  	v35 =	vld [tilespmem:s19+$0x4900]  }
0x2e6: {  	v36 =	vld [tilespmem:s19+$0xC900]  }
0x2e7: {  	v37 =	vld [tilespmem:s19+$0x4910]  }
0x2e8: {  	v38 =	vld [tilespmem:s19+$0xC910]  }
0x2e9: {  	v39 =	vld [tilespmem:s19+$0x4920]  }
0x2ea: {  	v40 =	vld [tilespmem:s19+$0xC920]  }
0x2eb: {  	v41 =	vld [tilespmem:s19+$0x4930]  }
0x2ec: {  	v42 =	vld [tilespmem:s19+$0xC930]  }
0x2ed: {  	v43 =	vld [tilespmem:s19+$0x4940]  }
0x2ee: {  	v44 =	vld [tilespmem:s19+$0xC940]  }
0x2ef: {  	v45 =	vld [tilespmem:s19+$0x4950]  }
0x2f0: {  	v46 =	vld [tilespmem:s19+$0xC950]  }
0x2f1: {  	v47 =	vld [tilespmem:s19+$0x4960]  }
0x2f2: {  	v48 =	vld [tilespmem:s19+$0xC960]  }
0x2f3: {  	v49 =	vld [tilespmem:s19+$0x4970]  }
0x2f4: {  	v50 =	vld [tilespmem:s19+$0xC970]  }
0x2f5: {  	v51 =	vld [tilespmem:s19+$0x4D00]  }
0x2f6: {  	v52 =	vld [tilespmem:s19+$0xCD00]  }
0x2f7: {  	v53 =	vld [tilespmem:s19+$0x4D10]  }
0x2f8: {  	v54 =	vld [tilespmem:s19+$0xCD10]  }
0x2f9: {  	v55 =	vld [tilespmem:s19+$0x4D20]  }
0x2fa: {  	v56 =	vld [tilespmem:s19+$0xCD20]  }
0x2fb: {  	v57 =	vld [tilespmem:s19+$0x4D30]  }
0x2fc: {  	v58 =	vld [tilespmem:s19+$0xCD30]  }
0x2fd: {  	v59 =	vld [tilespmem:s19+$0x4D40]  }
0x2fe: {  	v60 =	vld [tilespmem:s19+$0xCD40]  }
0x2ff: {  	v61 =	vld [tilespmem:s19+$0x4D50]  }
0x300: {  	v62 =	vld [tilespmem:s19+$0xCD50]  }
0x301: {  	v63 =	vld [tilespmem:s19+$0x4D60]  }
0x302: {  	v3 =	vadd.f32 v4, v3;
	v4 =	vld [tilespmem:s19+$0xCD60]  }
0x303: {  	v5 =	vadd.f32 v6, v5;
	v6 =	vld [tilespmem:s19+$0x4D70]  }
0x304: {  	v14 =	vadd.f32 v14, v13;
	v13 =	vld [tilespmem:s19+$0xD120];
	[tilespmem:s19+$0x4100] =	vst v3;
	v3 =	vadd.f32 v8, v7  }
0x305: {  	v18 =	vadd.f32 v18, v17;
	v17 =	vld [tilespmem:s19+$0xD140];
	[tilespmem:s19+$0x4110] =	vst v5  }
0x306: {  	v22 =	vadd.f32 v22, v21;
	v21 =	vld [tilespmem:s19+$0xD160];
	[tilespmem:s19+$0x4120] =	vst v3;
	v3 =	vadd.f32 v12, v11  }
0x307: {  	v7 =	vld [tilespmem:s19+$0xCD70];
	[tilespmem:s19+$0x4150] =	vst v14  }
0x308: {  	v8 =	vld [tilespmem:s19+$0x5100];
	[tilespmem:s19+$0x4140] =	vst v3;
	v3 =	vadd.f32 v16, v15  }
0x309: {  	v5 =	vadd.f32 v10, v9;
	v9 =	vld [tilespmem:s19+$0xD100];
	[tilespmem:s19+$0x4170] =	vst v18  }
0x30a: {  	v10 =	vld [tilespmem:s19+$0x5110];
	[tilespmem:s19+$0x4160] =	vst v3;
	v3 =	vadd.f32 v20, v19  }
0x30b: {  	v26 =	vadd.f32 v26, v25;
	v14 =	vld [tilespmem:s19+$0x5130];
	[tilespmem:s19+$0x4510] =	vst v22  }
0x30c: {  	v18 =	vld [tilespmem:s19+$0x5150];
	[tilespmem:s19+$0x4500] =	vst v3;
	v3 =	vadd.f32 v24, v23  }
0x30d: {  	v30 =	vadd.f32 v30, v29;
	[tilespmem:s19+$0x4530] =	vst v26;
	v22 =	vld [tilespmem:s19+$0x5170]  }
0x30e: {  	v19 =	vld [tilespmem:s19+$0xD150];
	[tilespmem:s19+$0x4520] =	vst v3;
	v3 =	vadd.f32 v28, v27  }
0x30f: {  	v34 =	vadd.f32 v34, v33;
	[tilespmem:s19+$0x4550] =	vst v30;
	v11 =	vld [tilespmem:s19+$0xD110]  }
0x310: {  	v12 =	vld [tilespmem:s19+$0x5120];
	[tilespmem:s19+$0x4540] =	vst v3;
	v3 =	vadd.f32 v32, v31  }
0x311: {  	[tilespmem:s19+$0x4570] =	vst v34;
	v15 =	vld [tilespmem:s19+$0xD130]  }
0x312: {  	v16 =	vld [tilespmem:s19+$0x5140];
	[tilespmem:s19+$0x4560] =	vst v3;
	v3 =	vadd.f32 v36, v35  }
0x313: {  	[tilespmem:s19+$0x4130] =	vst v5;
	v20 =	vld [tilespmem:s19+$0x5160];
	v19 =	vadd.f32 v19, v18  }
0x314: {  	v24 =	vld [tilespmem:s19+$0x5500];
	[tilespmem:s19+$0x4900] =	vst v3;
	v3 =	vadd.f32 v40, v39  }
0x315: {  	[tilespmem:s19+$0x5150] =	vst v19;
	v36 =	vadd.f32 v38, v37;
	v37 =	vld [tilespmem:s19+$0xD170]  }
0x316: {  	v38 =	vadd.f32 v42, v41;
	v41 =	vld [tilespmem:s19+$0x5510];
	[tilespmem:s19+$0x4920] =	vst v3;
	v3 =	vadd.f32 v44, v43  }
0x317: {  	v42 =	vld [tilespmem:s19+$0xD510];
	[tilespmem:s19+$0x4910] =	vst v36  }
0x318: {  	v35 =	vld [tilespmem:s19+$0x5910];
	[tilespmem:s19+$0x4940] =	vst v3;
	v3 =	vadd.f32 v48, v47  }
0x319: {  	v39 =	vld [tilespmem:s19+$0xD500];
	[tilespmem:s19+$0x4930] =	vst v38;
	v40 =	vadd.f32 v46, v45  }
0x31a: {  	v45 =	vld [tilespmem:s19+$0xD520];
	[tilespmem:s19+$0x4960] =	vst v3;
	v3 =	vadd.f32 v52, v51  }
0x31b: {  	v46 =	vadd.f32 v54, v53;
	v53 =	vld [tilespmem:s19+$0x5550];
	[tilespmem:s19+$0x4950] =	vst v40  }
0x31c: {  	v54 =	vld [tilespmem:s19+$0xD550];
	[tilespmem:s19+$0x4D00] =	vst v3;
	v3 =	vadd.f32 v56, v55  }
0x31d: {  	v36 =	vld [tilespmem:s19+$0xD910];
	v43 =	vadd.f32 v50, v49;
	[tilespmem:s19+$0x4D10] =	vst v46  }
0x31e: {  	v38 =	vld [tilespmem:s19+$0x5920];
	[tilespmem:s19+$0x4D20] =	vst v3;
	v3 =	vadd.f32 v60, v59  }
0x31f: {  	v44 =	vld [tilespmem:s19+$0x5520];
	v49 =	vadd.f32 v58, v57;
	[tilespmem:s19+$0x4970] =	vst v43  }
0x320: {  	v50 =	vld [tilespmem:s19+$0x5540];
	[tilespmem:s19+$0x4D40] =	vst v3;
	v3 =	vadd.f32 v4, v63  }
0x321: {  	v57 =	vld [tilespmem:s19+$0xD560];
	v58 =	vadd.f32 v11, v10;
	[tilespmem:s19+$0x4D30] =	vst v49  }
0x322: {  	v46 =	vld [tilespmem:s19+$0xD950];
	[tilespmem:s19+$0x4D60] =	vst v3;
	v3 =	vadd.f32 v9, v8  }
0x323: {  	v37 =	vadd.f32 v37, v22;
	v40 =	vadd.f32 v42, v41;
	v41 =	vld [tilespmem:s19+$0x5930];
	[tilespmem:s19+$0x5110] =	vst v58  }
0x324: {  	v42 =	vld [tilespmem:s19+$0xD930];
	[tilespmem:s19+$0x5100] =	vst v3;
	v3 =	vadd.f32 v13, v12  }
0x325: {  	v47 =	vld [tilespmem:s19+$0x5530];
	[tilespmem:s19+$0x5170] =	vst v37  }
0x326: {  	v48 =	vld [tilespmem:s19+$0xD530];
	[tilespmem:s19+$0x5120] =	vst v3;
	v3 =	vadd.f32 v17, v16  }
0x327: {  	v49 =	vld [tilespmem:s19+$0xD960];
	[tilespmem:s19+$0x5510] =	vst v40;
	v52 =	vadd.f32 v62, v61  }
0x328: {  	v51 =	vld [tilespmem:s19+$0xD540];
	[tilespmem:s19+$0x5140] =	vst v3;
	v3 =	vadd.f32 v21, v20  }
0x329: {  	v61 =	vadd.f32 v15, v14;
	v62 =	vld [tilespmem:s19+$0x5900];
	[tilespmem:s19+$0x4D50] =	vst v52  }
0x32a: {  	v56 =	vld [tilespmem:s19+$0x5560];
	[tilespmem:s19+$0x5160] =	vst v3;
	v3 =	vadd.f32 v39, v24  }
0x32b: {  	v55 =	vadd.f32 v7, v6;
	[tilespmem:s19+$0x5130] =	vst v61;
	v52 =	vld [tilespmem:s19+$0xD970]  }
0x32c: {  	v43 =	vadd.f32 v48, v47;
	v47 =	vld [tilespmem:s19+$0x5960];
	[tilespmem:s19+$0x5500] =	vst v3;
	v3 =	vadd.f32 v45, v44  }
0x32d: {  	[tilespmem:s19+$0x4D70] =	vst v55;
	v63 =	vld [tilespmem:s19+$0xD900]  }
0x32e: {  	v59 =	vld [tilespmem:s19+$0x5570];
	[tilespmem:s19+$0x5520] =	vst v3;
	v3 =	vadd.f32 v51, v50  }
0x32f: {  	[tilespmem:s19+$0x5530] =	vst v43;
	v4 =	vadd.f32 v54, v53;
	v39 =	vld [tilespmem:s19+$0xD920]  }
0x330: {  	v60 =	vld [tilespmem:s19+$0xD570];
	[tilespmem:s19+$0x5540] =	vst v3;
	v3 =	vadd.f32 v57, v56  }
0x331: {  	v54 =	vadd.f32 v42, v41;
	[tilespmem:s19+$0x5550] =	vst v4;
	v45 =	vld [tilespmem:s19+$0x5950]  }
0x332: {  	v53 =	vld [tilespmem:s19+$0xD940];
	[tilespmem:s19+$0x5560] =	vst v3;
	v3 =	vadd.f32 v63, v62  }
0x333: {  	[tilespmem:s19+$0x5930] =	vst v54;
	v55 =	vadd.f32 v49, v47;
	v50 =	vld [tilespmem:s19+$0x5970]  }
0x334: {  	v44 =	vld [tilespmem:s19+$0x5940];
	[tilespmem:s19+$0x5900] =	vst v3;
	v3 =	vadd.f32 v39, v38  }
0x335: {  	v48 =	vadd.f32 v60, v59;
	[tilespmem:s19+$0x5960] =	vst v55  }
0x336: {  	[tilespmem:s19+$0x5920] =	vst v3;
	v3 =	vadd.f32 v46, v45  }
0x337: {  	s21 =	sand.u32 $0x7, s12;
	[tilespmem:s19+$0x5570] =	vst v48;
	v51 =	vadd.f32 v36, v35  }
0x338: {  	s20 =	sshll.u32 s21, $0x7;
	[tilespmem:s19+$0x5950] =	vst v3;
	v3 =	vadd.f32 v52, v50  }
0x339: {  	s20 =	sadd.s32 s20, s13;
	[tilespmem:s19+$0x5910] =	vst v51;
	v56 =	vadd.f32 v53, v44  }
0x33a: {  	s21 =	sor.u32 $0x1C00, s20;
	[tilespmem:s19+$0x5970] =	vst v3  }
0x33b: {  	[tilespmem:s19+$0x5940] =	vst v56;
	v3 =	vld [tilespmem:s21+$0x4100]  }
0x33c: {  	v4 =	vld [tilespmem:s21+$0xC100];
	_ =	sdelay $0x4  }
0x33d: {  	v3 =	vadd.f32 v4, v3;
	_ =	sdelay $0x1  }
0x33e: {  	[tilespmem:s21+$0x4100] =	vst v3;
	s21 =	sor.u32 $0x1C10, s20  }
0x33f: {  	v3 =	vld [tilespmem:s21+$0x4100]  }
0x340: {  	v57 =	vld [tilespmem:s21+$0xC100];
	_ =	sdelay $0x4  }
0x341: {  	v3 =	vadd.f32 v57, v3;
	_ =	sdelay $0x1  }
0x342: {  	[tilespmem:s21+$0x4100] =	vst v3;
	s21 =	sor.u32 $0x1C20, s20  }
0x343: {  	v3 =	vld [tilespmem:s21+$0x4100]  }
0x344: {  	v58 =	vld [tilespmem:s21+$0xC100];
	_ =	sdelay $0x4  }
0x345: {  	v3 =	vadd.f32 v58, v3;
	_ =	sdelay $0x1  }
0x346: {  	[tilespmem:s21+$0x4100] =	vst v3;
	s21 =	sor.u32 $0x1C30, s20  }
0x347: {  	v3 =	vld [tilespmem:s21+$0x4100]  }
0x348: {  	v59 =	vld [tilespmem:s21+$0xC100];
	_ =	sdelay $0x4  }
0x349: {  	v3 =	vadd.f32 v59, v3;
	_ =	sdelay $0x1  }
0x34a: {  	[tilespmem:s21+$0x4100] =	vst v3;
	s21 =	sor.u32 $0x1C40, s20  }
0x34b: {  	v3 =	vld [tilespmem:s21+$0x4100]  }
0x34c: {  	v60 =	vld [tilespmem:s21+$0xC100];
	_ =	sdelay $0x4  }
0x34d: {  	v3 =	vadd.f32 v60, v3;
	_ =	sdelay $0x1  }
0x34e: {  	[tilespmem:s21+$0x4100] =	vst v3;
	s21 =	sor.u32 $0x1C50, s20  }
0x34f: {  	v3 =	vld [tilespmem:s21+$0x4100]  }
0x350: {  	v61 =	vld [tilespmem:s21+$0xC100];
	_ =	sdelay $0x4  }
0x351: {  	v3 =	vadd.f32 v61, v3;
	_ =	sdelay $0x1  }
0x352: {  	[tilespmem:s21+$0x4100] =	vst v3;
	s21 =	sor.u32 $0x1C60, s20  }
0x353: {  	v3 =	vld [tilespmem:s21+$0x4100]  }
0x354: {  	v62 =	vld [tilespmem:s21+$0xC100];
	_ =	sdelay $0x4  }
0x355: {  	v3 =	vadd.f32 v62, v3;
	_ =	sdelay $0x1  }
0x356: {  	[tilespmem:s21+$0x4100] =	vst v3;
	s21 =	sor.u32 $0x1C70, s20  }
0x357: {  	v3 =	vld [tilespmem:s21+$0x4100]  }
0x358: {  	v63 =	vld [tilespmem:s21+$0xC100];
	_ =	sdelay $0x1  }
0x359: {  	p0 =	sne.s32 s18, $0x780  }
.Ltmp3:
0x35a: {  	_ = 	snop;
	(pc) =	sbr.rel @p0 .LBB2_8-.Ltmp3, $4  }
0x35b: {  	_ = 	snop  }
0x35c: {  	v3 =	vadd.f32 v63, v3  }
0x35d: {  	s12 =	sadd.s32 $0x1, s12  }
0x35e: {  	s17 =	sadd.s32 $0x400, s17;
	s18 =	sadd.s32 $0x80, s18;
	s13 =	sadd.s32 $0x400, s13;
	[tilespmem:s21+$0x4100] =	vst v3  }
0x35f: {  	s12 =	rddreg [dreg:$0x7]  }
0x360: {  	[hbm4b:s12+s2] =	stream.linear.scatter [tilespmem:s15], [sflag:$0x4], $0x4000, $0x38;
	[tilespmem:$0x10100] =	vst v63  }
0x361: {  	_ =	swait.ge [sflag:s0], $0x4000  }
0x362: {  	[sflag:s0] =	ssyncset.done $0x0  }
0x363: {  	[sflag:s0] =	ssyncadd.s32 $0xFFFFC000  }
0x364: {  	_ =	swait.ge [sflag:s10], $0x4000  }
0x365: {  	s11 =	sadd.s32 $0x1, s11;
	s21 =	rddreg [dreg:$0x8]  }
0x366: {  	p0 =	sne.s32 s11, s21  }
.Ltmp4:
0x367: {  	_ = 	snop;
	(pc) =	sbr.rel @p0 .LBB2_1-.Ltmp4, $3  }
0x368: {  	_ =	sdelay $0x1  }
0x369: {  	[sflag:s10] =	ssyncset.done $0x0  }
0x36a: {  	[sflag:s10] =	ssyncadd.s32 $0xFFFFC000  }
0x36b: {  	_ =	sfence.sel $0x180000  }
0x36c: {  	[bflag:$0x0] =	sbarrier.arrive $0xFFFF  }
0x36d: {  	_ =	strace $0x9000004A  }
0x36e: {  	s0 =	stileid.u32;
	[bflag:$0x2] =	sbarrier.arrive $0xFFFF  }
0x36f: {  	p0 =	sne.s32 s0, $0x0;
	s0 =	rddreg [dreg:$0x2]  }
0x370: {  	s0 =	sadd.s32 @!p0 $0x100000, s0  }
0x371: {  	[sflag:s0] =	ssyncadd.tile.s32 @!p0 $0x1;
	_ =	shalt  }
.Lfunc_end2:
_tile_overlayer_lowered:
.L_overlay_start_2:
0x372: {  	(tag) =	ssettag $0x2  }
0x373: {  	s0 =	rddreg [dreg:$0x0];
	s2 =	stileid.u32  }
0x374: {  	s1 =	rddreg [dreg:$0x1];
	p0 =	sne.s32 s2, $0x0  }
0x375: {  	s3 =	rddreg [dreg:$0x2];
	[bflag:$0x3] =	sbarrier.arrive $0xFFFF;
	s2 =	simm.s32 @!p0 $0x1C05  }
0x376: {  	[timem:s3], [sflag:s2] =	dma.local @!p0 [hbm:s0], s1  }
0x377: {  	s0 =	simm.s32 @!p0 $0x5  }
0x378: {  	_ =	swait.ge @!p0 [sflag:s0], s1  }
0x379: {  	s1 =	ssub.s32 @!p0 $0x0, s1;
	[sflag:s0] =	ssyncset.done @!p0 $0x0  }
0x37a: {  	[sflag:s0] =	ssyncadd.s32 @!p0 s1  }
0x37b: {  	[bflag:$0x3] =	sbarrier.arrive $0xFFFF  }
0x37c: {  	_ =	shalt  }

</sc_bundles>
